<compile_context>
chip_gen: v7x
topology: tpu7x:2x2x1
jax: 0.10.2.dev20260603
libtpu: 0.0.44.dev20260713+nightly
codegen_flags: <defaults>
</compile_context>

<pallas_src>
import functools

import jax
import jax.numpy as jnp
from jax import lax
from jax.experimental import pallas as pl
from jax.experimental.pallas import tpu as pltpu
from jax.experimental.pallas import tpu_sc as plsc

B = 2
N = 4096
NODE_DIM = 16
HIDDEN = 128
PROJ = 256
K = 16
N_MP = 3
NT = B * N

F32 = jnp.float32
I32 = jnp.int32

RB = 256

NC, NS = 2, 16
NW = NC * NS
NPW = NT // NW
EPW = NPW * K
ECH = 64
NCHK = EPW // ECH
AECH = 64
ANPC = AECH // K
ANCHK = EPW // AECH

_dot = functools.partial(jnp.dot, preferred_element_type=F32,
                         precision=lax.Precision.HIGHEST)


def _topk_body(posr_ref, posc_ref, out_ref):
    b = pl.program_id(0)
    rb = pl.program_id(1)
    d2 = jnp.zeros((RB, N), F32)
    for d in range(3):
        pr = posr_ref[0, d, :].reshape(RB, 1)
        pc = posc_ref[0, d, :].reshape(1, N)
        delta = jnp.abs(pr - pc)
        delta = jnp.where(delta > 0.5, 1.0 - delta, delta)
        d2 = d2 + delta * delta
    col = lax.broadcasted_iota(I32, (RB, N), 1)
    rowg = rb * RB + lax.broadcasted_iota(I32, (RB, N), 0)
    inf = jnp.float32(jnp.inf)
    d2 = jnp.where(col == rowg, inf, d2)
    kio = lax.broadcasted_iota(I32, (RB, K), 1)
    picks0 = jnp.zeros((RB, K), I32)

    def step(t, carry):
        d2, picks = carry
        m = jnp.min(d2, axis=1, keepdims=True)
        cand = jnp.where(d2 == m, col, jnp.int32(2**30))
        pick = jnp.min(cand, axis=1, keepdims=True)
        picks = jnp.where(kio == t, pick, picks)
        d2 = jnp.where(col == pick, inf, d2)
        return d2, picks

    _, picks = lax.fori_loop(0, K, step, (d2, picks0))
    out_ref[0] = picks + b * N


def _topk(pos_t):
    return pl.pallas_call(
        _topk_body,
        grid=(B, N // RB),
        in_specs=[
            pl.BlockSpec((1, 3, RB), lambda b, r: (b, 0, r)),
            pl.BlockSpec((1, 3, N), lambda b, r: (b, 0, 0)),
        ],
        out_specs=pl.BlockSpec((1, RB, K), lambda b, r: (b, r, 0)),
        out_shape=jax.ShapeDtypeStruct((B, N, K), I32),
    )(pos_t, pos_t)


def _enc_body(x_ref, w0_ref, b0_ref, w1_ref, b1_ref, ws_ref, bm_ref, wr_ref,
              h_ref, a_ref, c_ref):
    h = jnp.maximum(_dot(x_ref[...], w0_ref[...]) + b0_ref[...], 0.0)
    h = jnp.maximum(_dot(h, w1_ref[...]) + b1_ref[...], 0.0)
    h_ref[...] = h
    a_ref[...] = _dot(h, ws_ref[...]) + bm_ref[...]
    c_ref[...] = _dot(h, wr_ref[...])


def _encode(x, w0, b0, w1, b1, ws, bm, wr):
    full = lambda s: pl.BlockSpec(s, lambda r: tuple(0 for _ in s))
    row = lambda w: pl.BlockSpec((RB, w), lambda r: (r, 0))
    return pl.pallas_call(
        _enc_body,
        grid=(NT // RB,),
        in_specs=[row(NODE_DIM), full((NODE_DIM, HIDDEN)), full((1, HIDDEN)),
                  full((HIDDEN, HIDDEN)), full((1, HIDDEN)),
                  full((HIDDEN, HIDDEN)), full((1, HIDDEN)),
                  full((HIDDEN, HIDDEN))],
        out_specs=[row(HIDDEN), row(HIDDEN), row(HIDDEN)],
        out_shape=[jax.ShapeDtypeStruct((NT, HIDDEN), F32)] * 3,
    )(x, w0, b0.reshape(1, -1), w1, b1.reshape(1, -1), ws, bm.reshape(1, -1), wr)


def _sc_deg(dst_flat):
    mesh = plsc.VectorSubcoreMesh(core_axis_name="c", subcore_axis_name="s",
                                  num_cores=NC, num_subcores=NS)
    rows_per_sub = NT // NS

    @functools.partial(
        pl.kernel,
        out_type=jax.ShapeDtypeStruct((NC, NT, HIDDEN), F32),
        mesh=mesh,
        scratch_types=[
            pltpu.VMEM((ECH,), I32),
            pltpu.VMEM((ECH, HIDDEN), F32),
            pltpu.VMEM_SHARED((NT, HIDDEN), F32),
        ],
    )
    def k(dst_hbm, out_hbm, idx_v, ones_v, acc_sh):
        cid = lax.axis_index("c")
        sid = lax.axis_index("s")
        wid = cid * NS + sid
        zero16 = jnp.zeros((16,), F32)
        ones16 = jnp.ones((16,), F32)

        def zrow(i, _):
            for j in range(HIDDEN // 16):
                ones_v[i, pl.ds(16 * j, 16)] = zero16
            return 0
        lax.fori_loop(0, ECH, zrow, 0)
        nz = rows_per_sub // ECH
        def zacc(j, _):
            pltpu.sync_copy(ones_v, acc_sh.at[pl.ds(sid * rows_per_sub + j * ECH, ECH)])
            return 0
        lax.fori_loop(0, nz, zacc, 0)

        def orow(i, _):
            ones_v[i, pl.ds(0, 16)] = ones16
            return 0
        lax.fori_loop(0, ECH, orow, 0)
        plsc.subcore_barrier()

        def chunk(ch, _):
            ebase = wid * EPW + ch * ECH
            pltpu.sync_copy(dst_hbm.at[pl.ds(ebase, ECH)], idx_v)
            pltpu.sync_copy(ones_v, acc_sh.at[idx_v], add=True)
            return 0
        lax.fori_loop(0, NCHK, chunk, 0)
        plsc.subcore_barrier()

        base = sid * rows_per_sub
        pltpu.sync_copy(acc_sh.at[pl.ds(base, rows_per_sub)],
                        out_hbm.at[cid, pl.ds(base, rows_per_sub)])

    return k(dst_flat)


def _sc_agg(a, c, dst3):
    mesh = plsc.VectorSubcoreMesh(core_axis_name="c", subcore_axis_name="s",
                                  num_cores=NC, num_subcores=NS)
    nfc = HIDDEN // 16
    rows_per_sub = NT // NS

    @functools.partial(
        pl.kernel,
        out_type=jax.ShapeDtypeStruct((NC, NT, HIDDEN), F32),
        mesh=mesh,
        scratch_types=[
            pltpu.VMEM((ANPC, HIDDEN), F32),
            pltpu.VMEM((ANPC, HIDDEN), F32),
            pltpu.VMEM((ANCHK, AECH), I32),
            pltpu.VMEM((AECH, HIDDEN), F32),
            pltpu.VMEM((AECH, HIDDEN), F32),
            pltpu.VMEM((AECH, HIDDEN), F32),
            pltpu.VMEM((AECH, HIDDEN), F32),
            pltpu.VMEM_SHARED((NT, HIDDEN), F32),
            pltpu.SemaphoreType.DMA,
            pltpu.SemaphoreType.DMA,
            pltpu.SemaphoreType.DMA,
            pltpu.SemaphoreType.DMA,
            pltpu.SemaphoreType.DMA,
            pltpu.SemaphoreType.DMA,
        ],
    )
    def k(a_hbm, c_hbm, dst_hbm, out_hbm, av0, av1, idx_all, rows0, rows1,
          msg0, msg1, acc_sh, gs0, gs1, ss0, ss1, as0, as1):
        cid = lax.axis_index("c")
        sid = lax.axis_index("s")
        wid = cid * NS + sid
        avs = (av0, av1)
        rows = (rows0, rows1)
        msgs = (msg0, msg1)
        gsems = (gs0, gs1)
        ssems = (ss0, ss1)
        asems = (as0, as1)
        nbase = wid * NPW

        zero16 = jnp.zeros((16,), F32)

        def zrow(i, _):
            for j in range(nfc):
                msg0[i, pl.ds(16 * j, 16)] = zero16
            return 0
        lax.fori_loop(0, AECH, zrow, 0)
        def zacc(j, _):
            pltpu.sync_copy(msg0, acc_sh.at[pl.ds(sid * rows_per_sub + j * AECH, AECH)])
            return 0
        lax.fori_loop(0, rows_per_sub // AECH, zacc, 0)
        plsc.subcore_barrier()

        pltpu.sync_copy(dst_hbm.at[wid], idx_all)

        pltpu.async_copy(c_hbm.at[idx_all.at[0]], rows0, gs0)
        pltpu.async_copy(c_hbm.at[idx_all.at[1]], rows1, gs1)
        pltpu.async_copy(a_hbm.at[pl.ds(nbase, ANPC)], av0, as0)
        pltpu.async_copy(a_hbm.at[pl.ds(nbase + ANPC, ANPC)], av1, as1)

        def pair(g2, _):
            for b in range(2):
                ch = g2 * 2 + b
                rv, mv, av = rows[b], msgs[b], avs[b]
                gsem, ssem, asem = gsems[b], ssems[b], asems[b]
                pltpu.make_async_copy(c_hbm.at[idx_all.at[ch]], rv, gsem).wait()
                pltpu.make_async_copy(a_hbm.at[pl.ds(0, ANPC)], av, asem).wait()

                @pl.when(g2 > 0)
                def _wait_prev_scatter():
                    pltpu.make_async_copy(mv, acc_sh.at[idx_all.at[ch]], ssem).wait()

                def edge(e, _):
                    n = e // K
                    for j in range(nfc):
                        cv = rv[e, pl.ds(16 * j, 16)]
                        mv[e, pl.ds(16 * j, 16)] = jnp.maximum(av[n, pl.ds(16 * j, 16)] + cv, 0.0)
                    return 0
                lax.fori_loop(0, AECH, edge, 0)

                pltpu.async_copy(mv, acc_sh.at[idx_all.at[ch]], ssem, add=True)

                @pl.when(ch + 2 < ANCHK)
                def _next_prefetch():
                    pltpu.async_copy(c_hbm.at[idx_all.at[ch + 2]], rv, gsem)
                    pltpu.async_copy(
                        a_hbm.at[pl.ds(nbase + (ch + 2) * ANPC, ANPC)], av, asem)
            return 0
        lax.fori_loop(0, ANCHK // 2, pair, 0)

        pltpu.make_async_copy(msg0, acc_sh.at[idx_all.at[0]], ss0).wait()
        pltpu.make_async_copy(msg1, acc_sh.at[idx_all.at[1]], ss1).wait()
        plsc.subcore_barrier()

        base = sid * rows_per_sub
        pltpu.sync_copy(acc_sh.at[pl.ds(base, rows_per_sub)],
                        out_hbm.at[cid, pl.ds(base, rows_per_sub)])

    return k(a, c, dst3)


def _upd_agg(p0, p1, dinv):
    return (p0 + p1) * dinv


def _upd0_body(h_ref, p0_ref, p1_ref, d0_ref, d1_ref, uh_ref, ua_ref, bu_ref,
               ws_ref, bm_ref, wr_ref, h_out, a_out, c_out, dinv_out):
    cnt = d0_ref[:, 0:1] + d1_ref[:, 0:1]
    dinv = 1.0 / jnp.maximum(cnt, 1.0)
    agg = _upd_agg(p0_ref[...], p1_ref[...], dinv)
    h = h_ref[...]
    u = jnp.maximum(_dot(h, uh_ref[...]) + _dot(agg, ua_ref[...]) + bu_ref[...], 0.0)
    h = h + u
    h_out[...] = h
    a_out[...] = _dot(h, ws_ref[...]) + bm_ref[...]
    c_out[...] = _dot(h, wr_ref[...])
    dinv_out[...] = dinv[:, 0]


def _upd1_body(h_ref, p0_ref, p1_ref, dinv_ref, uh_ref, ua_ref, bu_ref,
               ws_ref, bm_ref, wr_ref, h_out, a_out, c_out):
    dinv = dinv_ref[...].reshape(RB, 1)
    agg = _upd_agg(p0_ref[...], p1_ref[...], dinv)
    h = h_ref[...]
    u = jnp.maximum(_dot(h, uh_ref[...]) + _dot(agg, ua_ref[...]) + bu_ref[...], 0.0)
    h = h + u
    h_out[...] = h
    a_out[...] = _dot(h, ws_ref[...]) + bm_ref[...]
    c_out[...] = _dot(h, wr_ref[...])


def _upd2_body(h_ref, p0_ref, p1_ref, dinv_ref, uh_ref, ua_ref, bu_ref,
               pw0_ref, pb0_ref, pw1_ref, pb1_ref, z_out, h_out):
    dinv = dinv_ref[...].reshape(RB, 1)
    agg = _upd_agg(p0_ref[...], p1_ref[...], dinv)
    h = h_ref[...]
    u = jnp.maximum(_dot(h, uh_ref[...]) + _dot(agg, ua_ref[...]) + bu_ref[...], 0.0)
    h = h + u
    h_out[...] = h
    t = jnp.maximum(_dot(h, pw0_ref[...]) + pb0_ref[...], 0.0)
    z_out[...] = _dot(t, pw1_ref[...]) + pb1_ref[...]


def _full(s):
    return pl.BlockSpec(s, lambda r: tuple(0 for _ in s))


def _row(w):
    return pl.BlockSpec((RB, w), lambda r: (r, 0))


_ROW1 = pl.BlockSpec((RB,), lambda r: (r,))


def _update0(h, p0, p1, d0, d1, uh, ua, bu, ws, bm, wr):
    return pl.pallas_call(
        _upd0_body,
        grid=(NT // RB,),
        in_specs=[_row(HIDDEN), _row(HIDDEN), _row(HIDDEN),
                  _row(HIDDEN), _row(HIDDEN),
                  _full((HIDDEN, HIDDEN)), _full((HIDDEN, HIDDEN)), _full((1, HIDDEN)),
                  _full((HIDDEN, HIDDEN)), _full((1, HIDDEN)), _full((HIDDEN, HIDDEN))],
        out_specs=[_row(HIDDEN), _row(HIDDEN), _row(HIDDEN), _ROW1],
        out_shape=[jax.ShapeDtypeStruct((NT, HIDDEN), F32)] * 3
        + [jax.ShapeDtypeStruct((NT,), F32)],
    )(h, p0, p1, d0, d1, uh, ua, bu.reshape(1, -1), ws, bm.reshape(1, -1), wr)


def _update1(h, p0, p1, dinv, uh, ua, bu, ws, bm, wr):
    return pl.pallas_call(
        _upd1_body,
        grid=(NT // RB,),
        in_specs=[_row(HIDDEN), _row(HIDDEN), _row(HIDDEN), _ROW1,
                  _full((HIDDEN, HIDDEN)), _full((HIDDEN, HIDDEN)), _full((1, HIDDEN)),
                  _full((HIDDEN, HIDDEN)), _full((1, HIDDEN)), _full((HIDDEN, HIDDEN))],
        out_specs=[_row(HIDDEN), _row(HIDDEN), _row(HIDDEN)],
        out_shape=[jax.ShapeDtypeStruct((NT, HIDDEN), F32)] * 3,
    )(h, p0, p1, dinv, uh, ua, bu.reshape(1, -1), ws, bm.reshape(1, -1), wr)


def _update2(h, p0, p1, dinv, uh, ua, bu, pw0, pb0, pw1, pb1):
    return pl.pallas_call(
        _upd2_body,
        grid=(NT // RB,),
        in_specs=[_row(HIDDEN), _row(HIDDEN), _row(HIDDEN), _ROW1,
                  _full((HIDDEN, HIDDEN)), _full((HIDDEN, HIDDEN)), _full((1, HIDDEN)),
                  _full((HIDDEN, HIDDEN)), _full((1, HIDDEN)),
                  _full((HIDDEN, PROJ)), _full((1, PROJ))],
        out_specs=[_row(PROJ), _row(HIDDEN)],
        out_shape=[jax.ShapeDtypeStruct((NT, PROJ), F32),
                   jax.ShapeDtypeStruct((NT, HIDDEN), F32)],
    )(h, p0, p1, dinv, uh, ua, bu.reshape(1, -1), pw0, pb0.reshape(1, -1),
      pw1, pb1.reshape(1, -1))


def kernel(x, positions, enc_W0, enc_b0, enc_W1, enc_b1, msg_W, msg_b,
           upd_W, upd_b, proj_W0, proj_b0, proj_W1, proj_b1):
    pos_t = positions.transpose(0, 2, 1)
    dst = _topk(pos_t)
    dst_flat = dst.reshape(NT * K)
    dst3 = dst_flat.reshape(NW, ANCHK, AECH)

    xf = x.reshape(NT, NODE_DIM)
    ws = [msg_W[i][:HIDDEN] for i in range(N_MP)]
    wr = [msg_W[i][HIDDEN:] for i in range(N_MP)]
    uh = [upd_W[i][:HIDDEN] for i in range(N_MP)]
    ua = [upd_W[i][HIDDEN:] for i in range(N_MP)]

    h, a, c = _encode(xf, enc_W0, enc_b0, enc_W1, enc_b1, ws[0], msg_b[0], wr[0])

    degp = _sc_deg(dst_flat)
    parts = _sc_agg(a, c, dst3)
    h, a, c, dinv = _update0(h, parts[0], parts[1], degp[0], degp[1],
                             uh[0], ua[0], upd_b[0], ws[1], msg_b[1], wr[1])

    parts = _sc_agg(a, c, dst3)
    h, a, c = _update1(h, parts[0], parts[1], dinv, uh[1], ua[1], upd_b[1],
                       ws[2], msg_b[2], wr[2])

    parts = _sc_agg(a, c, dst3)
    z, h = _update2(h, parts[0], parts[1], dinv, uh[2], ua[2], upd_b[2],
                    proj_W0, proj_b0, proj_W1, proj_b1)

    return z.reshape(B, N, PROJ), h.reshape(B, N, HIDDEN)

# --- scband reference (transcript-rebuilt; emitter-appended) ---
"""Pipeline reference for scband-contrastive-gnn-89799176224886 (READ-ONLY COPY).

The authoritative reference and input builder live on the scoring server;
editing this copy changes nothing except your own understanding.
"""

import jax, jax.numpy as jnp
import numpy as np

B = 2
N = 4096
NODE_DIM = 16
HIDDEN = 128
PROJ = 256
K = 16
N_MP = 3
BOX = 1.0


def _lin_params(key, din, dout):
    k1, k2 = jax.random.split(key)
    lim = 1.0 / np.sqrt(din)
    W = jax.random.uniform(k1, (din, dout), minval=-lim, maxval=lim, dtype=jnp.float32)
    b = jax.random.uniform(k2, (dout,), minval=-lim, maxval=lim, dtype=jnp.float32)
    return W, b


def setup_inputs(seed: int = 0) -> dict:
    key = jax.random.key(seed)
    ks = jax.random.split(key, 16)
    inp = {}
    inp["x"] = jax.random.normal(ks[0], (B, N, NODE_DIM), dtype=jnp.float32)
    inp["positions"] = jax.random.uniform(ks[1], (B, N, 3), dtype=jnp.float32)
    inp["enc_W0"], inp["enc_b0"] = _lin_params(ks[2], NODE_DIM, HIDDEN)
    inp["enc_W1"], inp["enc_b1"] = _lin_params(ks[3], HIDDEN, HIDDEN)
    msg = [_lin_params(ks[4 + i], 2 * HIDDEN, HIDDEN) for i in range(N_MP)]
    upd = [_lin_params(ks[7 + i], 2 * HIDDEN, HIDDEN) for i in range(N_MP)]
    inp["msg_W"] = jnp.stack([w for w, _ in msg])
    inp["msg_b"] = jnp.stack([b for _, b in msg])
    inp["upd_W"] = jnp.stack([w for w, _ in upd])
    inp["upd_b"] = jnp.stack([b for _, b in upd])
    inp["proj_W0"], inp["proj_b0"] = _lin_params(ks[10], HIDDEN, HIDDEN)
    inp["proj_W1"], inp["proj_b1"] = _lin_params(ks[11], HIDDEN, PROJ)
    return inp


def _get_edges(positions):
    # periodic kNN graph, faithful to the torch get_edges (vectorized)
    def per_batch(pos):
        delta = jnp.abs(pos[:, None, :] - pos[None, :, :])
        delta = jnp.where(delta > 0.5 * BOX, BOX - delta, delta)
        dist = jnp.sqrt(jnp.sum(delta * delta, axis=-1) + 1e-12)
        _, idx = jax.lax.top_k(-dist, K + 1)  # smallest distances
        dst = idx[:, 1:].reshape(-1)  # drop self, flatten row-major (matches src order)
        src = jnp.repeat(jnp.arange(N), K)
        return jnp.stack([src, dst])
    edges = [per_batch(positions[b]) + b * N for b in range(B)]
    return jnp.concatenate(edges, axis=1)


def _forward(x, edge_index, enc_W0, enc_b0, enc_W1, enc_b1, msg_W, msg_b, upd_W, upd_b, proj_W0, proj_b0, proj_W1, proj_b1):
    h = x.reshape(-1, NODE_DIM)
    h = jax.nn.relu(h @ enc_W0 + enc_b0)
    h = jax.nn.relu(h @ enc_W1 + enc_b1)
    row, col = edge_index[0], edge_index[1]
    n_tot = B * N
    ones = jnp.ones(edge_index.shape[1], dtype=jnp.float32)
    deg = jax.ops.segment_sum(ones, col, num_segments=n_tot)
    deg = jnp.clip(deg, 1.0, None)
    for i in range(N_MP):
        senders = h[row]
        receivers = h[col]
        msg = jax.nn.relu(jnp.concatenate([senders, receivers], axis=1) @ msg_W[i] + msg_b[i])
        agg = jax.ops.segment_sum(msg, col, num_segments=n_tot) / deg[:, None]
        h_new = jax.nn.relu(jnp.concatenate([h, agg], axis=1) @ upd_W[i] + upd_b[i])
        h = h + h_new  # use_skip_connections=True
    z = jax.nn.relu(h @ proj_W0 + proj_b0) @ proj_W1 + proj_b1
    return z.reshape(B, N, PROJ), h.reshape(B, N, HIDDEN)


def reference(x, positions, enc_W0, enc_b0, enc_W1, enc_b1, msg_W, msg_b, upd_W, upd_b, proj_W0, proj_b0, proj_W1, proj_b1):
    edge_index = _get_edges(positions)
    return _forward(x, edge_index, enc_W0, enc_b0, enc_W1, enc_b1, msg_W, msg_b, upd_W, upd_b, proj_W0, proj_b0, proj_W1, proj_b1)

if __name__ == "__main__":
    import jax
    _d = setup_inputs()
    print(jax.jit(kernel)(*tuple(_d.values())))

</pallas_src>

<mosaic_0001>
#map = affine_map<(d0, d1) -> (0, 0)>
#map1 = affine_map<(d0, d1) -> (0, 0, 0)>
module attributes {stable_mosaic.version = 14 : i64} {
  func.func @k(%arg0: i32, %arg1: i32, %arg2: memref<8192x128xf32, #tpu.memory_space<hbm>>, %arg3: memref<8192x128xf32, #tpu.memory_space<hbm>>, %arg4: memref<32x64x64xi32, #tpu.memory_space<hbm>>, %arg5: memref<2x8192x128xf32, #tpu.memory_space<hbm>>, %arg6: memref<4x128xf32, #tpu.memory_space<vmem>>, %arg7: memref<4x128xf32, #tpu.memory_space<vmem>>, %arg8: memref<64x64xi32, #tpu.memory_space<vmem>>, %arg9: memref<64x128xf32, #tpu.memory_space<vmem>>, %arg10: memref<64x128xf32, #tpu.memory_space<vmem>>, %arg11: memref<64x128xf32, #tpu.memory_space<vmem>>, %arg12: memref<64x128xf32, #tpu.memory_space<vmem>>, %arg13: memref<8192x128xf32, #tpu.memory_space<vmem_shared>>, %arg14: memref<!tpu.dma_semaphore, #tpu.memory_space<semaphore_mem>>, %arg15: memref<!tpu.dma_semaphore, #tpu.memory_space<semaphore_mem>>, %arg16: memref<!tpu.dma_semaphore, #tpu.memory_space<semaphore_mem>>, %arg17: memref<!tpu.dma_semaphore, #tpu.memory_space<semaphore_mem>>, %arg18: memref<!tpu.dma_semaphore, #tpu.memory_space<semaphore_mem>>, %arg19: memref<!tpu.dma_semaphore, #tpu.memory_space<semaphore_mem>>) attributes {dimension_semantics = [#tpu.dimension_semantics<core_parallel>, #tpu.dimension_semantics<subcore_parallel>], iteration_bounds = array<i64: 2, 16>, scalar_prefetch = 0 : i64, scratch_operands = 14 : i64, tpu.core_type = #tpu.core_type<sc_vector_subcore>, window_params = [{transform_indices = #map}, {transform_indices = #map}, {transform_indices = #map1}, {transform_indices = #map1}]} {
    %mul3A = arith.constant 16 : i32
    %mul3A_0 = arith.muli %arg0, %mul3A : i32
    %add3A = arith.addi %mul3A_0, %arg1 : i32
    %mul3A_1 = arith.constant 256 : i32
    %mul3A_2 = arith.muli %add3A, %mul3A_1 : i32
    %broadcast_in_dim3A = arith.constant 0.000000e+00 : f32
    %broadcast_in_dim3A_3 = vector.broadcast %broadcast_in_dim3A : f32 to vector<16xf32>
    %scan3A = arith.constant 0 : i32
    %scan3A_4 = arith.constant 0 : i32
    %scan3A_5 = arith.constant 64 : i32
    %scan3A_6 = arith.addi %scan3A_4, %scan3A_5 : i32
    %scan3A_7 = arith.constant 1 : i32
    %scan3A_8 = scf.for %scan3A_63 = %scan3A_4 to %scan3A_6 step %scan3A_7 iter_args(%scan3A_64 = %scan3A) -> (i32)  : i32 {
      %swap3A = arith.index_cast %scan3A_63 : i32 to index
      %swap3A_65 = arith.constant 0 : index
      %swap3A_66 = tpu.vector_load %arg11[%swap3A, %swap3A_65] {strides = array<i32>} : memref<64x128xf32, #tpu.memory_space<vmem>>, vector<1x16xf32>,
      %swap3A_67 = vector.shape_cast %swap3A_66 : vector<1x16xf32> to vector<16xf32>
      %swap3A_68 = vector.shape_cast %broadcast_in_dim3A_3 : vector<16xf32> to vector<1x16xf32>
      tpu.vector_store %arg11[%swap3A, %swap3A_65], %swap3A_68 {strides = array<i32>} : memref<64x128xf32, #tpu.memory_space<vmem>>, vector<1x16xf32>,
      %swap3A_69 = arith.index_cast %scan3A_63 : i32 to index
      %swap3A_70 = arith.constant 16 : index
      %swap3A_71 = tpu.vector_load %arg11[%swap3A_69, %swap3A_70] {strides = array<i32>} : memref<64x128xf32, #tpu.memory_space<vmem>>, vector<1x16xf32>,
      %swap3A_72 = vector.shape_cast %swap3A_71 : vector<1x16xf32> to vector<16xf32>
      %swap3A_73 = vector.shape_cast %broadcast_in_dim3A_3 : vector<16xf32> to vector<1x16xf32>
      tpu.vector_store %arg11[%swap3A_69, %swap3A_70], %swap3A_73 {strides = array<i32>} : memref<64x128xf32, #tpu.memory_space<vmem>>, vector<1x16xf32>,
      %swap3A_74 = arith.index_cast %scan3A_63 : i32 to index
      %swap3A_75 = arith.constant 32 : index
      %swap3A_76 = tpu.vector_load %arg11[%swap3A_74, %swap3A_75] {strides = array<i32>} : memref<64x128xf32, #tpu.memory_space<vmem>>, vector<1x16xf32>,
      %swap3A_77 = vector.shape_cast %swap3A_76 : vector<1x16xf32> to vector<16xf32>
      %swap3A_78 = vector.shape_cast %broadcast_in_dim3A_3 : vector<16xf32> to vector<1x16xf32>
      tpu.vector_store %arg11[%swap3A_74, %swap3A_75], %swap3A_78 {strides = array<i32>} : memref<64x128xf32, #tpu.memory_space<vmem>>, vector<1x16xf32>,
      %swap3A_79 = arith.index_cast %scan3A_63 : i32 to index
      %swap3A_80 = arith.constant 48 : index
      %swap3A_81 = tpu.vector_load %arg11[%swap3A_79, %swap3A_80] {strides = array<i32>} : memref<64x128xf32, #tpu.memory_space<vmem>>, vector<1x16xf32>,
      %swap3A_82 = vector.shape_cast %swap3A_81 : vector<1x16xf32> to vector<16xf32>
      %swap3A_83 = vector.shape_cast %broadcast_in_dim3A_3 : vector<16xf32> to vector<1x16xf32>
      tpu.vector_store %arg11[%swap3A_79, %swap3A_80], %swap3A_83 {strides = array<i32>} : memref<64x128xf32, #tpu.memory_space<vmem>>, vector<1x16xf32>,
      %swap3A_84 = arith.index_cast %scan3A_63 : i32 to index
      %swap3A_85 = arith.constant 64 : index
      %swap3A_86 = tpu.vector_load %arg11[%swap3A_84, %swap3A_85] {strides = array<i32>} : memref<64x128xf32, #tpu.memory_space<vmem>>, vector<1x16xf32>,
      %swap3A_87 = vector.shape_cast %swap3A_86 : vector<1x16xf32> to vector<16xf32>
      %swap3A_88 = vector.shape_cast %broadcast_in_dim3A_3 : vector<16xf32> to vector<1x16xf32>
      tpu.vector_store %arg11[%swap3A_84, %swap3A_85], %swap3A_88 {strides = array<i32>} : memref<64x128xf32, #tpu.memory_space<vmem>>, vector<1x16xf32>,
      %swap3A_89 = arith.index_cast %scan3A_63 : i32 to index
      %swap3A_90 = arith.constant 80 : index
      %swap3A_91 = tpu.vector_load %arg11[%swap3A_89, %swap3A_90] {strides = array<i32>} : memref<64x128xf32, #tpu.memory_space<vmem>>, vector<1x16xf32>,
      %swap3A_92 = vector.shape_cast %swap3A_91 : vector<1x16xf32> to vector<16xf32>
      %swap3A_93 = vector.shape_cast %broadcast_in_dim3A_3 : vector<16xf32> to vector<1x16xf32>
      tpu.vector_store %arg11[%swap3A_89, %swap3A_90], %swap3A_93 {strides = array<i32>} : memref<64x128xf32, #tpu.memory_space<vmem>>, vector<1x16xf32>,
      %swap3A_94 = arith.index_cast %scan3A_63 : i32 to index
      %swap3A_95 = arith.constant 96 : index
      %swap3A_96 = tpu.vector_load %arg11[%swap3A_94, %swap3A_95] {strides = array<i32>} : memref<64x128xf32, #tpu.memory_space<vmem>>, vector<1x16xf32>,
      %swap3A_97 = vector.shape_cast %swap3A_96 : vector<1x16xf32> to vector<16xf32>
      %swap3A_98 = vector.shape_cast %broadcast_in_dim3A_3 : vector<16xf32> to vector<1x16xf32>
      tpu.vector_store %arg11[%swap3A_94, %swap3A_95], %swap3A_98 {strides = array<i32>} : memref<64x128xf32, #tpu.memory_space<vmem>>, vector<1x16xf32>,
      %swap3A_99 = arith.index_cast %scan3A_63 : i32 to index
      %swap3A_100 = arith.constant 112 : index
      %swap3A_101 = tpu.vector_load %arg11[%swap3A_99, %swap3A_100] {strides = array<i32>} : memref<64x128xf32, #tpu.memory_space<vmem>>, vector<1x16xf32>,
      %swap3A_102 = vector.shape_cast %swap3A_101 : vector<1x16xf32> to vector<16xf32>
      %swap3A_103 = vector.shape_cast %broadcast_in_dim3A_3 : vector<16xf32> to vector<1x16xf32>
      tpu.vector_store %arg11[%swap3A_99, %swap3A_100], %swap3A_103 {strides = array<i32>} : memref<64x128xf32, #tpu.memory_space<vmem>>, vector<1x16xf32>,
      %scan3A_104 = arith.constant 0 : i32
      scf.yield %scan3A_104 : i32
    }
    %scan3A_9 = arith.constant 64 : i32
    %scan3A_10 = arith.constant 0 : i32
    %scan3A_11 = arith.constant 0 : i32
    %scan3A_12 = arith.constant 8 : i32
    %scan3A_13 = arith.addi %scan3A_11, %scan3A_12 : i32
    %scan3A_14 = arith.constant 1 : i32
    %scan3A_15 = scf.for %scan3A_63 = %scan3A_11 to %scan3A_13 step %scan3A_14 iter_args(%scan3A_64 = %scan3A_10) -> (i32)  : i32 {
      %mul3A_65 = arith.constant 512 : i32
      %mul3A_66 = arith.muli %arg1, %mul3A_65 : i32
      %mul3A_67 = arith.constant 64 : i32
      %mul3A_68 = arith.muli %scan3A_63, %mul3A_67 : i32
      %add3A_69 = arith.addi %mul3A_66, %mul3A_68 : i32
      "tpu.region"() ({
        %run_scoped3A = tpu.sem_alloc : memref<!tpu.dma_semaphore, #tpu.memory_space<semaphore_mem>>
        %dma_start3A_71 = arith.constant 0 : i32
        %dma_start3A_72 = tpu.memref_slice %arg13[%add3A_69, %dma_start3A_71] : memref<8192x128xf32, #tpu.memory_space<vmem_shared>> -> memref<64x128xf32, #tpu.memory_space<vmem_shared>>
        %dma_start3A_73 = arith.constant 0 : i32
        %dma_start3A_74 = tpu.memref_slice %arg13[%add3A_69, %dma_start3A_73] : memref<8192x128xf32, #tpu.memory_space<vmem_shared>> -> memref<64x128xf32, #tpu.memory_space<vmem_shared>>
        tpu.enqueue_dma source(%arg11 : memref<64x128xf32, #tpu.memory_space<vmem>>) target(%dma_start3A_74 : memref<64x128xf32, #tpu.memory_space<vmem_shared>>) target_semaphore(%run_scoped3A : memref<!tpu.dma_semaphore, #tpu.memory_space<semaphore_mem>>)
        %dma_wait3A_75 = arith.constant 0 : i32
        %dma_wait3A_76 = tpu.memref_slice %arg13[%add3A_69, %dma_wait3A_75] : memref<8192x128xf32, #tpu.memory_space<vmem_shared>> -> memref<64x128xf32, #tpu.memory_space<vmem_shared>>
        %dma_wait3A_77 = arith.constant 0 : i32
        %dma_wait3A_78 = tpu.memref_slice %arg13[%add3A_69, %dma_wait3A_77] : memref<8192x128xf32, #tpu.memory_space<vmem_shared>> -> memref<64x128xf32, #tpu.memory_space<vmem_shared>>
        tpu.wait_dma2 semaphore(%run_scoped3A : memref<!tpu.dma_semaphore, #tpu.memory_space<semaphore_mem>>) src(%arg11 : memref<64x128xf32, #tpu.memory_space<vmem>>) dst(%dma_wait3A_78 : memref<64x128xf32, #tpu.memory_space<vmem_shared>>)
        tpu.yield
      }) : () -> ()
      %scan3A_70 = arith.constant 0 : i32
      scf.yield %scan3A_70 : i32
    }
    %scan3A_16 = arith.constant 8 : i32
    %barrier3A = arith.constant 0 : index
    tpu.barrier barrier_id(%barrier3A)
    "tpu.region"() ({
      %run_scoped3A = tpu.sem_alloc : memref<!tpu.dma_semaphore, #tpu.memory_space<semaphore_mem>>
      %dma_start3A_63 = arith.constant 0 : i32
      %dma_start3A_64 = arith.constant 0 : i32
      %dma_start3A_65 = tpu.memref_slice %arg4[%add3A, %dma_start3A_63, %dma_start3A_64] : memref<32x64x64xi32, #tpu.memory_space<hbm>> -> memref<1x64x64xi32, #tpu.memory_space<hbm>>
      %dma_start3A_66 = tpu.memref_squeeze %dma_start3A_65 : memref<1x64x64xi32, #tpu.memory_space<hbm>> -> memref<64x64xi32, #tpu.memory_space<hbm>>
      %dma_start3A_67 = arith.constant 0 : i32
      %dma_start3A_68 = arith.constant 0 : i32
      %dma_start3A_69 = tpu.memref_slice %arg4[%add3A, %dma_start3A_67, %dma_start3A_68] : memref<32x64x64xi32, #tpu.memory_space<hbm>> -> memref<1x64x64xi32, #tpu.memory_space<hbm>>
      %dma_start3A_70 = tpu.memref_squeeze %dma_start3A_69 : memref<1x64x64xi32, #tpu.memory_space<hbm>> -> memref<64x64xi32, #tpu.memory_space<hbm>>
      tpu.enqueue_dma source(%dma_start3A_70 : memref<64x64xi32, #tpu.memory_space<hbm>>) target(%arg8 : memref<64x64xi32, #tpu.memory_space<vmem>>) target_semaphore(%run_scoped3A : memref<!tpu.dma_semaphore, #tpu.memory_space<semaphore_mem>>)
      %dma_wait3A_71 = arith.constant 0 : i32
      %dma_wait3A_72 = arith.constant 0 : i32
      %dma_wait3A_73 = tpu.memref_slice %arg4[%add3A, %dma_wait3A_71, %dma_wait3A_72] : memref<32x64x64xi32, #tpu.memory_space<hbm>> -> memref<1x64x64xi32, #tpu.memory_space<hbm>>
      %dma_wait3A_74 = tpu.memref_squeeze %dma_wait3A_73 : memref<1x64x64xi32, #tpu.memory_space<hbm>> -> memref<64x64xi32, #tpu.memory_space<hbm>>
      %dma_wait3A_75 = arith.constant 0 : i32
      %dma_wait3A_76 = arith.constant 0 : i32
      %dma_wait3A_77 = tpu.memref_slice %arg4[%add3A, %dma_wait3A_75, %dma_wait3A_76] : memref<32x64x64xi32, #tpu.memory_space<hbm>> -> memref<1x64x64xi32, #tpu.memory_space<hbm>>
      %dma_wait3A_78 = tpu.memref_squeeze %dma_wait3A_77 : memref<1x64x64xi32, #tpu.memory_space<hbm>> -> memref<64x64xi32, #tpu.memory_space<hbm>>
      tpu.wait_dma2 semaphore(%run_scoped3A : memref<!tpu.dma_semaphore, #tpu.memory_space<semaphore_mem>>) src(%dma_wait3A_78 : memref<64x64xi32, #tpu.memory_space<hbm>>) dst(%arg8 : memref<64x64xi32, #tpu.memory_space<vmem>>)
      tpu.yield
    }) : () -> ()
    %dma_start3A = arith.constant 0 : i32
    %dma_start3A_17 = arith.constant 0 : i32
    %dma_start3A_18 = tpu.memref_slice %arg8[%dma_start3A, %dma_start3A_17] : memref<64x64xi32, #tpu.memory_space<vmem>> -> memref<1x64xi32, #tpu.memory_space<vmem>>
    %dma_start3A_19 = tpu.memref_squeeze %dma_start3A_18 : memref<1x64xi32, #tpu.memory_space<vmem>> -> memref<64xi32, #tpu.memory_space<vmem>>
    %dma_start3A_20 = arith.constant 0 : i32
    %dma_start3A_21 = arith.constant 0 : i32
    %dma_start3A_22 = tpu.memref_slice %arg3[%dma_start3A_20, %dma_start3A_21] : memref<8192x128xf32, #tpu.memory_space<hbm>> -> memref<8192x128xf32, #tpu.memory_space<hbm>>
    tpu.enqueue_indirect_dma source(%dma_start3A_22 : memref<8192x128xf32, #tpu.memory_space<hbm>>) target(%arg9 : memref<64x128xf32, #tpu.memory_space<vmem>>) offsets(%dma_start3A_19 : memref<64xi32, #tpu.memory_space<vmem>>) semaphore(%arg14 : memref<!tpu.dma_semaphore, #tpu.memory_space<semaphore_mem>>)
    %dma_start3A_23 = arith.constant 1 : i32
    %dma_start3A_24 = arith.constant 0 : i32
    %dma_start3A_25 = tpu.memref_slice %arg8[%dma_start3A_23, %dma_start3A_24] : memref<64x64xi32, #tpu.memory_space<vmem>> -> memref<1x64xi32, #tpu.memory_space<vmem>>
    %dma_start3A_26 = tpu.memref_squeeze %dma_start3A_25 : memref<1x64xi32, #tpu.memory_space<vmem>> -> memref<64xi32, #tpu.memory_space<vmem>>
    %dma_start3A_27 = arith.constant 0 : i32
    %dma_start3A_28 = arith.constant 0 : i32
    %dma_start3A_29 = tpu.memref_slice %arg3[%dma_start3A_27, %dma_start3A_28] : memref<8192x128xf32, #tpu.memory_space<hbm>> -> memref<8192x128xf32, #tpu.memory_space<hbm>>
    tpu.enqueue_indirect_dma source(%dma_start3A_29 : memref<8192x128xf32, #tpu.memory_space<hbm>>) target(%arg10 : memref<64x128xf32, #tpu.memory_space<vmem>>) offsets(%dma_start3A_26 : memref<64xi32, #tpu.memory_space<vmem>>) semaphore(%arg15 : memref<!tpu.dma_semaphore, #tpu.memory_space<semaphore_mem>>)
    %dma_start3A_30 = arith.constant 0 : i32
    %dma_start3A_31 = tpu.memref_slice %arg2[%mul3A_2, %dma_start3A_30] : memref<8192x128xf32, #tpu.memory_space<hbm>> -> memref<4x128xf32, #tpu.memory_space<hbm>>
    %dma_start3A_32 = arith.constant 0 : i32
    %dma_start3A_33 = tpu.memref_slice %arg2[%mul3A_2, %dma_start3A_32] : memref<8192x128xf32, #tpu.memory_space<hbm>> -> memref<4x128xf32, #tpu.memory_space<hbm>>
    tpu.enqueue_dma source(%dma_start3A_33 : memref<4x128xf32, #tpu.memory_space<hbm>>) target(%arg6 : memref<4x128xf32, #tpu.memory_space<vmem>>) target_semaphore(%arg18 : memref<!tpu.dma_semaphore, #tpu.memory_space<semaphore_mem>>)
    %add3A_34 = arith.constant 4 : i32
    %add3A_35 = arith.addi %mul3A_2, %add3A_34 : i32
    %dma_start3A_36 = arith.constant 0 : i32
    %dma_start3A_37 = tpu.memref_slice %arg2[%add3A_35, %dma_start3A_36] : memref<8192x128xf32, #tpu.memory_space<hbm>> -> memref<4x128xf32, #tpu.memory_space<hbm>>
    %dma_start3A_38 = arith.constant 0 : i32
    %dma_start3A_39 = tpu.memref_slice %arg2[%add3A_35, %dma_start3A_38] : memref<8192x128xf32, #tpu.memory_space<hbm>> -> memref<4x128xf32, #tpu.memory_space<hbm>>
    tpu.enqueue_dma source(%dma_start3A_39 : memref<4x128xf32, #tpu.memory_space<hbm>>) target(%arg7 : memref<4x128xf32, #tpu.memory_space<vmem>>) target_semaphore(%arg19 : memref<!tpu.dma_semaphore, #tpu.memory_space<semaphore_mem>>)
    %scan3A_40 = arith.constant 0 : i32
    %scan3A_41 = arith.constant 0 : i32
    %scan3A_42 = arith.constant 32 : i32
    %scan3A_43 = arith.addi %scan3A_41, %scan3A_42 : i32
    %scan3A_44 = arith.constant 1 : i32
    %scan3A_45 = scf.for %scan3A_63 = %scan3A_41 to %scan3A_43 step %scan3A_44 iter_args(%scan3A_64 = %scan3A_40) -> (i32)  : i32 {
      %mul3A_65 = arith.constant 2 : i32
      %mul3A_66 = arith.muli %scan3A_63, %mul3A_65 : i32
      %add3A_67 = arith.constant 0 : i32
      %add3A_68 = arith.addi %mul3A_66, %add3A_67 : i32
      %dma_wait3A_69 = arith.constant 0 : i32
      %dma_wait3A_70 = tpu.memref_slice %arg8[%add3A_68, %dma_wait3A_69] : memref<64x64xi32, #tpu.memory_space<vmem>> -> memref<1x64xi32, #tpu.memory_space<vmem>>
      %dma_wait3A_71 = tpu.memref_squeeze %dma_wait3A_70 : memref<1x64xi32, #tpu.memory_space<vmem>> -> memref<64xi32, #tpu.memory_space<vmem>>
      %dma_wait3A_72 = arith.constant 0 : i32
      %dma_wait3A_73 = arith.constant 0 : i32
      %dma_wait3A_74 = tpu.memref_slice %arg3[%dma_wait3A_72, %dma_wait3A_73] : memref<8192x128xf32, #tpu.memory_space<hbm>> -> memref<8192x128xf32, #tpu.memory_space<hbm>>
      tpu.wait_indirect_dma semaphore(%arg14 : memref<!tpu.dma_semaphore, #tpu.memory_space<semaphore_mem>>) src(%dma_wait3A_74 : memref<8192x128xf32, #tpu.memory_space<hbm>>) dst(%arg9 : memref<64x128xf32, #tpu.memory_space<vmem>>)
      %dma_wait3A_75 = arith.constant 0 : i32
      %dma_wait3A_76 = arith.constant 0 : i32
      %dma_wait3A_77 = tpu.memref_slice %arg2[%dma_wait3A_75, %dma_wait3A_76] : memref<8192x128xf32, #tpu.memory_space<hbm>> -> memref<4x128xf32, #tpu.memory_space<hbm>>
      %dma_wait3A_78 = arith.constant 0 : i32
      %dma_wait3A_79 = arith.constant 0 : i32
      %dma_wait3A_80 = tpu.memref_slice %arg2[%dma_wait3A_78, %dma_wait3A_79] : memref<8192x128xf32, #tpu.memory_space<hbm>> -> memref<4x128xf32, #tpu.memory_space<hbm>>
      tpu.wait_dma2 semaphore(%arg18 : memref<!tpu.dma_semaphore, #tpu.memory_space<semaphore_mem>>) src(%dma_wait3A_80 : memref<4x128xf32, #tpu.memory_space<hbm>>) dst(%arg6 : memref<4x128xf32, #tpu.memory_space<vmem>>)
      %gt3A = arith.constant 0 : i32
      %gt3A_81 = arith.cmpi sgt, %scan3A_63, %gt3A : i32
      %convert_element_type3A = arith.extui %gt3A_81 : i1 to i32
      %cond3A = arith.constant 0 : i32
      %cond3A_82 = arith.cmpi ne, %convert_element_type3A, %cond3A : i32
      scf.if %cond3A_82 {
        %dma_wait3A_144 = arith.constant 0 : i32
        %dma_wait3A_145 = tpu.memref_slice %arg8[%add3A_68, %dma_wait3A_144] : memref<64x64xi32, #tpu.memory_space<vmem>> -> memref<1x64xi32, #tpu.memory_space<vmem>>
        %dma_wait3A_146 = tpu.memref_squeeze %dma_wait3A_145 : memref<1x64xi32, #tpu.memory_space<vmem>> -> memref<64xi32, #tpu.memory_space<vmem>>
        %dma_wait3A_147 = arith.constant 0 : i32
        %dma_wait3A_148 = arith.constant 0 : i32
        %dma_wait3A_149 = tpu.memref_slice %arg13[%dma_wait3A_147, %dma_wait3A_148] : memref<8192x128xf32, #tpu.memory_space<vmem_shared>> -> memref<8192x128xf32, #tpu.memory_space<vmem_shared>>
        tpu.wait_indirect_dma semaphore(%arg16 : memref<!tpu.dma_semaphore, #tpu.memory_space<semaphore_mem>>) src(%arg11 : memref<64x128xf32, #tpu.memory_space<vmem>>) dst(%dma_wait3A_149 : memref<8192x128xf32, #tpu.memory_space<vmem_shared>>)
      } else {
      }
      %scan3A_83 = arith.constant 0 : i32
      %scan3A_84 = arith.constant 0 : i32
      %scan3A_85 = arith.constant 64 : i32
      %scan3A_86 = arith.addi %scan3A_84, %scan3A_85 : i32
      %scan3A_87 = arith.constant 1 : i32
      %scan3A_88 = scf.for %scan3A_144 = %scan3A_84 to %scan3A_86 step %scan3A_87 iter_args(%scan3A_145 = %scan3A_83) -> (i32)  : i32 {
        %jit3A = arith.constant 16 : i32
        %div3A = arith.divsi %scan3A_144, %jit3A : i32
        %sign3A = arith.constant 0 : i32
        %sign3A_146 = arith.cmpi sgt, %scan3A_144, %sign3A : i32
        %sign3A_147 = arith.extui %sign3A_146 : i1 to i32
        %sign3A_148 = arith.constant 0 : i32
        %sign3A_149 = arith.cmpi slt, %scan3A_144, %sign3A_148 : i32
        %sign3A_150 = arith.extui %sign3A_149 : i1 to i32
        %sign3A_151 = arith.subi %sign3A_147, %sign3A_150 : i32
        %sign3A_152 = arith.constant 0 : i32
        %sign3A_153 = arith.cmpi sgt, %jit3A, %sign3A_152 : i32
        %sign3A_154 = arith.extui %sign3A_153 : i1 to i32
        %sign3A_155 = arith.constant 0 : i32
        %sign3A_156 = arith.cmpi slt, %jit3A, %sign3A_155 : i32
        %sign3A_157 = arith.extui %sign3A_156 : i1 to i32
        %sign3A_158 = arith.subi %sign3A_154, %sign3A_157 : i32
        %ne3A = arith.cmpi ne, %sign3A_151, %sign3A_158 : i32
        %rem3A = arith.remsi %scan3A_144, %jit3A : i32
        %ne3A_159 = arith.constant 0 : i32
        %ne3A_160 = arith.cmpi ne, %rem3A, %ne3A_159 : i32
        %and3A = arith.andi %ne3A, %ne3A_160 : i1
        %sub3A = arith.constant 1 : i32
        %sub3A_161 = arith.subi %div3A, %sub3A : i32
        %select_n3A = arith.select %and3A, %sub3A_161, %div3A : i32
        %get3A = arith.index_cast %scan3A_144 : i32 to index
        %get3A_162 = arith.constant 0 : index
        %get3A_163 = tpu.vector_load %arg9[%get3A, %get3A_162] {strides = array<i32>} : memref<64x128xf32, #tpu.memory_space<vmem>>, vector<1x16xf32>,
        %get3A_164 = vector.shape_cast %get3A_163 : vector<1x16xf32> to vector<16xf32>
        %get3A_165 = arith.index_cast %select_n3A : i32 to index
        %get3A_166 = arith.constant 0 : index
        %get3A_167 = tpu.vector_load %arg6[%get3A_165, %get3A_166] {strides = array<i32>} : memref<4x128xf32, #tpu.memory_space<vmem>>, vector<1x16xf32>,
        %get3A_168 = vector.shape_cast %get3A_167 : vector<1x16xf32> to vector<16xf32>
        %add3A_169 = arith.addf %get3A_168, %get3A_164 : vector<16xf32>
        %max3A = arith.constant 0.000000e+00 : f32
        %max3A_170 = vector.broadcast %max3A : f32 to vector<16xf32>
        %max3A_171 = arith.maximumf %add3A_169, %max3A_170 : vector<16xf32>
        %swap3A = arith.index_cast %scan3A_144 : i32 to index
        %swap3A_172 = arith.constant 0 : index
        %swap3A_173 = tpu.vector_load %arg11[%swap3A, %swap3A_172] {strides = array<i32>} : memref<64x128xf32, #tpu.memory_space<vmem>>, vector<1x16xf32>,
        %swap3A_174 = vector.shape_cast %swap3A_173 : vector<1x16xf32> to vector<16xf32>
        %swap3A_175 = vector.shape_cast %max3A_171 : vector<16xf32> to vector<1x16xf32>
        tpu.vector_store %arg11[%swap3A, %swap3A_172], %swap3A_175 {strides = array<i32>} : memref<64x128xf32, #tpu.memory_space<vmem>>, vector<1x16xf32>,
        %get3A_176 = arith.index_cast %scan3A_144 : i32 to index
        %get3A_177 = arith.constant 16 : index
        %get3A_178 = tpu.vector_load %arg9[%get3A_176, %get3A_177] {strides = array<i32>} : memref<64x128xf32, #tpu.memory_space<vmem>>, vector<1x16xf32>,
        %get3A_179 = vector.shape_cast %get3A_178 : vector<1x16xf32> to vector<16xf32>
        %get3A_180 = arith.index_cast %select_n3A : i32 to index
        %get3A_181 = arith.constant 16 : index
        %get3A_182 = tpu.vector_load %arg6[%get3A_180, %get3A_181] {strides = array<i32>} : memref<4x128xf32, #tpu.memory_space<vmem>>, vector<1x16xf32>,
        %get3A_183 = vector.shape_cast %get3A_182 : vector<1x16xf32> to vector<16xf32>
        %add3A_184 = arith.addf %get3A_183, %get3A_179 : vector<16xf32>
        %max3A_185 = arith.constant 0.000000e+00 : f32
        %max3A_186 = vector.broadcast %max3A_185 : f32 to vector<16xf32>
        %max3A_187 = arith.maximumf %add3A_184, %max3A_186 : vector<16xf32>
        %swap3A_188 = arith.index_cast %scan3A_144 : i32 to index
        %swap3A_189 = arith.constant 16 : index
        %swap3A_190 = tpu.vector_load %arg11[%swap3A_188, %swap3A_189] {strides = array<i32>} : memref<64x128xf32, #tpu.memory_space<vmem>>, vector<1x16xf32>,
        %swap3A_191 = vector.shape_cast %swap3A_190 : vector<1x16xf32> to vector<16xf32>
        %swap3A_192 = vector.shape_cast %max3A_187 : vector<16xf32> to vector<1x16xf32>
        tpu.vector_store %arg11[%swap3A_188, %swap3A_189], %swap3A_192 {strides = array<i32>} : memref<64x128xf32, #tpu.memory_space<vmem>>, vector<1x16xf32>,
        %get3A_193 = arith.index_cast %scan3A_144 : i32 to index
        %get3A_194 = arith.constant 32 : index
        %get3A_195 = tpu.vector_load %arg9[%get3A_193, %get3A_194] {strides = array<i32>} : memref<64x128xf32, #tpu.memory_space<vmem>>, vector<1x16xf32>,
        %get3A_196 = vector.shape_cast %get3A_195 : vector<1x16xf32> to vector<16xf32>
        %get3A_197 = arith.index_cast %select_n3A : i32 to index
        %get3A_198 = arith.constant 32 : index
        %get3A_199 = tpu.vector_load %arg6[%get3A_197, %get3A_198] {strides = array<i32>} : memref<4x128xf32, #tpu.memory_space<vmem>>, vector<1x16xf32>,
        %get3A_200 = vector.shape_cast %get3A_199 : vector<1x16xf32> to vector<16xf32>
        %add3A_201 = arith.addf %get3A_200, %get3A_196 : vector<16xf32>
        %max3A_202 = arith.constant 0.000000e+00 : f32
        %max3A_203 = vector.broadcast %max3A_202 : f32 to vector<16xf32>
        %max3A_204 = arith.maximumf %add3A_201, %max3A_203 : vector<16xf32>
        %swap3A_205 = arith.index_cast %scan3A_144 : i32 to index
        %swap3A_206 = arith.constant 32 : index
        %swap3A_207 = tpu.vector_load %arg11[%swap3A_205, %swap3A_206] {strides = array<i32>} : memref<64x128xf32, #tpu.memory_space<vmem>>, vector<1x16xf32>,
        %swap3A_208 = vector.shape_cast %swap3A_207 : vector<1x16xf32> to vector<16xf32>
        %swap3A_209 = vector.shape_cast %max3A_204 : vector<16xf32> to vector<1x16xf32>
        tpu.vector_store %arg11[%swap3A_205, %swap3A_206], %swap3A_209 {strides = array<i32>} : memref<64x128xf32, #tpu.memory_space<vmem>>, vector<1x16xf32>,
        %get3A_210 = arith.index_cast %scan3A_144 : i32 to index
        %get3A_211 = arith.constant 48 : index
        %get3A_212 = tpu.vector_load %arg9[%get3A_210, %get3A_211] {strides = array<i32>} : memref<64x128xf32, #tpu.memory_space<vmem>>, vector<1x16xf32>,
        %get3A_213 = vector.shape_cast %get3A_212 : vector<1x16xf32> to vector<16xf32>
        %get3A_214 = arith.index_cast %select_n3A : i32 to index
        %get3A_215 = arith.constant 48 : index
        %get3A_216 = tpu.vector_load %arg6[%get3A_214, %get3A_215] {strides = array<i32>} : memref<4x128xf32, #tpu.memory_space<vmem>>, vector<1x16xf32>,
        %get3A_217 = vector.shape_cast %get3A_216 : vector<1x16xf32> to vector<16xf32>
        %add3A_218 = arith.addf %get3A_217, %get3A_213 : vector<16xf32>
        %max3A_219 = arith.constant 0.000000e+00 : f32
        %max3A_220 = vector.broadcast %max3A_219 : f32 to vector<16xf32>
        %max3A_221 = arith.maximumf %add3A_218, %max3A_220 : vector<16xf32>
        %swap3A_222 = arith.index_cast %scan3A_144 : i32 to index
        %swap3A_223 = arith.constant 48 : index
        %swap3A_224 = tpu.vector_load %arg11[%swap3A_222, %swap3A_223] {strides = array<i32>} : memref<64x128xf32, #tpu.memory_space<vmem>>, vector<1x16xf32>,
        %swap3A_225 = vector.shape_cast %swap3A_224 : vector<1x16xf32> to vector<16xf32>
        %swap3A_226 = vector.shape_cast %max3A_221 : vector<16xf32> to vector<1x16xf32>
        tpu.vector_store %arg11[%swap3A_222, %swap3A_223], %swap3A_226 {strides = array<i32>} : memref<64x128xf32, #tpu.memory_space<vmem>>, vector<1x16xf32>,
        %get3A_227 = arith.index_cast %scan3A_144 : i32 to index
        %get3A_228 = arith.constant 64 : index
        %get3A_229 = tpu.vector_load %arg9[%get3A_227, %get3A_228] {strides = array<i32>} : memref<64x128xf32, #tpu.memory_space<vmem>>, vector<1x16xf32>,
        %get3A_230 = vector.shape_cast %get3A_229 : vector<1x16xf32> to vector<16xf32>
        %get3A_231 = arith.index_cast %select_n3A : i32 to index
        %get3A_232 = arith.constant 64 : index
        %get3A_233 = tpu.vector_load %arg6[%get3A_231, %get3A_232] {strides = array<i32>} : memref<4x128xf32, #tpu.memory_space<vmem>>, vector<1x16xf32>,
        %get3A_234 = vector.shape_cast %get3A_233 : vector<1x16xf32> to vector<16xf32>
        %add3A_235 = arith.addf %get3A_234, %get3A_230 : vector<16xf32>
        %max3A_236 = arith.constant 0.000000e+00 : f32
        %max3A_237 = vector.broadcast %max3A_236 : f32 to vector<16xf32>
        %max3A_238 = arith.maximumf %add3A_235, %max3A_237 : vector<16xf32>
        %swap3A_239 = arith.index_cast %scan3A_144 : i32 to index
        %swap3A_240 = arith.constant 64 : index
        %swap3A_241 = tpu.vector_load %arg11[%swap3A_239, %swap3A_240] {strides = array<i32>} : memref<64x128xf32, #tpu.memory_space<vmem>>, vector<1x16xf32>,
        %swap3A_242 = vector.shape_cast %swap3A_241 : vector<1x16xf32> to vector<16xf32>
        %swap3A_243 = vector.shape_cast %max3A_238 : vector<16xf32> to vector<1x16xf32>
        tpu.vector_store %arg11[%swap3A_239, %swap3A_240], %swap3A_243 {strides = array<i32>} : memref<64x128xf32, #tpu.memory_space<vmem>>, vector<1x16xf32>,
        %get3A_244 = arith.index_cast %scan3A_144 : i32 to index
        %get3A_245 = arith.constant 80 : index
        %get3A_246 = tpu.vector_load %arg9[%get3A_244, %get3A_245] {strides = array<i32>} : memref<64x128xf32, #tpu.memory_space<vmem>>, vector<1x16xf32>,
        %get3A_247 = vector.shape_cast %get3A_246 : vector<1x16xf32> to vector<16xf32>
        %get3A_248 = arith.index_cast %select_n3A : i32 to index
        %get3A_249 = arith.constant 80 : index
        %get3A_250 = tpu.vector_load %arg6[%get3A_248, %get3A_249] {strides = array<i32>} : memref<4x128xf32, #tpu.memory_space<vmem>>, vector<1x16xf32>,
        %get3A_251 = vector.shape_cast %get3A_250 : vector<1x16xf32> to vector<16xf32>
        %add3A_252 = arith.addf %get3A_251, %get3A_247 : vector<16xf32>
        %max3A_253 = arith.constant 0.000000e+00 : f32
        %max3A_254 = vector.broadcast %max3A_253 : f32 to vector<16xf32>
        %max3A_255 = arith.maximumf %add3A_252, %max3A_254 : vector<16xf32>
        %swap3A_256 = arith.index_cast %scan3A_144 : i32 to index
        %swap3A_257 = arith.constant 80 : index
        %swap3A_258 = tpu.vector_load %arg11[%swap3A_256, %swap3A_257] {strides = array<i32>} : memref<64x128xf32, #tpu.memory_space<vmem>>, vector<1x16xf32>,
        %swap3A_259 = vector.shape_cast %swap3A_258 : vector<1x16xf32> to vector<16xf32>
        %swap3A_260 = vector.shape_cast %max3A_255 : vector<16xf32> to vector<1x16xf32>
        tpu.vector_store %arg11[%swap3A_256, %swap3A_257], %swap3A_260 {strides = array<i32>} : memref<64x128xf32, #tpu.memory_space<vmem>>, vector<1x16xf32>,
        %get3A_261 = arith.index_cast %scan3A_144 : i32 to index
        %get3A_262 = arith.constant 96 : index
        %get3A_263 = tpu.vector_load %arg9[%get3A_261, %get3A_262] {strides = array<i32>} : memref<64x128xf32, #tpu.memory_space<vmem>>, vector<1x16xf32>,
        %get3A_264 = vector.shape_cast %get3A_263 : vector<1x16xf32> to vector<16xf32>
        %get3A_265 = arith.index_cast %select_n3A : i32 to index
        %get3A_266 = arith.constant 96 : index
        %get3A_267 = tpu.vector_load %arg6[%get3A_265, %get3A_266] {strides = array<i32>} : memref<4x128xf32, #tpu.memory_space<vmem>>, vector<1x16xf32>,
        %get3A_268 = vector.shape_cast %get3A_267 : vector<1x16xf32> to vector<16xf32>
        %add3A_269 = arith.addf %get3A_268, %get3A_264 : vector<16xf32>
        %max3A_270 = arith.constant 0.000000e+00 : f32
        %max3A_271 = vector.broadcast %max3A_270 : f32 to vector<16xf32>
        %max3A_272 = arith.maximumf %add3A_269, %max3A_271 : vector<16xf32>
        %swap3A_273 = arith.index_cast %scan3A_144 : i32 to index
        %swap3A_274 = arith.constant 96 : index
        %swap3A_275 = tpu.vector_load %arg11[%swap3A_273, %swap3A_274] {strides = array<i32>} : memref<64x128xf32, #tpu.memory_space<vmem>>, vector<1x16xf32>,
        %swap3A_276 = vector.shape_cast %swap3A_275 : vector<1x16xf32> to vector<16xf32>
        %swap3A_277 = vector.shape_cast %max3A_272 : vector<16xf32> to vector<1x16xf32>
        tpu.vector_store %arg11[%swap3A_273, %swap3A_274], %swap3A_277 {strides = array<i32>} : memref<64x128xf32, #tpu.memory_space<vmem>>, vector<1x16xf32>,
        %get3A_278 = arith.index_cast %scan3A_144 : i32 to index
        %get3A_279 = arith.constant 112 : index
        %get3A_280 = tpu.vector_load %arg9[%get3A_278, %get3A_279] {strides = array<i32>} : memref<64x128xf32, #tpu.memory_space<vmem>>, vector<1x16xf32>,
        %get3A_281 = vector.shape_cast %get3A_280 : vector<1x16xf32> to vector<16xf32>
        %get3A_282 = arith.index_cast %select_n3A : i32 to index
        %get3A_283 = arith.constant 112 : index
        %get3A_284 = tpu.vector_load %arg6[%get3A_282, %get3A_283] {strides = array<i32>} : memref<4x128xf32, #tpu.memory_space<vmem>>, vector<1x16xf32>,
        %get3A_285 = vector.shape_cast %get3A_284 : vector<1x16xf32> to vector<16xf32>
        %add3A_286 = arith.addf %get3A_285, %get3A_281 : vector<16xf32>
        %max3A_287 = arith.constant 0.000000e+00 : f32
        %max3A_288 = vector.broadcast %max3A_287 : f32 to vector<16xf32>
        %max3A_289 = arith.maximumf %add3A_286, %max3A_288 : vector<16xf32>
        %swap3A_290 = arith.index_cast %scan3A_144 : i32 to index
        %swap3A_291 = arith.constant 112 : index
        %swap3A_292 = tpu.vector_load %arg11[%swap3A_290, %swap3A_291] {strides = array<i32>} : memref<64x128xf32, #tpu.memory_space<vmem>>, vector<1x16xf32>,
        %swap3A_293 = vector.shape_cast %swap3A_292 : vector<1x16xf32> to vector<16xf32>
        %swap3A_294 = vector.shape_cast %max3A_289 : vector<16xf32> to vector<1x16xf32>
        tpu.vector_store %arg11[%swap3A_290, %swap3A_291], %swap3A_294 {strides = array<i32>} : memref<64x128xf32, #tpu.memory_space<vmem>>, vector<1x16xf32>,
        %scan3A_295 = arith.constant 0 : i32
        scf.yield %scan3A_295 : i32
      }
      %scan3A_89 = arith.constant 64 : i32
      %dma_start3A_90 = arith.constant 0 : i32
      %dma_start3A_91 = tpu.memref_slice %arg8[%add3A_68, %dma_start3A_90] : memref<64x64xi32, #tpu.memory_space<vmem>> -> memref<1x64xi32, #tpu.memory_space<vmem>>
      %dma_start3A_92 = tpu.memref_squeeze %dma_start3A_91 : memref<1x64xi32, #tpu.memory_space<vmem>> -> memref<64xi32, #tpu.memory_space<vmem>>
      %dma_start3A_93 = arith.constant 0 : i32
      %dma_start3A_94 = arith.constant 0 : i32
      %dma_start3A_95 = tpu.memref_slice %arg13[%dma_start3A_93, %dma_start3A_94] : memref<8192x128xf32, #tpu.memory_space<vmem_shared>> -> memref<8192x128xf32, #tpu.memory_space<vmem_shared>>
      tpu.enqueue_indirect_dma source(%arg11 : memref<64x128xf32, #tpu.memory_space<vmem>>) target(%dma_start3A_95 : memref<8192x128xf32, #tpu.memory_space<vmem_shared>>) offsets(%dma_start3A_92 : memref<64xi32, #tpu.memory_space<vmem>>) semaphore(%arg16 : memref<!tpu.dma_semaphore, #tpu.memory_space<semaphore_mem>>) {add = true}
      %add3A_96 = arith.constant 2 : i32
      %add3A_97 = arith.addi %add3A_68, %add3A_96 : i32
      %lt3A = arith.constant 64 : i32
      %lt3A_98 = arith.cmpi slt, %add3A_97, %lt3A : i32
      %convert_element_type3A_99 = arith.extui %lt3A_98 : i1 to i32
      %cond3A_100 = arith.constant 0 : i32
      %cond3A_101 = arith.cmpi ne, %convert_element_type3A_99, %cond3A_100 : i32
      scf.if %cond3A_101 {
        %add3A_144 = arith.constant 2 : i32
        %add3A_145 = arith.addi %add3A_68, %add3A_144 : i32
        %dma_start3A_146 = arith.constant 0 : i32
        %dma_start3A_147 = tpu.memref_slice %arg8[%add3A_145, %dma_start3A_146] : memref<64x64xi32, #tpu.memory_space<vmem>> -> memref<1x64xi32, #tpu.memory_space<vmem>>
        %dma_start3A_148 = tpu.memref_squeeze %dma_start3A_147 : memref<1x64xi32, #tpu.memory_space<vmem>> -> memref<64xi32, #tpu.memory_space<vmem>>
        %dma_start3A_149 = arith.constant 0 : i32
        %dma_start3A_150 = arith.constant 0 : i32
        %dma_start3A_151 = tpu.memref_slice %arg3[%dma_start3A_149, %dma_start3A_150] : memref<8192x128xf32, #tpu.memory_space<hbm>> -> memref<8192x128xf32, #tpu.memory_space<hbm>>
        tpu.enqueue_indirect_dma source(%dma_start3A_151 : memref<8192x128xf32, #tpu.memory_space<hbm>>) target(%arg9 : memref<64x128xf32, #tpu.memory_space<vmem>>) offsets(%dma_start3A_148 : memref<64xi32, #tpu.memory_space<vmem>>) semaphore(%arg14 : memref<!tpu.dma_semaphore, #tpu.memory_space<semaphore_mem>>)
        %add3A_152 = arith.constant 2 : i32
        %add3A_153 = arith.addi %add3A_68, %add3A_152 : i32
        %mul3A_154 = arith.constant 4 : i32
        %mul3A_155 = arith.muli %add3A_153, %mul3A_154 : i32
        %add3A_156 = arith.addi %mul3A_2, %mul3A_155 : i32
        %dma_start3A_157 = arith.constant 0 : i32
        %dma_start3A_158 = tpu.memref_slice %arg2[%add3A_156, %dma_start3A_157] : memref<8192x128xf32, #tpu.memory_space<hbm>> -> memref<4x128xf32, #tpu.memory_space<hbm>>
        %dma_start3A_159 = arith.constant 0 : i32
        %dma_start3A_160 = tpu.memref_slice %arg2[%add3A_156, %dma_start3A_159] : memref<8192x128xf32, #tpu.memory_space<hbm>> -> memref<4x128xf32, #tpu.memory_space<hbm>>
        tpu.enqueue_dma source(%dma_start3A_160 : memref<4x128xf32, #tpu.memory_space<hbm>>) target(%arg6 : memref<4x128xf32, #tpu.memory_space<vmem>>) target_semaphore(%arg18 : memref<!tpu.dma_semaphore, #tpu.memory_space<semaphore_mem>>)
      } else {
      }
      %mul3A_102 = arith.constant 2 : i32
      %mul3A_103 = arith.muli %scan3A_63, %mul3A_102 : i32
      %add3A_104 = arith.constant 1 : i32
      %add3A_105 = arith.addi %mul3A_103, %add3A_104 : i32
      %dma_wait3A_106 = arith.constant 0 : i32
      %dma_wait3A_107 = tpu.memref_slice %arg8[%add3A_105, %dma_wait3A_106] : memref<64x64xi32, #tpu.memory_space<vmem>> -> memref<1x64xi32, #tpu.memory_space<vmem>>
      %dma_wait3A_108 = tpu.memref_squeeze %dma_wait3A_107 : memref<1x64xi32, #tpu.memory_space<vmem>> -> memref<64xi32, #tpu.memory_space<vmem>>
      %dma_wait3A_109 = arith.constant 0 : i32
      %dma_wait3A_110 = arith.constant 0 : i32
      %dma_wait3A_111 = tpu.memref_slice %arg3[%dma_wait3A_109, %dma_wait3A_110] : memref<8192x128xf32, #tpu.memory_space<hbm>> -> memref<8192x128xf32, #tpu.memory_space<hbm>>
      tpu.wait_indirect_dma semaphore(%arg15 : memref<!tpu.dma_semaphore, #tpu.memory_space<semaphore_mem>>) src(%dma_wait3A_111 : memref<8192x128xf32, #tpu.memory_space<hbm>>) dst(%arg10 : memref<64x128xf32, #tpu.memory_space<vmem>>)
      %dma_wait3A_112 = arith.constant 0 : i32
      %dma_wait3A_113 = arith.constant 0 : i32
      %dma_wait3A_114 = tpu.memref_slice %arg2[%dma_wait3A_112, %dma_wait3A_113] : memref<8192x128xf32, #tpu.memory_space<hbm>> -> memref<4x128xf32, #tpu.memory_space<hbm>>
      %dma_wait3A_115 = arith.constant 0 : i32
      %dma_wait3A_116 = arith.constant 0 : i32
      %dma_wait3A_117 = tpu.memref_slice %arg2[%dma_wait3A_115, %dma_wait3A_116] : memref<8192x128xf32, #tpu.memory_space<hbm>> -> memref<4x128xf32, #tpu.memory_space<hbm>>
      tpu.wait_dma2 semaphore(%arg19 : memref<!tpu.dma_semaphore, #tpu.memory_space<semaphore_mem>>) src(%dma_wait3A_117 : memref<4x128xf32, #tpu.memory_space<hbm>>) dst(%arg7 : memref<4x128xf32, #tpu.memory_space<vmem>>)
      %gt3A_118 = arith.constant 0 : i32
      %gt3A_119 = arith.cmpi sgt, %scan3A_63, %gt3A_118 : i32
      %convert_element_type3A_120 = arith.extui %gt3A_119 : i1 to i32
      %cond3A_121 = arith.constant 0 : i32
      %cond3A_122 = arith.cmpi ne, %convert_element_type3A_120, %cond3A_121 : i32
      scf.if %cond3A_122 {
        %dma_wait3A_144 = arith.constant 0 : i32
        %dma_wait3A_145 = tpu.memref_slice %arg8[%add3A_105, %dma_wait3A_144] : memref<64x64xi32, #tpu.memory_space<vmem>> -> memref<1x64xi32, #tpu.memory_space<vmem>>
        %dma_wait3A_146 = tpu.memref_squeeze %dma_wait3A_145 : memref<1x64xi32, #tpu.memory_space<vmem>> -> memref<64xi32, #tpu.memory_space<vmem>>
        %dma_wait3A_147 = arith.constant 0 : i32
        %dma_wait3A_148 = arith.constant 0 : i32
        %dma_wait3A_149 = tpu.memref_slice %arg13[%dma_wait3A_147, %dma_wait3A_148] : memref<8192x128xf32, #tpu.memory_space<vmem_shared>> -> memref<8192x128xf32, #tpu.memory_space<vmem_shared>>
        tpu.wait_indirect_dma semaphore(%arg17 : memref<!tpu.dma_semaphore, #tpu.memory_space<semaphore_mem>>) src(%arg12 : memref<64x128xf32, #tpu.memory_space<vmem>>) dst(%dma_wait3A_149 : memref<8192x128xf32, #tpu.memory_space<vmem_shared>>)
      } else {
      }
      %scan3A_123 = arith.constant 0 : i32
      %scan3A_124 = arith.constant 0 : i32
      %scan3A_125 = arith.constant 64 : i32
      %scan3A_126 = arith.addi %scan3A_124, %scan3A_125 : i32
      %scan3A_127 = arith.constant 1 : i32
      %scan3A_128 = scf.for %scan3A_144 = %scan3A_124 to %scan3A_126 step %scan3A_127 iter_args(%scan3A_145 = %scan3A_123) -> (i32)  : i32 {
        %jit3A = arith.constant 16 : i32
        %div3A = arith.divsi %scan3A_144, %jit3A : i32
        %sign3A = arith.constant 0 : i32
        %sign3A_146 = arith.cmpi sgt, %scan3A_144, %sign3A : i32
        %sign3A_147 = arith.extui %sign3A_146 : i1 to i32
        %sign3A_148 = arith.constant 0 : i32
        %sign3A_149 = arith.cmpi slt, %scan3A_144, %sign3A_148 : i32
        %sign3A_150 = arith.extui %sign3A_149 : i1 to i32
        %sign3A_151 = arith.subi %sign3A_147, %sign3A_150 : i32
        %sign3A_152 = arith.constant 0 : i32
        %sign3A_153 = arith.cmpi sgt, %jit3A, %sign3A_152 : i32
        %sign3A_154 = arith.extui %sign3A_153 : i1 to i32
        %sign3A_155 = arith.constant 0 : i32
        %sign3A_156 = arith.cmpi slt, %jit3A, %sign3A_155 : i32
        %sign3A_157 = arith.extui %sign3A_156 : i1 to i32
        %sign3A_158 = arith.subi %sign3A_154, %sign3A_157 : i32
        %ne3A = arith.cmpi ne, %sign3A_151, %sign3A_158 : i32
        %rem3A = arith.remsi %scan3A_144, %jit3A : i32
        %ne3A_159 = arith.constant 0 : i32
        %ne3A_160 = arith.cmpi ne, %rem3A, %ne3A_159 : i32
        %and3A = arith.andi %ne3A, %ne3A_160 : i1
        %sub3A = arith.constant 1 : i32
        %sub3A_161 = arith.subi %div3A, %sub3A : i32
        %select_n3A = arith.select %and3A, %sub3A_161, %div3A : i32
        %get3A = arith.index_cast %scan3A_144 : i32 to index
        %get3A_162 = arith.constant 0 : index
        %get3A_163 = tpu.vector_load %arg10[%get3A, %get3A_162] {strides = array<i32>} : memref<64x128xf32, #tpu.memory_space<vmem>>, vector<1x16xf32>,
        %get3A_164 = vector.shape_cast %get3A_163 : vector<1x16xf32> to vector<16xf32>
        %get3A_165 = arith.index_cast %select_n3A : i32 to index
        %get3A_166 = arith.constant 0 : index
        %get3A_167 = tpu.vector_load %arg7[%get3A_165, %get3A_166] {strides = array<i32>} : memref<4x128xf32, #tpu.memory_space<vmem>>, vector<1x16xf32>,
        %get3A_168 = vector.shape_cast %get3A_167 : vector<1x16xf32> to vector<16xf32>
        %add3A_169 = arith.addf %get3A_168, %get3A_164 : vector<16xf32>
        %max3A = arith.constant 0.000000e+00 : f32
        %max3A_170 = vector.broadcast %max3A : f32 to vector<16xf32>
        %max3A_171 = arith.maximumf %add3A_169, %max3A_170 : vector<16xf32>
        %swap3A = arith.index_cast %scan3A_144 : i32 to index
        %swap3A_172 = arith.constant 0 : index
        %swap3A_173 = tpu.vector_load %arg12[%swap3A, %swap3A_172] {strides = array<i32>} : memref<64x128xf32, #tpu.memory_space<vmem>>, vector<1x16xf32>,
        %swap3A_174 = vector.shape_cast %swap3A_173 : vector<1x16xf32> to vector<16xf32>
        %swap3A_175 = vector.shape_cast %max3A_171 : vector<16xf32> to vector<1x16xf32>
        tpu.vector_store %arg12[%swap3A, %swap3A_172], %swap3A_175 {strides = array<i32>} : memref<64x128xf32, #tpu.memory_space<vmem>>, vector<1x16xf32>,
        %get3A_176 = arith.index_cast %scan3A_144 : i32 to index
        %get3A_177 = arith.constant 16 : index
        %get3A_178 = tpu.vector_load %arg10[%get3A_176, %get3A_177] {strides = array<i32>} : memref<64x128xf32, #tpu.memory_space<vmem>>, vector<1x16xf32>,
        %get3A_179 = vector.shape_cast %get3A_178 : vector<1x16xf32> to vector<16xf32>
        %get3A_180 = arith.index_cast %select_n3A : i32 to index
        %get3A_181 = arith.constant 16 : index
        %get3A_182 = tpu.vector_load %arg7[%get3A_180, %get3A_181] {strides = array<i32>} : memref<4x128xf32, #tpu.memory_space<vmem>>, vector<1x16xf32>,
        %get3A_183 = vector.shape_cast %get3A_182 : vector<1x16xf32> to vector<16xf32>
        %add3A_184 = arith.addf %get3A_183, %get3A_179 : vector<16xf32>
        %max3A_185 = arith.constant 0.000000e+00 : f32
        %max3A_186 = vector.broadcast %max3A_185 : f32 to vector<16xf32>
        %max3A_187 = arith.maximumf %add3A_184, %max3A_186 : vector<16xf32>
        %swap3A_188 = arith.index_cast %scan3A_144 : i32 to index
        %swap3A_189 = arith.constant 16 : index
        %swap3A_190 = tpu.vector_load %arg12[%swap3A_188, %swap3A_189] {strides = array<i32>} : memref<64x128xf32, #tpu.memory_space<vmem>>, vector<1x16xf32>,
        %swap3A_191 = vector.shape_cast %swap3A_190 : vector<1x16xf32> to vector<16xf32>
        %swap3A_192 = vector.shape_cast %max3A_187 : vector<16xf32> to vector<1x16xf32>
        tpu.vector_store %arg12[%swap3A_188, %swap3A_189], %swap3A_192 {strides = array<i32>} : memref<64x128xf32, #tpu.memory_space<vmem>>, vector<1x16xf32>,
        %get3A_193 = arith.index_cast %scan3A_144 : i32 to index
        %get3A_194 = arith.constant 32 : index
        %get3A_195 = tpu.vector_load %arg10[%get3A_193, %get3A_194] {strides = array<i32>} : memref<64x128xf32, #tpu.memory_space<vmem>>, vector<1x16xf32>,
        %get3A_196 = vector.shape_cast %get3A_195 : vector<1x16xf32> to vector<16xf32>
        %get3A_197 = arith.index_cast %select_n3A : i32 to index
        %get3A_198 = arith.constant 32 : index
        %get3A_199 = tpu.vector_load %arg7[%get3A_197, %get3A_198] {strides = array<i32>} : memref<4x128xf32, #tpu.memory_space<vmem>>, vector<1x16xf32>,
        %get3A_200 = vector.shape_cast %get3A_199 : vector<1x16xf32> to vector<16xf32>
        %add3A_201 = arith.addf %get3A_200, %get3A_196 : vector<16xf32>
        %max3A_202 = arith.constant 0.000000e+00 : f32
        %max3A_203 = vector.broadcast %max3A_202 : f32 to vector<16xf32>
        %max3A_204 = arith.maximumf %add3A_201, %max3A_203 : vector<16xf32>
        %swap3A_205 = arith.index_cast %scan3A_144 : i32 to index
        %swap3A_206 = arith.constant 32 : index
        %swap3A_207 = tpu.vector_load %arg12[%swap3A_205, %swap3A_206] {strides = array<i32>} : memref<64x128xf32, #tpu.memory_space<vmem>>, vector<1x16xf32>,
        %swap3A_208 = vector.shape_cast %swap3A_207 : vector<1x16xf32> to vector<16xf32>
        %swap3A_209 = vector.shape_cast %max3A_204 : vector<16xf32> to vector<1x16xf32>
        tpu.vector_store %arg12[%swap3A_205, %swap3A_206], %swap3A_209 {strides = array<i32>} : memref<64x128xf32, #tpu.memory_space<vmem>>, vector<1x16xf32>,
        %get3A_210 = arith.index_cast %scan3A_144 : i32 to index
        %get3A_211 = arith.constant 48 : index
        %get3A_212 = tpu.vector_load %arg10[%get3A_210, %get3A_211] {strides = array<i32>} : memref<64x128xf32, #tpu.memory_space<vmem>>, vector<1x16xf32>,
        %get3A_213 = vector.shape_cast %get3A_212 : vector<1x16xf32> to vector<16xf32>
        %get3A_214 = arith.index_cast %select_n3A : i32 to index
        %get3A_215 = arith.constant 48 : index
        %get3A_216 = tpu.vector_load %arg7[%get3A_214, %get3A_215] {strides = array<i32>} : memref<4x128xf32, #tpu.memory_space<vmem>>, vector<1x16xf32>,
        %get3A_217 = vector.shape_cast %get3A_216 : vector<1x16xf32> to vector<16xf32>
        %add3A_218 = arith.addf %get3A_217, %get3A_213 : vector<16xf32>
        %max3A_219 = arith.constant 0.000000e+00 : f32
        %max3A_220 = vector.broadcast %max3A_219 : f32 to vector<16xf32>
        %max3A_221 = arith.maximumf %add3A_218, %max3A_220 : vector<16xf32>
        %swap3A_222 = arith.index_cast %scan3A_144 : i32 to index
        %swap3A_223 = arith.constant 48 : index
        %swap3A_224 = tpu.vector_load %arg12[%swap3A_222, %swap3A_223] {strides = array<i32>} : memref<64x128xf32, #tpu.memory_space<vmem>>, vector<1x16xf32>,
        %swap3A_225 = vector.shape_cast %swap3A_224 : vector<1x16xf32> to vector<16xf32>
        %swap3A_226 = vector.shape_cast %max3A_221 : vector<16xf32> to vector<1x16xf32>
        tpu.vector_store %arg12[%swap3A_222, %swap3A_223], %swap3A_226 {strides = array<i32>} : memref<64x128xf32, #tpu.memory_space<vmem>>, vector<1x16xf32>,
        %get3A_227 = arith.index_cast %scan3A_144 : i32 to index
        %get3A_228 = arith.constant 64 : index
        %get3A_229 = tpu.vector_load %arg10[%get3A_227, %get3A_228] {strides = array<i32>} : memref<64x128xf32, #tpu.memory_space<vmem>>, vector<1x16xf32>,
        %get3A_230 = vector.shape_cast %get3A_229 : vector<1x16xf32> to vector<16xf32>
        %get3A_231 = arith.index_cast %select_n3A : i32 to index
        %get3A_232 = arith.constant 64 : index
        %get3A_233 = tpu.vector_load %arg7[%get3A_231, %get3A_232] {strides = array<i32>} : memref<4x128xf32, #tpu.memory_space<vmem>>, vector<1x16xf32>,
        %get3A_234 = vector.shape_cast %get3A_233 : vector<1x16xf32> to vector<16xf32>
        %add3A_235 = arith.addf %get3A_234, %get3A_230 : vector<16xf32>
        %max3A_236 = arith.constant 0.000000e+00 : f32
        %max3A_237 = vector.broadcast %max3A_236 : f32 to vector<16xf32>
        %max3A_238 = arith.maximumf %add3A_235, %max3A_237 : vector<16xf32>
        %swap3A_239 = arith.index_cast %scan3A_144 : i32 to index
        %swap3A_240 = arith.constant 64 : index
        %swap3A_241 = tpu.vector_load %arg12[%swap3A_239, %swap3A_240] {strides = array<i32>} : memref<64x128xf32, #tpu.memory_space<vmem>>, vector<1x16xf32>,
        %swap3A_242 = vector.shape_cast %swap3A_241 : vector<1x16xf32> to vector<16xf32>
        %swap3A_243 = vector.shape_cast %max3A_238 : vector<16xf32> to vector<1x16xf32>
        tpu.vector_store %arg12[%swap3A_239, %swap3A_240], %swap3A_243 {strides = array<i32>} : memref<64x128xf32, #tpu.memory_space<vmem>>, vector<1x16xf32>,
        %get3A_244 = arith.index_cast %scan3A_144 : i32 to index
        %get3A_245 = arith.constant 80 : index
        %get3A_246 = tpu.vector_load %arg10[%get3A_244, %get3A_245] {strides = array<i32>} : memref<64x128xf32, #tpu.memory_space<vmem>>, vector<1x16xf32>,
        %get3A_247 = vector.shape_cast %get3A_246 : vector<1x16xf32> to vector<16xf32>
        %get3A_248 = arith.index_cast %select_n3A : i32 to index
        %get3A_249 = arith.constant 80 : index
        %get3A_250 = tpu.vector_load %arg7[%get3A_248, %get3A_249] {strides = array<i32>} : memref<4x128xf32, #tpu.memory_space<vmem>>, vector<1x16xf32>,
        %get3A_251 = vector.shape_cast %get3A_250 : vector<1x16xf32> to vector<16xf32>
        %add3A_252 = arith.addf %get3A_251, %get3A_247 : vector<16xf32>
        %max3A_253 = arith.constant 0.000000e+00 : f32
        %max3A_254 = vector.broadcast %max3A_253 : f32 to vector<16xf32>
        %max3A_255 = arith.maximumf %add3A_252, %max3A_254 : vector<16xf32>
        %swap3A_256 = arith.index_cast %scan3A_144 : i32 to index
        %swap3A_257 = arith.constant 80 : index
        %swap3A_258 = tpu.vector_load %arg12[%swap3A_256, %swap3A_257] {strides = array<i32>} : memref<64x128xf32, #tpu.memory_space<vmem>>, vector<1x16xf32>,
        %swap3A_259 = vector.shape_cast %swap3A_258 : vector<1x16xf32> to vector<16xf32>
        %swap3A_260 = vector.shape_cast %max3A_255 : vector<16xf32> to vector<1x16xf32>
        tpu.vector_store %arg12[%swap3A_256, %swap3A_257], %swap3A_260 {strides = array<i32>} : memref<64x128xf32, #tpu.memory_space<vmem>>, vector<1x16xf32>,
        %get3A_261 = arith.index_cast %scan3A_144 : i32 to index
        %get3A_262 = arith.constant 96 : index
        %get3A_263 = tpu.vector_load %arg10[%get3A_261, %get3A_262] {strides = array<i32>} : memref<64x128xf32, #tpu.memory_space<vmem>>, vector<1x16xf32>,
        %get3A_264 = vector.shape_cast %get3A_263 : vector<1x16xf32> to vector<16xf32>
        %get3A_265 = arith.index_cast %select_n3A : i32 to index
        %get3A_266 = arith.constant 96 : index
        %get3A_267 = tpu.vector_load %arg7[%get3A_265, %get3A_266] {strides = array<i32>} : memref<4x128xf32, #tpu.memory_space<vmem>>, vector<1x16xf32>,
        %get3A_268 = vector.shape_cast %get3A_267 : vector<1x16xf32> to vector<16xf32>
        %add3A_269 = arith.addf %get3A_268, %get3A_264 : vector<16xf32>
        %max3A_270 = arith.constant 0.000000e+00 : f32
        %max3A_271 = vector.broadcast %max3A_270 : f32 to vector<16xf32>
        %max3A_272 = arith.maximumf %add3A_269, %max3A_271 : vector<16xf32>
        %swap3A_273 = arith.index_cast %scan3A_144 : i32 to index
        %swap3A_274 = arith.constant 96 : index
        %swap3A_275 = tpu.vector_load %arg12[%swap3A_273, %swap3A_274] {strides = array<i32>} : memref<64x128xf32, #tpu.memory_space<vmem>>, vector<1x16xf32>,
        %swap3A_276 = vector.shape_cast %swap3A_275 : vector<1x16xf32> to vector<16xf32>
        %swap3A_277 = vector.shape_cast %max3A_272 : vector<16xf32> to vector<1x16xf32>
        tpu.vector_store %arg12[%swap3A_273, %swap3A_274], %swap3A_277 {strides = array<i32>} : memref<64x128xf32, #tpu.memory_space<vmem>>, vector<1x16xf32>,
        %get3A_278 = arith.index_cast %scan3A_144 : i32 to index
        %get3A_279 = arith.constant 112 : index
        %get3A_280 = tpu.vector_load %arg10[%get3A_278, %get3A_279] {strides = array<i32>} : memref<64x128xf32, #tpu.memory_space<vmem>>, vector<1x16xf32>,
        %get3A_281 = vector.shape_cast %get3A_280 : vector<1x16xf32> to vector<16xf32>
        %get3A_282 = arith.index_cast %select_n3A : i32 to index
        %get3A_283 = arith.constant 112 : index
        %get3A_284 = tpu.vector_load %arg7[%get3A_282, %get3A_283] {strides = array<i32>} : memref<4x128xf32, #tpu.memory_space<vmem>>, vector<1x16xf32>,
        %get3A_285 = vector.shape_cast %get3A_284 : vector<1x16xf32> to vector<16xf32>
        %add3A_286 = arith.addf %get3A_285, %get3A_281 : vector<16xf32>
        %max3A_287 = arith.constant 0.000000e+00 : f32
        %max3A_288 = vector.broadcast %max3A_287 : f32 to vector<16xf32>
        %max3A_289 = arith.maximumf %add3A_286, %max3A_288 : vector<16xf32>
        %swap3A_290 = arith.index_cast %scan3A_144 : i32 to index
        %swap3A_291 = arith.constant 112 : index
        %swap3A_292 = tpu.vector_load %arg12[%swap3A_290, %swap3A_291] {strides = array<i32>} : memref<64x128xf32, #tpu.memory_space<vmem>>, vector<1x16xf32>,
        %swap3A_293 = vector.shape_cast %swap3A_292 : vector<1x16xf32> to vector<16xf32>
        %swap3A_294 = vector.shape_cast %max3A_289 : vector<16xf32> to vector<1x16xf32>
        tpu.vector_store %arg12[%swap3A_290, %swap3A_291], %swap3A_294 {strides = array<i32>} : memref<64x128xf32, #tpu.memory_space<vmem>>, vector<1x16xf32>,
        %scan3A_295 = arith.constant 0 : i32
        scf.yield %scan3A_295 : i32
      }
      %scan3A_129 = arith.constant 64 : i32
      %dma_start3A_130 = arith.constant 0 : i32
      %dma_start3A_131 = tpu.memref_slice %arg8[%add3A_105, %dma_start3A_130] : memref<64x64xi32, #tpu.memory_space<vmem>> -> memref<1x64xi32, #tpu.memory_space<vmem>>
      %dma_start3A_132 = tpu.memref_squeeze %dma_start3A_131 : memref<1x64xi32, #tpu.memory_space<vmem>> -> memref<64xi32, #tpu.memory_space<vmem>>
      %dma_start3A_133 = arith.constant 0 : i32
      %dma_start3A_134 = arith.constant 0 : i32
      %dma_start3A_135 = tpu.memref_slice %arg13[%dma_start3A_133, %dma_start3A_134] : memref<8192x128xf32, #tpu.memory_space<vmem_shared>> -> memref<8192x128xf32, #tpu.memory_space<vmem_shared>>
      tpu.enqueue_indirect_dma source(%arg12 : memref<64x128xf32, #tpu.memory_space<vmem>>) target(%dma_start3A_135 : memref<8192x128xf32, #tpu.memory_space<vmem_shared>>) offsets(%dma_start3A_132 : memref<64xi32, #tpu.memory_space<vmem>>) semaphore(%arg17 : memref<!tpu.dma_semaphore, #tpu.memory_space<semaphore_mem>>) {add = true}
      %add3A_136 = arith.constant 2 : i32
      %add3A_137 = arith.addi %add3A_105, %add3A_136 : i32
      %lt3A_138 = arith.constant 64 : i32
      %lt3A_139 = arith.cmpi slt, %add3A_137, %lt3A_138 : i32
      %convert_element_type3A_140 = arith.extui %lt3A_139 : i1 to i32
      %cond3A_141 = arith.constant 0 : i32
      %cond3A_142 = arith.cmpi ne, %convert_element_type3A_140, %cond3A_141 : i32
      scf.if %cond3A_142 {
        %add3A_144 = arith.constant 2 : i32
        %add3A_145 = arith.addi %add3A_105, %add3A_144 : i32
        %dma_start3A_146 = arith.constant 0 : i32
        %dma_start3A_147 = tpu.memref_slice %arg8[%add3A_145, %dma_start3A_146] : memref<64x64xi32, #tpu.memory_space<vmem>> -> memref<1x64xi32, #tpu.memory_space<vmem>>
        %dma_start3A_148 = tpu.memref_squeeze %dma_start3A_147 : memref<1x64xi32, #tpu.memory_space<vmem>> -> memref<64xi32, #tpu.memory_space<vmem>>
        %dma_start3A_149 = arith.constant 0 : i32
        %dma_start3A_150 = arith.constant 0 : i32
        %dma_start3A_151 = tpu.memref_slice %arg3[%dma_start3A_149, %dma_start3A_150] : memref<8192x128xf32, #tpu.memory_space<hbm>> -> memref<8192x128xf32, #tpu.memory_space<hbm>>
        tpu.enqueue_indirect_dma source(%dma_start3A_151 : memref<8192x128xf32, #tpu.memory_space<hbm>>) target(%arg10 : memref<64x128xf32, #tpu.memory_space<vmem>>) offsets(%dma_start3A_148 : memref<64xi32, #tpu.memory_space<vmem>>) semaphore(%arg15 : memref<!tpu.dma_semaphore, #tpu.memory_space<semaphore_mem>>)
        %add3A_152 = arith.constant 2 : i32
        %add3A_153 = arith.addi %add3A_105, %add3A_152 : i32
        %mul3A_154 = arith.constant 4 : i32
        %mul3A_155 = arith.muli %add3A_153, %mul3A_154 : i32
        %add3A_156 = arith.addi %mul3A_2, %mul3A_155 : i32
        %dma_start3A_157 = arith.constant 0 : i32
        %dma_start3A_158 = tpu.memref_slice %arg2[%add3A_156, %dma_start3A_157] : memref<8192x128xf32, #tpu.memory_space<hbm>> -> memref<4x128xf32, #tpu.memory_space<hbm>>
        %dma_start3A_159 = arith.constant 0 : i32
        %dma_start3A_160 = tpu.memref_slice %arg2[%add3A_156, %dma_start3A_159] : memref<8192x128xf32, #tpu.memory_space<hbm>> -> memref<4x128xf32, #tpu.memory_space<hbm>>
        tpu.enqueue_dma source(%dma_start3A_160 : memref<4x128xf32, #tpu.memory_space<hbm>>) target(%arg7 : memref<4x128xf32, #tpu.memory_space<vmem>>) target_semaphore(%arg19 : memref<!tpu.dma_semaphore, #tpu.memory_space<semaphore_mem>>)
      } else {
      }
      %scan3A_143 = arith.constant 0 : i32
      scf.yield %scan3A_143 : i32
    }
    %scan3A_46 = arith.constant 32 : i32
    %dma_wait3A = arith.constant 0 : i32
    %dma_wait3A_47 = arith.constant 0 : i32
    %dma_wait3A_48 = tpu.memref_slice %arg8[%dma_wait3A, %dma_wait3A_47] : memref<64x64xi32, #tpu.memory_space<vmem>> -> memref<1x64xi32, #tpu.memory_space<vmem>>
    %dma_wait3A_49 = tpu.memref_squeeze %dma_wait3A_48 : memref<1x64xi32, #tpu.memory_space<vmem>> -> memref<64xi32, #tpu.memory_space<vmem>>
    %dma_wait3A_50 = arith.constant 0 : i32
    %dma_wait3A_51 = arith.constant 0 : i32
    %dma_wait3A_52 = tpu.memref_slice %arg13[%dma_wait3A_50, %dma_wait3A_51] : memref<8192x128xf32, #tpu.memory_space<vmem_shared>> -> memref<8192x128xf32, #tpu.memory_space<vmem_shared>>
    tpu.wait_indirect_dma semaphore(%arg16 : memref<!tpu.dma_semaphore, #tpu.memory_space<semaphore_mem>>) src(%arg11 : memref<64x128xf32, #tpu.memory_space<vmem>>) dst(%dma_wait3A_52 : memref<8192x128xf32, #tpu.memory_space<vmem_shared>>)
    %dma_wait3A_53 = arith.constant 1 : i32
    %dma_wait3A_54 = arith.constant 0 : i32
    %dma_wait3A_55 = tpu.memref_slice %arg8[%dma_wait3A_53, %dma_wait3A_54] : memref<64x64xi32, #tpu.memory_space<vmem>> -> memref<1x64xi32, #tpu.memory_space<vmem>>
    %dma_wait3A_56 = tpu.memref_squeeze %dma_wait3A_55 : memref<1x64xi32, #tpu.memory_space<vmem>> -> memref<64xi32, #tpu.memory_space<vmem>>
    %dma_wait3A_57 = arith.constant 0 : i32
    %dma_wait3A_58 = arith.constant 0 : i32
    %dma_wait3A_59 = tpu.memref_slice %arg13[%dma_wait3A_57, %dma_wait3A_58] : memref<8192x128xf32, #tpu.memory_space<vmem_shared>> -> memref<8192x128xf32, #tpu.memory_space<vmem_shared>>
    tpu.wait_indirect_dma semaphore(%arg17 : memref<!tpu.dma_semaphore, #tpu.memory_space<semaphore_mem>>) src(%arg12 : memref<64x128xf32, #tpu.memory_space<vmem>>) dst(%dma_wait3A_59 : memref<8192x128xf32, #tpu.memory_space<vmem_shared>>)
    %barrier3A_60 = arith.constant 0 : index
    tpu.barrier barrier_id(%barrier3A_60)
    %mul3A_61 = arith.constant 512 : i32
    %mul3A_62 = arith.muli %arg1, %mul3A_61 : i32
    "tpu.region"() ({
      %run_scoped3A = tpu.sem_alloc : memref<!tpu.dma_semaphore, #tpu.memory_space<semaphore_mem>>
      %dma_start3A_63 = arith.constant 0 : i32
      %dma_start3A_64 = tpu.memref_slice %arg5[%arg0, %mul3A_62, %dma_start3A_63] : memref<2x8192x128xf32, #tpu.memory_space<hbm>> -> memref<1x512x128xf32, #tpu.memory_space<hbm>>
      %dma_start3A_65 = tpu.memref_squeeze %dma_start3A_64 : memref<1x512x128xf32, #tpu.memory_space<hbm>> -> memref<512x128xf32, #tpu.memory_space<hbm>>
      %dma_start3A_66 = arith.constant 0 : i32
      %dma_start3A_67 = tpu.memref_slice %arg13[%mul3A_62, %dma_start3A_66] : memref<8192x128xf32, #tpu.memory_space<vmem_shared>> -> memref<512x128xf32, #tpu.memory_space<vmem_shared>>
      tpu.enqueue_dma source(%dma_start3A_67 : memref<512x128xf32, #tpu.memory_space<vmem_shared>>) target(%dma_start3A_65 : memref<512x128xf32, #tpu.memory_space<hbm>>) target_semaphore(%run_scoped3A : memref<!tpu.dma_semaphore, #tpu.memory_space<semaphore_mem>>)
      %dma_wait3A_68 = arith.constant 0 : i32
      %dma_wait3A_69 = tpu.memref_slice %arg5[%arg0, %mul3A_62, %dma_wait3A_68] : memref<2x8192x128xf32, #tpu.memory_space<hbm>> -> memref<1x512x128xf32, #tpu.memory_space<hbm>>
      %dma_wait3A_70 = tpu.memref_squeeze %dma_wait3A_69 : memref<1x512x128xf32, #tpu.memory_space<hbm>> -> memref<512x128xf32, #tpu.memory_space<hbm>>
      %dma_wait3A_71 = arith.constant 0 : i32
      %dma_wait3A_72 = tpu.memref_slice %arg13[%mul3A_62, %dma_wait3A_71] : memref<8192x128xf32, #tpu.memory_space<vmem_shared>> -> memref<512x128xf32, #tpu.memory_space<vmem_shared>>
      tpu.wait_dma2 semaphore(%run_scoped3A : memref<!tpu.dma_semaphore, #tpu.memory_space<semaphore_mem>>) src(%dma_wait3A_72 : memref<512x128xf32, #tpu.memory_space<vmem_shared>>) dst(%dma_wait3A_70 : memref<512x128xf32, #tpu.memory_space<hbm>>)
      tpu.yield
    }) : () -> ()
    return
  }
}

#map = affine_map<(d0, d1) -> (0, 0)>
#map1 = affine_map<(d0, d1) -> (0, 0, 0)>
module attributes {stable_mosaic.version = 14 : i64} {
  func.func @k(%arg0: i32, %arg1: i32, %arg2: memref<8192x128xf32, #tpu.memory_space<hbm>>, %arg3: memref<8192x128xf32, #tpu.memory_space<hbm>>, %arg4: memref<32x64x64xi32, #tpu.memory_space<hbm>>, %arg5: memref<2x8192x128xf32, #tpu.memory_space<hbm>>, %arg6: memref<4x128xf32, #tpu.memory_space<vmem>>, %arg7: memref<4x128xf32, #tpu.memory_space<vmem>>, %arg8: memref<64x64xi32, #tpu.memory_space<vmem>>, %arg9: memref<64x128xf32, #tpu.memory_space<vmem>>, %arg10: memref<64x128xf32, #tpu.memory_space<vmem>>, %arg11: memref<64x128xf32, #tpu.memory_space<vmem>>, %arg12: memref<64x128xf32, #tpu.memory_space<vmem>>, %arg13: memref<8192x128xf32, #tpu.memory_space<vmem_shared>>, %arg14: memref<!tpu.dma_semaphore, #tpu.memory_space<semaphore_mem>>, %arg15: memref<!tpu.dma_semaphore, #tpu.memory_space<semaphore_mem>>, %arg16: memref<!tpu.dma_semaphore, #tpu.memory_space<semaphore_mem>>, %arg17: memref<!tpu.dma_semaphore, #tpu.memory_space<semaphore_mem>>, %arg18: memref<!tpu.dma_semaphore, #tpu.memory_space<semaphore_mem>>, %arg19: memref<!tpu.dma_semaphore, #tpu.memory_space<semaphore_mem>>) attributes {dimension_semantics = [#tpu.dimension_semantics<core_parallel>, #tpu.dimension_semantics<subcore_parallel>], iteration_bounds = array<i64: 2, 16>, scalar_prefetch = 0 : i64, scratch_operands = 14 : i64, tpu.core_type = #tpu.core_type<sc_vector_subcore>, window_params = [{transform_indices = #map}, {transform_indices = #map}, {transform_indices = #map1}, {transform_indices = #map1}]} {
    %mul3A = arith.constant 16 : i32
    %mul3A_0 = arith.muli %arg0, %mul3A : i32
    %add3A = arith.addi %mul3A_0, %arg1 : i32
    %mul3A_1 = arith.constant 256 : i32
    %mul3A_2 = arith.muli %add3A, %mul3A_1 : i32
    %broadcast_in_dim3A = arith.constant 0.000000e+00 : f32
    %broadcast_in_dim3A_3 = vector.broadcast %broadcast_in_dim3A : f32 to vector<16xf32>
    %scan3A = arith.constant 0 : i32
    %scan3A_4 = arith.constant 0 : i32
    %scan3A_5 = arith.constant 64 : i32
    %scan3A_6 = arith.addi %scan3A_4, %scan3A_5 : i32
    %scan3A_7 = arith.constant 1 : i32
    %scan3A_8 = scf.for %scan3A_63 = %scan3A_4 to %scan3A_6 step %scan3A_7 iter_args(%scan3A_64 = %scan3A) -> (i32)  : i32 {
      %swap3A = arith.index_cast %scan3A_63 : i32 to index
      %swap3A_65 = arith.constant 0 : index
      %swap3A_66 = tpu.vector_load %arg11[%swap3A, %swap3A_65] {strides = array<i32>} : memref<64x128xf32, #tpu.memory_space<vmem>>, vector<1x16xf32>,
      %swap3A_67 = vector.shape_cast %swap3A_66 : vector<1x16xf32> to vector<16xf32>
      %swap3A_68 = vector.shape_cast %broadcast_in_dim3A_3 : vector<16xf32> to vector<1x16xf32>
      tpu.vector_store %arg11[%swap3A, %swap3A_65], %swap3A_68 {strides = array<i32>} : memref<64x128xf32, #tpu.memory_space<vmem>>, vector<1x16xf32>,
      %swap3A_69 = arith.index_cast %scan3A_63 : i32 to index
      %swap3A_70 = arith.constant 16 : index
      %swap3A_71 = tpu.vector_load %arg11[%swap3A_69, %swap3A_70] {strides = array<i32>} : memref<64x128xf32, #tpu.memory_space<vmem>>, vector<1x16xf32>,
      %swap3A_72 = vector.shape_cast %swap3A_71 : vector<1x16xf32> to vector<16xf32>
      %swap3A_73 = vector.shape_cast %broadcast_in_dim3A_3 : vector<16xf32> to vector<1x16xf32>
      tpu.vector_store %arg11[%swap3A_69, %swap3A_70], %swap3A_73 {strides = array<i32>} : memref<64x128xf32, #tpu.memory_space<vmem>>, vector<1x16xf32>,
      %swap3A_74 = arith.index_cast %scan3A_63 : i32 to index
      %swap3A_75 = arith.constant 32 : index
      %swap3A_76 = tpu.vector_load %arg11[%swap3A_74, %swap3A_75] {strides = array<i32>} : memref<64x128xf32, #tpu.memory_space<vmem>>, vector<1x16xf32>,
      %swap3A_77 = vector.shape_cast %swap3A_76 : vector<1x16xf32> to vector<16xf32>
      %swap3A_78 = vector.shape_cast %broadcast_in_dim3A_3 : vector<16xf32> to vector<1x16xf32>
      tpu.vector_store %arg11[%swap3A_74, %swap3A_75], %swap3A_78 {strides = array<i32>} : memref<64x128xf32, #tpu.memory_space<vmem>>, vector<1x16xf32>,
      %swap3A_79 = arith.index_cast %scan3A_63 : i32 to index
      %swap3A_80 = arith.constant 48 : index
      %swap3A_81 = tpu.vector_load %arg11[%swap3A_79, %swap3A_80] {strides = array<i32>} : memref<64x128xf32, #tpu.memory_space<vmem>>, vector<1x16xf32>,
      %swap3A_82 = vector.shape_cast %swap3A_81 : vector<1x16xf32> to vector<16xf32>
      %swap3A_83 = vector.shape_cast %broadcast_in_dim3A_3 : vector<16xf32> to vector<1x16xf32>
      tpu.vector_store %arg11[%swap3A_79, %swap3A_80], %swap3A_83 {strides = array<i32>} : memref<64x128xf32, #tpu.memory_space<vmem>>, vector<1x16xf32>,
      %swap3A_84 = arith.index_cast %scan3A_63 : i32 to index
      %swap3A_85 = arith.constant 64 : index
      %swap3A_86 = tpu.vector_load %arg11[%swap3A_84, %swap3A_85] {strides = array<i32>} : memref<64x128xf32, #tpu.memory_space<vmem>>, vector<1x16xf32>,
      %swap3A_87 = vector.shape_cast %swap3A_86 : vector<1x16xf32> to vector<16xf32>
      %swap3A_88 = vector.shape_cast %broadcast_in_dim3A_3 : vector<16xf32> to vector<1x16xf32>
      tpu.vector_store %arg11[%swap3A_84, %swap3A_85], %swap3A_88 {strides = array<i32>} : memref<64x128xf32, #tpu.memory_space<vmem>>, vector<1x16xf32>,
      %swap3A_89 = arith.index_cast %scan3A_63 : i32 to index
      %swap3A_90 = arith.constant 80 : index
      %swap3A_91 = tpu.vector_load %arg11[%swap3A_89, %swap3A_90] {strides = array<i32>} : memref<64x128xf32, #tpu.memory_space<vmem>>, vector<1x16xf32>,
      %swap3A_92 = vector.shape_cast %swap3A_91 : vector<1x16xf32> to vector<16xf32>
      %swap3A_93 = vector.shape_cast %broadcast_in_dim3A_3 : vector<16xf32> to vector<1x16xf32>
      tpu.vector_store %arg11[%swap3A_89, %swap3A_90], %swap3A_93 {strides = array<i32>} : memref<64x128xf32, #tpu.memory_space<vmem>>, vector<1x16xf32>,
      %swap3A_94 = arith.index_cast %scan3A_63 : i32 to index
      %swap3A_95 = arith.constant 96 : index
      %swap3A_96 = tpu.vector_load %arg11[%swap3A_94, %swap3A_95] {strides = array<i32>} : memref<64x128xf32, #tpu.memory_space<vmem>>, vector<1x16xf32>,
      %swap3A_97 = vector.shape_cast %swap3A_96 : vector<1x16xf32> to vector<16xf32>
      %swap3A_98 = vector.shape_cast %broadcast_in_dim3A_3 : vector<16xf32> to vector<1x16xf32>
      tpu.vector_store %arg11[%swap3A_94, %swap3A_95], %swap3A_98 {strides = array<i32>} : memref<64x128xf32, #tpu.memory_space<vmem>>, vector<1x16xf32>,
      %swap3A_99 = arith.index_cast %scan3A_63 : i32 to index
      %swap3A_100 = arith.constant 112 : index
      %swap3A_101 = tpu.vector_load %arg11[%swap3A_99, %swap3A_100] {strides = array<i32>} : memref<64x128xf32, #tpu.memory_space<vmem>>, vector<1x16xf32>,
      %swap3A_102 = vector.shape_cast %swap3A_101 : vector<1x16xf32> to vector<16xf32>
      %swap3A_103 = vector.shape_cast %broadcast_in_dim3A_3 : vector<16xf32> to vector<1x16xf32>
      tpu.vector_store %arg11[%swap3A_99, %swap3A_100], %swap3A_103 {strides = array<i32>} : memref<64x128xf32, #tpu.memory_space<vmem>>, vector<1x16xf32>,
      %scan3A_104 = arith.constant 0 : i32
      scf.yield %scan3A_104 : i32
    }
    %scan3A_9 = arith.constant 64 : i32
    %scan3A_10 = arith.constant 0 : i32
    %scan3A_11 = arith.constant 0 : i32
    %scan3A_12 = arith.constant 8 : i32
    %scan3A_13 = arith.addi %scan3A_11, %scan3A_12 : i32
    %scan3A_14 = arith.constant 1 : i32
    %scan3A_15 = scf.for %scan3A_63 = %scan3A_11 to %scan3A_13 step %scan3A_14 iter_args(%scan3A_64 = %scan3A_10) -> (i32)  : i32 {
      %mul3A_65 = arith.constant 512 : i32
      %mul3A_66 = arith.muli %arg1, %mul3A_65 : i32
      %mul3A_67 = arith.constant 64 : i32
      %mul3A_68 = arith.muli %scan3A_63, %mul3A_67 : i32
      %add3A_69 = arith.addi %mul3A_66, %mul3A_68 : i32
      "tpu.region"() ({
        %run_scoped3A = tpu.sem_alloc : memref<!tpu.dma_semaphore, #tpu.memory_space<semaphore_mem>>
        %dma_start3A_71 = arith.constant 0 : i32
        %dma_start3A_72 = tpu.memref_slice %arg13[%add3A_69, %dma_start3A_71] : memref<8192x128xf32, #tpu.memory_space<vmem_shared>> -> memref<64x128xf32, #tpu.memory_space<vmem_shared>>
        %dma_start3A_73 = arith.constant 0 : i32
        %dma_start3A_74 = tpu.memref_slice %arg13[%add3A_69, %dma_start3A_73] : memref<8192x128xf32, #tpu.memory_space<vmem_shared>> -> memref<64x128xf32, #tpu.memory_space<vmem_shared>>
        tpu.enqueue_dma source(%arg11 : memref<64x128xf32, #tpu.memory_space<vmem>>) target(%dma_start3A_74 : memref<64x128xf32, #tpu.memory_space<vmem_shared>>) target_semaphore(%run_scoped3A : memref<!tpu.dma_semaphore, #tpu.memory_space<semaphore_mem>>)
        %dma_wait3A_75 = arith.constant 0 : i32
        %dma_wait3A_76 = tpu.memref_slice %arg13[%add3A_69, %dma_wait3A_75] : memref<8192x128xf32, #tpu.memory_space<vmem_shared>> -> memref<64x128xf32, #tpu.memory_space<vmem_shared>>
        %dma_wait3A_77 = arith.constant 0 : i32
        %dma_wait3A_78 = tpu.memref_slice %arg13[%add3A_69, %dma_wait3A_77] : memref<8192x128xf32, #tpu.memory_space<vmem_shared>> -> memref<64x128xf32, #tpu.memory_space<vmem_shared>>
        tpu.wait_dma2 semaphore(%run_scoped3A : memref<!tpu.dma_semaphore, #tpu.memory_space<semaphore_mem>>) src(%arg11 : memref<64x128xf32, #tpu.memory_space<vmem>>) dst(%dma_wait3A_78 : memref<64x128xf32, #tpu.memory_space<vmem_shared>>)
        tpu.yield
      }) : () -> ()
      %scan3A_70 = arith.constant 0 : i32
      scf.yield %scan3A_70 : i32
    }
    %scan3A_16 = arith.constant 8 : i32
    %barrier3A = arith.constant 0 : index
    tpu.barrier barrier_id(%barrier3A)
    "tpu.region"() ({
      %run_scoped3A = tpu.sem_alloc : memref<!tpu.dma_semaphore, #tpu.memory_space<semaphore_mem>>
      %dma_start3A_63 = arith.constant 0 : i32
      %dma_start3A_64 = arith.constant 0 : i32
      %dma_start3A_65 = tpu.memref_slice %arg4[%add3A, %dma_start3A_63, %dma_start3A_64] : memref<32x64x64xi32, #tpu.memory_space<hbm>> -> memref<1x64x64xi32, #tpu.memory_space<hbm>>
      %dma_start3A_66 = tpu.memref_squeeze %dma_start3A_65 : memref<1x64x64xi32, #tpu.memory_space<hbm>> -> memref<64x64xi32, #tpu.memory_space<hbm>>
      %dma_start3A_67 = arith.constant 0 : i32
      %dma_start3A_68 = arith.constant 0 : i32
      %dma_start3A_69 = tpu.memref_slice %arg4[%add3A, %dma_start3A_67, %dma_start3A_68] : memref<32x64x64xi32, #tpu.memory_space<hbm>> -> memref<1x64x64xi32, #tpu.memory_space<hbm>>
      %dma_start3A_70 = tpu.memref_squeeze %dma_start3A_69 : memref<1x64x64xi32, #tpu.memory_space<hbm>> -> memref<64x64xi32, #tpu.memory_space<hbm>>
      tpu.enqueue_dma source(%dma_start3A_70 : memref<64x64xi32, #tpu.memory_space<hbm>>) target(%arg8 : memref<64x64xi32, #tpu.memory_space<vmem>>) target_semaphore(%run_scoped3A : memref<!tpu.dma_semaphore, #tpu.memory_space<semaphore_mem>>)
      %dma_wait3A_71 = arith.constant 0 : i32
      %dma_wait3A_72 = arith.constant 0 : i32
      %dma_wait3A_73 = tpu.memref_slice %arg4[%add3A, %dma_wait3A_71, %dma_wait3A_72] : memref<32x64x64xi32, #tpu.memory_space<hbm>> -> memref<1x64x64xi32, #tpu.memory_space<hbm>>
      %dma_wait3A_74 = tpu.memref_squeeze %dma_wait3A_73 : memref<1x64x64xi32, #tpu.memory_space<hbm>> -> memref<64x64xi32, #tpu.memory_space<hbm>>
      %dma_wait3A_75 = arith.constant 0 : i32
      %dma_wait3A_76 = arith.constant 0 : i32
      %dma_wait3A_77 = tpu.memref_slice %arg4[%add3A, %dma_wait3A_75, %dma_wait3A_76] : memref<32x64x64xi32, #tpu.memory_space<hbm>> -> memref<1x64x64xi32, #tpu.memory_space<hbm>>
      %dma_wait3A_78 = tpu.memref_squeeze %dma_wait3A_77 : memref<1x64x64xi32, #tpu.memory_space<hbm>> -> memref<64x64xi32, #tpu.memory_space<hbm>>
      tpu.wait_dma2 semaphore(%run_scoped3A : memref<!tpu.dma_semaphore, #tpu.memory_space<semaphore_mem>>) src(%dma_wait3A_78 : memref<64x64xi32, #tpu.memory_space<hbm>>) dst(%arg8 : memref<64x64xi32, #tpu.memory_space<vmem>>)
      tpu.yield
    }) : () -> ()
    %dma_start3A = arith.constant 0 : i32
    %dma_start3A_17 = arith.constant 0 : i32
    %dma_start3A_18 = tpu.memref_slice %arg8[%dma_start3A, %dma_start3A_17] : memref<64x64xi32, #tpu.memory_space<vmem>> -> memref<1x64xi32, #tpu.memory_space<vmem>>
    %dma_start3A_19 = tpu.memref_squeeze %dma_start3A_18 : memref<1x64xi32, #tpu.memory_space<vmem>> -> memref<64xi32, #tpu.memory_space<vmem>>
    %dma_start3A_20 = arith.constant 0 : i32
    %dma_start3A_21 = arith.constant 0 : i32
    %dma_start3A_22 = tpu.memref_slice %arg3[%dma_start3A_20, %dma_start3A_21] : memref<8192x128xf32, #tpu.memory_space<hbm>> -> memref<8192x128xf32, #tpu.memory_space<hbm>>
    tpu.enqueue_indirect_dma source(%dma_start3A_22 : memref<8192x128xf32, #tpu.memory_space<hbm>>) target(%arg9 : memref<64x128xf32, #tpu.memory_space<vmem>>) offsets(%dma_start3A_19 : memref<64xi32, #tpu.memory_space<vmem>>) semaphore(%arg14 : memref<!tpu.dma_semaphore, #tpu.memory_space<semaphore_mem>>)
    %dma_start3A_23 = arith.constant 1 : i32
    %dma_start3A_24 = arith.constant 0 : i32
    %dma_start3A_25 = tpu.memref_slice %arg8[%dma_start3A_23, %dma_start3A_24] : memref<64x64xi32, #tpu.memory_space<vmem>> -> memref<1x64xi32, #tpu.memory_space<vmem>>
    %dma_start3A_26 = tpu.memref_squeeze %dma_start3A_25 : memref<1x64xi32, #tpu.memory_space<vmem>> -> memref<64xi32, #tpu.memory_space<vmem>>
    %dma_start3A_27 = arith.constant 0 : i32
    %dma_start3A_28 = arith.constant 0 : i32
    %dma_start3A_29 = tpu.memref_slice %arg3[%dma_start3A_27, %dma_start3A_28] : memref<8192x128xf32, #tpu.memory_space<hbm>> -> memref<8192x128xf32, #tpu.memory_space<hbm>>
    tpu.enqueue_indirect_dma source(%dma_start3A_29 : memref<8192x128xf32, #tpu.memory_space<hbm>>) target(%arg10 : memref<64x128xf32, #tpu.memory_space<vmem>>) offsets(%dma_start3A_26 : memref<64xi32, #tpu.memory_space<vmem>>) semaphore(%arg15 : memref<!tpu.dma_semaphore, #tpu.memory_space<semaphore_mem>>)
    %dma_start3A_30 = arith.constant 0 : i32
    %dma_start3A_31 = tpu.memref_slice %arg2[%mul3A_2, %dma_start3A_30] : memref<8192x128xf32, #tpu.memory_space<hbm>> -> memref<4x128xf32, #tpu.memory_space<hbm>>
    %dma_start3A_32 = arith.constant 0 : i32
    %dma_start3A_33 = tpu.memref_slice %arg2[%mul3A_2, %dma_start3A_32] : memref<8192x128xf32, #tpu.memory_space<hbm>> -> memref<4x128xf32, #tpu.memory_space<hbm>>
    tpu.enqueue_dma source(%dma_start3A_33 : memref<4x128xf32, #tpu.memory_space<hbm>>) target(%arg6 : memref<4x128xf32, #tpu.memory_space<vmem>>) target_semaphore(%arg18 : memref<!tpu.dma_semaphore, #tpu.memory_space<semaphore_mem>>)
    %add3A_34 = arith.constant 4 : i32
    %add3A_35 = arith.addi %mul3A_2, %add3A_34 : i32
    %dma_start3A_36 = arith.constant 0 : i32
    %dma_start3A_37 = tpu.memref_slice %arg2[%add3A_35, %dma_start3A_36] : memref<8192x128xf32, #tpu.memory_space<hbm>> -> memref<4x128xf32, #tpu.memory_space<hbm>>
    %dma_start3A_38 = arith.constant 0 : i32
    %dma_start3A_39 = tpu.memref_slice %arg2[%add3A_35, %dma_start3A_38] : memref<8192x128xf32, #tpu.memory_space<hbm>> -> memref<4x128xf32, #tpu.memory_space<hbm>>
    tpu.enqueue_dma source(%dma_start3A_39 : memref<4x128xf32, #tpu.memory_space<hbm>>) target(%arg7 : memref<4x128xf32, #tpu.memory_space<vmem>>) target_semaphore(%arg19 : memref<!tpu.dma_semaphore, #tpu.memory_space<semaphore_mem>>)
    %scan3A_40 = arith.constant 0 : i32
    %scan3A_41 = arith.constant 0 : i32
    %scan3A_42 = arith.constant 32 : i32
    %scan3A_43 = arith.addi %scan3A_41, %scan3A_42 : i32
    %scan3A_44 = arith.constant 1 : i32
    %scan3A_45 = scf.for %scan3A_63 = %scan3A_41 to %scan3A_43 step %scan3A_44 iter_args(%scan3A_64 = %scan3A_40) -> (i32)  : i32 {
      %mul3A_65 = arith.constant 2 : i32
      %mul3A_66 = arith.muli %scan3A_63, %mul3A_65 : i32
      %add3A_67 = arith.constant 0 : i32
      %add3A_68 = arith.addi %mul3A_66, %add3A_67 : i32
      %dma_wait3A_69 = arith.constant 0 : i32
      %dma_wait3A_70 = tpu.memref_slice %arg8[%add3A_68, %dma_wait3A_69] : memref<64x64xi32, #tpu.memory_space<vmem>> -> memref<1x64xi32, #tpu.memory_space<vmem>>
      %dma_wait3A_71 = tpu.memref_squeeze %dma_wait3A_70 : memref<1x64xi32, #tpu.memory_space<vmem>> -> memref<64xi32, #tpu.memory_space<vmem>>
      %dma_wait3A_72 = arith.constant 0 : i32
      %dma_wait3A_73 = arith.constant 0 : i32
      %dma_wait3A_74 = tpu.memref_slice %arg3[%dma_wait3A_72, %dma_wait3A_73] : memref<8192x128xf32, #tpu.memory_space<hbm>> -> memref<8192x128xf32, #tpu.memory_space<hbm>>
      tpu.wait_indirect_dma semaphore(%arg14 : memref<!tpu.dma_semaphore, #tpu.memory_space<semaphore_mem>>) src(%dma_wait3A_74 : memref<8192x128xf32, #tpu.memory_space<hbm>>) dst(%arg9 : memref<64x128xf32, #tpu.memory_space<vmem>>)
      %dma_wait3A_75 = arith.constant 0 : i32
      %dma_wait3A_76 = arith.constant 0 : i32
      %dma_wait3A_77 = tpu.memref_slice %arg2[%dma_wait3A_75, %dma_wait3A_76] : memref<8192x128xf32, #tpu.memory_space<hbm>> -> memref<4x128xf32, #tpu.memory_space<hbm>>
      %dma_wait3A_78 = arith.constant 0 : i32
      %dma_wait3A_79 = arith.constant 0 : i32
      %dma_wait3A_80 = tpu.memref_slice %arg2[%dma_wait3A_78, %dma_wait3A_79] : memref<8192x128xf32, #tpu.memory_space<hbm>> -> memref<4x128xf32, #tpu.memory_space<hbm>>
      tpu.wait_dma2 semaphore(%arg18 : memref<!tpu.dma_semaphore, #tpu.memory_space<semaphore_mem>>) src(%dma_wait3A_80 : memref<4x128xf32, #tpu.memory_space<hbm>>) dst(%arg6 : memref<4x128xf32, #tpu.memory_space<vmem>>)
      %gt3A = arith.constant 0 : i32
      %gt3A_81 = arith.cmpi sgt, %scan3A_63, %gt3A : i32
      %convert_element_type3A = arith.extui %gt3A_81 : i1 to i32
      %cond3A = arith.constant 0 : i32
      %cond3A_82 = arith.cmpi ne, %convert_element_type3A, %cond3A : i32
      scf.if %cond3A_82 {
        %dma_wait3A_144 = arith.constant 0 : i32
        %dma_wait3A_145 = tpu.memref_slice %arg8[%add3A_68, %dma_wait3A_144] : memref<64x64xi32, #tpu.memory_space<vmem>> -> memref<1x64xi32, #tpu.memory_space<vmem>>
        %dma_wait3A_146 = tpu.memref_squeeze %dma_wait3A_145 : memref<1x64xi32, #tpu.memory_space<vmem>> -> memref<64xi32, #tpu.memory_space<vmem>>
        %dma_wait3A_147 = arith.constant 0 : i32
        %dma_wait3A_148 = arith.constant 0 : i32
        %dma_wait3A_149 = tpu.memref_slice %arg13[%dma_wait3A_147, %dma_wait3A_148] : memref<8192x128xf32, #tpu.memory_space<vmem_shared>> -> memref<8192x128xf32, #tpu.memory_space<vmem_shared>>
        tpu.wait_indirect_dma semaphore(%arg16 : memref<!tpu.dma_semaphore, #tpu.memory_space<semaphore_mem>>) src(%arg11 : memref<64x128xf32, #tpu.memory_space<vmem>>) dst(%dma_wait3A_149 : memref<8192x128xf32, #tpu.memory_space<vmem_shared>>)
      } else {
      }
      %scan3A_83 = arith.constant 0 : i32
      %scan3A_84 = arith.constant 0 : i32
      %scan3A_85 = arith.constant 64 : i32
      %scan3A_86 = arith.addi %scan3A_84, %scan3A_85 : i32
      %scan3A_87 = arith.constant 1 : i32
      %scan3A_88 = scf.for %scan3A_144 = %scan3A_84 to %scan3A_86 step %scan3A_87 iter_args(%scan3A_145 = %scan3A_83) -> (i32)  : i32 {
        %jit3A = arith.constant 16 : i32
        %div3A = arith.divsi %scan3A_144, %jit3A : i32
        %sign3A = arith.constant 0 : i32
        %sign3A_146 = arith.cmpi sgt, %scan3A_144, %sign3A : i32
        %sign3A_147 = arith.extui %sign3A_146 : i1 to i32
        %sign3A_148 = arith.constant 0 : i32
        %sign3A_149 = arith.cmpi slt, %scan3A_144, %sign3A_148 : i32
        %sign3A_150 = arith.extui %sign3A_149 : i1 to i32
        %sign3A_151 = arith.subi %sign3A_147, %sign3A_150 : i32
        %sign3A_152 = arith.constant 0 : i32
        %sign3A_153 = arith.cmpi sgt, %jit3A, %sign3A_152 : i32
        %sign3A_154 = arith.extui %sign3A_153 : i1 to i32
        %sign3A_155 = arith.constant 0 : i32
        %sign3A_156 = arith.cmpi slt, %jit3A, %sign3A_155 : i32
        %sign3A_157 = arith.extui %sign3A_156 : i1 to i32
        %sign3A_158 = arith.subi %sign3A_154, %sign3A_157 : i32
        %ne3A = arith.cmpi ne, %sign3A_151, %sign3A_158 : i32
        %rem3A = arith.remsi %scan3A_144, %jit3A : i32
        %ne3A_159 = arith.constant 0 : i32
        %ne3A_160 = arith.cmpi ne, %rem3A, %ne3A_159 : i32
        %and3A = arith.andi %ne3A, %ne3A_160 : i1
        %sub3A = arith.constant 1 : i32
        %sub3A_161 = arith.subi %div3A, %sub3A : i32
        %select_n3A = arith.select %and3A, %sub3A_161, %div3A : i32
        %get3A = arith.index_cast %scan3A_144 : i32 to index
        %get3A_162 = arith.constant 0 : index
        %get3A_163 = tpu.vector_load %arg9[%get3A, %get3A_162] {strides = array<i32>} : memref<64x128xf32, #tpu.memory_space<vmem>>, vector<1x16xf32>,
        %get3A_164 = vector.shape_cast %get3A_163 : vector<1x16xf32> to vector<16xf32>
        %get3A_165 = arith.index_cast %select_n3A : i32 to index
        %get3A_166 = arith.constant 0 : index
        %get3A_167 = tpu.vector_load %arg6[%get3A_165, %get3A_166] {strides = array<i32>} : memref<4x128xf32, #tpu.memory_space<vmem>>, vector<1x16xf32>,
        %get3A_168 = vector.shape_cast %get3A_167 : vector<1x16xf32> to vector<16xf32>
        %add3A_169 = arith.addf %get3A_168, %get3A_164 : vector<16xf32>
        %max3A = arith.constant 0.000000e+00 : f32
        %max3A_170 = vector.broadcast %max3A : f32 to vector<16xf32>
        %max3A_171 = arith.maximumf %add3A_169, %max3A_170 : vector<16xf32>
        %swap3A = arith.index_cast %scan3A_144 : i32 to index
        %swap3A_172 = arith.constant 0 : index
        %swap3A_173 = tpu.vector_load %arg11[%swap3A, %swap3A_172] {strides = array<i32>} : memref<64x128xf32, #tpu.memory_space<vmem>>, vector<1x16xf32>,
        %swap3A_174 = vector.shape_cast %swap3A_173 : vector<1x16xf32> to vector<16xf32>
        %swap3A_175 = vector.shape_cast %max3A_171 : vector<16xf32> to vector<1x16xf32>
        tpu.vector_store %arg11[%swap3A, %swap3A_172], %swap3A_175 {strides = array<i32>} : memref<64x128xf32, #tpu.memory_space<vmem>>, vector<1x16xf32>,
        %get3A_176 = arith.index_cast %scan3A_144 : i32 to index
        %get3A_177 = arith.constant 16 : index
        %get3A_178 = tpu.vector_load %arg9[%get3A_176, %get3A_177] {strides = array<i32>} : memref<64x128xf32, #tpu.memory_space<vmem>>, vector<1x16xf32>,
        %get3A_179 = vector.shape_cast %get3A_178 : vector<1x16xf32> to vector<16xf32>
        %get3A_180 = arith.index_cast %select_n3A : i32 to index
        %get3A_181 = arith.constant 16 : index
        %get3A_182 = tpu.vector_load %arg6[%get3A_180, %get3A_181] {strides = array<i32>} : memref<4x128xf32, #tpu.memory_space<vmem>>, vector<1x16xf32>,
        %get3A_183 = vector.shape_cast %get3A_182 : vector<1x16xf32> to vector<16xf32>
        %add3A_184 = arith.addf %get3A_183, %get3A_179 : vector<16xf32>
        %max3A_185 = arith.constant 0.000000e+00 : f32
        %max3A_186 = vector.broadcast %max3A_185 : f32 to vector<16xf32>
        %max3A_187 = arith.maximumf %add3A_184, %max3A_186 : vector<16xf32>
        %swap3A_188 = arith.index_cast %scan3A_144 : i32 to index
        %swap3A_189 = arith.constant 16 : index
        %swap3A_190 = tpu.vector_load %arg11[%swap3A_188, %swap3A_189] {strides = array<i32>} : memref<64x128xf32, #tpu.memory_space<vmem>>, vector<1x16xf32>,
        %swap3A_191 = vector.shape_cast %swap3A_190 : vector<1x16xf32> to vector<16xf32>
        %swap3A_192 = vector.shape_cast %max3A_187 : vector<16xf32> to vector<1x16xf32>
        tpu.vector_store %arg11[%swap3A_188, %swap3A_189], %swap3A_192 {strides = array<i32>} : memref<64x128xf32, #tpu.memory_space<vmem>>, vector<1x16xf32>,
        %get3A_193 = arith.index_cast %scan3A_144 : i32 to index
        %get3A_194 = arith.constant 32 : index
        %get3A_195 = tpu.vector_load %arg9[%get3A_193, %get3A_194] {strides = array<i32>} : memref<64x128xf32, #tpu.memory_space<vmem>>, vector<1x16xf32>,
        %get3A_196 = vector.shape_cast %get3A_195 : vector<1x16xf32> to vector<16xf32>
        %get3A_197 = arith.index_cast %select_n3A : i32 to index
        %get3A_198 = arith.constant 32 : index
        %get3A_199 = tpu.vector_load %arg6[%get3A_197, %get3A_198] {strides = array<i32>} : memref<4x128xf32, #tpu.memory_space<vmem>>, vector<1x16xf32>,
        %get3A_200 = vector.shape_cast %get3A_199 : vector<1x16xf32> to vector<16xf32>
        %add3A_201 = arith.addf %get3A_200, %get3A_196 : vector<16xf32>
        %max3A_202 = arith.constant 0.000000e+00 : f32
        %max3A_203 = vector.broadcast %max3A_202 : f32 to vector<16xf32>
        %max3A_204 = arith.maximumf %add3A_201, %max3A_203 : vector<16xf32>
        %swap3A_205 = arith.index_cast %scan3A_144 : i32 to index
        %swap3A_206 = arith.constant 32 : index
        %swap3A_207 = tpu.vector_load %arg11[%swap3A_205, %swap3A_206] {strides = array<i32>} : memref<64x128xf32, #tpu.memory_space<vmem>>, vector<1x16xf32>,
        %swap3A_208 = vector.shape_cast %swap3A_207 : vector<1x16xf32> to vector<16xf32>
        %swap3A_209 = vector.shape_cast %max3A_204 : vector<16xf32> to vector<1x16xf32>
        tpu.vector_store %arg11[%swap3A_205, %swap3A_206], %swap3A_209 {strides = array<i32>} : memref<64x128xf32, #tpu.memory_space<vmem>>, vector<1x16xf32>,
        %get3A_210 = arith.index_cast %scan3A_144 : i32 to index
        %get3A_211 = arith.constant 48 : index
        %get3A_212 = tpu.vector_load %arg9[%get3A_210, %get3A_211] {strides = array<i32>} : memref<64x128xf32, #tpu.memory_space<vmem>>, vector<1x16xf32>,
        %get3A_213 = vector.shape_cast %get3A_212 : vector<1x16xf32> to vector<16xf32>
        %get3A_214 = arith.index_cast %select_n3A : i32 to index
        %get3A_215 = arith.constant 48 : index
        %get3A_216 = tpu.vector_load %arg6[%get3A_214, %get3A_215] {strides = array<i32>} : memref<4x128xf32, #tpu.memory_space<vmem>>, vector<1x16xf32>,
        %get3A_217 = vector.shape_cast %get3A_216 : vector<1x16xf32> to vector<16xf32>
        %add3A_218 = arith.addf %get3A_217, %get3A_213 : vector<16xf32>
        %max3A_219 = arith.constant 0.000000e+00 : f32
        %max3A_220 = vector.broadcast %max3A_219 : f32 to vector<16xf32>
        %max3A_221 = arith.maximumf %add3A_218, %max3A_220 : vector<16xf32>
        %swap3A_222 = arith.index_cast %scan3A_144 : i32 to index
        %swap3A_223 = arith.constant 48 : index
        %swap3A_224 = tpu.vector_load %arg11[%swap3A_222, %swap3A_223] {strides = array<i32>} : memref<64x128xf32, #tpu.memory_space<vmem>>, vector<1x16xf32>,
        %swap3A_225 = vector.shape_cast %swap3A_224 : vector<1x16xf32> to vector<16xf32>
        %swap3A_226 = vector.shape_cast %max3A_221 : vector<16xf32> to vector<1x16xf32>
        tpu.vector_store %arg11[%swap3A_222, %swap3A_223], %swap3A_226 {strides = array<i32>} : memref<64x128xf32, #tpu.memory_space<vmem>>, vector<1x16xf32>,
        %get3A_227 = arith.index_cast %scan3A_144 : i32 to index
        %get3A_228 = arith.constant 64 : index
        %get3A_229 = tpu.vector_load %arg9[%get3A_227, %get3A_228] {strides = array<i32>} : memref<64x128xf32, #tpu.memory_space<vmem>>, vector<1x16xf32>,
        %get3A_230 = vector.shape_cast %get3A_229 : vector<1x16xf32> to vector<16xf32>
        %get3A_231 = arith.index_cast %select_n3A : i32 to index
        %get3A_232 = arith.constant 64 : index
        %get3A_233 = tpu.vector_load %arg6[%get3A_231, %get3A_232] {strides = array<i32>} : memref<4x128xf32, #tpu.memory_space<vmem>>, vector<1x16xf32>,
        %get3A_234 = vector.shape_cast %get3A_233 : vector<1x16xf32> to vector<16xf32>
        %add3A_235 = arith.addf %get3A_234, %get3A_230 : vector<16xf32>
        %max3A_236 = arith.constant 0.000000e+00 : f32
        %max3A_237 = vector.broadcast %max3A_236 : f32 to vector<16xf32>
        %max3A_238 = arith.maximumf %add3A_235, %max3A_237 : vector<16xf32>
        %swap3A_239 = arith.index_cast %scan3A_144 : i32 to index
        %swap3A_240 = arith.constant 64 : index
        %swap3A_241 = tpu.vector_load %arg11[%swap3A_239, %swap3A_240] {strides = array<i32>} : memref<64x128xf32, #tpu.memory_space<vmem>>, vector<1x16xf32>,
        %swap3A_242 = vector.shape_cast %swap3A_241 : vector<1x16xf32> to vector<16xf32>
        %swap3A_243 = vector.shape_cast %max3A_238 : vector<16xf32> to vector<1x16xf32>
        tpu.vector_store %arg11[%swap3A_239, %swap3A_240], %swap3A_243 {strides = array<i32>} : memref<64x128xf32, #tpu.memory_space<vmem>>, vector<1x16xf32>,
        %get3A_244 = arith.index_cast %scan3A_144 : i32 to index
        %get3A_245 = arith.constant 80 : index
        %get3A_246 = tpu.vector_load %arg9[%get3A_244, %get3A_245] {strides = array<i32>} : memref<64x128xf32, #tpu.memory_space<vmem>>, vector<1x16xf32>,
        %get3A_247 = vector.shape_cast %get3A_246 : vector<1x16xf32> to vector<16xf32>
        %get3A_248 = arith.index_cast %select_n3A : i32 to index
        %get3A_249 = arith.constant 80 : index
        %get3A_250 = tpu.vector_load %arg6[%get3A_248, %get3A_249] {strides = array<i32>} : memref<4x128xf32, #tpu.memory_space<vmem>>, vector<1x16xf32>,
        %get3A_251 = vector.shape_cast %get3A_250 : vector<1x16xf32> to vector<16xf32>
        %add3A_252 = arith.addf %get3A_251, %get3A_247 : vector<16xf32>
        %max3A_253 = arith.constant 0.000000e+00 : f32
        %max3A_254 = vector.broadcast %max3A_253 : f32 to vector<16xf32>
        %max3A_255 = arith.maximumf %add3A_252, %max3A_254 : vector<16xf32>
        %swap3A_256 = arith.index_cast %scan3A_144 : i32 to index
        %swap3A_257 = arith.constant 80 : index
        %swap3A_258 = tpu.vector_load %arg11[%swap3A_256, %swap3A_257] {strides = array<i32>} : memref<64x128xf32, #tpu.memory_space<vmem>>, vector<1x16xf32>,
        %swap3A_259 = vector.shape_cast %swap3A_258 : vector<1x16xf32> to vector<16xf32>
        %swap3A_260 = vector.shape_cast %max3A_255 : vector<16xf32> to vector<1x16xf32>
        tpu.vector_store %arg11[%swap3A_256, %swap3A_257], %swap3A_260 {strides = array<i32>} : memref<64x128xf32, #tpu.memory_space<vmem>>, vector<1x16xf32>,
        %get3A_261 = arith.index_cast %scan3A_144 : i32 to index
        %get3A_262 = arith.constant 96 : index
        %get3A_263 = tpu.vector_load %arg9[%get3A_261, %get3A_262] {strides = array<i32>} : memref<64x128xf32, #tpu.memory_space<vmem>>, vector<1x16xf32>,
        %get3A_264 = vector.shape_cast %get3A_263 : vector<1x16xf32> to vector<16xf32>
        %get3A_265 = arith.index_cast %select_n3A : i32 to index
        %get3A_266 = arith.constant 96 : index
        %get3A_267 = tpu.vector_load %arg6[%get3A_265, %get3A_266] {strides = array<i32>} : memref<4x128xf32, #tpu.memory_space<vmem>>, vector<1x16xf32>,
        %get3A_268 = vector.shape_cast %get3A_267 : vector<1x16xf32> to vector<16xf32>
        %add3A_269 = arith.addf %get3A_268, %get3A_264 : vector<16xf32>
        %max3A_270 = arith.constant 0.000000e+00 : f32
        %max3A_271 = vector.broadcast %max3A_270 : f32 to vector<16xf32>
        %max3A_272 = arith.maximumf %add3A_269, %max3A_271 : vector<16xf32>
        %swap3A_273 = arith.index_cast %scan3A_144 : i32 to index
        %swap3A_274 = arith.constant 96 : index
        %swap3A_275 = tpu.vector_load %arg11[%swap3A_273, %swap3A_274] {strides = array<i32>} : memref<64x128xf32, #tpu.memory_space<vmem>>, vector<1x16xf32>,
        %swap3A_276 = vector.shape_cast %swap3A_275 : vector<1x16xf32> to vector<16xf32>
        %swap3A_277 = vector.shape_cast %max3A_272 : vector<16xf32> to vector<1x16xf32>
        tpu.vector_store %arg11[%swap3A_273, %swap3A_274], %swap3A_277 {strides = array<i32>} : memref<64x128xf32, #tpu.memory_space<vmem>>, vector<1x16xf32>,
        %get3A_278 = arith.index_cast %scan3A_144 : i32 to index
        %get3A_279 = arith.constant 112 : index
        %get3A_280 = tpu.vector_load %arg9[%get3A_278, %get3A_279] {strides = array<i32>} : memref<64x128xf32, #tpu.memory_space<vmem>>, vector<1x16xf32>,
        %get3A_281 = vector.shape_cast %get3A_280 : vector<1x16xf32> to vector<16xf32>
        %get3A_282 = arith.index_cast %select_n3A : i32 to index
        %get3A_283 = arith.constant 112 : index
        %get3A_284 = tpu.vector_load %arg6[%get3A_282, %get3A_283] {strides = array<i32>} : memref<4x128xf32, #tpu.memory_space<vmem>>, vector<1x16xf32>,
        %get3A_285 = vector.shape_cast %get3A_284 : vector<1x16xf32> to vector<16xf32>
        %add3A_286 = arith.addf %get3A_285, %get3A_281 : vector<16xf32>
        %max3A_287 = arith.constant 0.000000e+00 : f32
        %max3A_288 = vector.broadcast %max3A_287 : f32 to vector<16xf32>
        %max3A_289 = arith.maximumf %add3A_286, %max3A_288 : vector<16xf32>
        %swap3A_290 = arith.index_cast %scan3A_144 : i32 to index
        %swap3A_291 = arith.constant 112 : index
        %swap3A_292 = tpu.vector_load %arg11[%swap3A_290, %swap3A_291] {strides = array<i32>} : memref<64x128xf32, #tpu.memory_space<vmem>>, vector<1x16xf32>,
        %swap3A_293 = vector.shape_cast %swap3A_292 : vector<1x16xf32> to vector<16xf32>
        %swap3A_294 = vector.shape_cast %max3A_289 : vector<16xf32> to vector<1x16xf32>
        tpu.vector_store %arg11[%swap3A_290, %swap3A_291], %swap3A_294 {strides = array<i32>} : memref<64x128xf32, #tpu.memory_space<vmem>>, vector<1x16xf32>,
        %scan3A_295 = arith.constant 0 : i32
        scf.yield %scan3A_295 : i32
      }
      %scan3A_89 = arith.constant 64 : i32
      %dma_start3A_90 = arith.constant 0 : i32
      %dma_start3A_91 = tpu.memref_slice %arg8[%add3A_68, %dma_start3A_90] : memref<64x64xi32, #tpu.memory_space<vmem>> -> memref<1x64xi32, #tpu.memory_space<vmem>>
      %dma_start3A_92 = tpu.memref_squeeze %dma_start3A_91 : memref<1x64xi32, #tpu.memory_space<vmem>> -> memref<64xi32, #tpu.memory_space<vmem>>
      %dma_start3A_93 = arith.constant 0 : i32
      %dma_start3A_94 = arith.constant 0 : i32
      %dma_start3A_95 = tpu.memref_slice %arg13[%dma_start3A_93, %dma_start3A_94] : memref<8192x128xf32, #tpu.memory_space<vmem_shared>> -> memref<8192x128xf32, #tpu.memory_space<vmem_shared>>
      tpu.enqueue_indirect_dma source(%arg11 : memref<64x128xf32, #tpu.memory_space<vmem>>) target(%dma_start3A_95 : memref<8192x128xf32, #tpu.memory_space<vmem_shared>>) offsets(%dma_start3A_92 : memref<64xi32, #tpu.memory_space<vmem>>) semaphore(%arg16 : memref<!tpu.dma_semaphore, #tpu.memory_space<semaphore_mem>>) {add = true}
      %add3A_96 = arith.constant 2 : i32
      %add3A_97 = arith.addi %add3A_68, %add3A_96 : i32
      %lt3A = arith.constant 64 : i32
      %lt3A_98 = arith.cmpi slt, %add3A_97, %lt3A : i32
      %convert_element_type3A_99 = arith.extui %lt3A_98 : i1 to i32
      %cond3A_100 = arith.constant 0 : i32
      %cond3A_101 = arith.cmpi ne, %convert_element_type3A_99, %cond3A_100 : i32
      scf.if %cond3A_101 {
        %add3A_144 = arith.constant 2 : i32
        %add3A_145 = arith.addi %add3A_68, %add3A_144 : i32
        %dma_start3A_146 = arith.constant 0 : i32
        %dma_start3A_147 = tpu.memref_slice %arg8[%add3A_145, %dma_start3A_146] : memref<64x64xi32, #tpu.memory_space<vmem>> -> memref<1x64xi32, #tpu.memory_space<vmem>>
        %dma_start3A_148 = tpu.memref_squeeze %dma_start3A_147 : memref<1x64xi32, #tpu.memory_space<vmem>> -> memref<64xi32, #tpu.memory_space<vmem>>
        %dma_start3A_149 = arith.constant 0 : i32
        %dma_start3A_150 = arith.constant 0 : i32
        %dma_start3A_151 = tpu.memref_slice %arg3[%dma_start3A_149, %dma_start3A_150] : memref<8192x128xf32, #tpu.memory_space<hbm>> -> memref<8192x128xf32, #tpu.memory_space<hbm>>
        tpu.enqueue_indirect_dma source(%dma_start3A_151 : memref<8192x128xf32, #tpu.memory_space<hbm>>) target(%arg9 : memref<64x128xf32, #tpu.memory_space<vmem>>) offsets(%dma_start3A_148 : memref<64xi32, #tpu.memory_space<vmem>>) semaphore(%arg14 : memref<!tpu.dma_semaphore, #tpu.memory_space<semaphore_mem>>)
        %add3A_152 = arith.constant 2 : i32
        %add3A_153 = arith.addi %add3A_68, %add3A_152 : i32
        %mul3A_154 = arith.constant 4 : i32
        %mul3A_155 = arith.muli %add3A_153, %mul3A_154 : i32
        %add3A_156 = arith.addi %mul3A_2, %mul3A_155 : i32
        %dma_start3A_157 = arith.constant 0 : i32
        %dma_start3A_158 = tpu.memref_slice %arg2[%add3A_156, %dma_start3A_157] : memref<8192x128xf32, #tpu.memory_space<hbm>> -> memref<4x128xf32, #tpu.memory_space<hbm>>
        %dma_start3A_159 = arith.constant 0 : i32
        %dma_start3A_160 = tpu.memref_slice %arg2[%add3A_156, %dma_start3A_159] : memref<8192x128xf32, #tpu.memory_space<hbm>> -> memref<4x128xf32, #tpu.memory_space<hbm>>
        tpu.enqueue_dma source(%dma_start3A_160 : memref<4x128xf32, #tpu.memory_space<hbm>>) target(%arg6 : memref<4x128xf32, #tpu.memory_space<vmem>>) target_semaphore(%arg18 : memref<!tpu.dma_semaphore, #tpu.memory_space<semaphore_mem>>)
      } else {
      }
      %mul3A_102 = arith.constant 2 : i32
      %mul3A_103 = arith.muli %scan3A_63, %mul3A_102 : i32
      %add3A_104 = arith.constant 1 : i32
      %add3A_105 = arith.addi %mul3A_103, %add3A_104 : i32
      %dma_wait3A_106 = arith.constant 0 : i32
      %dma_wait3A_107 = tpu.memref_slice %arg8[%add3A_105, %dma_wait3A_106] : memref<64x64xi32, #tpu.memory_space<vmem>> -> memref<1x64xi32, #tpu.memory_space<vmem>>
      %dma_wait3A_108 = tpu.memref_squeeze %dma_wait3A_107 : memref<1x64xi32, #tpu.memory_space<vmem>> -> memref<64xi32, #tpu.memory_space<vmem>>
      %dma_wait3A_109 = arith.constant 0 : i32
      %dma_wait3A_110 = arith.constant 0 : i32
      %dma_wait3A_111 = tpu.memref_slice %arg3[%dma_wait3A_109, %dma_wait3A_110] : memref<8192x128xf32, #tpu.memory_space<hbm>> -> memref<8192x128xf32, #tpu.memory_space<hbm>>
      tpu.wait_indirect_dma semaphore(%arg15 : memref<!tpu.dma_semaphore, #tpu.memory_space<semaphore_mem>>) src(%dma_wait3A_111 : memref<8192x128xf32, #tpu.memory_space<hbm>>) dst(%arg10 : memref<64x128xf32, #tpu.memory_space<vmem>>)
      %dma_wait3A_112 = arith.constant 0 : i32
      %dma_wait3A_113 = arith.constant 0 : i32
      %dma_wait3A_114 = tpu.memref_slice %arg2[%dma_wait3A_112, %dma_wait3A_113] : memref<8192x128xf32, #tpu.memory_space<hbm>> -> memref<4x128xf32, #tpu.memory_space<hbm>>
      %dma_wait3A_115 = arith.constant 0 : i32
      %dma_wait3A_116 = arith.constant 0 : i32
      %dma_wait3A_117 = tpu.memref_slice %arg2[%dma_wait3A_115, %dma_wait3A_116] : memref<8192x128xf32, #tpu.memory_space<hbm>> -> memref<4x128xf32, #tpu.memory_space<hbm>>
      tpu.wait_dma2 semaphore(%arg19 : memref<!tpu.dma_semaphore, #tpu.memory_space<semaphore_mem>>) src(%dma_wait3A_117 : memref<4x128xf32, #tpu.memory_space<hbm>>) dst(%arg7 : memref<4x128xf32, #tpu.memory_space<vmem>>)
      %gt3A_118 = arith.constant 0 : i32
      %gt3A_119 = arith.cmpi sgt, %scan3A_63, %gt3A_118 : i32
      %convert_element_type3A_120 = arith.extui %gt3A_119 : i1 to i32
      %cond3A_121 = arith.constant 0 : i32
      %cond3A_122 = arith.cmpi ne, %convert_element_type3A_120, %cond3A_121 : i32
      scf.if %cond3A_122 {
        %dma_wait3A_144 = arith.constant 0 : i32
        %dma_wait3A_145 = tpu.memref_slice %arg8[%add3A_105, %dma_wait3A_144] : memref<64x64xi32, #tpu.memory_space<vmem>> -> memref<1x64xi32, #tpu.memory_space<vmem>>
        %dma_wait3A_146 = tpu.memref_squeeze %dma_wait3A_145 : memref<1x64xi32, #tpu.memory_space<vmem>> -> memref<64xi32, #tpu.memory_space<vmem>>
        %dma_wait3A_147 = arith.constant 0 : i32
        %dma_wait3A_148 = arith.constant 0 : i32
        %dma_wait3A_149 = tpu.memref_slice %arg13[%dma_wait3A_147, %dma_wait3A_148] : memref<8192x128xf32, #tpu.memory_space<vmem_shared>> -> memref<8192x128xf32, #tpu.memory_space<vmem_shared>>
        tpu.wait_indirect_dma semaphore(%arg17 : memref<!tpu.dma_semaphore, #tpu.memory_space<semaphore_mem>>) src(%arg12 : memref<64x128xf32, #tpu.memory_space<vmem>>) dst(%dma_wait3A_149 : memref<8192x128xf32, #tpu.memory_space<vmem_shared>>)
      } else {
      }
      %scan3A_123 = arith.constant 0 : i32
      %scan3A_124 = arith.constant 0 : i32
      %scan3A_125 = arith.constant 64 : i32
      %scan3A_126 = arith.addi %scan3A_124, %scan3A_125 : i32
      %scan3A_127 = arith.constant 1 : i32
      %scan3A_128 = scf.for %scan3A_144 = %scan3A_124 to %scan3A_126 step %scan3A_127 iter_args(%scan3A_145 = %scan3A_123) -> (i32)  : i32 {
        %jit3A = arith.constant 16 : i32
        %div3A = arith.divsi %scan3A_144, %jit3A : i32
        %sign3A = arith.constant 0 : i32
        %sign3A_146 = arith.cmpi sgt, %scan3A_144, %sign3A : i32
        %sign3A_147 = arith.extui %sign3A_146 : i1 to i32
        %sign3A_148 = arith.constant 0 : i32
        %sign3A_149 = arith.cmpi slt, %scan3A_144, %sign3A_148 : i32
        %sign3A_150 = arith.extui %sign3A_149 : i1 to i32
        %sign3A_151 = arith.subi %sign3A_147, %sign3A_150 : i32
        %sign3A_152 = arith.constant 0 : i32
        %sign3A_153 = arith.cmpi sgt, %jit3A, %sign3A_152 : i32
        %sign3A_154 = arith.extui %sign3A_153 : i1 to i32
        %sign3A_155 = arith.constant 0 : i32
        %sign3A_156 = arith.cmpi slt, %jit3A, %sign3A_155 : i32
        %sign3A_157 = arith.extui %sign3A_156 : i1 to i32
        %sign3A_158 = arith.subi %sign3A_154, %sign3A_157 : i32
        %ne3A = arith.cmpi ne, %sign3A_151, %sign3A_158 : i32
        %rem3A = arith.remsi %scan3A_144, %jit3A : i32
        %ne3A_159 = arith.constant 0 : i32
        %ne3A_160 = arith.cmpi ne, %rem3A, %ne3A_159 : i32
        %and3A = arith.andi %ne3A, %ne3A_160 : i1
        %sub3A = arith.constant 1 : i32
        %sub3A_161 = arith.subi %div3A, %sub3A : i32
        %select_n3A = arith.select %and3A, %sub3A_161, %div3A : i32
        %get3A = arith.index_cast %scan3A_144 : i32 to index
        %get3A_162 = arith.constant 0 : index
        %get3A_163 = tpu.vector_load %arg10[%get3A, %get3A_162] {strides = array<i32>} : memref<64x128xf32, #tpu.memory_space<vmem>>, vector<1x16xf32>,
        %get3A_164 = vector.shape_cast %get3A_163 : vector<1x16xf32> to vector<16xf32>
        %get3A_165 = arith.index_cast %select_n3A : i32 to index
        %get3A_166 = arith.constant 0 : index
        %get3A_167 = tpu.vector_load %arg7[%get3A_165, %get3A_166] {strides = array<i32>} : memref<4x128xf32, #tpu.memory_space<vmem>>, vector<1x16xf32>,
        %get3A_168 = vector.shape_cast %get3A_167 : vector<1x16xf32> to vector<16xf32>
        %add3A_169 = arith.addf %get3A_168, %get3A_164 : vector<16xf32>
        %max3A = arith.constant 0.000000e+00 : f32
        %max3A_170 = vector.broadcast %max3A : f32 to vector<16xf32>
        %max3A_171 = arith.maximumf %add3A_169, %max3A_170 : vector<16xf32>
        %swap3A = arith.index_cast %scan3A_144 : i32 to index
        %swap3A_172 = arith.constant 0 : index
        %swap3A_173 = tpu.vector_load %arg12[%swap3A, %swap3A_172] {strides = array<i32>} : memref<64x128xf32, #tpu.memory_space<vmem>>, vector<1x16xf32>,
        %swap3A_174 = vector.shape_cast %swap3A_173 : vector<1x16xf32> to vector<16xf32>
        %swap3A_175 = vector.shape_cast %max3A_171 : vector<16xf32> to vector<1x16xf32>
        tpu.vector_store %arg12[%swap3A, %swap3A_172], %swap3A_175 {strides = array<i32>} : memref<64x128xf32, #tpu.memory_space<vmem>>, vector<1x16xf32>,
        %get3A_176 = arith.index_cast %scan3A_144 : i32 to index
        %get3A_177 = arith.constant 16 : index
        %get3A_178 = tpu.vector_load %arg10[%get3A_176, %get3A_177] {strides = array<i32>} : memref<64x128xf32, #tpu.memory_space<vmem>>, vector<1x16xf32>,
        %get3A_179 = vector.shape_cast %get3A_178 : vector<1x16xf32> to vector<16xf32>
        %get3A_180 = arith.index_cast %select_n3A : i32 to index
        %get3A_181 = arith.constant 16 : index
        %get3A_182 = tpu.vector_load %arg7[%get3A_180, %get3A_181] {strides = array<i32>} : memref<4x128xf32, #tpu.memory_space<vmem>>, vector<1x16xf32>,
        %get3A_183 = vector.shape_cast %get3A_182 : vector<1x16xf32> to vector<16xf32>
        %add3A_184 = arith.addf %get3A_183, %get3A_179 : vector<16xf32>
        %max3A_185 = arith.constant 0.000000e+00 : f32
        %max3A_186 = vector.broadcast %max3A_185 : f32 to vector<16xf32>
        %max3A_187 = arith.maximumf %add3A_184, %max3A_186 : vector<16xf32>
        %swap3A_188 = arith.index_cast %scan3A_144 : i32 to index
        %swap3A_189 = arith.constant 16 : index
        %swap3A_190 = tpu.vector_load %arg12[%swap3A_188, %swap3A_189] {strides = array<i32>} : memref<64x128xf32, #tpu.memory_space<vmem>>, vector<1x16xf32>,
        %swap3A_191 = vector.shape_cast %swap3A_190 : vector<1x16xf32> to vector<16xf32>
        %swap3A_192 = vector.shape_cast %max3A_187 : vector<16xf32> to vector<1x16xf32>
        tpu.vector_store %arg12[%swap3A_188, %swap3A_189], %swap3A_192 {strides = array<i32>} : memref<64x128xf32, #tpu.memory_space<vmem>>, vector<1x16xf32>,
        %get3A_193 = arith.index_cast %scan3A_144 : i32 to index
        %get3A_194 = arith.constant 32 : index
        %get3A_195 = tpu.vector_load %arg10[%get3A_193, %get3A_194] {strides = array<i32>} : memref<64x128xf32, #tpu.memory_space<vmem>>, vector<1x16xf32>,
        %get3A_196 = vector.shape_cast %get3A_195 : vector<1x16xf32> to vector<16xf32>
        %get3A_197 = arith.index_cast %select_n3A : i32 to index
        %get3A_198 = arith.constant 32 : index
        %get3A_199 = tpu.vector_load %arg7[%get3A_197, %get3A_198] {strides = array<i32>} : memref<4x128xf32, #tpu.memory_space<vmem>>, vector<1x16xf32>,
        %get3A_200 = vector.shape_cast %get3A_199 : vector<1x16xf32> to vector<16xf32>
        %add3A_201 = arith.addf %get3A_200, %get3A_196 : vector<16xf32>
        %max3A_202 = arith.constant 0.000000e+00 : f32
        %max3A_203 = vector.broadcast %max3A_202 : f32 to vector<16xf32>
        %max3A_204 = arith.maximumf %add3A_201, %max3A_203 : vector<16xf32>
        %swap3A_205 = arith.index_cast %scan3A_144 : i32 to index
        %swap3A_206 = arith.constant 32 : index
        %swap3A_207 = tpu.vector_load %arg12[%swap3A_205, %swap3A_206] {strides = array<i32>} : memref<64x128xf32, #tpu.memory_space<vmem>>, vector<1x16xf32>,
        %swap3A_208 = vector.shape_cast %swap3A_207 : vector<1x16xf32> to vector<16xf32>
        %swap3A_209 = vector.shape_cast %max3A_204 : vector<16xf32> to vector<1x16xf32>
        tpu.vector_store %arg12[%swap3A_205, %swap3A_206], %swap3A_209 {strides = array<i32>} : memref<64x128xf32, #tpu.memory_space<vmem>>, vector<1x16xf32>,
        %get3A_210 = arith.index_cast %scan3A_144 : i32 to index
        %get3A_211 = arith.constant 48 : index
        %get3A_212 = tpu.vector_load %arg10[%get3A_210, %get3A_211] {strides = array<i32>} : memref<64x128xf32, #tpu.memory_space<vmem>>, vector<1x16xf32>,
        %get3A_213 = vector.shape_cast %get3A_212 : vector<1x16xf32> to vector<16xf32>
        %get3A_214 = arith.index_cast %select_n3A : i32 to index
        %get3A_215 = arith.constant 48 : index
        %get3A_216 = tpu.vector_load %arg7[%get3A_214, %get3A_215] {strides = array<i32>} : memref<4x128xf32, #tpu.memory_space<vmem>>, vector<1x16xf32>,
        %get3A_217 = vector.shape_cast %get3A_216 : vector<1x16xf32> to vector<16xf32>
        %add3A_218 = arith.addf %get3A_217, %get3A_213 : vector<16xf32>
        %max3A_219 = arith.constant 0.000000e+00 : f32
        %max3A_220 = vector.broadcast %max3A_219 : f32 to vector<16xf32>
        %max3A_221 = arith.maximumf %add3A_218, %max3A_220 : vector<16xf32>
        %swap3A_222 = arith.index_cast %scan3A_144 : i32 to index
        %swap3A_223 = arith.constant 48 : index
        %swap3A_224 = tpu.vector_load %arg12[%swap3A_222, %swap3A_223] {strides = array<i32>} : memref<64x128xf32, #tpu.memory_space<vmem>>, vector<1x16xf32>,
        %swap3A_225 = vector.shape_cast %swap3A_224 : vector<1x16xf32> to vector<16xf32>
        %swap3A_226 = vector.shape_cast %max3A_221 : vector<16xf32> to vector<1x16xf32>
        tpu.vector_store %arg12[%swap3A_222, %swap3A_223], %swap3A_226 {strides = array<i32>} : memref<64x128xf32, #tpu.memory_space<vmem>>, vector<1x16xf32>,
        %get3A_227 = arith.index_cast %scan3A_144 : i32 to index
        %get3A_228 = arith.constant 64 : index
        %get3A_229 = tpu.vector_load %arg10[%get3A_227, %get3A_228] {strides = array<i32>} : memref<64x128xf32, #tpu.memory_space<vmem>>, vector<1x16xf32>,
        %get3A_230 = vector.shape_cast %get3A_229 : vector<1x16xf32> to vector<16xf32>
        %get3A_231 = arith.index_cast %select_n3A : i32 to index
        %get3A_232 = arith.constant 64 : index
        %get3A_233 = tpu.vector_load %arg7[%get3A_231, %get3A_232] {strides = array<i32>} : memref<4x128xf32, #tpu.memory_space<vmem>>, vector<1x16xf32>,
        %get3A_234 = vector.shape_cast %get3A_233 : vector<1x16xf32> to vector<16xf32>
        %add3A_235 = arith.addf %get3A_234, %get3A_230 : vector<16xf32>
        %max3A_236 = arith.constant 0.000000e+00 : f32
        %max3A_237 = vector.broadcast %max3A_236 : f32 to vector<16xf32>
        %max3A_238 = arith.maximumf %add3A_235, %max3A_237 : vector<16xf32>
        %swap3A_239 = arith.index_cast %scan3A_144 : i32 to index
        %swap3A_240 = arith.constant 64 : index
        %swap3A_241 = tpu.vector_load %arg12[%swap3A_239, %swap3A_240] {strides = array<i32>} : memref<64x128xf32, #tpu.memory_space<vmem>>, vector<1x16xf32>,
        %swap3A_242 = vector.shape_cast %swap3A_241 : vector<1x16xf32> to vector<16xf32>
        %swap3A_243 = vector.shape_cast %max3A_238 : vector<16xf32> to vector<1x16xf32>
        tpu.vector_store %arg12[%swap3A_239, %swap3A_240], %swap3A_243 {strides = array<i32>} : memref<64x128xf32, #tpu.memory_space<vmem>>, vector<1x16xf32>,
        %get3A_244 = arith.index_cast %scan3A_144 : i32 to index
        %get3A_245 = arith.constant 80 : index
        %get3A_246 = tpu.vector_load %arg10[%get3A_244, %get3A_245] {strides = array<i32>} : memref<64x128xf32, #tpu.memory_space<vmem>>, vector<1x16xf32>,
        %get3A_247 = vector.shape_cast %get3A_246 : vector<1x16xf32> to vector<16xf32>
        %get3A_248 = arith.index_cast %select_n3A : i32 to index
        %get3A_249 = arith.constant 80 : index
        %get3A_250 = tpu.vector_load %arg7[%get3A_248, %get3A_249] {strides = array<i32>} : memref<4x128xf32, #tpu.memory_space<vmem>>, vector<1x16xf32>,
        %get3A_251 = vector.shape_cast %get3A_250 : vector<1x16xf32> to vector<16xf32>
        %add3A_252 = arith.addf %get3A_251, %get3A_247 : vector<16xf32>
        %max3A_253 = arith.constant 0.000000e+00 : f32
        %max3A_254 = vector.broadcast %max3A_253 : f32 to vector<16xf32>
        %max3A_255 = arith.maximumf %add3A_252, %max3A_254 : vector<16xf32>
        %swap3A_256 = arith.index_cast %scan3A_144 : i32 to index
        %swap3A_257 = arith.constant 80 : index
        %swap3A_258 = tpu.vector_load %arg12[%swap3A_256, %swap3A_257] {strides = array<i32>} : memref<64x128xf32, #tpu.memory_space<vmem>>, vector<1x16xf32>,
        %swap3A_259 = vector.shape_cast %swap3A_258 : vector<1x16xf32> to vector<16xf32>
        %swap3A_260 = vector.shape_cast %max3A_255 : vector<16xf32> to vector<1x16xf32>
        tpu.vector_store %arg12[%swap3A_256, %swap3A_257], %swap3A_260 {strides = array<i32>} : memref<64x128xf32, #tpu.memory_space<vmem>>, vector<1x16xf32>,
        %get3A_261 = arith.index_cast %scan3A_144 : i32 to index
        %get3A_262 = arith.constant 96 : index
        %get3A_263 = tpu.vector_load %arg10[%get3A_261, %get3A_262] {strides = array<i32>} : memref<64x128xf32, #tpu.memory_space<vmem>>, vector<1x16xf32>,
        %get3A_264 = vector.shape_cast %get3A_263 : vector<1x16xf32> to vector<16xf32>
        %get3A_265 = arith.index_cast %select_n3A : i32 to index
        %get3A_266 = arith.constant 96 : index
        %get3A_267 = tpu.vector_load %arg7[%get3A_265, %get3A_266] {strides = array<i32>} : memref<4x128xf32, #tpu.memory_space<vmem>>, vector<1x16xf32>,
        %get3A_268 = vector.shape_cast %get3A_267 : vector<1x16xf32> to vector<16xf32>
        %add3A_269 = arith.addf %get3A_268, %get3A_264 : vector<16xf32>
        %max3A_270 = arith.constant 0.000000e+00 : f32
        %max3A_271 = vector.broadcast %max3A_270 : f32 to vector<16xf32>
        %max3A_272 = arith.maximumf %add3A_269, %max3A_271 : vector<16xf32>
        %swap3A_273 = arith.index_cast %scan3A_144 : i32 to index
        %swap3A_274 = arith.constant 96 : index
        %swap3A_275 = tpu.vector_load %arg12[%swap3A_273, %swap3A_274] {strides = array<i32>} : memref<64x128xf32, #tpu.memory_space<vmem>>, vector<1x16xf32>,
        %swap3A_276 = vector.shape_cast %swap3A_275 : vector<1x16xf32> to vector<16xf32>
        %swap3A_277 = vector.shape_cast %max3A_272 : vector<16xf32> to vector<1x16xf32>
        tpu.vector_store %arg12[%swap3A_273, %swap3A_274], %swap3A_277 {strides = array<i32>} : memref<64x128xf32, #tpu.memory_space<vmem>>, vector<1x16xf32>,
        %get3A_278 = arith.index_cast %scan3A_144 : i32 to index
        %get3A_279 = arith.constant 112 : index
        %get3A_280 = tpu.vector_load %arg10[%get3A_278, %get3A_279] {strides = array<i32>} : memref<64x128xf32, #tpu.memory_space<vmem>>, vector<1x16xf32>,
        %get3A_281 = vector.shape_cast %get3A_280 : vector<1x16xf32> to vector<16xf32>
        %get3A_282 = arith.index_cast %select_n3A : i32 to index
        %get3A_283 = arith.constant 112 : index
        %get3A_284 = tpu.vector_load %arg7[%get3A_282, %get3A_283] {strides = array<i32>} : memref<4x128xf32, #tpu.memory_space<vmem>>, vector<1x16xf32>,
        %get3A_285 = vector.shape_cast %get3A_284 : vector<1x16xf32> to vector<16xf32>
        %add3A_286 = arith.addf %get3A_285, %get3A_281 : vector<16xf32>
        %max3A_287 = arith.constant 0.000000e+00 : f32
        %max3A_288 = vector.broadcast %max3A_287 : f32 to vector<16xf32>
        %max3A_289 = arith.maximumf %add3A_286, %max3A_288 : vector<16xf32>
        %swap3A_290 = arith.index_cast %scan3A_144 : i32 to index
        %swap3A_291 = arith.constant 112 : index
        %swap3A_292 = tpu.vector_load %arg12[%swap3A_290, %swap3A_291] {strides = array<i32>} : memref<64x128xf32, #tpu.memory_space<vmem>>, vector<1x16xf32>,
        %swap3A_293 = vector.shape_cast %swap3A_292 : vector<1x16xf32> to vector<16xf32>
        %swap3A_294 = vector.shape_cast %max3A_289 : vector<16xf32> to vector<1x16xf32>
        tpu.vector_store %arg12[%swap3A_290, %swap3A_291], %swap3A_294 {strides = array<i32>} : memref<64x128xf32, #tpu.memory_space<vmem>>, vector<1x16xf32>,
        %scan3A_295 = arith.constant 0 : i32
        scf.yield %scan3A_295 : i32
      }
      %scan3A_129 = arith.constant 64 : i32
      %dma_start3A_130 = arith.constant 0 : i32
      %dma_start3A_131 = tpu.memref_slice %arg8[%add3A_105, %dma_start3A_130] : memref<64x64xi32, #tpu.memory_space<vmem>> -> memref<1x64xi32, #tpu.memory_space<vmem>>
      %dma_start3A_132 = tpu.memref_squeeze %dma_start3A_131 : memref<1x64xi32, #tpu.memory_space<vmem>> -> memref<64xi32, #tpu.memory_space<vmem>>
      %dma_start3A_133 = arith.constant 0 : i32
      %dma_start3A_134 = arith.constant 0 : i32
      %dma_start3A_135 = tpu.memref_slice %arg13[%dma_start3A_133, %dma_start3A_134] : memref<8192x128xf32, #tpu.memory_space<vmem_shared>> -> memref<8192x128xf32, #tpu.memory_space<vmem_shared>>
      tpu.enqueue_indirect_dma source(%arg12 : memref<64x128xf32, #tpu.memory_space<vmem>>) target(%dma_start3A_135 : memref<8192x128xf32, #tpu.memory_space<vmem_shared>>) offsets(%dma_start3A_132 : memref<64xi32, #tpu.memory_space<vmem>>) semaphore(%arg17 : memref<!tpu.dma_semaphore, #tpu.memory_space<semaphore_mem>>) {add = true}
      %add3A_136 = arith.constant 2 : i32
      %add3A_137 = arith.addi %add3A_105, %add3A_136 : i32
      %lt3A_138 = arith.constant 64 : i32
      %lt3A_139 = arith.cmpi slt, %add3A_137, %lt3A_138 : i32
      %convert_element_type3A_140 = arith.extui %lt3A_139 : i1 to i32
      %cond3A_141 = arith.constant 0 : i32
      %cond3A_142 = arith.cmpi ne, %convert_element_type3A_140, %cond3A_141 : i32
      scf.if %cond3A_142 {
        %add3A_144 = arith.constant 2 : i32
        %add3A_145 = arith.addi %add3A_105, %add3A_144 : i32
        %dma_start3A_146 = arith.constant 0 : i32
        %dma_start3A_147 = tpu.memref_slice %arg8[%add3A_145, %dma_start3A_146] : memref<64x64xi32, #tpu.memory_space<vmem>> -> memref<1x64xi32, #tpu.memory_space<vmem>>
        %dma_start3A_148 = tpu.memref_squeeze %dma_start3A_147 : memref<1x64xi32, #tpu.memory_space<vmem>> -> memref<64xi32, #tpu.memory_space<vmem>>
        %dma_start3A_149 = arith.constant 0 : i32
        %dma_start3A_150 = arith.constant 0 : i32
        %dma_start3A_151 = tpu.memref_slice %arg3[%dma_start3A_149, %dma_start3A_150] : memref<8192x128xf32, #tpu.memory_space<hbm>> -> memref<8192x128xf32, #tpu.memory_space<hbm>>
        tpu.enqueue_indirect_dma source(%dma_start3A_151 : memref<8192x128xf32, #tpu.memory_space<hbm>>) target(%arg10 : memref<64x128xf32, #tpu.memory_space<vmem>>) offsets(%dma_start3A_148 : memref<64xi32, #tpu.memory_space<vmem>>) semaphore(%arg15 : memref<!tpu.dma_semaphore, #tpu.memory_space<semaphore_mem>>)
        %add3A_152 = arith.constant 2 : i32
        %add3A_153 = arith.addi %add3A_105, %add3A_152 : i32
        %mul3A_154 = arith.constant 4 : i32
        %mul3A_155 = arith.muli %add3A_153, %mul3A_154 : i32
        %add3A_156 = arith.addi %mul3A_2, %mul3A_155 : i32
        %dma_start3A_157 = arith.constant 0 : i32
        %dma_start3A_158 = tpu.memref_slice %arg2[%add3A_156, %dma_start3A_157] : memref<8192x128xf32, #tpu.memory_space<hbm>> -> memref<4x128xf32, #tpu.memory_space<hbm>>
        %dma_start3A_159 = arith.constant 0 : i32
        %dma_start3A_160 = tpu.memref_slice %arg2[%add3A_156, %dma_start3A_159] : memref<8192x128xf32, #tpu.memory_space<hbm>> -> memref<4x128xf32, #tpu.memory_space<hbm>>
        tpu.enqueue_dma source(%dma_start3A_160 : memref<4x128xf32, #tpu.memory_space<hbm>>) target(%arg7 : memref<4x128xf32, #tpu.memory_space<vmem>>) target_semaphore(%arg19 : memref<!tpu.dma_semaphore, #tpu.memory_space<semaphore_mem>>)
      } else {
      }
      %scan3A_143 = arith.constant 0 : i32
      scf.yield %scan3A_143 : i32
    }
    %scan3A_46 = arith.constant 32 : i32
    %dma_wait3A = arith.constant 0 : i32
    %dma_wait3A_47 = arith.constant 0 : i32
    %dma_wait3A_48 = tpu.memref_slice %arg8[%dma_wait3A, %dma_wait3A_47] : memref<64x64xi32, #tpu.memory_space<vmem>> -> memref<1x64xi32, #tpu.memory_space<vmem>>
    %dma_wait3A_49 = tpu.memref_squeeze %dma_wait3A_48 : memref<1x64xi32, #tpu.memory_space<vmem>> -> memref<64xi32, #tpu.memory_space<vmem>>
    %dma_wait3A_50 = arith.constant 0 : i32
    %dma_wait3A_51 = arith.constant 0 : i32
    %dma_wait3A_52 = tpu.memref_slice %arg13[%dma_wait3A_50, %dma_wait3A_51] : memref<8192x128xf32, #tpu.memory_space<vmem_shared>> -> memref<8192x128xf32, #tpu.memory_space<vmem_shared>>
    tpu.wait_indirect_dma semaphore(%arg16 : memref<!tpu.dma_semaphore, #tpu.memory_space<semaphore_mem>>) src(%arg11 : memref<64x128xf32, #tpu.memory_space<vmem>>) dst(%dma_wait3A_52 : memref<8192x128xf32, #tpu.memory_space<vmem_shared>>)
    %dma_wait3A_53 = arith.constant 1 : i32
    %dma_wait3A_54 = arith.constant 0 : i32
    %dma_wait3A_55 = tpu.memref_slice %arg8[%dma_wait3A_53, %dma_wait3A_54] : memref<64x64xi32, #tpu.memory_space<vmem>> -> memref<1x64xi32, #tpu.memory_space<vmem>>
    %dma_wait3A_56 = tpu.memref_squeeze %dma_wait3A_55 : memref<1x64xi32, #tpu.memory_space<vmem>> -> memref<64xi32, #tpu.memory_space<vmem>>
    %dma_wait3A_57 = arith.constant 0 : i32
    %dma_wait3A_58 = arith.constant 0 : i32
    %dma_wait3A_59 = tpu.memref_slice %arg13[%dma_wait3A_57, %dma_wait3A_58] : memref<8192x128xf32, #tpu.memory_space<vmem_shared>> -> memref<8192x128xf32, #tpu.memory_space<vmem_shared>>
    tpu.wait_indirect_dma semaphore(%arg17 : memref<!tpu.dma_semaphore, #tpu.memory_space<semaphore_mem>>) src(%arg12 : memref<64x128xf32, #tpu.memory_space<vmem>>) dst(%dma_wait3A_59 : memref<8192x128xf32, #tpu.memory_space<vmem_shared>>)
    %barrier3A_60 = arith.constant 0 : index
    tpu.barrier barrier_id(%barrier3A_60)
    %mul3A_61 = arith.constant 512 : i32
    %mul3A_62 = arith.muli %arg1, %mul3A_61 : i32
    "tpu.region"() ({
      %run_scoped3A = tpu.sem_alloc : memref<!tpu.dma_semaphore, #tpu.memory_space<semaphore_mem>>
      %dma_start3A_63 = arith.constant 0 : i32
      %dma_start3A_64 = tpu.memref_slice %arg5[%arg0, %mul3A_62, %dma_start3A_63] : memref<2x8192x128xf32, #tpu.memory_space<hbm>> -> memref<1x512x128xf32, #tpu.memory_space<hbm>>
      %dma_start3A_65 = tpu.memref_squeeze %dma_start3A_64 : memref<1x512x128xf32, #tpu.memory_space<hbm>> -> memref<512x128xf32, #tpu.memory_space<hbm>>
      %dma_start3A_66 = arith.constant 0 : i32
      %dma_start3A_67 = tpu.memref_slice %arg13[%mul3A_62, %dma_start3A_66] : memref<8192x128xf32, #tpu.memory_space<vmem_shared>> -> memref<512x128xf32, #tpu.memory_space<vmem_shared>>
      tpu.enqueue_dma source(%dma_start3A_67 : memref<512x128xf32, #tpu.memory_space<vmem_shared>>) target(%dma_start3A_65 : memref<512x128xf32, #tpu.memory_space<hbm>>) target_semaphore(%run_scoped3A : memref<!tpu.dma_semaphore, #tpu.memory_space<semaphore_mem>>)
      %dma_wait3A_68 = arith.constant 0 : i32
      %dma_wait3A_69 = tpu.memref_slice %arg5[%arg0, %mul3A_62, %dma_wait3A_68] : memref<2x8192x128xf32, #tpu.memory_space<hbm>> -> memref<1x512x128xf32, #tpu.memory_space<hbm>>
      %dma_wait3A_70 = tpu.memref_squeeze %dma_wait3A_69 : memref<1x512x128xf32, #tpu.memory_space<hbm>> -> memref<512x128xf32, #tpu.memory_space<hbm>>
      %dma_wait3A_71 = arith.constant 0 : i32
      %dma_wait3A_72 = tpu.memref_slice %arg13[%mul3A_62, %dma_wait3A_71] : memref<8192x128xf32, #tpu.memory_space<vmem_shared>> -> memref<512x128xf32, #tpu.memory_space<vmem_shared>>
      tpu.wait_dma2 semaphore(%run_scoped3A : memref<!tpu.dma_semaphore, #tpu.memory_space<semaphore_mem>>) src(%dma_wait3A_72 : memref<512x128xf32, #tpu.memory_space<vmem_shared>>) dst(%dma_wait3A_70 : memref<512x128xf32, #tpu.memory_space<hbm>>)
      tpu.yield
    }) : () -> ()
    return
  }
}

#map = affine_map<(d0, d1) -> (0)>
#map1 = affine_map<(d0, d1) -> (0, 0, 0)>
module attributes {stable_mosaic.version = 14 : i64} {
  func.func @k(%arg0: i32, %arg1: i32, %arg2: memref<131072xi32, #tpu.memory_space<hbm>>, %arg3: memref<2x8192x128xf32, #tpu.memory_space<hbm>>, %arg4: memref<64xi32, #tpu.memory_space<vmem>>, %arg5: memref<64x128xf32, #tpu.memory_space<vmem>>, %arg6: memref<8192x128xf32, #tpu.memory_space<vmem_shared>>) attributes {dimension_semantics = [#tpu.dimension_semantics<core_parallel>, #tpu.dimension_semantics<subcore_parallel>], iteration_bounds = array<i64: 2, 16>, scalar_prefetch = 0 : i64, scratch_operands = 3 : i64, tpu.core_type = #tpu.core_type<sc_vector_subcore>, window_params = [{transform_indices = #map}, {transform_indices = #map1}]} {
    %mul3A = arith.constant 16 : i32
    %mul3A_0 = arith.muli %arg0, %mul3A : i32
    %add3A = arith.addi %mul3A_0, %arg1 : i32
    %broadcast_in_dim3A = arith.constant 0.000000e+00 : f32
    %broadcast_in_dim3A_1 = vector.broadcast %broadcast_in_dim3A : f32 to vector<16xf32>
    %broadcast_in_dim3A_2 = arith.constant 1.000000e+00 : f32
    %broadcast_in_dim3A_3 = vector.broadcast %broadcast_in_dim3A_2 : f32 to vector<16xf32>
    %scan3A = arith.constant 0 : i32
    %scan3A_4 = arith.constant 0 : i32
    %scan3A_5 = arith.constant 64 : i32
    %scan3A_6 = arith.addi %scan3A_4, %scan3A_5 : i32
    %scan3A_7 = arith.constant 1 : i32
    %scan3A_8 = scf.for %scan3A_34 = %scan3A_4 to %scan3A_6 step %scan3A_7 iter_args(%scan3A_35 = %scan3A) -> (i32)  : i32 {
      %swap3A = arith.index_cast %scan3A_34 : i32 to index
      %swap3A_36 = arith.constant 0 : index
      %swap3A_37 = tpu.vector_load %arg5[%swap3A, %swap3A_36] {strides = array<i32>} : memref<64x128xf32, #tpu.memory_space<vmem>>, vector<1x16xf32>,
      %swap3A_38 = vector.shape_cast %swap3A_37 : vector<1x16xf32> to vector<16xf32>
      %swap3A_39 = vector.shape_cast %broadcast_in_dim3A_1 : vector<16xf32> to vector<1x16xf32>
      tpu.vector_store %arg5[%swap3A, %swap3A_36], %swap3A_39 {strides = array<i32>} : memref<64x128xf32, #tpu.memory_space<vmem>>, vector<1x16xf32>,
      %swap3A_40 = arith.index_cast %scan3A_34 : i32 to index
      %swap3A_41 = arith.constant 16 : index
      %swap3A_42 = tpu.vector_load %arg5[%swap3A_40, %swap3A_41] {strides = array<i32>} : memref<64x128xf32, #tpu.memory_space<vmem>>, vector<1x16xf32>,
      %swap3A_43 = vector.shape_cast %swap3A_42 : vector<1x16xf32> to vector<16xf32>
      %swap3A_44 = vector.shape_cast %broadcast_in_dim3A_1 : vector<16xf32> to vector<1x16xf32>
      tpu.vector_store %arg5[%swap3A_40, %swap3A_41], %swap3A_44 {strides = array<i32>} : memref<64x128xf32, #tpu.memory_space<vmem>>, vector<1x16xf32>,
      %swap3A_45 = arith.index_cast %scan3A_34 : i32 to index
      %swap3A_46 = arith.constant 32 : index
      %swap3A_47 = tpu.vector_load %arg5[%swap3A_45, %swap3A_46] {strides = array<i32>} : memref<64x128xf32, #tpu.memory_space<vmem>>, vector<1x16xf32>,
      %swap3A_48 = vector.shape_cast %swap3A_47 : vector<1x16xf32> to vector<16xf32>
      %swap3A_49 = vector.shape_cast %broadcast_in_dim3A_1 : vector<16xf32> to vector<1x16xf32>
      tpu.vector_store %arg5[%swap3A_45, %swap3A_46], %swap3A_49 {strides = array<i32>} : memref<64x128xf32, #tpu.memory_space<vmem>>, vector<1x16xf32>,
      %swap3A_50 = arith.index_cast %scan3A_34 : i32 to index
      %swap3A_51 = arith.constant 48 : index
      %swap3A_52 = tpu.vector_load %arg5[%swap3A_50, %swap3A_51] {strides = array<i32>} : memref<64x128xf32, #tpu.memory_space<vmem>>, vector<1x16xf32>,
      %swap3A_53 = vector.shape_cast %swap3A_52 : vector<1x16xf32> to vector<16xf32>
      %swap3A_54 = vector.shape_cast %broadcast_in_dim3A_1 : vector<16xf32> to vector<1x16xf32>
      tpu.vector_store %arg5[%swap3A_50, %swap3A_51], %swap3A_54 {strides = array<i32>} : memref<64x128xf32, #tpu.memory_space<vmem>>, vector<1x16xf32>,
      %swap3A_55 = arith.index_cast %scan3A_34 : i32 to index
      %swap3A_56 = arith.constant 64 : index
      %swap3A_57 = tpu.vector_load %arg5[%swap3A_55, %swap3A_56] {strides = array<i32>} : memref<64x128xf32, #tpu.memory_space<vmem>>, vector<1x16xf32>,
      %swap3A_58 = vector.shape_cast %swap3A_57 : vector<1x16xf32> to vector<16xf32>
      %swap3A_59 = vector.shape_cast %broadcast_in_dim3A_1 : vector<16xf32> to vector<1x16xf32>
      tpu.vector_store %arg5[%swap3A_55, %swap3A_56], %swap3A_59 {strides = array<i32>} : memref<64x128xf32, #tpu.memory_space<vmem>>, vector<1x16xf32>,
      %swap3A_60 = arith.index_cast %scan3A_34 : i32 to index
      %swap3A_61 = arith.constant 80 : index
      %swap3A_62 = tpu.vector_load %arg5[%swap3A_60, %swap3A_61] {strides = array<i32>} : memref<64x128xf32, #tpu.memory_space<vmem>>, vector<1x16xf32>,
      %swap3A_63 = vector.shape_cast %swap3A_62 : vector<1x16xf32> to vector<16xf32>
      %swap3A_64 = vector.shape_cast %broadcast_in_dim3A_1 : vector<16xf32> to vector<1x16xf32>
      tpu.vector_store %arg5[%swap3A_60, %swap3A_61], %swap3A_64 {strides = array<i32>} : memref<64x128xf32, #tpu.memory_space<vmem>>, vector<1x16xf32>,
      %swap3A_65 = arith.index_cast %scan3A_34 : i32 to index
      %swap3A_66 = arith.constant 96 : index
      %swap3A_67 = tpu.vector_load %arg5[%swap3A_65, %swap3A_66] {strides = array<i32>} : memref<64x128xf32, #tpu.memory_space<vmem>>, vector<1x16xf32>,
      %swap3A_68 = vector.shape_cast %swap3A_67 : vector<1x16xf32> to vector<16xf32>
      %swap3A_69 = vector.shape_cast %broadcast_in_dim3A_1 : vector<16xf32> to vector<1x16xf32>
      tpu.vector_store %arg5[%swap3A_65, %swap3A_66], %swap3A_69 {strides = array<i32>} : memref<64x128xf32, #tpu.memory_space<vmem>>, vector<1x16xf32>,
      %swap3A_70 = arith.index_cast %scan3A_34 : i32 to index
      %swap3A_71 = arith.constant 112 : index
      %swap3A_72 = tpu.vector_load %arg5[%swap3A_70, %swap3A_71] {strides = array<i32>} : memref<64x128xf32, #tpu.memory_space<vmem>>, vector<1x16xf32>,
      %swap3A_73 = vector.shape_cast %swap3A_72 : vector<1x16xf32> to vector<16xf32>
      %swap3A_74 = vector.shape_cast %broadcast_in_dim3A_1 : vector<16xf32> to vector<1x16xf32>
      tpu.vector_store %arg5[%swap3A_70, %swap3A_71], %swap3A_74 {strides = array<i32>} : memref<64x128xf32, #tpu.memory_space<vmem>>, vector<1x16xf32>,
      %scan3A_75 = arith.constant 0 : i32
      scf.yield %scan3A_75 : i32
    }
    %scan3A_9 = arith.constant 64 : i32
    %scan3A_10 = arith.constant 0 : i32
    %scan3A_11 = arith.constant 0 : i32
    %scan3A_12 = arith.constant 8 : i32
    %scan3A_13 = arith.addi %scan3A_11, %scan3A_12 : i32
    %scan3A_14 = arith.constant 1 : i32
    %scan3A_15 = scf.for %scan3A_34 = %scan3A_11 to %scan3A_13 step %scan3A_14 iter_args(%scan3A_35 = %scan3A_10) -> (i32)  : i32 {
      %mul3A_36 = arith.constant 512 : i32
      %mul3A_37 = arith.muli %arg1, %mul3A_36 : i32
      %mul3A_38 = arith.constant 64 : i32
      %mul3A_39 = arith.muli %scan3A_34, %mul3A_38 : i32
      %add3A_40 = arith.addi %mul3A_37, %mul3A_39 : i32
      "tpu.region"() ({
        %run_scoped3A = tpu.sem_alloc : memref<!tpu.dma_semaphore, #tpu.memory_space<semaphore_mem>>
        %dma_start3A = arith.constant 0 : i32
        %dma_start3A_42 = tpu.memref_slice %arg6[%add3A_40, %dma_start3A] : memref<8192x128xf32, #tpu.memory_space<vmem_shared>> -> memref<64x128xf32, #tpu.memory_space<vmem_shared>>
        %dma_start3A_43 = arith.constant 0 : i32
        %dma_start3A_44 = tpu.memref_slice %arg6[%add3A_40, %dma_start3A_43] : memref<8192x128xf32, #tpu.memory_space<vmem_shared>> -> memref<64x128xf32, #tpu.memory_space<vmem_shared>>
        tpu.enqueue_dma source(%arg5 : memref<64x128xf32, #tpu.memory_space<vmem>>) target(%dma_start3A_44 : memref<64x128xf32, #tpu.memory_space<vmem_shared>>) target_semaphore(%run_scoped3A : memref<!tpu.dma_semaphore, #tpu.memory_space<semaphore_mem>>)
        %dma_wait3A = arith.constant 0 : i32
        %dma_wait3A_45 = tpu.memref_slice %arg6[%add3A_40, %dma_wait3A] : memref<8192x128xf32, #tpu.memory_space<vmem_shared>> -> memref<64x128xf32, #tpu.memory_space<vmem_shared>>
        %dma_wait3A_46 = arith.constant 0 : i32
        %dma_wait3A_47 = tpu.memref_slice %arg6[%add3A_40, %dma_wait3A_46] : memref<8192x128xf32, #tpu.memory_space<vmem_shared>> -> memref<64x128xf32, #tpu.memory_space<vmem_shared>>
        tpu.wait_dma2 semaphore(%run_scoped3A : memref<!tpu.dma_semaphore, #tpu.memory_space<semaphore_mem>>) src(%arg5 : memref<64x128xf32, #tpu.memory_space<vmem>>) dst(%dma_wait3A_47 : memref<64x128xf32, #tpu.memory_space<vmem_shared>>)
        tpu.yield
      }) : () -> ()
      %scan3A_41 = arith.constant 0 : i32
      scf.yield %scan3A_41 : i32
    }
    %scan3A_16 = arith.constant 8 : i32
    %scan3A_17 = arith.constant 0 : i32
    %scan3A_18 = arith.constant 0 : i32
    %scan3A_19 = arith.constant 64 : i32
    %scan3A_20 = arith.addi %scan3A_18, %scan3A_19 : i32
    %scan3A_21 = arith.constant 1 : i32
    %scan3A_22 = scf.for %scan3A_34 = %scan3A_18 to %scan3A_20 step %scan3A_21 iter_args(%scan3A_35 = %scan3A_17) -> (i32)  : i32 {
      %swap3A = arith.index_cast %scan3A_34 : i32 to index
      %swap3A_36 = arith.constant 0 : index
      %swap3A_37 = tpu.vector_load %arg5[%swap3A, %swap3A_36] {strides = array<i32>} : memref<64x128xf32, #tpu.memory_space<vmem>>, vector<1x16xf32>,
      %swap3A_38 = vector.shape_cast %swap3A_37 : vector<1x16xf32> to vector<16xf32>
      %swap3A_39 = vector.shape_cast %broadcast_in_dim3A_3 : vector<16xf32> to vector<1x16xf32>
      tpu.vector_store %arg5[%swap3A, %swap3A_36], %swap3A_39 {strides = array<i32>} : memref<64x128xf32, #tpu.memory_space<vmem>>, vector<1x16xf32>,
      %scan3A_40 = arith.constant 0 : i32
      scf.yield %scan3A_40 : i32
    }
    %scan3A_23 = arith.constant 64 : i32
    %barrier3A = arith.constant 0 : index
    tpu.barrier barrier_id(%barrier3A)
    %scan3A_24 = arith.constant 0 : i32
    %scan3A_25 = arith.constant 0 : i32
    %scan3A_26 = arith.constant 64 : i32
    %scan3A_27 = arith.addi %scan3A_25, %scan3A_26 : i32
    %scan3A_28 = arith.constant 1 : i32
    %scan3A_29 = scf.for %scan3A_34 = %scan3A_25 to %scan3A_27 step %scan3A_28 iter_args(%scan3A_35 = %scan3A_24) -> (i32)  : i32 {
      %mul3A_36 = arith.constant 4096 : i32
      %mul3A_37 = arith.muli %add3A, %mul3A_36 : i32
      %mul3A_38 = arith.constant 64 : i32
      %mul3A_39 = arith.muli %scan3A_34, %mul3A_38 : i32
      %add3A_40 = arith.addi %mul3A_37, %mul3A_39 : i32
      "tpu.region"() ({
        %run_scoped3A = tpu.sem_alloc : memref<!tpu.dma_semaphore, #tpu.memory_space<semaphore_mem>>
        %dma_start3A = tpu.memref_slice %arg2[%add3A_40] : memref<131072xi32, #tpu.memory_space<hbm>> -> memref<64xi32, #tpu.memory_space<hbm>>
        %dma_start3A_42 = tpu.memref_slice %arg2[%add3A_40] : memref<131072xi32, #tpu.memory_space<hbm>> -> memref<64xi32, #tpu.memory_space<hbm>>
        tpu.enqueue_dma source(%dma_start3A_42 : memref<64xi32, #tpu.memory_space<hbm>>) target(%arg4 : memref<64xi32, #tpu.memory_space<vmem>>) target_semaphore(%run_scoped3A : memref<!tpu.dma_semaphore, #tpu.memory_space<semaphore_mem>>)
        %dma_wait3A = tpu.memref_slice %arg2[%add3A_40] : memref<131072xi32, #tpu.memory_space<hbm>> -> memref<64xi32, #tpu.memory_space<hbm>>
        %dma_wait3A_43 = tpu.memref_slice %arg2[%add3A_40] : memref<131072xi32, #tpu.memory_space<hbm>> -> memref<64xi32, #tpu.memory_space<hbm>>
        tpu.wait_dma2 semaphore(%run_scoped3A : memref<!tpu.dma_semaphore, #tpu.memory_space<semaphore_mem>>) src(%dma_wait3A_43 : memref<64xi32, #tpu.memory_space<hbm>>) dst(%arg4 : memref<64xi32, #tpu.memory_space<vmem>>)
        tpu.yield
      }) : () -> ()
      "tpu.region"() ({
        %run_scoped3A = tpu.sem_alloc : memref<!tpu.dma_semaphore, #tpu.memory_space<semaphore_mem>>
        %dma_start3A = arith.constant 0 : i32
        %dma_start3A_42 = arith.constant 0 : i32
        %dma_start3A_43 = tpu.memref_slice %arg6[%dma_start3A, %dma_start3A_42] : memref<8192x128xf32, #tpu.memory_space<vmem_shared>> -> memref<8192x128xf32, #tpu.memory_space<vmem_shared>>
        tpu.enqueue_indirect_dma source(%arg5 : memref<64x128xf32, #tpu.memory_space<vmem>>) target(%dma_start3A_43 : memref<8192x128xf32, #tpu.memory_space<vmem_shared>>) offsets(%arg4 : memref<64xi32, #tpu.memory_space<vmem>>) semaphore(%run_scoped3A : memref<!tpu.dma_semaphore, #tpu.memory_space<semaphore_mem>>) {add = true}
        %dma_wait3A = arith.constant 0 : i32
        %dma_wait3A_44 = arith.constant 0 : i32
        %dma_wait3A_45 = tpu.memref_slice %arg6[%dma_wait3A, %dma_wait3A_44] : memref<8192x128xf32, #tpu.memory_space<vmem_shared>> -> memref<8192x128xf32, #tpu.memory_space<vmem_shared>>
        tpu.wait_indirect_dma semaphore(%run_scoped3A : memref<!tpu.dma_semaphore, #tpu.memory_space<semaphore_mem>>) src(%arg5 : memref<64x128xf32, #tpu.memory_space<vmem>>) dst(%dma_wait3A_45 : memref<8192x128xf32, #tpu.memory_space<vmem_shared>>)
        tpu.yield
      }) : () -> ()
      %scan3A_41 = arith.constant 0 : i32
      scf.yield %scan3A_41 : i32
    }
    %scan3A_30 = arith.constant 64 : i32
    %barrier3A_31 = arith.constant 0 : index
    tpu.barrier barrier_id(%barrier3A_31)
    %mul3A_32 = arith.constant 512 : i32
    %mul3A_33 = arith.muli %arg1, %mul3A_32 : i32
    "tpu.region"() ({
      %run_scoped3A = tpu.sem_alloc : memref<!tpu.dma_semaphore, #tpu.memory_space<semaphore_mem>>
      %dma_start3A = arith.constant 0 : i32
      %dma_start3A_34 = tpu.memref_slice %arg3[%arg0, %mul3A_33, %dma_start3A] : memref<2x8192x128xf32, #tpu.memory_space<hbm>> -> memref<1x512x128xf32, #tpu.memory_space<hbm>>
      %dma_start3A_35 = tpu.memref_squeeze %dma_start3A_34 : memref<1x512x128xf32, #tpu.memory_space<hbm>> -> memref<512x128xf32, #tpu.memory_space<hbm>>
      %dma_start3A_36 = arith.constant 0 : i32
      %dma_start3A_37 = tpu.memref_slice %arg6[%mul3A_33, %dma_start3A_36] : memref<8192x128xf32, #tpu.memory_space<vmem_shared>> -> memref<512x128xf32, #tpu.memory_space<vmem_shared>>
      tpu.enqueue_dma source(%dma_start3A_37 : memref<512x128xf32, #tpu.memory_space<vmem_shared>>) target(%dma_start3A_35 : memref<512x128xf32, #tpu.memory_space<hbm>>) target_semaphore(%run_scoped3A : memref<!tpu.dma_semaphore, #tpu.memory_space<semaphore_mem>>)
      %dma_wait3A = arith.constant 0 : i32
      %dma_wait3A_38 = tpu.memref_slice %arg3[%arg0, %mul3A_33, %dma_wait3A] : memref<2x8192x128xf32, #tpu.memory_space<hbm>> -> memref<1x512x128xf32, #tpu.memory_space<hbm>>
      %dma_wait3A_39 = tpu.memref_squeeze %dma_wait3A_38 : memref<1x512x128xf32, #tpu.memory_space<hbm>> -> memref<512x128xf32, #tpu.memory_space<hbm>>
      %dma_wait3A_40 = arith.constant 0 : i32
      %dma_wait3A_41 = tpu.memref_slice %arg6[%mul3A_33, %dma_wait3A_40] : memref<8192x128xf32, #tpu.memory_space<vmem_shared>> -> memref<512x128xf32, #tpu.memory_space<vmem_shared>>
      tpu.wait_dma2 semaphore(%run_scoped3A : memref<!tpu.dma_semaphore, #tpu.memory_space<semaphore_mem>>) src(%dma_wait3A_41 : memref<512x128xf32, #tpu.memory_space<vmem_shared>>) dst(%dma_wait3A_39 : memref<512x128xf32, #tpu.memory_space<hbm>>)
      tpu.yield
    }) : () -> ()
    return
  }
}

#map = affine_map<(d0, d1) -> (0, 0)>
#map1 = affine_map<(d0, d1) -> (0, 0, 0)>
module attributes {stable_mosaic.version = 14 : i64} {
  func.func @k(%arg0: i32, %arg1: i32, %arg2: memref<8192x128xf32, #tpu.memory_space<hbm>>, %arg3: memref<8192x128xf32, #tpu.memory_space<hbm>>, %arg4: memref<32x64x64xi32, #tpu.memory_space<hbm>>, %arg5: memref<2x8192x128xf32, #tpu.memory_space<hbm>>, %arg6: memref<4x128xf32, #tpu.memory_space<vmem>>, %arg7: memref<4x128xf32, #tpu.memory_space<vmem>>, %arg8: memref<64x64xi32, #tpu.memory_space<vmem>>, %arg9: memref<64x128xf32, #tpu.memory_space<vmem>>, %arg10: memref<64x128xf32, #tpu.memory_space<vmem>>, %arg11: memref<64x128xf32, #tpu.memory_space<vmem>>, %arg12: memref<64x128xf32, #tpu.memory_space<vmem>>, %arg13: memref<8192x128xf32, #tpu.memory_space<vmem_shared>>, %arg14: memref<!tpu.dma_semaphore, #tpu.memory_space<semaphore_mem>>, %arg15: memref<!tpu.dma_semaphore, #tpu.memory_space<semaphore_mem>>, %arg16: memref<!tpu.dma_semaphore, #tpu.memory_space<semaphore_mem>>, %arg17: memref<!tpu.dma_semaphore, #tpu.memory_space<semaphore_mem>>, %arg18: memref<!tpu.dma_semaphore, #tpu.memory_space<semaphore_mem>>, %arg19: memref<!tpu.dma_semaphore, #tpu.memory_space<semaphore_mem>>) attributes {dimension_semantics = [#tpu.dimension_semantics<core_parallel>, #tpu.dimension_semantics<subcore_parallel>], iteration_bounds = array<i64: 2, 16>, scalar_prefetch = 0 : i64, scratch_operands = 14 : i64, tpu.core_type = #tpu.core_type<sc_vector_subcore>, window_params = [{transform_indices = #map}, {transform_indices = #map}, {transform_indices = #map1}, {transform_indices = #map1}]} {
    %mul3A = arith.constant 16 : i32
    %mul3A_0 = arith.muli %arg0, %mul3A : i32
    %add3A = arith.addi %mul3A_0, %arg1 : i32
    %mul3A_1 = arith.constant 256 : i32
    %mul3A_2 = arith.muli %add3A, %mul3A_1 : i32
    %broadcast_in_dim3A = arith.constant 0.000000e+00 : f32
    %broadcast_in_dim3A_3 = vector.broadcast %broadcast_in_dim3A : f32 to vector<16xf32>
    %scan3A = arith.constant 0 : i32
    %scan3A_4 = arith.constant 0 : i32
    %scan3A_5 = arith.constant 64 : i32
    %scan3A_6 = arith.addi %scan3A_4, %scan3A_5 : i32
    %scan3A_7 = arith.constant 1 : i32
    %scan3A_8 = scf.for %scan3A_63 = %scan3A_4 to %scan3A_6 step %scan3A_7 iter_args(%scan3A_64 = %scan3A) -> (i32)  : i32 {
      %swap3A = arith.index_cast %scan3A_63 : i32 to index
      %swap3A_65 = arith.constant 0 : index
      %swap3A_66 = tpu.vector_load %arg11[%swap3A, %swap3A_65] {strides = array<i32>} : memref<64x128xf32, #tpu.memory_space<vmem>>, vector<1x16xf32>,
      %swap3A_67 = vector.shape_cast %swap3A_66 : vector<1x16xf32> to vector<16xf32>
      %swap3A_68 = vector.shape_cast %broadcast_in_dim3A_3 : vector<16xf32> to vector<1x16xf32>
      tpu.vector_store %arg11[%swap3A, %swap3A_65], %swap3A_68 {strides = array<i32>} : memref<64x128xf32, #tpu.memory_space<vmem>>, vector<1x16xf32>,
      %swap3A_69 = arith.index_cast %scan3A_63 : i32 to index
      %swap3A_70 = arith.constant 16 : index
      %swap3A_71 = tpu.vector_load %arg11[%swap3A_69, %swap3A_70] {strides = array<i32>} : memref<64x128xf32, #tpu.memory_space<vmem>>, vector<1x16xf32>,
      %swap3A_72 = vector.shape_cast %swap3A_71 : vector<1x16xf32> to vector<16xf32>
      %swap3A_73 = vector.shape_cast %broadcast_in_dim3A_3 : vector<16xf32> to vector<1x16xf32>
      tpu.vector_store %arg11[%swap3A_69, %swap3A_70], %swap3A_73 {strides = array<i32>} : memref<64x128xf32, #tpu.memory_space<vmem>>, vector<1x16xf32>,
      %swap3A_74 = arith.index_cast %scan3A_63 : i32 to index
      %swap3A_75 = arith.constant 32 : index
      %swap3A_76 = tpu.vector_load %arg11[%swap3A_74, %swap3A_75] {strides = array<i32>} : memref<64x128xf32, #tpu.memory_space<vmem>>, vector<1x16xf32>,
      %swap3A_77 = vector.shape_cast %swap3A_76 : vector<1x16xf32> to vector<16xf32>
      %swap3A_78 = vector.shape_cast %broadcast_in_dim3A_3 : vector<16xf32> to vector<1x16xf32>
      tpu.vector_store %arg11[%swap3A_74, %swap3A_75], %swap3A_78 {strides = array<i32>} : memref<64x128xf32, #tpu.memory_space<vmem>>, vector<1x16xf32>,
      %swap3A_79 = arith.index_cast %scan3A_63 : i32 to index
      %swap3A_80 = arith.constant 48 : index
      %swap3A_81 = tpu.vector_load %arg11[%swap3A_79, %swap3A_80] {strides = array<i32>} : memref<64x128xf32, #tpu.memory_space<vmem>>, vector<1x16xf32>,
      %swap3A_82 = vector.shape_cast %swap3A_81 : vector<1x16xf32> to vector<16xf32>
      %swap3A_83 = vector.shape_cast %broadcast_in_dim3A_3 : vector<16xf32> to vector<1x16xf32>
      tpu.vector_store %arg11[%swap3A_79, %swap3A_80], %swap3A_83 {strides = array<i32>} : memref<64x128xf32, #tpu.memory_space<vmem>>, vector<1x16xf32>,
      %swap3A_84 = arith.index_cast %scan3A_63 : i32 to index
      %swap3A_85 = arith.constant 64 : index
      %swap3A_86 = tpu.vector_load %arg11[%swap3A_84, %swap3A_85] {strides = array<i32>} : memref<64x128xf32, #tpu.memory_space<vmem>>, vector<1x16xf32>,
      %swap3A_87 = vector.shape_cast %swap3A_86 : vector<1x16xf32> to vector<16xf32>
      %swap3A_88 = vector.shape_cast %broadcast_in_dim3A_3 : vector<16xf32> to vector<1x16xf32>
      tpu.vector_store %arg11[%swap3A_84, %swap3A_85], %swap3A_88 {strides = array<i32>} : memref<64x128xf32, #tpu.memory_space<vmem>>, vector<1x16xf32>,
      %swap3A_89 = arith.index_cast %scan3A_63 : i32 to index
      %swap3A_90 = arith.constant 80 : index
      %swap3A_91 = tpu.vector_load %arg11[%swap3A_89, %swap3A_90] {strides = array<i32>} : memref<64x128xf32, #tpu.memory_space<vmem>>, vector<1x16xf32>,
      %swap3A_92 = vector.shape_cast %swap3A_91 : vector<1x16xf32> to vector<16xf32>
      %swap3A_93 = vector.shape_cast %broadcast_in_dim3A_3 : vector<16xf32> to vector<1x16xf32>
      tpu.vector_store %arg11[%swap3A_89, %swap3A_90], %swap3A_93 {strides = array<i32>} : memref<64x128xf32, #tpu.memory_space<vmem>>, vector<1x16xf32>,
      %swap3A_94 = arith.index_cast %scan3A_63 : i32 to index
      %swap3A_95 = arith.constant 96 : index
      %swap3A_96 = tpu.vector_load %arg11[%swap3A_94, %swap3A_95] {strides = array<i32>} : memref<64x128xf32, #tpu.memory_space<vmem>>, vector<1x16xf32>,
      %swap3A_97 = vector.shape_cast %swap3A_96 : vector<1x16xf32> to vector<16xf32>
      %swap3A_98 = vector.shape_cast %broadcast_in_dim3A_3 : vector<16xf32> to vector<1x16xf32>
      tpu.vector_store %arg11[%swap3A_94, %swap3A_95], %swap3A_98 {strides = array<i32>} : memref<64x128xf32, #tpu.memory_space<vmem>>, vector<1x16xf32>,
      %swap3A_99 = arith.index_cast %scan3A_63 : i32 to index
      %swap3A_100 = arith.constant 112 : index
      %swap3A_101 = tpu.vector_load %arg11[%swap3A_99, %swap3A_100] {strides = array<i32>} : memref<64x128xf32, #tpu.memory_space<vmem>>, vector<1x16xf32>,
      %swap3A_102 = vector.shape_cast %swap3A_101 : vector<1x16xf32> to vector<16xf32>
      %swap3A_103 = vector.shape_cast %broadcast_in_dim3A_3 : vector<16xf32> to vector<1x16xf32>
      tpu.vector_store %arg11[%swap3A_99, %swap3A_100], %swap3A_103 {strides = array<i32>} : memref<64x128xf32, #tpu.memory_space<vmem>>, vector<1x16xf32>,
      %scan3A_104 = arith.constant 0 : i32
      scf.yield %scan3A_104 : i32
    }
    %scan3A_9 = arith.constant 64 : i32
    %scan3A_10 = arith.constant 0 : i32
    %scan3A_11 = arith.constant 0 : i32
    %scan3A_12 = arith.constant 8 : i32
    %scan3A_13 = arith.addi %scan3A_11, %scan3A_12 : i32
    %scan3A_14 = arith.constant 1 : i32
    %scan3A_15 = scf.for %scan3A_63 = %scan3A_11 to %scan3A_13 step %scan3A_14 iter_args(%scan3A_64 = %scan3A_10) -> (i32)  : i32 {
      %mul3A_65 = arith.constant 512 : i32
      %mul3A_66 = arith.muli %arg1, %mul3A_65 : i32
      %mul3A_67 = arith.constant 64 : i32
      %mul3A_68 = arith.muli %scan3A_63, %mul3A_67 : i32
      %add3A_69 = arith.addi %mul3A_66, %mul3A_68 : i32
      "tpu.region"() ({
        %run_scoped3A = tpu.sem_alloc : memref<!tpu.dma_semaphore, #tpu.memory_space<semaphore_mem>>
        %dma_start3A_71 = arith.constant 0 : i32
        %dma_start3A_72 = tpu.memref_slice %arg13[%add3A_69, %dma_start3A_71] : memref<8192x128xf32, #tpu.memory_space<vmem_shared>> -> memref<64x128xf32, #tpu.memory_space<vmem_shared>>
        %dma_start3A_73 = arith.constant 0 : i32
        %dma_start3A_74 = tpu.memref_slice %arg13[%add3A_69, %dma_start3A_73] : memref<8192x128xf32, #tpu.memory_space<vmem_shared>> -> memref<64x128xf32, #tpu.memory_space<vmem_shared>>
        tpu.enqueue_dma source(%arg11 : memref<64x128xf32, #tpu.memory_space<vmem>>) target(%dma_start3A_74 : memref<64x128xf32, #tpu.memory_space<vmem_shared>>) target_semaphore(%run_scoped3A : memref<!tpu.dma_semaphore, #tpu.memory_space<semaphore_mem>>)
        %dma_wait3A_75 = arith.constant 0 : i32
        %dma_wait3A_76 = tpu.memref_slice %arg13[%add3A_69, %dma_wait3A_75] : memref<8192x128xf32, #tpu.memory_space<vmem_shared>> -> memref<64x128xf32, #tpu.memory_space<vmem_shared>>
        %dma_wait3A_77 = arith.constant 0 : i32
        %dma_wait3A_78 = tpu.memref_slice %arg13[%add3A_69, %dma_wait3A_77] : memref<8192x128xf32, #tpu.memory_space<vmem_shared>> -> memref<64x128xf32, #tpu.memory_space<vmem_shared>>
        tpu.wait_dma2 semaphore(%run_scoped3A : memref<!tpu.dma_semaphore, #tpu.memory_space<semaphore_mem>>) src(%arg11 : memref<64x128xf32, #tpu.memory_space<vmem>>) dst(%dma_wait3A_78 : memref<64x128xf32, #tpu.memory_space<vmem_shared>>)
        tpu.yield
      }) : () -> ()
      %scan3A_70 = arith.constant 0 : i32
      scf.yield %scan3A_70 : i32
    }
    %scan3A_16 = arith.constant 8 : i32
    %barrier3A = arith.constant 0 : index
    tpu.barrier barrier_id(%barrier3A)
    "tpu.region"() ({
      %run_scoped3A = tpu.sem_alloc : memref<!tpu.dma_semaphore, #tpu.memory_space<semaphore_mem>>
      %dma_start3A_63 = arith.constant 0 : i32
      %dma_start3A_64 = arith.constant 0 : i32
      %dma_start3A_65 = tpu.memref_slice %arg4[%add3A, %dma_start3A_63, %dma_start3A_64] : memref<32x64x64xi32, #tpu.memory_space<hbm>> -> memref<1x64x64xi32, #tpu.memory_space<hbm>>
      %dma_start3A_66 = tpu.memref_squeeze %dma_start3A_65 : memref<1x64x64xi32, #tpu.memory_space<hbm>> -> memref<64x64xi32, #tpu.memory_space<hbm>>
      %dma_start3A_67 = arith.constant 0 : i32
      %dma_start3A_68 = arith.constant 0 : i32
      %dma_start3A_69 = tpu.memref_slice %arg4[%add3A, %dma_start3A_67, %dma_start3A_68] : memref<32x64x64xi32, #tpu.memory_space<hbm>> -> memref<1x64x64xi32, #tpu.memory_space<hbm>>
      %dma_start3A_70 = tpu.memref_squeeze %dma_start3A_69 : memref<1x64x64xi32, #tpu.memory_space<hbm>> -> memref<64x64xi32, #tpu.memory_space<hbm>>
      tpu.enqueue_dma source(%dma_start3A_70 : memref<64x64xi32, #tpu.memory_space<hbm>>) target(%arg8 : memref<64x64xi32, #tpu.memory_space<vmem>>) target_semaphore(%run_scoped3A : memref<!tpu.dma_semaphore, #tpu.memory_space<semaphore_mem>>)
      %dma_wait3A_71 = arith.constant 0 : i32
      %dma_wait3A_72 = arith.constant 0 : i32
      %dma_wait3A_73 = tpu.memref_slice %arg4[%add3A, %dma_wait3A_71, %dma_wait3A_72] : memref<32x64x64xi32, #tpu.memory_space<hbm>> -> memref<1x64x64xi32, #tpu.memory_space<hbm>>
      %dma_wait3A_74 = tpu.memref_squeeze %dma_wait3A_73 : memref<1x64x64xi32, #tpu.memory_space<hbm>> -> memref<64x64xi32, #tpu.memory_space<hbm>>
      %dma_wait3A_75 = arith.constant 0 : i32
      %dma_wait3A_76 = arith.constant 0 : i32
      %dma_wait3A_77 = tpu.memref_slice %arg4[%add3A, %dma_wait3A_75, %dma_wait3A_76] : memref<32x64x64xi32, #tpu.memory_space<hbm>> -> memref<1x64x64xi32, #tpu.memory_space<hbm>>
      %dma_wait3A_78 = tpu.memref_squeeze %dma_wait3A_77 : memref<1x64x64xi32, #tpu.memory_space<hbm>> -> memref<64x64xi32, #tpu.memory_space<hbm>>
      tpu.wait_dma2 semaphore(%run_scoped3A : memref<!tpu.dma_semaphore, #tpu.memory_space<semaphore_mem>>) src(%dma_wait3A_78 : memref<64x64xi32, #tpu.memory_space<hbm>>) dst(%arg8 : memref<64x64xi32, #tpu.memory_space<vmem>>)
      tpu.yield
    }) : () -> ()
    %dma_start3A = arith.constant 0 : i32
    %dma_start3A_17 = arith.constant 0 : i32
    %dma_start3A_18 = tpu.memref_slice %arg8[%dma_start3A, %dma_start3A_17] : memref<64x64xi32, #tpu.memory_space<vmem>> -> memref<1x64xi32, #tpu.memory_space<vmem>>
    %dma_start3A_19 = tpu.memref_squeeze %dma_start3A_18 : memref<1x64xi32, #tpu.memory_space<vmem>> -> memref<64xi32, #tpu.memory_space<vmem>>
    %dma_start3A_20 = arith.constant 0 : i32
    %dma_start3A_21 = arith.constant 0 : i32
    %dma_start3A_22 = tpu.memref_slice %arg3[%dma_start3A_20, %dma_start3A_21] : memref<8192x128xf32, #tpu.memory_space<hbm>> -> memref<8192x128xf32, #tpu.memory_space<hbm>>
    tpu.enqueue_indirect_dma source(%dma_start3A_22 : memref<8192x128xf32, #tpu.memory_space<hbm>>) target(%arg9 : memref<64x128xf32, #tpu.memory_space<vmem>>) offsets(%dma_start3A_19 : memref<64xi32, #tpu.memory_space<vmem>>) semaphore(%arg14 : memref<!tpu.dma_semaphore, #tpu.memory_space<semaphore_mem>>)
    %dma_start3A_23 = arith.constant 1 : i32
    %dma_start3A_24 = arith.constant 0 : i32
    %dma_start3A_25 = tpu.memref_slice %arg8[%dma_start3A_23, %dma_start3A_24] : memref<64x64xi32, #tpu.memory_space<vmem>> -> memref<1x64xi32, #tpu.memory_space<vmem>>
    %dma_start3A_26 = tpu.memref_squeeze %dma_start3A_25 : memref<1x64xi32, #tpu.memory_space<vmem>> -> memref<64xi32, #tpu.memory_space<vmem>>
    %dma_start3A_27 = arith.constant 0 : i32
    %dma_start3A_28 = arith.constant 0 : i32
    %dma_start3A_29 = tpu.memref_slice %arg3[%dma_start3A_27, %dma_start3A_28] : memref<8192x128xf32, #tpu.memory_space<hbm>> -> memref<8192x128xf32, #tpu.memory_space<hbm>>
    tpu.enqueue_indirect_dma source(%dma_start3A_29 : memref<8192x128xf32, #tpu.memory_space<hbm>>) target(%arg10 : memref<64x128xf32, #tpu.memory_space<vmem>>) offsets(%dma_start3A_26 : memref<64xi32, #tpu.memory_space<vmem>>) semaphore(%arg15 : memref<!tpu.dma_semaphore, #tpu.memory_space<semaphore_mem>>)
    %dma_start3A_30 = arith.constant 0 : i32
    %dma_start3A_31 = tpu.memref_slice %arg2[%mul3A_2, %dma_start3A_30] : memref<8192x128xf32, #tpu.memory_space<hbm>> -> memref<4x128xf32, #tpu.memory_space<hbm>>
    %dma_start3A_32 = arith.constant 0 : i32
    %dma_start3A_33 = tpu.memref_slice %arg2[%mul3A_2, %dma_start3A_32] : memref<8192x128xf32, #tpu.memory_space<hbm>> -> memref<4x128xf32, #tpu.memory_space<hbm>>
    tpu.enqueue_dma source(%dma_start3A_33 : memref<4x128xf32, #tpu.memory_space<hbm>>) target(%arg6 : memref<4x128xf32, #tpu.memory_space<vmem>>) target_semaphore(%arg18 : memref<!tpu.dma_semaphore, #tpu.memory_space<semaphore_mem>>)
    %add3A_34 = arith.constant 4 : i32
    %add3A_35 = arith.addi %mul3A_2, %add3A_34 : i32
    %dma_start3A_36 = arith.constant 0 : i32
    %dma_start3A_37 = tpu.memref_slice %arg2[%add3A_35, %dma_start3A_36] : memref<8192x128xf32, #tpu.memory_space<hbm>> -> memref<4x128xf32, #tpu.memory_space<hbm>>
    %dma_start3A_38 = arith.constant 0 : i32
    %dma_start3A_39 = tpu.memref_slice %arg2[%add3A_35, %dma_start3A_38] : memref<8192x128xf32, #tpu.memory_space<hbm>> -> memref<4x128xf32, #tpu.memory_space<hbm>>
    tpu.enqueue_dma source(%dma_start3A_39 : memref<4x128xf32, #tpu.memory_space<hbm>>) target(%arg7 : memref<4x128xf32, #tpu.memory_space<vmem>>) target_semaphore(%arg19 : memref<!tpu.dma_semaphore, #tpu.memory_space<semaphore_mem>>)
    %scan3A_40 = arith.constant 0 : i32
    %scan3A_41 = arith.constant 0 : i32
    %scan3A_42 = arith.constant 32 : i32
    %scan3A_43 = arith.addi %scan3A_41, %scan3A_42 : i32
    %scan3A_44 = arith.constant 1 : i32
    %scan3A_45 = scf.for %scan3A_63 = %scan3A_41 to %scan3A_43 step %scan3A_44 iter_args(%scan3A_64 = %scan3A_40) -> (i32)  : i32 {
      %mul3A_65 = arith.constant 2 : i32
      %mul3A_66 = arith.muli %scan3A_63, %mul3A_65 : i32
      %add3A_67 = arith.constant 0 : i32
      %add3A_68 = arith.addi %mul3A_66, %add3A_67 : i32
      %dma_wait3A_69 = arith.constant 0 : i32
      %dma_wait3A_70 = tpu.memref_slice %arg8[%add3A_68, %dma_wait3A_69] : memref<64x64xi32, #tpu.memory_space<vmem>> -> memref<1x64xi32, #tpu.memory_space<vmem>>
      %dma_wait3A_71 = tpu.memref_squeeze %dma_wait3A_70 : memref<1x64xi32, #tpu.memory_space<vmem>> -> memref<64xi32, #tpu.memory_space<vmem>>
      %dma_wait3A_72 = arith.constant 0 : i32
      %dma_wait3A_73 = arith.constant 0 : i32
      %dma_wait3A_74 = tpu.memref_slice %arg3[%dma_wait3A_72, %dma_wait3A_73] : memref<8192x128xf32, #tpu.memory_space<hbm>> -> memref<8192x128xf32, #tpu.memory_space<hbm>>
      tpu.wait_indirect_dma semaphore(%arg14 : memref<!tpu.dma_semaphore, #tpu.memory_space<semaphore_mem>>) src(%dma_wait3A_74 : memref<8192x128xf32, #tpu.memory_space<hbm>>) dst(%arg9 : memref<64x128xf32, #tpu.memory_space<vmem>>)
      %dma_wait3A_75 = arith.constant 0 : i32
      %dma_wait3A_76 = arith.constant 0 : i32
      %dma_wait3A_77 = tpu.memref_slice %arg2[%dma_wait3A_75, %dma_wait3A_76] : memref<8192x128xf32, #tpu.memory_space<hbm>> -> memref<4x128xf32, #tpu.memory_space<hbm>>
      %dma_wait3A_78 = arith.constant 0 : i32
      %dma_wait3A_79 = arith.constant 0 : i32
      %dma_wait3A_80 = tpu.memref_slice %arg2[%dma_wait3A_78, %dma_wait3A_79] : memref<8192x128xf32, #tpu.memory_space<hbm>> -> memref<4x128xf32, #tpu.memory_space<hbm>>
      tpu.wait_dma2 semaphore(%arg18 : memref<!tpu.dma_semaphore, #tpu.memory_space<semaphore_mem>>) src(%dma_wait3A_80 : memref<4x128xf32, #tpu.memory_space<hbm>>) dst(%arg6 : memref<4x128xf32, #tpu.memory_space<vmem>>)
      %gt3A = arith.constant 0 : i32
      %gt3A_81 = arith.cmpi sgt, %scan3A_63, %gt3A : i32
      %convert_element_type3A = arith.extui %gt3A_81 : i1 to i32
      %cond3A = arith.constant 0 : i32
      %cond3A_82 = arith.cmpi ne, %convert_element_type3A, %cond3A : i32
      scf.if %cond3A_82 {
        %dma_wait3A_144 = arith.constant 0 : i32
        %dma_wait3A_145 = tpu.memref_slice %arg8[%add3A_68, %dma_wait3A_144] : memref<64x64xi32, #tpu.memory_space<vmem>> -> memref<1x64xi32, #tpu.memory_space<vmem>>
        %dma_wait3A_146 = tpu.memref_squeeze %dma_wait3A_145 : memref<1x64xi32, #tpu.memory_space<vmem>> -> memref<64xi32, #tpu.memory_space<vmem>>
        %dma_wait3A_147 = arith.constant 0 : i32
        %dma_wait3A_148 = arith.constant 0 : i32
        %dma_wait3A_149 = tpu.memref_slice %arg13[%dma_wait3A_147, %dma_wait3A_148] : memref<8192x128xf32, #tpu.memory_space<vmem_shared>> -> memref<8192x128xf32, #tpu.memory_space<vmem_shared>>
        tpu.wait_indirect_dma semaphore(%arg16 : memref<!tpu.dma_semaphore, #tpu.memory_space<semaphore_mem>>) src(%arg11 : memref<64x128xf32, #tpu.memory_space<vmem>>) dst(%dma_wait3A_149 : memref<8192x128xf32, #tpu.memory_space<vmem_shared>>)
      } else {
      }
      %scan3A_83 = arith.constant 0 : i32
      %scan3A_84 = arith.constant 0 : i32
      %scan3A_85 = arith.constant 64 : i32
      %scan3A_86 = arith.addi %scan3A_84, %scan3A_85 : i32
      %scan3A_87 = arith.constant 1 : i32
      %scan3A_88 = scf.for %scan3A_144 = %scan3A_84 to %scan3A_86 step %scan3A_87 iter_args(%scan3A_145 = %scan3A_83) -> (i32)  : i32 {
        %jit3A = arith.constant 16 : i32
        %div3A = arith.divsi %scan3A_144, %jit3A : i32
        %sign3A = arith.constant 0 : i32
        %sign3A_146 = arith.cmpi sgt, %scan3A_144, %sign3A : i32
        %sign3A_147 = arith.extui %sign3A_146 : i1 to i32
        %sign3A_148 = arith.constant 0 : i32
        %sign3A_149 = arith.cmpi slt, %scan3A_144, %sign3A_148 : i32
        %sign3A_150 = arith.extui %sign3A_149 : i1 to i32
        %sign3A_151 = arith.subi %sign3A_147, %sign3A_150 : i32
        %sign3A_152 = arith.constant 0 : i32
        %sign3A_153 = arith.cmpi sgt, %jit3A, %sign3A_152 : i32
        %sign3A_154 = arith.extui %sign3A_153 : i1 to i32
        %sign3A_155 = arith.constant 0 : i32
        %sign3A_156 = arith.cmpi slt, %jit3A, %sign3A_155 : i32
        %sign3A_157 = arith.extui %sign3A_156 : i1 to i32
        %sign3A_158 = arith.subi %sign3A_154, %sign3A_157 : i32
        %ne3A = arith.cmpi ne, %sign3A_151, %sign3A_158 : i32
        %rem3A = arith.remsi %scan3A_144, %jit3A : i32
        %ne3A_159 = arith.constant 0 : i32
        %ne3A_160 = arith.cmpi ne, %rem3A, %ne3A_159 : i32
        %and3A = arith.andi %ne3A, %ne3A_160 : i1
        %sub3A = arith.constant 1 : i32
        %sub3A_161 = arith.subi %div3A, %sub3A : i32
        %select_n3A = arith.select %and3A, %sub3A_161, %div3A : i32
        %get3A = arith.index_cast %scan3A_144 : i32 to index
        %get3A_162 = arith.constant 0 : index
        %get3A_163 = tpu.vector_load %arg9[%get3A, %get3A_162] {strides = array<i32>} : memref<64x128xf32, #tpu.memory_space<vmem>>, vector<1x16xf32>,
        %get3A_164 = vector.shape_cast %get3A_163 : vector<1x16xf32> to vector<16xf32>
        %get3A_165 = arith.index_cast %select_n3A : i32 to index
        %get3A_166 = arith.constant 0 : index
        %get3A_167 = tpu.vector_load %arg6[%get3A_165, %get3A_166] {strides = array<i32>} : memref<4x128xf32, #tpu.memory_space<vmem>>, vector<1x16xf32>,
        %get3A_168 = vector.shape_cast %get3A_167 : vector<1x16xf32> to vector<16xf32>
        %add3A_169 = arith.addf %get3A_168, %get3A_164 : vector<16xf32>
        %max3A = arith.constant 0.000000e+00 : f32
        %max3A_170 = vector.broadcast %max3A : f32 to vector<16xf32>
        %max3A_171 = arith.maximumf %add3A_169, %max3A_170 : vector<16xf32>
        %swap3A = arith.index_cast %scan3A_144 : i32 to index
        %swap3A_172 = arith.constant 0 : index
        %swap3A_173 = tpu.vector_load %arg11[%swap3A, %swap3A_172] {strides = array<i32>} : memref<64x128xf32, #tpu.memory_space<vmem>>, vector<1x16xf32>,
        %swap3A_174 = vector.shape_cast %swap3A_173 : vector<1x16xf32> to vector<16xf32>
        %swap3A_175 = vector.shape_cast %max3A_171 : vector<16xf32> to vector<1x16xf32>
        tpu.vector_store %arg11[%swap3A, %swap3A_172], %swap3A_175 {strides = array<i32>} : memref<64x128xf32, #tpu.memory_space<vmem>>, vector<1x16xf32>,
        %get3A_176 = arith.index_cast %scan3A_144 : i32 to index
        %get3A_177 = arith.constant 16 : index
        %get3A_178 = tpu.vector_load %arg9[%get3A_176, %get3A_177] {strides = array<i32>} : memref<64x128xf32, #tpu.memory_space<vmem>>, vector<1x16xf32>,
        %get3A_179 = vector.shape_cast %get3A_178 : vector<1x16xf32> to vector<16xf32>
        %get3A_180 = arith.index_cast %select_n3A : i32 to index
        %get3A_181 = arith.constant 16 : index
        %get3A_182 = tpu.vector_load %arg6[%get3A_180, %get3A_181] {strides = array<i32>} : memref<4x128xf32, #tpu.memory_space<vmem>>, vector<1x16xf32>,
        %get3A_183 = vector.shape_cast %get3A_182 : vector<1x16xf32> to vector<16xf32>
        %add3A_184 = arith.addf %get3A_183, %get3A_179 : vector<16xf32>
        %max3A_185 = arith.constant 0.000000e+00 : f32
        %max3A_186 = vector.broadcast %max3A_185 : f32 to vector<16xf32>
        %max3A_187 = arith.maximumf %add3A_184, %max3A_186 : vector<16xf32>
        %swap3A_188 = arith.index_cast %scan3A_144 : i32 to index
        %swap3A_189 = arith.constant 16 : index
        %swap3A_190 = tpu.vector_load %arg11[%swap3A_188, %swap3A_189] {strides = array<i32>} : memref<64x128xf32, #tpu.memory_space<vmem>>, vector<1x16xf32>,
        %swap3A_191 = vector.shape_cast %swap3A_190 : vector<1x16xf32> to vector<16xf32>
        %swap3A_192 = vector.shape_cast %max3A_187 : vector<16xf32> to vector<1x16xf32>
        tpu.vector_store %arg11[%swap3A_188, %swap3A_189], %swap3A_192 {strides = array<i32>} : memref<64x128xf32, #tpu.memory_space<vmem>>, vector<1x16xf32>,
        %get3A_193 = arith.index_cast %scan3A_144 : i32 to index
        %get3A_194 = arith.constant 32 : index
        %get3A_195 = tpu.vector_load %arg9[%get3A_193, %get3A_194] {strides = array<i32>} : memref<64x128xf32, #tpu.memory_space<vmem>>, vector<1x16xf32>,
        %get3A_196 = vector.shape_cast %get3A_195 : vector<1x16xf32> to vector<16xf32>
        %get3A_197 = arith.index_cast %select_n3A : i32 to index
        %get3A_198 = arith.constant 32 : index
        %get3A_199 = tpu.vector_load %arg6[%get3A_197, %get3A_198] {strides = array<i32>} : memref<4x128xf32, #tpu.memory_space<vmem>>, vector<1x16xf32>,
        %get3A_200 = vector.shape_cast %get3A_199 : vector<1x16xf32> to vector<16xf32>
        %add3A_201 = arith.addf %get3A_200, %get3A_196 : vector<16xf32>
        %max3A_202 = arith.constant 0.000000e+00 : f32
        %max3A_203 = vector.broadcast %max3A_202 : f32 to vector<16xf32>
        %max3A_204 = arith.maximumf %add3A_201, %max3A_203 : vector<16xf32>
        %swap3A_205 = arith.index_cast %scan3A_144 : i32 to index
        %swap3A_206 = arith.constant 32 : index
        %swap3A_207 = tpu.vector_load %arg11[%swap3A_205, %swap3A_206] {strides = array<i32>} : memref<64x128xf32, #tpu.memory_space<vmem>>, vector<1x16xf32>,
        %swap3A_208 = vector.shape_cast %swap3A_207 : vector<1x16xf32> to vector<16xf32>
        %swap3A_209 = vector.shape_cast %max3A_204 : vector<16xf32> to vector<1x16xf32>
        tpu.vector_store %arg11[%swap3A_205, %swap3A_206], %swap3A_209 {strides = array<i32>} : memref<64x128xf32, #tpu.memory_space<vmem>>, vector<1x16xf32>,
        %get3A_210 = arith.index_cast %scan3A_144 : i32 to index
        %get3A_211 = arith.constant 48 : index
        %get3A_212 = tpu.vector_load %arg9[%get3A_210, %get3A_211] {strides = array<i32>} : memref<64x128xf32, #tpu.memory_space<vmem>>, vector<1x16xf32>,
        %get3A_213 = vector.shape_cast %get3A_212 : vector<1x16xf32> to vector<16xf32>
        %get3A_214 = arith.index_cast %select_n3A : i32 to index
        %get3A_215 = arith.constant 48 : index
        %get3A_216 = tpu.vector_load %arg6[%get3A_214, %get3A_215] {strides = array<i32>} : memref<4x128xf32, #tpu.memory_space<vmem>>, vector<1x16xf32>,
        %get3A_217 = vector.shape_cast %get3A_216 : vector<1x16xf32> to vector<16xf32>
        %add3A_218 = arith.addf %get3A_217, %get3A_213 : vector<16xf32>
        %max3A_219 = arith.constant 0.000000e+00 : f32
        %max3A_220 = vector.broadcast %max3A_219 : f32 to vector<16xf32>
        %max3A_221 = arith.maximumf %add3A_218, %max3A_220 : vector<16xf32>
        %swap3A_222 = arith.index_cast %scan3A_144 : i32 to index
        %swap3A_223 = arith.constant 48 : index
        %swap3A_224 = tpu.vector_load %arg11[%swap3A_222, %swap3A_223] {strides = array<i32>} : memref<64x128xf32, #tpu.memory_space<vmem>>, vector<1x16xf32>,
        %swap3A_225 = vector.shape_cast %swap3A_224 : vector<1x16xf32> to vector<16xf32>
        %swap3A_226 = vector.shape_cast %max3A_221 : vector<16xf32> to vector<1x16xf32>
        tpu.vector_store %arg11[%swap3A_222, %swap3A_223], %swap3A_226 {strides = array<i32>} : memref<64x128xf32, #tpu.memory_space<vmem>>, vector<1x16xf32>,
        %get3A_227 = arith.index_cast %scan3A_144 : i32 to index
        %get3A_228 = arith.constant 64 : index
        %get3A_229 = tpu.vector_load %arg9[%get3A_227, %get3A_228] {strides = array<i32>} : memref<64x128xf32, #tpu.memory_space<vmem>>, vector<1x16xf32>,
        %get3A_230 = vector.shape_cast %get3A_229 : vector<1x16xf32> to vector<16xf32>
        %get3A_231 = arith.index_cast %select_n3A : i32 to index
        %get3A_232 = arith.constant 64 : index
        %get3A_233 = tpu.vector_load %arg6[%get3A_231, %get3A_232] {strides = array<i32>} : memref<4x128xf32, #tpu.memory_space<vmem>>, vector<1x16xf32>,
        %get3A_234 = vector.shape_cast %get3A_233 : vector<1x16xf32> to vector<16xf32>
        %add3A_235 = arith.addf %get3A_234, %get3A_230 : vector<16xf32>
        %max3A_236 = arith.constant 0.000000e+00 : f32
        %max3A_237 = vector.broadcast %max3A_236 : f32 to vector<16xf32>
        %max3A_238 = arith.maximumf %add3A_235, %max3A_237 : vector<16xf32>
        %swap3A_239 = arith.index_cast %scan3A_144 : i32 to index
        %swap3A_240 = arith.constant 64 : index
        %swap3A_241 = tpu.vector_load %arg11[%swap3A_239, %swap3A_240] {strides = array<i32>} : memref<64x128xf32, #tpu.memory_space<vmem>>, vector<1x16xf32>,
        %swap3A_242 = vector.shape_cast %swap3A_241 : vector<1x16xf32> to vector<16xf32>
        %swap3A_243 = vector.shape_cast %max3A_238 : vector<16xf32> to vector<1x16xf32>
        tpu.vector_store %arg11[%swap3A_239, %swap3A_240], %swap3A_243 {strides = array<i32>} : memref<64x128xf32, #tpu.memory_space<vmem>>, vector<1x16xf32>,
        %get3A_244 = arith.index_cast %scan3A_144 : i32 to index
        %get3A_245 = arith.constant 80 : index
        %get3A_246 = tpu.vector_load %arg9[%get3A_244, %get3A_245] {strides = array<i32>} : memref<64x128xf32, #tpu.memory_space<vmem>>, vector<1x16xf32>,
        %get3A_247 = vector.shape_cast %get3A_246 : vector<1x16xf32> to vector<16xf32>
        %get3A_248 = arith.index_cast %select_n3A : i32 to index
        %get3A_249 = arith.constant 80 : index
        %get3A_250 = tpu.vector_load %arg6[%get3A_248, %get3A_249] {strides = array<i32>} : memref<4x128xf32, #tpu.memory_space<vmem>>, vector<1x16xf32>,
        %get3A_251 = vector.shape_cast %get3A_250 : vector<1x16xf32> to vector<16xf32>
        %add3A_252 = arith.addf %get3A_251, %get3A_247 : vector<16xf32>
        %max3A_253 = arith.constant 0.000000e+00 : f32
        %max3A_254 = vector.broadcast %max3A_253 : f32 to vector<16xf32>
        %max3A_255 = arith.maximumf %add3A_252, %max3A_254 : vector<16xf32>
        %swap3A_256 = arith.index_cast %scan3A_144 : i32 to index
        %swap3A_257 = arith.constant 80 : index
        %swap3A_258 = tpu.vector_load %arg11[%swap3A_256, %swap3A_257] {strides = array<i32>} : memref<64x128xf32, #tpu.memory_space<vmem>>, vector<1x16xf32>,
        %swap3A_259 = vector.shape_cast %swap3A_258 : vector<1x16xf32> to vector<16xf32>
        %swap3A_260 = vector.shape_cast %max3A_255 : vector<16xf32> to vector<1x16xf32>
        tpu.vector_store %arg11[%swap3A_256, %swap3A_257], %swap3A_260 {strides = array<i32>} : memref<64x128xf32, #tpu.memory_space<vmem>>, vector<1x16xf32>,
        %get3A_261 = arith.index_cast %scan3A_144 : i32 to index
        %get3A_262 = arith.constant 96 : index
        %get3A_263 = tpu.vector_load %arg9[%get3A_261, %get3A_262] {strides = array<i32>} : memref<64x128xf32, #tpu.memory_space<vmem>>, vector<1x16xf32>,
        %get3A_264 = vector.shape_cast %get3A_263 : vector<1x16xf32> to vector<16xf32>
        %get3A_265 = arith.index_cast %select_n3A : i32 to index
        %get3A_266 = arith.constant 96 : index
        %get3A_267 = tpu.vector_load %arg6[%get3A_265, %get3A_266] {strides = array<i32>} : memref<4x128xf32, #tpu.memory_space<vmem>>, vector<1x16xf32>,
        %get3A_268 = vector.shape_cast %get3A_267 : vector<1x16xf32> to vector<16xf32>
        %add3A_269 = arith.addf %get3A_268, %get3A_264 : vector<16xf32>
        %max3A_270 = arith.constant 0.000000e+00 : f32
        %max3A_271 = vector.broadcast %max3A_270 : f32 to vector<16xf32>
        %max3A_272 = arith.maximumf %add3A_269, %max3A_271 : vector<16xf32>
        %swap3A_273 = arith.index_cast %scan3A_144 : i32 to index
        %swap3A_274 = arith.constant 96 : index
        %swap3A_275 = tpu.vector_load %arg11[%swap3A_273, %swap3A_274] {strides = array<i32>} : memref<64x128xf32, #tpu.memory_space<vmem>>, vector<1x16xf32>,
        %swap3A_276 = vector.shape_cast %swap3A_275 : vector<1x16xf32> to vector<16xf32>
        %swap3A_277 = vector.shape_cast %max3A_272 : vector<16xf32> to vector<1x16xf32>
        tpu.vector_store %arg11[%swap3A_273, %swap3A_274], %swap3A_277 {strides = array<i32>} : memref<64x128xf32, #tpu.memory_space<vmem>>, vector<1x16xf32>,
        %get3A_278 = arith.index_cast %scan3A_144 : i32 to index
        %get3A_279 = arith.constant 112 : index
        %get3A_280 = tpu.vector_load %arg9[%get3A_278, %get3A_279] {strides = array<i32>} : memref<64x128xf32, #tpu.memory_space<vmem>>, vector<1x16xf32>,
        %get3A_281 = vector.shape_cast %get3A_280 : vector<1x16xf32> to vector<16xf32>
        %get3A_282 = arith.index_cast %select_n3A : i32 to index
        %get3A_283 = arith.constant 112 : index
        %get3A_284 = tpu.vector_load %arg6[%get3A_282, %get3A_283] {strides = array<i32>} : memref<4x128xf32, #tpu.memory_space<vmem>>, vector<1x16xf32>,
        %get3A_285 = vector.shape_cast %get3A_284 : vector<1x16xf32> to vector<16xf32>
        %add3A_286 = arith.addf %get3A_285, %get3A_281 : vector<16xf32>
        %max3A_287 = arith.constant 0.000000e+00 : f32
        %max3A_288 = vector.broadcast %max3A_287 : f32 to vector<16xf32>
        %max3A_289 = arith.maximumf %add3A_286, %max3A_288 : vector<16xf32>
        %swap3A_290 = arith.index_cast %scan3A_144 : i32 to index
        %swap3A_291 = arith.constant 112 : index
        %swap3A_292 = tpu.vector_load %arg11[%swap3A_290, %swap3A_291] {strides = array<i32>} : memref<64x128xf32, #tpu.memory_space<vmem>>, vector<1x16xf32>,
        %swap3A_293 = vector.shape_cast %swap3A_292 : vector<1x16xf32> to vector<16xf32>
        %swap3A_294 = vector.shape_cast %max3A_289 : vector<16xf32> to vector<1x16xf32>
        tpu.vector_store %arg11[%swap3A_290, %swap3A_291], %swap3A_294 {strides = array<i32>} : memref<64x128xf32, #tpu.memory_space<vmem>>, vector<1x16xf32>,
        %scan3A_295 = arith.constant 0 : i32
        scf.yield %scan3A_295 : i32
      }
      %scan3A_89 = arith.constant 64 : i32
      %dma_start3A_90 = arith.constant 0 : i32
      %dma_start3A_91 = tpu.memref_slice %arg8[%add3A_68, %dma_start3A_90] : memref<64x64xi32, #tpu.memory_space<vmem>> -> memref<1x64xi32, #tpu.memory_space<vmem>>
      %dma_start3A_92 = tpu.memref_squeeze %dma_start3A_91 : memref<1x64xi32, #tpu.memory_space<vmem>> -> memref<64xi32, #tpu.memory_space<vmem>>
      %dma_start3A_93 = arith.constant 0 : i32
      %dma_start3A_94 = arith.constant 0 : i32
      %dma_start3A_95 = tpu.memref_slice %arg13[%dma_start3A_93, %dma_start3A_94] : memref<8192x128xf32, #tpu.memory_space<vmem_shared>> -> memref<8192x128xf32, #tpu.memory_space<vmem_shared>>
      tpu.enqueue_indirect_dma source(%arg11 : memref<64x128xf32, #tpu.memory_space<vmem>>) target(%dma_start3A_95 : memref<8192x128xf32, #tpu.memory_space<vmem_shared>>) offsets(%dma_start3A_92 : memref<64xi32, #tpu.memory_space<vmem>>) semaphore(%arg16 : memref<!tpu.dma_semaphore, #tpu.memory_space<semaphore_mem>>) {add = true}
      %add3A_96 = arith.constant 2 : i32
      %add3A_97 = arith.addi %add3A_68, %add3A_96 : i32
      %lt3A = arith.constant 64 : i32
      %lt3A_98 = arith.cmpi slt, %add3A_97, %lt3A : i32
      %convert_element_type3A_99 = arith.extui %lt3A_98 : i1 to i32
      %cond3A_100 = arith.constant 0 : i32
      %cond3A_101 = arith.cmpi ne, %convert_element_type3A_99, %cond3A_100 : i32
      scf.if %cond3A_101 {
        %add3A_144 = arith.constant 2 : i32
        %add3A_145 = arith.addi %add3A_68, %add3A_144 : i32
        %dma_start3A_146 = arith.constant 0 : i32
        %dma_start3A_147 = tpu.memref_slice %arg8[%add3A_145, %dma_start3A_146] : memref<64x64xi32, #tpu.memory_space<vmem>> -> memref<1x64xi32, #tpu.memory_space<vmem>>
        %dma_start3A_148 = tpu.memref_squeeze %dma_start3A_147 : memref<1x64xi32, #tpu.memory_space<vmem>> -> memref<64xi32, #tpu.memory_space<vmem>>
        %dma_start3A_149 = arith.constant 0 : i32
        %dma_start3A_150 = arith.constant 0 : i32
        %dma_start3A_151 = tpu.memref_slice %arg3[%dma_start3A_149, %dma_start3A_150] : memref<8192x128xf32, #tpu.memory_space<hbm>> -> memref<8192x128xf32, #tpu.memory_space<hbm>>
        tpu.enqueue_indirect_dma source(%dma_start3A_151 : memref<8192x128xf32, #tpu.memory_space<hbm>>) target(%arg9 : memref<64x128xf32, #tpu.memory_space<vmem>>) offsets(%dma_start3A_148 : memref<64xi32, #tpu.memory_space<vmem>>) semaphore(%arg14 : memref<!tpu.dma_semaphore, #tpu.memory_space<semaphore_mem>>)
        %add3A_152 = arith.constant 2 : i32
        %add3A_153 = arith.addi %add3A_68, %add3A_152 : i32
        %mul3A_154 = arith.constant 4 : i32
        %mul3A_155 = arith.muli %add3A_153, %mul3A_154 : i32
        %add3A_156 = arith.addi %mul3A_2, %mul3A_155 : i32
        %dma_start3A_157 = arith.constant 0 : i32
        %dma_start3A_158 = tpu.memref_slice %arg2[%add3A_156, %dma_start3A_157] : memref<8192x128xf32, #tpu.memory_space<hbm>> -> memref<4x128xf32, #tpu.memory_space<hbm>>
        %dma_start3A_159 = arith.constant 0 : i32
        %dma_start3A_160 = tpu.memref_slice %arg2[%add3A_156, %dma_start3A_159] : memref<8192x128xf32, #tpu.memory_space<hbm>> -> memref<4x128xf32, #tpu.memory_space<hbm>>
        tpu.enqueue_dma source(%dma_start3A_160 : memref<4x128xf32, #tpu.memory_space<hbm>>) target(%arg6 : memref<4x128xf32, #tpu.memory_space<vmem>>) target_semaphore(%arg18 : memref<!tpu.dma_semaphore, #tpu.memory_space<semaphore_mem>>)
      } else {
      }
      %mul3A_102 = arith.constant 2 : i32
      %mul3A_103 = arith.muli %scan3A_63, %mul3A_102 : i32
      %add3A_104 = arith.constant 1 : i32
      %add3A_105 = arith.addi %mul3A_103, %add3A_104 : i32
      %dma_wait3A_106 = arith.constant 0 : i32
      %dma_wait3A_107 = tpu.memref_slice %arg8[%add3A_105, %dma_wait3A_106] : memref<64x64xi32, #tpu.memory_space<vmem>> -> memref<1x64xi32, #tpu.memory_space<vmem>>
      %dma_wait3A_108 = tpu.memref_squeeze %dma_wait3A_107 : memref<1x64xi32, #tpu.memory_space<vmem>> -> memref<64xi32, #tpu.memory_space<vmem>>
      %dma_wait3A_109 = arith.constant 0 : i32
      %dma_wait3A_110 = arith.constant 0 : i32
      %dma_wait3A_111 = tpu.memref_slice %arg3[%dma_wait3A_109, %dma_wait3A_110] : memref<8192x128xf32, #tpu.memory_space<hbm>> -> memref<8192x128xf32, #tpu.memory_space<hbm>>
      tpu.wait_indirect_dma semaphore(%arg15 : memref<!tpu.dma_semaphore, #tpu.memory_space<semaphore_mem>>) src(%dma_wait3A_111 : memref<8192x128xf32, #tpu.memory_space<hbm>>) dst(%arg10 : memref<64x128xf32, #tpu.memory_space<vmem>>)
      %dma_wait3A_112 = arith.constant 0 : i32
      %dma_wait3A_113 = arith.constant 0 : i32
      %dma_wait3A_114 = tpu.memref_slice %arg2[%dma_wait3A_112, %dma_wait3A_113] : memref<8192x128xf32, #tpu.memory_space<hbm>> -> memref<4x128xf32, #tpu.memory_space<hbm>>
      %dma_wait3A_115 = arith.constant 0 : i32
      %dma_wait3A_116 = arith.constant 0 : i32
      %dma_wait3A_117 = tpu.memref_slice %arg2[%dma_wait3A_115, %dma_wait3A_116] : memref<8192x128xf32, #tpu.memory_space<hbm>> -> memref<4x128xf32, #tpu.memory_space<hbm>>
      tpu.wait_dma2 semaphore(%arg19 : memref<!tpu.dma_semaphore, #tpu.memory_space<semaphore_mem>>) src(%dma_wait3A_117 : memref<4x128xf32, #tpu.memory_space<hbm>>) dst(%arg7 : memref<4x128xf32, #tpu.memory_space<vmem>>)
      %gt3A_118 = arith.constant 0 : i32
      %gt3A_119 = arith.cmpi sgt, %scan3A_63, %gt3A_118 : i32
      %convert_element_type3A_120 = arith.extui %gt3A_119 : i1 to i32
      %cond3A_121 = arith.constant 0 : i32
      %cond3A_122 = arith.cmpi ne, %convert_element_type3A_120, %cond3A_121 : i32
      scf.if %cond3A_122 {
        %dma_wait3A_144 = arith.constant 0 : i32
        %dma_wait3A_145 = tpu.memref_slice %arg8[%add3A_105, %dma_wait3A_144] : memref<64x64xi32, #tpu.memory_space<vmem>> -> memref<1x64xi32, #tpu.memory_space<vmem>>
        %dma_wait3A_146 = tpu.memref_squeeze %dma_wait3A_145 : memref<1x64xi32, #tpu.memory_space<vmem>> -> memref<64xi32, #tpu.memory_space<vmem>>
        %dma_wait3A_147 = arith.constant 0 : i32
        %dma_wait3A_148 = arith.constant 0 : i32
        %dma_wait3A_149 = tpu.memref_slice %arg13[%dma_wait3A_147, %dma_wait3A_148] : memref<8192x128xf32, #tpu.memory_space<vmem_shared>> -> memref<8192x128xf32, #tpu.memory_space<vmem_shared>>
        tpu.wait_indirect_dma semaphore(%arg17 : memref<!tpu.dma_semaphore, #tpu.memory_space<semaphore_mem>>) src(%arg12 : memref<64x128xf32, #tpu.memory_space<vmem>>) dst(%dma_wait3A_149 : memref<8192x128xf32, #tpu.memory_space<vmem_shared>>)
      } else {
      }
      %scan3A_123 = arith.constant 0 : i32
      %scan3A_124 = arith.constant 0 : i32
      %scan3A_125 = arith.constant 64 : i32
      %scan3A_126 = arith.addi %scan3A_124, %scan3A_125 : i32
      %scan3A_127 = arith.constant 1 : i32
      %scan3A_128 = scf.for %scan3A_144 = %scan3A_124 to %scan3A_126 step %scan3A_127 iter_args(%scan3A_145 = %scan3A_123) -> (i32)  : i32 {
        %jit3A = arith.constant 16 : i32
        %div3A = arith.divsi %scan3A_144, %jit3A : i32
        %sign3A = arith.constant 0 : i32
        %sign3A_146 = arith.cmpi sgt, %scan3A_144, %sign3A : i32
        %sign3A_147 = arith.extui %sign3A_146 : i1 to i32
        %sign3A_148 = arith.constant 0 : i32
        %sign3A_149 = arith.cmpi slt, %scan3A_144, %sign3A_148 : i32
        %sign3A_150 = arith.extui %sign3A_149 : i1 to i32
        %sign3A_151 = arith.subi %sign3A_147, %sign3A_150 : i32
        %sign3A_152 = arith.constant 0 : i32
        %sign3A_153 = arith.cmpi sgt, %jit3A, %sign3A_152 : i32
        %sign3A_154 = arith.extui %sign3A_153 : i1 to i32
        %sign3A_155 = arith.constant 0 : i32
        %sign3A_156 = arith.cmpi slt, %jit3A, %sign3A_155 : i32
        %sign3A_157 = arith.extui %sign3A_156 : i1 to i32
        %sign3A_158 = arith.subi %sign3A_154, %sign3A_157 : i32
        %ne3A = arith.cmpi ne, %sign3A_151, %sign3A_158 : i32
        %rem3A = arith.remsi %scan3A_144, %jit3A : i32
        %ne3A_159 = arith.constant 0 : i32
        %ne3A_160 = arith.cmpi ne, %rem3A, %ne3A_159 : i32
        %and3A = arith.andi %ne3A, %ne3A_160 : i1
        %sub3A = arith.constant 1 : i32
        %sub3A_161 = arith.subi %div3A, %sub3A : i32
        %select_n3A = arith.select %and3A, %sub3A_161, %div3A : i32
        %get3A = arith.index_cast %scan3A_144 : i32 to index
        %get3A_162 = arith.constant 0 : index
        %get3A_163 = tpu.vector_load %arg10[%get3A, %get3A_162] {strides = array<i32>} : memref<64x128xf32, #tpu.memory_space<vmem>>, vector<1x16xf32>,
        %get3A_164 = vector.shape_cast %get3A_163 : vector<1x16xf32> to vector<16xf32>
        %get3A_165 = arith.index_cast %select_n3A : i32 to index
        %get3A_166 = arith.constant 0 : index
        %get3A_167 = tpu.vector_load %arg7[%get3A_165, %get3A_166] {strides = array<i32>} : memref<4x128xf32, #tpu.memory_space<vmem>>, vector<1x16xf32>,
        %get3A_168 = vector.shape_cast %get3A_167 : vector<1x16xf32> to vector<16xf32>
        %add3A_169 = arith.addf %get3A_168, %get3A_164 : vector<16xf32>
        %max3A = arith.constant 0.000000e+00 : f32
        %max3A_170 = vector.broadcast %max3A : f32 to vector<16xf32>
        %max3A_171 = arith.maximumf %add3A_169, %max3A_170 : vector<16xf32>
        %swap3A = arith.index_cast %scan3A_144 : i32 to index
        %swap3A_172 = arith.constant 0 : index
        %swap3A_173 = tpu.vector_load %arg12[%swap3A, %swap3A_172] {strides = array<i32>} : memref<64x128xf32, #tpu.memory_space<vmem>>, vector<1x16xf32>,
        %swap3A_174 = vector.shape_cast %swap3A_173 : vector<1x16xf32> to vector<16xf32>
        %swap3A_175 = vector.shape_cast %max3A_171 : vector<16xf32> to vector<1x16xf32>
        tpu.vector_store %arg12[%swap3A, %swap3A_172], %swap3A_175 {strides = array<i32>} : memref<64x128xf32, #tpu.memory_space<vmem>>, vector<1x16xf32>,
        %get3A_176 = arith.index_cast %scan3A_144 : i32 to index
        %get3A_177 = arith.constant 16 : index
        %get3A_178 = tpu.vector_load %arg10[%get3A_176, %get3A_177] {strides = array<i32>} : memref<64x128xf32, #tpu.memory_space<vmem>>, vector<1x16xf32>,
        %get3A_179 = vector.shape_cast %get3A_178 : vector<1x16xf32> to vector<16xf32>
        %get3A_180 = arith.index_cast %select_n3A : i32 to index
        %get3A_181 = arith.constant 16 : index
        %get3A_182 = tpu.vector_load %arg7[%get3A_180, %get3A_181] {strides = array<i32>} : memref<4x128xf32, #tpu.memory_space<vmem>>, vector<1x16xf32>,
        %get3A_183 = vector.shape_cast %get3A_182 : vector<1x16xf32> to vector<16xf32>
        %add3A_184 = arith.addf %get3A_183, %get3A_179 : vector<16xf32>
        %max3A_185 = arith.constant 0.000000e+00 : f32
        %max3A_186 = vector.broadcast %max3A_185 : f32 to vector<16xf32>
        %max3A_187 = arith.maximumf %add3A_184, %max3A_186 : vector<16xf32>
        %swap3A_188 = arith.index_cast %scan3A_144 : i32 to index
        %swap3A_189 = arith.constant 16 : index
        %swap3A_190 = tpu.vector_load %arg12[%swap3A_188, %swap3A_189] {strides = array<i32>} : memref<64x128xf32, #tpu.memory_space<vmem>>, vector<1x16xf32>,
        %swap3A_191 = vector.shape_cast %swap3A_190 : vector<1x16xf32> to vector<16xf32>
        %swap3A_192 = vector.shape_cast %max3A_187 : vector<16xf32> to vector<1x16xf32>
        tpu.vector_store %arg12[%swap3A_188, %swap3A_189], %swap3A_192 {strides = array<i32>} : memref<64x128xf32, #tpu.memory_space<vmem>>, vector<1x16xf32>,
        %get3A_193 = arith.index_cast %scan3A_144 : i32 to index
        %get3A_194 = arith.constant 32 : index
        %get3A_195 = tpu.vector_load %arg10[%get3A_193, %get3A_194] {strides = array<i32>} : memref<64x128xf32, #tpu.memory_space<vmem>>, vector<1x16xf32>,
        %get3A_196 = vector.shape_cast %get3A_195 : vector<1x16xf32> to vector<16xf32>
        %get3A_197 = arith.index_cast %select_n3A : i32 to index
        %get3A_198 = arith.constant 32 : index
        %get3A_199 = tpu.vector_load %arg7[%get3A_197, %get3A_198] {strides = array<i32>} : memref<4x128xf32, #tpu.memory_space<vmem>>, vector<1x16xf32>,
        %get3A_200 = vector.shape_cast %get3A_199 : vector<1x16xf32> to vector<16xf32>
        %add3A_201 = arith.addf %get3A_200, %get3A_196 : vector<16xf32>
        %max3A_202 = arith.constant 0.000000e+00 : f32
        %max3A_203 = vector.broadcast %max3A_202 : f32 to vector<16xf32>
        %max3A_204 = arith.maximumf %add3A_201, %max3A_203 : vector<16xf32>
        %swap3A_205 = arith.index_cast %scan3A_144 : i32 to index
        %swap3A_206 = arith.constant 32 : index
        %swap3A_207 = tpu.vector_load %arg12[%swap3A_205, %swap3A_206] {strides = array<i32>} : memref<64x128xf32, #tpu.memory_space<vmem>>, vector<1x16xf32>,
        %swap3A_208 = vector.shape_cast %swap3A_207 : vector<1x16xf32> to vector<16xf32>
        %swap3A_209 = vector.shape_cast %max3A_204 : vector<16xf32> to vector<1x16xf32>
        tpu.vector_store %arg12[%swap3A_205, %swap3A_206], %swap3A_209 {strides = array<i32>} : memref<64x128xf32, #tpu.memory_space<vmem>>, vector<1x16xf32>,
        %get3A_210 = arith.index_cast %scan3A_144 : i32 to index
        %get3A_211 = arith.constant 48 : index
        %get3A_212 = tpu.vector_load %arg10[%get3A_210, %get3A_211] {strides = array<i32>} : memref<64x128xf32, #tpu.memory_space<vmem>>, vector<1x16xf32>,
        %get3A_213 = vector.shape_cast %get3A_212 : vector<1x16xf32> to vector<16xf32>
        %get3A_214 = arith.index_cast %select_n3A : i32 to index
        %get3A_215 = arith.constant 48 : index
        %get3A_216 = tpu.vector_load %arg7[%get3A_214, %get3A_215] {strides = array<i32>} : memref<4x128xf32, #tpu.memory_space<vmem>>, vector<1x16xf32>,
        %get3A_217 = vector.shape_cast %get3A_216 : vector<1x16xf32> to vector<16xf32>
        %add3A_218 = arith.addf %get3A_217, %get3A_213 : vector<16xf32>
        %max3A_219 = arith.constant 0.000000e+00 : f32
        %max3A_220 = vector.broadcast %max3A_219 : f32 to vector<16xf32>
        %max3A_221 = arith.maximumf %add3A_218, %max3A_220 : vector<16xf32>
        %swap3A_222 = arith.index_cast %scan3A_144 : i32 to index
        %swap3A_223 = arith.constant 48 : index
        %swap3A_224 = tpu.vector_load %arg12[%swap3A_222, %swap3A_223] {strides = array<i32>} : memref<64x128xf32, #tpu.memory_space<vmem>>, vector<1x16xf32>,
        %swap3A_225 = vector.shape_cast %swap3A_224 : vector<1x16xf32> to vector<16xf32>
        %swap3A_226 = vector.shape_cast %max3A_221 : vector<16xf32> to vector<1x16xf32>
        tpu.vector_store %arg12[%swap3A_222, %swap3A_223], %swap3A_226 {strides = array<i32>} : memref<64x128xf32, #tpu.memory_space<vmem>>, vector<1x16xf32>,
        %get3A_227 = arith.index_cast %scan3A_144 : i32 to index
        %get3A_228 = arith.constant 64 : index
        %get3A_229 = tpu.vector_load %arg10[%get3A_227, %get3A_228] {strides = array<i32>} : memref<64x128xf32, #tpu.memory_space<vmem>>, vector<1x16xf32>,
        %get3A_230 = vector.shape_cast %get3A_229 : vector<1x16xf32> to vector<16xf32>
        %get3A_231 = arith.index_cast %select_n3A : i32 to index
        %get3A_232 = arith.constant 64 : index
        %get3A_233 = tpu.vector_load %arg7[%get3A_231, %get3A_232] {strides = array<i32>} : memref<4x128xf32, #tpu.memory_space<vmem>>, vector<1x16xf32>,
        %get3A_234 = vector.shape_cast %get3A_233 : vector<1x16xf32> to vector<16xf32>
        %add3A_235 = arith.addf %get3A_234, %get3A_230 : vector<16xf32>
        %max3A_236 = arith.constant 0.000000e+00 : f32
        %max3A_237 = vector.broadcast %max3A_236 : f32 to vector<16xf32>
        %max3A_238 = arith.maximumf %add3A_235, %max3A_237 : vector<16xf32>
        %swap3A_239 = arith.index_cast %scan3A_144 : i32 to index
        %swap3A_240 = arith.constant 64 : index
        %swap3A_241 = tpu.vector_load %arg12[%swap3A_239, %swap3A_240] {strides = array<i32>} : memref<64x128xf32, #tpu.memory_space<vmem>>, vector<1x16xf32>,
        %swap3A_242 = vector.shape_cast %swap3A_241 : vector<1x16xf32> to vector<16xf32>
        %swap3A_243 = vector.shape_cast %max3A_238 : vector<16xf32> to vector<1x16xf32>
        tpu.vector_store %arg12[%swap3A_239, %swap3A_240], %swap3A_243 {strides = array<i32>} : memref<64x128xf32, #tpu.memory_space<vmem>>, vector<1x16xf32>,
        %get3A_244 = arith.index_cast %scan3A_144 : i32 to index
        %get3A_245 = arith.constant 80 : index
        %get3A_246 = tpu.vector_load %arg10[%get3A_244, %get3A_245] {strides = array<i32>} : memref<64x128xf32, #tpu.memory_space<vmem>>, vector<1x16xf32>,
        %get3A_247 = vector.shape_cast %get3A_246 : vector<1x16xf32> to vector<16xf32>
        %get3A_248 = arith.index_cast %select_n3A : i32 to index
        %get3A_249 = arith.constant 80 : index
        %get3A_250 = tpu.vector_load %arg7[%get3A_248, %get3A_249] {strides = array<i32>} : memref<4x128xf32, #tpu.memory_space<vmem>>, vector<1x16xf32>,
        %get3A_251 = vector.shape_cast %get3A_250 : vector<1x16xf32> to vector<16xf32>
        %add3A_252 = arith.addf %get3A_251, %get3A_247 : vector<16xf32>
        %max3A_253 = arith.constant 0.000000e+00 : f32
        %max3A_254 = vector.broadcast %max3A_253 : f32 to vector<16xf32>
        %max3A_255 = arith.maximumf %add3A_252, %max3A_254 : vector<16xf32>
        %swap3A_256 = arith.index_cast %scan3A_144 : i32 to index
        %swap3A_257 = arith.constant 80 : index
        %swap3A_258 = tpu.vector_load %arg12[%swap3A_256, %swap3A_257] {strides = array<i32>} : memref<64x128xf32, #tpu.memory_space<vmem>>, vector<1x16xf32>,
        %swap3A_259 = vector.shape_cast %swap3A_258 : vector<1x16xf32> to vector<16xf32>
        %swap3A_260 = vector.shape_cast %max3A_255 : vector<16xf32> to vector<1x16xf32>
        tpu.vector_store %arg12[%swap3A_256, %swap3A_257], %swap3A_260 {strides = array<i32>} : memref<64x128xf32, #tpu.memory_space<vmem>>, vector<1x16xf32>,
        %get3A_261 = arith.index_cast %scan3A_144 : i32 to index
        %get3A_262 = arith.constant 96 : index
        %get3A_263 = tpu.vector_load %arg10[%get3A_261, %get3A_262] {strides = array<i32>} : memref<64x128xf32, #tpu.memory_space<vmem>>, vector<1x16xf32>,
        %get3A_264 = vector.shape_cast %get3A_263 : vector<1x16xf32> to vector<16xf32>
        %get3A_265 = arith.index_cast %select_n3A : i32 to index
        %get3A_266 = arith.constant 96 : index
        %get3A_267 = tpu.vector_load %arg7[%get3A_265, %get3A_266] {strides = array<i32>} : memref<4x128xf32, #tpu.memory_space<vmem>>, vector<1x16xf32>,
        %get3A_268 = vector.shape_cast %get3A_267 : vector<1x16xf32> to vector<16xf32>
        %add3A_269 = arith.addf %get3A_268, %get3A_264 : vector<16xf32>
        %max3A_270 = arith.constant 0.000000e+00 : f32
        %max3A_271 = vector.broadcast %max3A_270 : f32 to vector<16xf32>
        %max3A_272 = arith.maximumf %add3A_269, %max3A_271 : vector<16xf32>
        %swap3A_273 = arith.index_cast %scan3A_144 : i32 to index
        %swap3A_274 = arith.constant 96 : index
        %swap3A_275 = tpu.vector_load %arg12[%swap3A_273, %swap3A_274] {strides = array<i32>} : memref<64x128xf32, #tpu.memory_space<vmem>>, vector<1x16xf32>,
        %swap3A_276 = vector.shape_cast %swap3A_275 : vector<1x16xf32> to vector<16xf32>
        %swap3A_277 = vector.shape_cast %max3A_272 : vector<16xf32> to vector<1x16xf32>
        tpu.vector_store %arg12[%swap3A_273, %swap3A_274], %swap3A_277 {strides = array<i32>} : memref<64x128xf32, #tpu.memory_space<vmem>>, vector<1x16xf32>,
        %get3A_278 = arith.index_cast %scan3A_144 : i32 to index
        %get3A_279 = arith.constant 112 : index
        %get3A_280 = tpu.vector_load %arg10[%get3A_278, %get3A_279] {strides = array<i32>} : memref<64x128xf32, #tpu.memory_space<vmem>>, vector<1x16xf32>,
        %get3A_281 = vector.shape_cast %get3A_280 : vector<1x16xf32> to vector<16xf32>
        %get3A_282 = arith.index_cast %select_n3A : i32 to index
        %get3A_283 = arith.constant 112 : index
        %get3A_284 = tpu.vector_load %arg7[%get3A_282, %get3A_283] {strides = array<i32>} : memref<4x128xf32, #tpu.memory_space<vmem>>, vector<1x16xf32>,
        %get3A_285 = vector.shape_cast %get3A_284 : vector<1x16xf32> to vector<16xf32>
        %add3A_286 = arith.addf %get3A_285, %get3A_281 : vector<16xf32>
        %max3A_287 = arith.constant 0.000000e+00 : f32
        %max3A_288 = vector.broadcast %max3A_287 : f32 to vector<16xf32>
        %max3A_289 = arith.maximumf %add3A_286, %max3A_288 : vector<16xf32>
        %swap3A_290 = arith.index_cast %scan3A_144 : i32 to index
        %swap3A_291 = arith.constant 112 : index
        %swap3A_292 = tpu.vector_load %arg12[%swap3A_290, %swap3A_291] {strides = array<i32>} : memref<64x128xf32, #tpu.memory_space<vmem>>, vector<1x16xf32>,
        %swap3A_293 = vector.shape_cast %swap3A_292 : vector<1x16xf32> to vector<16xf32>
        %swap3A_294 = vector.shape_cast %max3A_289 : vector<16xf32> to vector<1x16xf32>
        tpu.vector_store %arg12[%swap3A_290, %swap3A_291], %swap3A_294 {strides = array<i32>} : memref<64x128xf32, #tpu.memory_space<vmem>>, vector<1x16xf32>,
        %scan3A_295 = arith.constant 0 : i32
        scf.yield %scan3A_295 : i32
      }
      %scan3A_129 = arith.constant 64 : i32
      %dma_start3A_130 = arith.constant 0 : i32
      %dma_start3A_131 = tpu.memref_slice %arg8[%add3A_105, %dma_start3A_130] : memref<64x64xi32, #tpu.memory_space<vmem>> -> memref<1x64xi32, #tpu.memory_space<vmem>>
      %dma_start3A_132 = tpu.memref_squeeze %dma_start3A_131 : memref<1x64xi32, #tpu.memory_space<vmem>> -> memref<64xi32, #tpu.memory_space<vmem>>
      %dma_start3A_133 = arith.constant 0 : i32
      %dma_start3A_134 = arith.constant 0 : i32
      %dma_start3A_135 = tpu.memref_slice %arg13[%dma_start3A_133, %dma_start3A_134] : memref<8192x128xf32, #tpu.memory_space<vmem_shared>> -> memref<8192x128xf32, #tpu.memory_space<vmem_shared>>
      tpu.enqueue_indirect_dma source(%arg12 : memref<64x128xf32, #tpu.memory_space<vmem>>) target(%dma_start3A_135 : memref<8192x128xf32, #tpu.memory_space<vmem_shared>>) offsets(%dma_start3A_132 : memref<64xi32, #tpu.memory_space<vmem>>) semaphore(%arg17 : memref<!tpu.dma_semaphore, #tpu.memory_space<semaphore_mem>>) {add = true}
      %add3A_136 = arith.constant 2 : i32
      %add3A_137 = arith.addi %add3A_105, %add3A_136 : i32
      %lt3A_138 = arith.constant 64 : i32
      %lt3A_139 = arith.cmpi slt, %add3A_137, %lt3A_138 : i32
      %convert_element_type3A_140 = arith.extui %lt3A_139 : i1 to i32
      %cond3A_141 = arith.constant 0 : i32
      %cond3A_142 = arith.cmpi ne, %convert_element_type3A_140, %cond3A_141 : i32
      scf.if %cond3A_142 {
        %add3A_144 = arith.constant 2 : i32
        %add3A_145 = arith.addi %add3A_105, %add3A_144 : i32
        %dma_start3A_146 = arith.constant 0 : i32
        %dma_start3A_147 = tpu.memref_slice %arg8[%add3A_145, %dma_start3A_146] : memref<64x64xi32, #tpu.memory_space<vmem>> -> memref<1x64xi32, #tpu.memory_space<vmem>>
        %dma_start3A_148 = tpu.memref_squeeze %dma_start3A_147 : memref<1x64xi32, #tpu.memory_space<vmem>> -> memref<64xi32, #tpu.memory_space<vmem>>
        %dma_start3A_149 = arith.constant 0 : i32
        %dma_start3A_150 = arith.constant 0 : i32
        %dma_start3A_151 = tpu.memref_slice %arg3[%dma_start3A_149, %dma_start3A_150] : memref<8192x128xf32, #tpu.memory_space<hbm>> -> memref<8192x128xf32, #tpu.memory_space<hbm>>
        tpu.enqueue_indirect_dma source(%dma_start3A_151 : memref<8192x128xf32, #tpu.memory_space<hbm>>) target(%arg10 : memref<64x128xf32, #tpu.memory_space<vmem>>) offsets(%dma_start3A_148 : memref<64xi32, #tpu.memory_space<vmem>>) semaphore(%arg15 : memref<!tpu.dma_semaphore, #tpu.memory_space<semaphore_mem>>)
        %add3A_152 = arith.constant 2 : i32
        %add3A_153 = arith.addi %add3A_105, %add3A_152 : i32
        %mul3A_154 = arith.constant 4 : i32
        %mul3A_155 = arith.muli %add3A_153, %mul3A_154 : i32
        %add3A_156 = arith.addi %mul3A_2, %mul3A_155 : i32
        %dma_start3A_157 = arith.constant 0 : i32
        %dma_start3A_158 = tpu.memref_slice %arg2[%add3A_156, %dma_start3A_157] : memref<8192x128xf32, #tpu.memory_space<hbm>> -> memref<4x128xf32, #tpu.memory_space<hbm>>
        %dma_start3A_159 = arith.constant 0 : i32
        %dma_start3A_160 = tpu.memref_slice %arg2[%add3A_156, %dma_start3A_159] : memref<8192x128xf32, #tpu.memory_space<hbm>> -> memref<4x128xf32, #tpu.memory_space<hbm>>
        tpu.enqueue_dma source(%dma_start3A_160 : memref<4x128xf32, #tpu.memory_space<hbm>>) target(%arg7 : memref<4x128xf32, #tpu.memory_space<vmem>>) target_semaphore(%arg19 : memref<!tpu.dma_semaphore, #tpu.memory_space<semaphore_mem>>)
      } else {
      }
      %scan3A_143 = arith.constant 0 : i32
      scf.yield %scan3A_143 : i32
    }
    %scan3A_46 = arith.constant 32 : i32
    %dma_wait3A = arith.constant 0 : i32
    %dma_wait3A_47 = arith.constant 0 : i32
    %dma_wait3A_48 = tpu.memref_slice %arg8[%dma_wait3A, %dma_wait3A_47] : memref<64x64xi32, #tpu.memory_space<vmem>> -> memref<1x64xi32, #tpu.memory_space<vmem>>
    %dma_wait3A_49 = tpu.memref_squeeze %dma_wait3A_48 : memref<1x64xi32, #tpu.memory_space<vmem>> -> memref<64xi32, #tpu.memory_space<vmem>>
    %dma_wait3A_50 = arith.constant 0 : i32
    %dma_wait3A_51 = arith.constant 0 : i32
    %dma_wait3A_52 = tpu.memref_slice %arg13[%dma_wait3A_50, %dma_wait3A_51] : memref<8192x128xf32, #tpu.memory_space<vmem_shared>> -> memref<8192x128xf32, #tpu.memory_space<vmem_shared>>
    tpu.wait_indirect_dma semaphore(%arg16 : memref<!tpu.dma_semaphore, #tpu.memory_space<semaphore_mem>>) src(%arg11 : memref<64x128xf32, #tpu.memory_space<vmem>>) dst(%dma_wait3A_52 : memref<8192x128xf32, #tpu.memory_space<vmem_shared>>)
    %dma_wait3A_53 = arith.constant 1 : i32
    %dma_wait3A_54 = arith.constant 0 : i32
    %dma_wait3A_55 = tpu.memref_slice %arg8[%dma_wait3A_53, %dma_wait3A_54] : memref<64x64xi32, #tpu.memory_space<vmem>> -> memref<1x64xi32, #tpu.memory_space<vmem>>
    %dma_wait3A_56 = tpu.memref_squeeze %dma_wait3A_55 : memref<1x64xi32, #tpu.memory_space<vmem>> -> memref<64xi32, #tpu.memory_space<vmem>>
    %dma_wait3A_57 = arith.constant 0 : i32
    %dma_wait3A_58 = arith.constant 0 : i32
    %dma_wait3A_59 = tpu.memref_slice %arg13[%dma_wait3A_57, %dma_wait3A_58] : memref<8192x128xf32, #tpu.memory_space<vmem_shared>> -> memref<8192x128xf32, #tpu.memory_space<vmem_shared>>
    tpu.wait_indirect_dma semaphore(%arg17 : memref<!tpu.dma_semaphore, #tpu.memory_space<semaphore_mem>>) src(%arg12 : memref<64x128xf32, #tpu.memory_space<vmem>>) dst(%dma_wait3A_59 : memref<8192x128xf32, #tpu.memory_space<vmem_shared>>)
    %barrier3A_60 = arith.constant 0 : index
    tpu.barrier barrier_id(%barrier3A_60)
    %mul3A_61 = arith.constant 512 : i32
    %mul3A_62 = arith.muli %arg1, %mul3A_61 : i32
    "tpu.region"() ({
      %run_scoped3A = tpu.sem_alloc : memref<!tpu.dma_semaphore, #tpu.memory_space<semaphore_mem>>
      %dma_start3A_63 = arith.constant 0 : i32
      %dma_start3A_64 = tpu.memref_slice %arg5[%arg0, %mul3A_62, %dma_start3A_63] : memref<2x8192x128xf32, #tpu.memory_space<hbm>> -> memref<1x512x128xf32, #tpu.memory_space<hbm>>
      %dma_start3A_65 = tpu.memref_squeeze %dma_start3A_64 : memref<1x512x128xf32, #tpu.memory_space<hbm>> -> memref<512x128xf32, #tpu.memory_space<hbm>>
      %dma_start3A_66 = arith.constant 0 : i32
      %dma_start3A_67 = tpu.memref_slice %arg13[%mul3A_62, %dma_start3A_66] : memref<8192x128xf32, #tpu.memory_space<vmem_shared>> -> memref<512x128xf32, #tpu.memory_space<vmem_shared>>
      tpu.enqueue_dma source(%dma_start3A_67 : memref<512x128xf32, #tpu.memory_space<vmem_shared>>) target(%dma_start3A_65 : memref<512x128xf32, #tpu.memory_space<hbm>>) target_semaphore(%run_scoped3A : memref<!tpu.dma_semaphore, #tpu.memory_space<semaphore_mem>>)
      %dma_wait3A_68 = arith.constant 0 : i32
      %dma_wait3A_69 = tpu.memref_slice %arg5[%arg0, %mul3A_62, %dma_wait3A_68] : memref<2x8192x128xf32, #tpu.memory_space<hbm>> -> memref<1x512x128xf32, #tpu.memory_space<hbm>>
      %dma_wait3A_70 = tpu.memref_squeeze %dma_wait3A_69 : memref<1x512x128xf32, #tpu.memory_space<hbm>> -> memref<512x128xf32, #tpu.memory_space<hbm>>
      %dma_wait3A_71 = arith.constant 0 : i32
      %dma_wait3A_72 = tpu.memref_slice %arg13[%mul3A_62, %dma_wait3A_71] : memref<8192x128xf32, #tpu.memory_space<vmem_shared>> -> memref<512x128xf32, #tpu.memory_space<vmem_shared>>
      tpu.wait_dma2 semaphore(%run_scoped3A : memref<!tpu.dma_semaphore, #tpu.memory_space<semaphore_mem>>) src(%dma_wait3A_72 : memref<512x128xf32, #tpu.memory_space<vmem_shared>>) dst(%dma_wait3A_70 : memref<512x128xf32, #tpu.memory_space<hbm>>)
      tpu.yield
    }) : () -> ()
    return
  }
}

module attributes {stable_mosaic.version = 14 : i64} {
  func.func @_topk_body(%arg0: i32, %arg1: i32, %arg2: memref<1x3x256xf32, #tpu.memory_space<vmem>>, %arg3: memref<1x3x4096xf32, #tpu.memory_space<vmem>>, %arg4: memref<1x256x16xi32, #tpu.memory_space<vmem>>) attributes {dimension_semantics = [#tpu.dimension_semantics<arbitrary>, #tpu.dimension_semantics<arbitrary>], iteration_bounds = array<i64: 2, 16>, scalar_prefetch = 0 : i64, scratch_operands = 0 : i64, tpu.core_type = #tpu.core_type<tc>, window_params = [{transform_indices = @transform_0, window_bounds = array<i64: 1, 3, 256>}, {transform_indices = @transform_1, window_bounds = array<i64: 1, 3, 4096>}, {transform_indices = @transform_2, window_bounds = array<i64: 1, 256, 16>}]} {
    %broadcast_in_dim3A = arith.constant 0.000000e+00 : f32
    %broadcast_in_dim3A_0 = vector.broadcast %broadcast_in_dim3A : f32 to vector<256x4096xf32>
    %get3A = arith.constant 0 : index
    %get3A_1 = arith.constant 0 : index
    %get3A_2 = arith.constant 0 : index
    %get3A_3 = vector.load %arg2[%get3A, %get3A_1, %get3A_2] : memref<1x3x256xf32, #tpu.memory_space<vmem>>, vector<1x1x256xf32>
    %get3A_4 = vector.shape_cast %get3A_3 : vector<1x1x256xf32> to vector<256xf32>
    %reshape3A = vector.shape_cast %get3A_4 : vector<256xf32> to vector<256x1xf32>
    %get3A_5 = arith.constant 0 : index
    %get3A_6 = arith.constant 0 : index
    %get3A_7 = arith.constant 0 : index
    %get3A_8 = vector.load %arg3[%get3A_5, %get3A_6, %get3A_7] : memref<1x3x4096xf32, #tpu.memory_space<vmem>>, vector<1x1x4096xf32>
    %get3A_9 = vector.shape_cast %get3A_8 : vector<1x1x4096xf32> to vector<4096xf32>
    %reshape3A_10 = vector.shape_cast %get3A_9 : vector<4096xf32> to vector<1x4096xf32>
    %sub3A = vector.broadcast %reshape3A : vector<256x1xf32> to vector<256x4096xf32>
    %sub3A_11 = vector.broadcast %reshape3A_10 : vector<1x4096xf32> to vector<256x4096xf32>
    %sub3A_12 = arith.subf %sub3A, %sub3A_11 : vector<256x4096xf32>
    %abs3A = math.absf %sub3A_12 : vector<256x4096xf32>
    %gt3A = arith.constant 5.000000e-01 : f32
    %gt3A_13 = vector.broadcast %gt3A : f32 to vector<256x4096xf32>
    %gt3A_14 = arith.cmpf ogt, %abs3A, %gt3A_13 : vector<256x4096xf32>
    %sub3A_15 = arith.constant 1.000000e+00 : f32
    %sub3A_16 = vector.broadcast %sub3A_15 : f32 to vector<256x4096xf32>
    %sub3A_17 = arith.subf %sub3A_16, %abs3A : vector<256x4096xf32>
    %select_n3A = arith.select %gt3A_14, %sub3A_17, %abs3A : vector<256x4096xi1>, vector<256x4096xf32>
    %mul3A = arith.mulf %select_n3A, %select_n3A : vector<256x4096xf32>
    %add3A = arith.addf %broadcast_in_dim3A_0, %mul3A : vector<256x4096xf32>
    %get3A_18 = arith.constant 0 : index
    %get3A_19 = arith.constant 1 : index
    %get3A_20 = arith.constant 0 : index
    %get3A_21 = vector.load %arg2[%get3A_18, %get3A_19, %get3A_20] : memref<1x3x256xf32, #tpu.memory_space<vmem>>, vector<1x1x256xf32>
    %get3A_22 = vector.shape_cast %get3A_21 : vector<1x1x256xf32> to vector<256xf32>
    %reshape3A_23 = vector.shape_cast %get3A_22 : vector<256xf32> to vector<256x1xf32>
    %get3A_24 = arith.constant 0 : index
    %get3A_25 = arith.constant 1 : index
    %get3A_26 = arith.constant 0 : index
    %get3A_27 = vector.load %arg3[%get3A_24, %get3A_25, %get3A_26] : memref<1x3x4096xf32, #tpu.memory_space<vmem>>, vector<1x1x4096xf32>
    %get3A_28 = vector.shape_cast %get3A_27 : vector<1x1x4096xf32> to vector<4096xf32>
    %reshape3A_29 = vector.shape_cast %get3A_28 : vector<4096xf32> to vector<1x4096xf32>
    %sub3A_30 = vector.broadcast %reshape3A_23 : vector<256x1xf32> to vector<256x4096xf32>
    %sub3A_31 = vector.broadcast %reshape3A_29 : vector<1x4096xf32> to vector<256x4096xf32>
    %sub3A_32 = arith.subf %sub3A_30, %sub3A_31 : vector<256x4096xf32>
    %abs3A_33 = math.absf %sub3A_32 : vector<256x4096xf32>
    %gt3A_34 = arith.constant 5.000000e-01 : f32
    %gt3A_35 = vector.broadcast %gt3A_34 : f32 to vector<256x4096xf32>
    %gt3A_36 = arith.cmpf ogt, %abs3A_33, %gt3A_35 : vector<256x4096xf32>
    %sub3A_37 = arith.constant 1.000000e+00 : f32
    %sub3A_38 = vector.broadcast %sub3A_37 : f32 to vector<256x4096xf32>
    %sub3A_39 = arith.subf %sub3A_38, %abs3A_33 : vector<256x4096xf32>
    %select_n3A_40 = arith.select %gt3A_36, %sub3A_39, %abs3A_33 : vector<256x4096xi1>, vector<256x4096xf32>
    %mul3A_41 = arith.mulf %select_n3A_40, %select_n3A_40 : vector<256x4096xf32>
    %add3A_42 = arith.addf %add3A, %mul3A_41 : vector<256x4096xf32>
    %get3A_43 = arith.constant 0 : index
    %get3A_44 = arith.constant 2 : index
    %get3A_45 = arith.constant 0 : index
    %get3A_46 = vector.load %arg2[%get3A_43, %get3A_44, %get3A_45] : memref<1x3x256xf32, #tpu.memory_space<vmem>>, vector<1x1x256xf32>
    %get3A_47 = vector.shape_cast %get3A_46 : vector<1x1x256xf32> to vector<256xf32>
    %reshape3A_48 = vector.shape_cast %get3A_47 : vector<256xf32> to vector<256x1xf32>
    %get3A_49 = arith.constant 0 : index
    %get3A_50 = arith.constant 2 : index
    %get3A_51 = arith.constant 0 : index
    %get3A_52 = vector.load %arg3[%get3A_49, %get3A_50, %get3A_51] : memref<1x3x4096xf32, #tpu.memory_space<vmem>>, vector<1x1x4096xf32>
    %get3A_53 = vector.shape_cast %get3A_52 : vector<1x1x4096xf32> to vector<4096xf32>
    %reshape3A_54 = vector.shape_cast %get3A_53 : vector<4096xf32> to vector<1x4096xf32>
    %sub3A_55 = vector.broadcast %reshape3A_48 : vector<256x1xf32> to vector<256x4096xf32>
    %sub3A_56 = vector.broadcast %reshape3A_54 : vector<1x4096xf32> to vector<256x4096xf32>
    %sub3A_57 = arith.subf %sub3A_55, %sub3A_56 : vector<256x4096xf32>
    %abs3A_58 = math.absf %sub3A_57 : vector<256x4096xf32>
    %gt3A_59 = arith.constant 5.000000e-01 : f32
    %gt3A_60 = vector.broadcast %gt3A_59 : f32 to vector<256x4096xf32>
    %gt3A_61 = arith.cmpf ogt, %abs3A_58, %gt3A_60 : vector<256x4096xf32>
    %sub3A_62 = arith.constant 1.000000e+00 : f32
    %sub3A_63 = vector.broadcast %sub3A_62 : f32 to vector<256x4096xf32>
    %sub3A_64 = arith.subf %sub3A_63, %abs3A_58 : vector<256x4096xf32>
    %select_n3A_65 = arith.select %gt3A_61, %sub3A_64, %abs3A_58 : vector<256x4096xi1>, vector<256x4096xf32>
    %mul3A_66 = arith.mulf %select_n3A_65, %select_n3A_65 : vector<256x4096xf32>
    %add3A_67 = arith.addf %add3A_42, %mul3A_66 : vector<256x4096xf32>
    %iota3A = tpu.iota {dimensions = array<i32: 1>} : vector<256x4096xi32>
    %mul3A_68 = arith.constant 256 : i32
    %mul3A_69 = arith.muli %arg1, %mul3A_68 : i32
    %iota3A_70 = tpu.iota {dimensions = array<i32: 0>} : vector<256x4096xi32>
    %add3A_71 = vector.broadcast %mul3A_69 : i32 to vector<256x4096xi32>
    %add3A_72 = arith.addi %add3A_71, %iota3A_70 : vector<256x4096xi32>
    %eq3A = arith.cmpi eq, %iota3A, %add3A_72 : vector<256x4096xi32>
    %jit3A = arith.constant 0x7F800000 : f32
    %broadcast_in_dim3A_73 = vector.broadcast %jit3A : f32 to vector<256x4096xf32>
    %select_n3A_74 = arith.select %eq3A, %broadcast_in_dim3A_73, %add3A_67 : vector<256x4096xi1>, vector<256x4096xf32>
    %iota3A_75 = tpu.iota {dimensions = array<i32: 1>} : vector<256x16xi32>
    %broadcast_in_dim3A_76 = arith.constant 0 : i32
    %broadcast_in_dim3A_77 = vector.broadcast %broadcast_in_dim3A_76 : i32 to vector<256x16xi32>
    %scan3A = arith.constant 0x7F800000 : f32
    %scan3A_78 = arith.constant 0 : i32
    %scan3A_79 = arith.constant 16 : i32
    %scan3A_80 = arith.addi %scan3A_78, %scan3A_79 : i32
    %scan3A_81 = arith.constant 1 : i32
    %scan3A_82:2 = scf.for %scan3A_93 = %scan3A_78 to %scan3A_80 step %scan3A_81 iter_args(%scan3A_94 = %select_n3A_74, %scan3A_95 = %broadcast_in_dim3A_77) -> (vector<256x4096xf32>, vector<256x16xi32>)  : i32 {
      %reduce_min3A = arith.constant dense<0x7F800000> : vector<256xf32>
      %reduce_min3A_96 = vector.multi_reduction <minimumf>, %scan3A_94, %reduce_min3A [1] : vector<256x4096xf32> to vector<256xf32>
      %broadcast_in_dim3A_97 = vector.shape_cast %reduce_min3A_96 : vector<256xf32> to vector<256x1xf32>
      %eq3A_98 = vector.broadcast %broadcast_in_dim3A_97 : vector<256x1xf32> to vector<256x4096xf32>
      %eq3A_99 = arith.cmpf oeq, %scan3A_94, %eq3A_98 : vector<256x4096xf32>
      %jit3A_100 = arith.constant 1073741824 : i32
      %broadcast_in_dim3A_101 = vector.broadcast %jit3A_100 : i32 to vector<256x4096xi32>
      %select_n3A_102 = arith.select %eq3A_99, %iota3A, %broadcast_in_dim3A_101 : vector<256x4096xi1>, vector<256x4096xi32>
      %reduce_min3A_103 = arith.constant dense<2147483647> : vector<256xi32>
      %reduce_min3A_104 = vector.multi_reduction <minsi>, %select_n3A_102, %reduce_min3A_103 [1] : vector<256x4096xi32> to vector<256xi32>
      %broadcast_in_dim3A_105 = vector.shape_cast %reduce_min3A_104 : vector<256xi32> to vector<256x1xi32>
      %eq3A_106 = vector.broadcast %scan3A_93 : i32 to vector<256x16xi32>
      %eq3A_107 = arith.cmpi eq, %iota3A_75, %eq3A_106 : vector<256x16xi32>
      %broadcast_in_dim3A_108 = vector.shape_cast %broadcast_in_dim3A_105 : vector<256x1xi32> to vector<256x1xi32>
      %broadcast_in_dim3A_109 = vector.broadcast %broadcast_in_dim3A_108 : vector<256x1xi32> to vector<256x16xi32>
      %select_n3A_110 = arith.select %eq3A_107, %broadcast_in_dim3A_109, %scan3A_95 : vector<256x16xi1>, vector<256x16xi32>
      %eq3A_111 = vector.broadcast %broadcast_in_dim3A_105 : vector<256x1xi32> to vector<256x4096xi32>
      %eq3A_112 = arith.cmpi eq, %iota3A, %eq3A_111 : vector<256x4096xi32>
      %broadcast_in_dim3A_113 = vector.broadcast %scan3A : f32 to vector<256x4096xf32>
      %select_n3A_114 = arith.select %eq3A_112, %broadcast_in_dim3A_113, %scan3A_94 : vector<256x4096xi1>, vector<256x4096xf32>
      scf.yield %select_n3A_114, %select_n3A_110 : vector<256x4096xf32>, vector<256x16xi32>
    }
    %scan3A_83 = arith.constant 16 : i32
    %mul3A_84 = arith.constant 4096 : i32
    %mul3A_85 = arith.muli %arg0, %mul3A_84 : i32
    %add3A_86 = vector.broadcast %mul3A_85 : i32 to vector<256x16xi32>
    %add3A_87 = arith.addi %scan3A_82#1, %add3A_86 : vector<256x16xi32>
    %swap3A = arith.constant 0 : index
    %swap3A_88 = arith.constant 0 : index
    %swap3A_89 = arith.constant 0 : index
    %swap3A_90 = vector.load %arg4[%swap3A, %swap3A_88, %swap3A_89] : memref<1x256x16xi32, #tpu.memory_space<vmem>>, vector<1x256x16xi32>
    %swap3A_91 = vector.shape_cast %swap3A_90 : vector<1x256x16xi32> to vector<256x16xi32>
    %swap3A_92 = vector.shape_cast %add3A_87 : vector<256x16xi32> to vector<1x256x16xi32>
    tpu.vector_store %arg4[%swap3A, %swap3A_88, %swap3A_89], %swap3A_92 {strides = array<i32>} : memref<1x256x16xi32, #tpu.memory_space<vmem>>, vector<1x256x16xi32>,
    return
  }
  func.func @transform_0(%arg0: i32, %arg1: i32) -> (i32, i32, i32) {
    %c0_i32 = arith.constant 0 : i32
    %c0_i32_0 = arith.constant 0 : i32
    return %arg0, %c0_i32, %arg1 : i32, i32, i32
  }
  func.func @transform_1(%arg0: i32, %arg1: i32) -> (i32, i32, i32) {
    %c0_i32 = arith.constant 0 : i32
    %c0_i32_0 = arith.constant 0 : i32
    %c0_i32_1 = arith.constant 0 : i32
    return %arg0, %c0_i32, %c0_i32_0 : i32, i32, i32
  }
  func.func @transform_2(%arg0: i32, %arg1: i32) -> (i32, i32, i32) {
    %c0_i32 = arith.constant 0 : i32
    %c0_i32_0 = arith.constant 0 : i32
    return %arg0, %arg1, %c0_i32 : i32, i32, i32
  }
}

module attributes {stable_mosaic.version = 14 : i64} {
  func.func @_enc_body(%arg0: i32, %arg1: memref<256x16xf32, #tpu.memory_space<vmem>>, %arg2: memref<16x128xf32, #tpu.memory_space<vmem>>, %arg3: memref<1x128xf32, #tpu.memory_space<vmem>>, %arg4: memref<128x128xf32, #tpu.memory_space<vmem>>, %arg5: memref<1x128xf32, #tpu.memory_space<vmem>>, %arg6: memref<128x128xf32, #tpu.memory_space<vmem>>, %arg7: memref<1x128xf32, #tpu.memory_space<vmem>>, %arg8: memref<128x128xf32, #tpu.memory_space<vmem>>, %arg9: memref<256x128xf32, #tpu.memory_space<vmem>>, %arg10: memref<256x128xf32, #tpu.memory_space<vmem>>, %arg11: memref<256x128xf32, #tpu.memory_space<vmem>>) attributes {dimension_semantics = [#tpu.dimension_semantics<arbitrary>], iteration_bounds = array<i64: 32>, scalar_prefetch = 0 : i64, scratch_operands = 0 : i64, tpu.core_type = #tpu.core_type<tc>, window_params = [{transform_indices = @transform_0, window_bounds = array<i64: 256, 16>}, {pipeline_mode = #tpu.pipeline_mode<synchronous>, transform_indices = @transform_1, window_bounds = array<i64: 16, 128>}, {pipeline_mode = #tpu.pipeline_mode<synchronous>, transform_indices = @transform_2, window_bounds = array<i64: 1, 128>}, {pipeline_mode = #tpu.pipeline_mode<synchronous>, transform_indices = @transform_3, window_bounds = array<i64: 128, 128>}, {pipeline_mode = #tpu.pipeline_mode<synchronous>, transform_indices = @transform_4, window_bounds = array<i64: 1, 128>}, {pipeline_mode = #tpu.pipeline_mode<synchronous>, transform_indices = @transform_5, window_bounds = array<i64: 128, 128>}, {pipeline_mode = #tpu.pipeline_mode<synchronous>, transform_indices = @transform_6, window_bounds = array<i64: 1, 128>}, {pipeline_mode = #tpu.pipeline_mode<synchronous>, transform_indices = @transform_7, window_bounds = array<i64: 128, 128>}, {transform_indices = @transform_8, window_bounds = array<i64: 256, 128>}, {transform_indices = @transform_9, window_bounds = array<i64: 256, 128>}, {transform_indices = @transform_10, window_bounds = array<i64: 256, 128>}]} {
    %get3A = arith.constant 0 : index
    %get3A_0 = arith.constant 0 : index
    %get3A_1 = vector.load %arg1[%get3A, %get3A_0] : memref<256x16xf32, #tpu.memory_space<vmem>>, vector<256x16xf32>
    %get3A_2 = arith.constant 0 : index
    %get3A_3 = arith.constant 0 : index
    %get3A_4 = vector.load %arg2[%get3A_2, %get3A_3] : memref<16x128xf32, #tpu.memory_space<vmem>>, vector<16x128xf32>
    %dot_general3A = arith.constant dense<0.000000e+00> : vector<256x128xf32>
    %dot_general3A_5 = tpu.matmul %get3A_1, %get3A_4, %dot_general3A {dimension_numbers = #tpu.dot_dimension_numbers<[1], [0], [0], [1], [0, 0, 1, 1], [], []>, precision = #tpu.contract_precision<fp32>, transpose_lhs_hint = false} : vector<256x16xf32>, vector<16x128xf32>, vector<256x128xf32> -> vector<256x128xf32>
    %get3A_6 = arith.constant 0 : index
    %get3A_7 = arith.constant 0 : index
    %get3A_8 = vector.load %arg3[%get3A_6, %get3A_7] : memref<1x128xf32, #tpu.memory_space<vmem>>, vector<1x128xf32>
    %add3A = vector.broadcast %get3A_8 : vector<1x128xf32> to vector<256x128xf32>
    %add3A_9 = arith.addf %dot_general3A_5, %add3A : vector<256x128xf32>
    %max3A = arith.constant 0.000000e+00 : f32
    %max3A_10 = vector.broadcast %max3A : f32 to vector<256x128xf32>
    %max3A_11 = arith.maximumf %add3A_9, %max3A_10 : vector<256x128xf32>
    %get3A_12 = arith.constant 0 : index
    %get3A_13 = arith.constant 0 : index
    %get3A_14 = vector.load %arg4[%get3A_12, %get3A_13] : memref<128x128xf32, #tpu.memory_space<vmem>>, vector<128x128xf32>
    %dot_general3A_15 = arith.constant dense<0.000000e+00> : vector<256x128xf32>
    %dot_general3A_16 = tpu.matmul %max3A_11, %get3A_14, %dot_general3A_15 {dimension_numbers = #tpu.dot_dimension_numbers<[1], [0], [0], [1], [0, 0, 1, 1], [], []>, precision = #tpu.contract_precision<fp32>, transpose_lhs_hint = false} : vector<256x128xf32>, vector<128x128xf32>, vector<256x128xf32> -> vector<256x128xf32>
    %get3A_17 = arith.constant 0 : index
    %get3A_18 = arith.constant 0 : index
    %get3A_19 = vector.load %arg5[%get3A_17, %get3A_18] : memref<1x128xf32, #tpu.memory_space<vmem>>, vector<1x128xf32>
    %add3A_20 = vector.broadcast %get3A_19 : vector<1x128xf32> to vector<256x128xf32>
    %add3A_21 = arith.addf %dot_general3A_16, %add3A_20 : vector<256x128xf32>
    %max3A_22 = arith.constant 0.000000e+00 : f32
    %max3A_23 = vector.broadcast %max3A_22 : f32 to vector<256x128xf32>
    %max3A_24 = arith.maximumf %add3A_21, %max3A_23 : vector<256x128xf32>
    %swap3A = arith.constant 0 : index
    %swap3A_25 = arith.constant 0 : index
    %swap3A_26 = vector.load %arg9[%swap3A, %swap3A_25] : memref<256x128xf32, #tpu.memory_space<vmem>>, vector<256x128xf32>
    tpu.vector_store %arg9[%swap3A, %swap3A_25], %max3A_24 {strides = array<i32>} : memref<256x128xf32, #tpu.memory_space<vmem>>, vector<256x128xf32>,
    %get3A_27 = arith.constant 0 : index
    %get3A_28 = arith.constant 0 : index
    %get3A_29 = vector.load %arg6[%get3A_27, %get3A_28] : memref<128x128xf32, #tpu.memory_space<vmem>>, vector<128x128xf32>
    %dot_general3A_30 = arith.constant dense<0.000000e+00> : vector<256x128xf32>
    %dot_general3A_31 = tpu.matmul %max3A_24, %get3A_29, %dot_general3A_30 {dimension_numbers = #tpu.dot_dimension_numbers<[1], [0], [0], [1], [0, 0, 1, 1], [], []>, precision = #tpu.contract_precision<fp32>, transpose_lhs_hint = false} : vector<256x128xf32>, vector<128x128xf32>, vector<256x128xf32> -> vector<256x128xf32>
    %get3A_32 = arith.constant 0 : index
    %get3A_33 = arith.constant 0 : index
    %get3A_34 = vector.load %arg7[%get3A_32, %get3A_33] : memref<1x128xf32, #tpu.memory_space<vmem>>, vector<1x128xf32>
    %add3A_35 = vector.broadcast %get3A_34 : vector<1x128xf32> to vector<256x128xf32>
    %add3A_36 = arith.addf %dot_general3A_31, %add3A_35 : vector<256x128xf32>
    %swap3A_37 = arith.constant 0 : index
    %swap3A_38 = arith.constant 0 : index
    %swap3A_39 = vector.load %arg10[%swap3A_37, %swap3A_38] : memref<256x128xf32, #tpu.memory_space<vmem>>, vector<256x128xf32>
    tpu.vector_store %arg10[%swap3A_37, %swap3A_38], %add3A_36 {strides = array<i32>} : memref<256x128xf32, #tpu.memory_space<vmem>>, vector<256x128xf32>,
    %get3A_40 = arith.constant 0 : index
    %get3A_41 = arith.constant 0 : index
    %get3A_42 = vector.load %arg8[%get3A_40, %get3A_41] : memref<128x128xf32, #tpu.memory_space<vmem>>, vector<128x128xf32>
    %dot_general3A_43 = arith.constant dense<0.000000e+00> : vector<256x128xf32>
    %dot_general3A_44 = tpu.matmul %max3A_24, %get3A_42, %dot_general3A_43 {dimension_numbers = #tpu.dot_dimension_numbers<[1], [0], [0], [1], [0, 0, 1, 1], [], []>, precision = #tpu.contract_precision<fp32>, transpose_lhs_hint = false} : vector<256x128xf32>, vector<128x128xf32>, vector<256x128xf32> -> vector<256x128xf32>
    %swap3A_45 = arith.constant 0 : index
    %swap3A_46 = arith.constant 0 : index
    %swap3A_47 = vector.load %arg11[%swap3A_45, %swap3A_46] : memref<256x128xf32, #tpu.memory_space<vmem>>, vector<256x128xf32>
    tpu.vector_store %arg11[%swap3A_45, %swap3A_46], %dot_general3A_44 {strides = array<i32>} : memref<256x128xf32, #tpu.memory_space<vmem>>, vector<256x128xf32>,
    return
  }
  func.func @transform_0(%arg0: i32) -> (i32, i32) {
    %c0_i32 = arith.constant 0 : i32
    %c0_i32_0 = arith.constant 0 : i32
    return %arg0, %c0_i32 : i32, i32
  }
  func.func @transform_1(%arg0: i32) -> (i32, i32) {
    %c0_i32 = arith.constant 0 : i32
    %c0_i32_0 = arith.constant 0 : i32
    %c0_i32_1 = arith.constant 0 : i32
    return %c0_i32, %c0_i32_0 : i32, i32
  }
  func.func @transform_2(%arg0: i32) -> (i32, i32) {
    %c0_i32 = arith.constant 0 : i32
    %c0_i32_0 = arith.constant 0 : i32
    %c0_i32_1 = arith.constant 0 : i32
    return %c0_i32, %c0_i32_0 : i32, i32
  }
  func.func @transform_3(%arg0: i32) -> (i32, i32) {
    %c0_i32 = arith.constant 0 : i32
    %c0_i32_0 = arith.constant 0 : i32
    %c0_i32_1 = arith.constant 0 : i32
    return %c0_i32, %c0_i32_0 : i32, i32
  }
  func.func @transform_4(%arg0: i32) -> (i32, i32) {
    %c0_i32 = arith.constant 0 : i32
    %c0_i32_0 = arith.constant 0 : i32
    %c0_i32_1 = arith.constant 0 : i32
    return %c0_i32, %c0_i32_0 : i32, i32
  }
  func.func @transform_5(%arg0: i32) -> (i32, i32) {
    %c0_i32 = arith.constant 0 : i32
    %c0_i32_0 = arith.constant 0 : i32
    %c0_i32_1 = arith.constant 0 : i32
    return %c0_i32, %c0_i32_0 : i32, i32
  }
  func.func @transform_6(%arg0: i32) -> (i32, i32) {
    %c0_i32 = arith.constant 0 : i32
    %c0_i32_0 = arith.constant 0 : i32
    %c0_i32_1 = arith.constant 0 : i32
    return %c0_i32, %c0_i32_0 : i32, i32
  }
  func.func @transform_7(%arg0: i32) -> (i32, i32) {
    %c0_i32 = arith.constant 0 : i32
    %c0_i32_0 = arith.constant 0 : i32
    %c0_i32_1 = arith.constant 0 : i32
    return %c0_i32, %c0_i32_0 : i32, i32
  }
  func.func @transform_8(%arg0: i32) -> (i32, i32) {
    %c0_i32 = arith.constant 0 : i32
    %c0_i32_0 = arith.constant 0 : i32
    return %arg0, %c0_i32 : i32, i32
  }
  func.func @transform_9(%arg0: i32) -> (i32, i32) {
    %c0_i32 = arith.constant 0 : i32
    %c0_i32_0 = arith.constant 0 : i32
    return %arg0, %c0_i32 : i32, i32
  }
  func.func @transform_10(%arg0: i32) -> (i32, i32) {
    %c0_i32 = arith.constant 0 : i32
    %c0_i32_0 = arith.constant 0 : i32
    return %arg0, %c0_i32 : i32, i32
  }
}

module attributes {stable_mosaic.version = 14 : i64} {
  func.func @_upd0_body(%arg0: i32, %arg1: memref<256x128xf32, #tpu.memory_space<vmem>>, %arg2: memref<256x128xf32, #tpu.memory_space<vmem>>, %arg3: memref<256x128xf32, #tpu.memory_space<vmem>>, %arg4: memref<256x128xf32, #tpu.memory_space<vmem>>, %arg5: memref<256x128xf32, #tpu.memory_space<vmem>>, %arg6: memref<128x128xf32, #tpu.memory_space<vmem>>, %arg7: memref<128x128xf32, #tpu.memory_space<vmem>>, %arg8: memref<1x128xf32, #tpu.memory_space<vmem>>, %arg9: memref<128x128xf32, #tpu.memory_space<vmem>>, %arg10: memref<1x128xf32, #tpu.memory_space<vmem>>, %arg11: memref<128x128xf32, #tpu.memory_space<vmem>>, %arg12: memref<256x128xf32, #tpu.memory_space<vmem>>, %arg13: memref<256x128xf32, #tpu.memory_space<vmem>>, %arg14: memref<256x128xf32, #tpu.memory_space<vmem>>, %arg15: memref<256xf32, #tpu.memory_space<vmem>>) attributes {dimension_semantics = [#tpu.dimension_semantics<arbitrary>], iteration_bounds = array<i64: 32>, scalar_prefetch = 0 : i64, scratch_operands = 0 : i64, tpu.core_type = #tpu.core_type<tc>, window_params = [{transform_indices = @transform_0, window_bounds = array<i64: 256, 128>}, {transform_indices = @transform_1, window_bounds = array<i64: 256, 128>}, {transform_indices = @transform_2, window_bounds = array<i64: 256, 128>}, {transform_indices = @transform_3, window_bounds = array<i64: 256, 128>}, {transform_indices = @transform_4, window_bounds = array<i64: 256, 128>}, {pipeline_mode = #tpu.pipeline_mode<synchronous>, transform_indices = @transform_5, window_bounds = array<i64: 128, 128>}, {pipeline_mode = #tpu.pipeline_mode<synchronous>, transform_indices = @transform_6, window_bounds = array<i64: 128, 128>}, {pipeline_mode = #tpu.pipeline_mode<synchronous>, transform_indices = @transform_7, window_bounds = array<i64: 1, 128>}, {pipeline_mode = #tpu.pipeline_mode<synchronous>, transform_indices = @transform_8, window_bounds = array<i64: 128, 128>}, {pipeline_mode = #tpu.pipeline_mode<synchronous>, transform_indices = @transform_9, window_bounds = array<i64: 1, 128>}, {pipeline_mode = #tpu.pipeline_mode<synchronous>, transform_indices = @transform_10, window_bounds = array<i64: 128, 128>}, {transform_indices = @transform_11, window_bounds = array<i64: 256, 128>}, {transform_indices = @transform_12, window_bounds = array<i64: 256, 128>}, {transform_indices = @transform_13, window_bounds = array<i64: 256, 128>}, {transform_indices = @transform_14, window_bounds = array<i64: 256>}]} {
    %get3A = arith.constant 0 : index
    %get3A_0 = arith.constant 0 : index
    %get3A_1 = vector.load %arg4[%get3A, %get3A_0] : memref<256x128xf32, #tpu.memory_space<vmem>>, vector<256x1xf32>
    %get3A_2 = arith.constant 0 : index
    %get3A_3 = arith.constant 0 : index
    %get3A_4 = vector.load %arg5[%get3A_2, %get3A_3] : memref<256x128xf32, #tpu.memory_space<vmem>>, vector<256x1xf32>
    %add3A = arith.addf %get3A_1, %get3A_4 : vector<256x1xf32>
    %max3A = arith.constant 1.000000e+00 : f32
    %max3A_5 = vector.broadcast %max3A : f32 to vector<256x1xf32>
    %max3A_6 = arith.maximumf %add3A, %max3A_5 : vector<256x1xf32>
    %div3A = arith.constant 1.000000e+00 : f32
    %div3A_7 = vector.broadcast %div3A : f32 to vector<256x1xf32>
    %div3A_8 = arith.divf %div3A_7, %max3A_6 : vector<256x1xf32>
    %get3A_9 = arith.constant 0 : index
    %get3A_10 = arith.constant 0 : index
    %get3A_11 = vector.load %arg2[%get3A_9, %get3A_10] : memref<256x128xf32, #tpu.memory_space<vmem>>, vector<256x128xf32>
    %get3A_12 = arith.constant 0 : index
    %get3A_13 = arith.constant 0 : index
    %get3A_14 = vector.load %arg3[%get3A_12, %get3A_13] : memref<256x128xf32, #tpu.memory_space<vmem>>, vector<256x128xf32>
    %add3A_15 = arith.addf %get3A_11, %get3A_14 : vector<256x128xf32>
    %mul3A = vector.broadcast %div3A_8 : vector<256x1xf32> to vector<256x128xf32>
    %mul3A_16 = arith.mulf %add3A_15, %mul3A : vector<256x128xf32>
    %get3A_17 = arith.constant 0 : index
    %get3A_18 = arith.constant 0 : index
    %get3A_19 = vector.load %arg1[%get3A_17, %get3A_18] : memref<256x128xf32, #tpu.memory_space<vmem>>, vector<256x128xf32>
    %get3A_20 = arith.constant 0 : index
    %get3A_21 = arith.constant 0 : index
    %get3A_22 = vector.load %arg6[%get3A_20, %get3A_21] : memref<128x128xf32, #tpu.memory_space<vmem>>, vector<128x128xf32>
    %dot_general3A = arith.constant dense<0.000000e+00> : vector<256x128xf32>
    %dot_general3A_23 = tpu.matmul %get3A_19, %get3A_22, %dot_general3A {dimension_numbers = #tpu.dot_dimension_numbers<[1], [0], [0], [1], [0, 0, 1, 1], [], []>, precision = #tpu.contract_precision<fp32>, transpose_lhs_hint = false} : vector<256x128xf32>, vector<128x128xf32>, vector<256x128xf32> -> vector<256x128xf32>
    %get3A_24 = arith.constant 0 : index
    %get3A_25 = arith.constant 0 : index
    %get3A_26 = vector.load %arg7[%get3A_24, %get3A_25] : memref<128x128xf32, #tpu.memory_space<vmem>>, vector<128x128xf32>
    %dot_general3A_27 = arith.constant dense<0.000000e+00> : vector<256x128xf32>
    %dot_general3A_28 = tpu.matmul %mul3A_16, %get3A_26, %dot_general3A_27 {dimension_numbers = #tpu.dot_dimension_numbers<[1], [0], [0], [1], [0, 0, 1, 1], [], []>, precision = #tpu.contract_precision<fp32>, transpose_lhs_hint = false} : vector<256x128xf32>, vector<128x128xf32>, vector<256x128xf32> -> vector<256x128xf32>
    %add3A_29 = arith.addf %dot_general3A_23, %dot_general3A_28 : vector<256x128xf32>
    %get3A_30 = arith.constant 0 : index
    %get3A_31 = arith.constant 0 : index
    %get3A_32 = vector.load %arg8[%get3A_30, %get3A_31] : memref<1x128xf32, #tpu.memory_space<vmem>>, vector<1x128xf32>
    %add3A_33 = vector.broadcast %get3A_32 : vector<1x128xf32> to vector<256x128xf32>
    %add3A_34 = arith.addf %add3A_29, %add3A_33 : vector<256x128xf32>
    %max3A_35 = arith.constant 0.000000e+00 : f32
    %max3A_36 = vector.broadcast %max3A_35 : f32 to vector<256x128xf32>
    %max3A_37 = arith.maximumf %add3A_34, %max3A_36 : vector<256x128xf32>
    %add3A_38 = arith.addf %get3A_19, %max3A_37 : vector<256x128xf32>
    %swap3A = arith.constant 0 : index
    %swap3A_39 = arith.constant 0 : index
    %swap3A_40 = vector.load %arg12[%swap3A, %swap3A_39] : memref<256x128xf32, #tpu.memory_space<vmem>>, vector<256x128xf32>
    tpu.vector_store %arg12[%swap3A, %swap3A_39], %add3A_38 {strides = array<i32>} : memref<256x128xf32, #tpu.memory_space<vmem>>, vector<256x128xf32>,
    %get3A_41 = arith.constant 0 : index
    %get3A_42 = arith.constant 0 : index
    %get3A_43 = vector.load %arg9[%get3A_41, %get3A_42] : memref<128x128xf32, #tpu.memory_space<vmem>>, vector<128x128xf32>
    %dot_general3A_44 = arith.constant dense<0.000000e+00> : vector<256x128xf32>
    %dot_general3A_45 = tpu.matmul %add3A_38, %get3A_43, %dot_general3A_44 {dimension_numbers = #tpu.dot_dimension_numbers<[1], [0], [0], [1], [0, 0, 1, 1], [], []>, precision = #tpu.contract_precision<fp32>, transpose_lhs_hint = false} : vector<256x128xf32>, vector<128x128xf32>, vector<256x128xf32> -> vector<256x128xf32>
    %get3A_46 = arith.constant 0 : index
    %get3A_47 = arith.constant 0 : index
    %get3A_48 = vector.load %arg10[%get3A_46, %get3A_47] : memref<1x128xf32, #tpu.memory_space<vmem>>, vector<1x128xf32>
    %add3A_49 = vector.broadcast %get3A_48 : vector<1x128xf32> to vector<256x128xf32>
    %add3A_50 = arith.addf %dot_general3A_45, %add3A_49 : vector<256x128xf32>
    %swap3A_51 = arith.constant 0 : index
    %swap3A_52 = arith.constant 0 : index
    %swap3A_53 = vector.load %arg13[%swap3A_51, %swap3A_52] : memref<256x128xf32, #tpu.memory_space<vmem>>, vector<256x128xf32>
    tpu.vector_store %arg13[%swap3A_51, %swap3A_52], %add3A_50 {strides = array<i32>} : memref<256x128xf32, #tpu.memory_space<vmem>>, vector<256x128xf32>,
    %get3A_54 = arith.constant 0 : index
    %get3A_55 = arith.constant 0 : index
    %get3A_56 = vector.load %arg11[%get3A_54, %get3A_55] : memref<128x128xf32, #tpu.memory_space<vmem>>, vector<128x128xf32>
    %dot_general3A_57 = arith.constant dense<0.000000e+00> : vector<256x128xf32>
    %dot_general3A_58 = tpu.matmul %add3A_38, %get3A_56, %dot_general3A_57 {dimension_numbers = #tpu.dot_dimension_numbers<[1], [0], [0], [1], [0, 0, 1, 1], [], []>, precision = #tpu.contract_precision<fp32>, transpose_lhs_hint = false} : vector<256x128xf32>, vector<128x128xf32>, vector<256x128xf32> -> vector<256x128xf32>
    %swap3A_59 = arith.constant 0 : index
    %swap3A_60 = arith.constant 0 : index
    %swap3A_61 = vector.load %arg14[%swap3A_59, %swap3A_60] : memref<256x128xf32, #tpu.memory_space<vmem>>, vector<256x128xf32>
    tpu.vector_store %arg14[%swap3A_59, %swap3A_60], %dot_general3A_58 {strides = array<i32>} : memref<256x128xf32, #tpu.memory_space<vmem>>, vector<256x128xf32>,
    %squeeze3A = vector.shape_cast %div3A_8 : vector<256x1xf32> to vector<256xf32>
    %swap3A_62 = arith.constant 0 : index
    %swap3A_63 = vector.load %arg15[%swap3A_62] : memref<256xf32, #tpu.memory_space<vmem>>, vector<256xf32>
    tpu.vector_store %arg15[%swap3A_62], %squeeze3A {strides = array<i32>} : memref<256xf32, #tpu.memory_space<vmem>>, vector<256xf32>,
    return
  }
  func.func @transform_0(%arg0: i32) -> (i32, i32) {
    %c0_i32 = arith.constant 0 : i32
    %c0_i32_0 = arith.constant 0 : i32
    return %arg0, %c0_i32 : i32, i32
  }
  func.func @transform_1(%arg0: i32) -> (i32, i32) {
    %c0_i32 = arith.constant 0 : i32
    %c0_i32_0 = arith.constant 0 : i32
    return %arg0, %c0_i32 : i32, i32
  }
  func.func @transform_2(%arg0: i32) -> (i32, i32) {
    %c0_i32 = arith.constant 0 : i32
    %c0_i32_0 = arith.constant 0 : i32
    return %arg0, %c0_i32 : i32, i32
  }
  func.func @transform_3(%arg0: i32) -> (i32, i32) {
    %c0_i32 = arith.constant 0 : i32
    %c0_i32_0 = arith.constant 0 : i32
    return %arg0, %c0_i32 : i32, i32
  }
  func.func @transform_4(%arg0: i32) -> (i32, i32) {
    %c0_i32 = arith.constant 0 : i32
    %c0_i32_0 = arith.constant 0 : i32
    return %arg0, %c0_i32 : i32, i32
  }
  func.func @transform_5(%arg0: i32) -> (i32, i32) {
    %c0_i32 = arith.constant 0 : i32
    %c0_i32_0 = arith.constant 0 : i32
    %c0_i32_1 = arith.constant 0 : i32
    return %c0_i32, %c0_i32_0 : i32, i32
  }
  func.func @transform_6(%arg0: i32) -> (i32, i32) {
    %c0_i32 = arith.constant 0 : i32
    %c0_i32_0 = arith.constant 0 : i32
    %c0_i32_1 = arith.constant 0 : i32
    return %c0_i32, %c0_i32_0 : i32, i32
  }
  func.func @transform_7(%arg0: i32) -> (i32, i32) {
    %c0_i32 = arith.constant 0 : i32
    %c0_i32_0 = arith.constant 0 : i32
    %c0_i32_1 = arith.constant 0 : i32
    return %c0_i32, %c0_i32_0 : i32, i32
  }
  func.func @transform_8(%arg0: i32) -> (i32, i32) {
    %c0_i32 = arith.constant 0 : i32
    %c0_i32_0 = arith.constant 0 : i32
    %c0_i32_1 = arith.constant 0 : i32
    return %c0_i32, %c0_i32_0 : i32, i32
  }
  func.func @transform_9(%arg0: i32) -> (i32, i32) {
    %c0_i32 = arith.constant 0 : i32
    %c0_i32_0 = arith.constant 0 : i32
    %c0_i32_1 = arith.constant 0 : i32
    return %c0_i32, %c0_i32_0 : i32, i32
  }
  func.func @transform_10(%arg0: i32) -> (i32, i32) {
    %c0_i32 = arith.constant 0 : i32
    %c0_i32_0 = arith.constant 0 : i32
    %c0_i32_1 = arith.constant 0 : i32
    return %c0_i32, %c0_i32_0 : i32, i32
  }
  func.func @transform_11(%arg0: i32) -> (i32, i32) {
    %c0_i32 = arith.constant 0 : i32
    %c0_i32_0 = arith.constant 0 : i32
    return %arg0, %c0_i32 : i32, i32
  }
  func.func @transform_12(%arg0: i32) -> (i32, i32) {
    %c0_i32 = arith.constant 0 : i32
    %c0_i32_0 = arith.constant 0 : i32
    return %arg0, %c0_i32 : i32, i32
  }
  func.func @transform_13(%arg0: i32) -> (i32, i32) {
    %c0_i32 = arith.constant 0 : i32
    %c0_i32_0 = arith.constant 0 : i32
    return %arg0, %c0_i32 : i32, i32
  }
  func.func @transform_14(%arg0: i32) -> i32 {
    %c0_i32 = arith.constant 0 : i32
    return %arg0 : i32
  }
}

module attributes {stable_mosaic.version = 14 : i64} {
  func.func @_upd1_body(%arg0: i32, %arg1: memref<256x128xf32, #tpu.memory_space<vmem>>, %arg2: memref<256x128xf32, #tpu.memory_space<vmem>>, %arg3: memref<256x128xf32, #tpu.memory_space<vmem>>, %arg4: memref<256xf32, #tpu.memory_space<vmem>>, %arg5: memref<128x128xf32, #tpu.memory_space<vmem>>, %arg6: memref<128x128xf32, #tpu.memory_space<vmem>>, %arg7: memref<1x128xf32, #tpu.memory_space<vmem>>, %arg8: memref<128x128xf32, #tpu.memory_space<vmem>>, %arg9: memref<1x128xf32, #tpu.memory_space<vmem>>, %arg10: memref<128x128xf32, #tpu.memory_space<vmem>>, %arg11: memref<256x128xf32, #tpu.memory_space<vmem>>, %arg12: memref<256x128xf32, #tpu.memory_space<vmem>>, %arg13: memref<256x128xf32, #tpu.memory_space<vmem>>) attributes {dimension_semantics = [#tpu.dimension_semantics<arbitrary>], iteration_bounds = array<i64: 32>, scalar_prefetch = 0 : i64, scratch_operands = 0 : i64, tpu.core_type = #tpu.core_type<tc>, window_params = [{transform_indices = @transform_0, window_bounds = array<i64: 256, 128>}, {transform_indices = @transform_1, window_bounds = array<i64: 256, 128>}, {transform_indices = @transform_2, window_bounds = array<i64: 256, 128>}, {transform_indices = @transform_3, window_bounds = array<i64: 256>}, {pipeline_mode = #tpu.pipeline_mode<synchronous>, transform_indices = @transform_4, window_bounds = array<i64: 128, 128>}, {pipeline_mode = #tpu.pipeline_mode<synchronous>, transform_indices = @transform_5, window_bounds = array<i64: 128, 128>}, {pipeline_mode = #tpu.pipeline_mode<synchronous>, transform_indices = @transform_6, window_bounds = array<i64: 1, 128>}, {pipeline_mode = #tpu.pipeline_mode<synchronous>, transform_indices = @transform_7, window_bounds = array<i64: 128, 128>}, {pipeline_mode = #tpu.pipeline_mode<synchronous>, transform_indices = @transform_8, window_bounds = array<i64: 1, 128>}, {pipeline_mode = #tpu.pipeline_mode<synchronous>, transform_indices = @transform_9, window_bounds = array<i64: 128, 128>}, {transform_indices = @transform_10, window_bounds = array<i64: 256, 128>}, {transform_indices = @transform_11, window_bounds = array<i64: 256, 128>}, {transform_indices = @transform_12, window_bounds = array<i64: 256, 128>}]} {
    %get3A = arith.constant 0 : index
    %get3A_0 = vector.load %arg4[%get3A] : memref<256xf32, #tpu.memory_space<vmem>>, vector<256xf32>
    %reshape3A = vector.shape_cast %get3A_0 : vector<256xf32> to vector<256x1xf32>
    %get3A_1 = arith.constant 0 : index
    %get3A_2 = arith.constant 0 : index
    %get3A_3 = vector.load %arg2[%get3A_1, %get3A_2] : memref<256x128xf32, #tpu.memory_space<vmem>>, vector<256x128xf32>
    %get3A_4 = arith.constant 0 : index
    %get3A_5 = arith.constant 0 : index
    %get3A_6 = vector.load %arg3[%get3A_4, %get3A_5] : memref<256x128xf32, #tpu.memory_space<vmem>>, vector<256x128xf32>
    %add3A = arith.addf %get3A_3, %get3A_6 : vector<256x128xf32>
    %mul3A = vector.broadcast %reshape3A : vector<256x1xf32> to vector<256x128xf32>
    %mul3A_7 = arith.mulf %add3A, %mul3A : vector<256x128xf32>
    %get3A_8 = arith.constant 0 : index
    %get3A_9 = arith.constant 0 : index
    %get3A_10 = vector.load %arg1[%get3A_8, %get3A_9] : memref<256x128xf32, #tpu.memory_space<vmem>>, vector<256x128xf32>
    %get3A_11 = arith.constant 0 : index
    %get3A_12 = arith.constant 0 : index
    %get3A_13 = vector.load %arg5[%get3A_11, %get3A_12] : memref<128x128xf32, #tpu.memory_space<vmem>>, vector<128x128xf32>
    %dot_general3A = arith.constant dense<0.000000e+00> : vector<256x128xf32>
    %dot_general3A_14 = tpu.matmul %get3A_10, %get3A_13, %dot_general3A {dimension_numbers = #tpu.dot_dimension_numbers<[1], [0], [0], [1], [0, 0, 1, 1], [], []>, precision = #tpu.contract_precision<fp32>, transpose_lhs_hint = false} : vector<256x128xf32>, vector<128x128xf32>, vector<256x128xf32> -> vector<256x128xf32>
    %get3A_15 = arith.constant 0 : index
    %get3A_16 = arith.constant 0 : index
    %get3A_17 = vector.load %arg6[%get3A_15, %get3A_16] : memref<128x128xf32, #tpu.memory_space<vmem>>, vector<128x128xf32>
    %dot_general3A_18 = arith.constant dense<0.000000e+00> : vector<256x128xf32>
    %dot_general3A_19 = tpu.matmul %mul3A_7, %get3A_17, %dot_general3A_18 {dimension_numbers = #tpu.dot_dimension_numbers<[1], [0], [0], [1], [0, 0, 1, 1], [], []>, precision = #tpu.contract_precision<fp32>, transpose_lhs_hint = false} : vector<256x128xf32>, vector<128x128xf32>, vector<256x128xf32> -> vector<256x128xf32>
    %add3A_20 = arith.addf %dot_general3A_14, %dot_general3A_19 : vector<256x128xf32>
    %get3A_21 = arith.constant 0 : index
    %get3A_22 = arith.constant 0 : index
    %get3A_23 = vector.load %arg7[%get3A_21, %get3A_22] : memref<1x128xf32, #tpu.memory_space<vmem>>, vector<1x128xf32>
    %add3A_24 = vector.broadcast %get3A_23 : vector<1x128xf32> to vector<256x128xf32>
    %add3A_25 = arith.addf %add3A_20, %add3A_24 : vector<256x128xf32>
    %max3A = arith.constant 0.000000e+00 : f32
    %max3A_26 = vector.broadcast %max3A : f32 to vector<256x128xf32>
    %max3A_27 = arith.maximumf %add3A_25, %max3A_26 : vector<256x128xf32>
    %add3A_28 = arith.addf %get3A_10, %max3A_27 : vector<256x128xf32>
    %swap3A = arith.constant 0 : index
    %swap3A_29 = arith.constant 0 : index
    %swap3A_30 = vector.load %arg11[%swap3A, %swap3A_29] : memref<256x128xf32, #tpu.memory_space<vmem>>, vector<256x128xf32>
    tpu.vector_store %arg11[%swap3A, %swap3A_29], %add3A_28 {strides = array<i32>} : memref<256x128xf32, #tpu.memory_space<vmem>>, vector<256x128xf32>,
    %get3A_31 = arith.constant 0 : index
    %get3A_32 = arith.constant 0 : index
    %get3A_33 = vector.load %arg8[%get3A_31, %get3A_32] : memref<128x128xf32, #tpu.memory_space<vmem>>, vector<128x128xf32>
    %dot_general3A_34 = arith.constant dense<0.000000e+00> : vector<256x128xf32>
    %dot_general3A_35 = tpu.matmul %add3A_28, %get3A_33, %dot_general3A_34 {dimension_numbers = #tpu.dot_dimension_numbers<[1], [0], [0], [1], [0, 0, 1, 1], [], []>, precision = #tpu.contract_precision<fp32>, transpose_lhs_hint = false} : vector<256x128xf32>, vector<128x128xf32>, vector<256x128xf32> -> vector<256x128xf32>
    %get3A_36 = arith.constant 0 : index
    %get3A_37 = arith.constant 0 : index
    %get3A_38 = vector.load %arg9[%get3A_36, %get3A_37] : memref<1x128xf32, #tpu.memory_space<vmem>>, vector<1x128xf32>
    %add3A_39 = vector.broadcast %get3A_38 : vector<1x128xf32> to vector<256x128xf32>
    %add3A_40 = arith.addf %dot_general3A_35, %add3A_39 : vector<256x128xf32>
    %swap3A_41 = arith.constant 0 : index
    %swap3A_42 = arith.constant 0 : index
    %swap3A_43 = vector.load %arg12[%swap3A_41, %swap3A_42] : memref<256x128xf32, #tpu.memory_space<vmem>>, vector<256x128xf32>
    tpu.vector_store %arg12[%swap3A_41, %swap3A_42], %add3A_40 {strides = array<i32>} : memref<256x128xf32, #tpu.memory_space<vmem>>, vector<256x128xf32>,
    %get3A_44 = arith.constant 0 : index
    %get3A_45 = arith.constant 0 : index
    %get3A_46 = vector.load %arg10[%get3A_44, %get3A_45] : memref<128x128xf32, #tpu.memory_space<vmem>>, vector<128x128xf32>
    %dot_general3A_47 = arith.constant dense<0.000000e+00> : vector<256x128xf32>
    %dot_general3A_48 = tpu.matmul %add3A_28, %get3A_46, %dot_general3A_47 {dimension_numbers = #tpu.dot_dimension_numbers<[1], [0], [0], [1], [0, 0, 1, 1], [], []>, precision = #tpu.contract_precision<fp32>, transpose_lhs_hint = false} : vector<256x128xf32>, vector<128x128xf32>, vector<256x128xf32> -> vector<256x128xf32>
    %swap3A_49 = arith.constant 0 : index
    %swap3A_50 = arith.constant 0 : index
    %swap3A_51 = vector.load %arg13[%swap3A_49, %swap3A_50] : memref<256x128xf32, #tpu.memory_space<vmem>>, vector<256x128xf32>
    tpu.vector_store %arg13[%swap3A_49, %swap3A_50], %dot_general3A_48 {strides = array<i32>} : memref<256x128xf32, #tpu.memory_space<vmem>>, vector<256x128xf32>,
    return
  }
  func.func @transform_0(%arg0: i32) -> (i32, i32) {
    %c0_i32 = arith.constant 0 : i32
    %c0_i32_0 = arith.constant 0 : i32
    return %arg0, %c0_i32 : i32, i32
  }
  func.func @transform_1(%arg0: i32) -> (i32, i32) {
    %c0_i32 = arith.constant 0 : i32
    %c0_i32_0 = arith.constant 0 : i32
    return %arg0, %c0_i32 : i32, i32
  }
  func.func @transform_2(%arg0: i32) -> (i32, i32) {
    %c0_i32 = arith.constant 0 : i32
    %c0_i32_0 = arith.constant 0 : i32
    return %arg0, %c0_i32 : i32, i32
  }
  func.func @transform_3(%arg0: i32) -> i32 {
    %c0_i32 = arith.constant 0 : i32
    return %arg0 : i32
  }
  func.func @transform_4(%arg0: i32) -> (i32, i32) {
    %c0_i32 = arith.constant 0 : i32
    %c0_i32_0 = arith.constant 0 : i32
    %c0_i32_1 = arith.constant 0 : i32
    return %c0_i32, %c0_i32_0 : i32, i32
  }
  func.func @transform_5(%arg0: i32) -> (i32, i32) {
    %c0_i32 = arith.constant 0 : i32
    %c0_i32_0 = arith.constant 0 : i32
    %c0_i32_1 = arith.constant 0 : i32
    return %c0_i32, %c0_i32_0 : i32, i32
  }
  func.func @transform_6(%arg0: i32) -> (i32, i32) {
    %c0_i32 = arith.constant 0 : i32
    %c0_i32_0 = arith.constant 0 : i32
    %c0_i32_1 = arith.constant 0 : i32
    return %c0_i32, %c0_i32_0 : i32, i32
  }
  func.func @transform_7(%arg0: i32) -> (i32, i32) {
    %c0_i32 = arith.constant 0 : i32
    %c0_i32_0 = arith.constant 0 : i32
    %c0_i32_1 = arith.constant 0 : i32
    return %c0_i32, %c0_i32_0 : i32, i32
  }
  func.func @transform_8(%arg0: i32) -> (i32, i32) {
    %c0_i32 = arith.constant 0 : i32
    %c0_i32_0 = arith.constant 0 : i32
    %c0_i32_1 = arith.constant 0 : i32
    return %c0_i32, %c0_i32_0 : i32, i32
  }
  func.func @transform_9(%arg0: i32) -> (i32, i32) {
    %c0_i32 = arith.constant 0 : i32
    %c0_i32_0 = arith.constant 0 : i32
    %c0_i32_1 = arith.constant 0 : i32
    return %c0_i32, %c0_i32_0 : i32, i32
  }
  func.func @transform_10(%arg0: i32) -> (i32, i32) {
    %c0_i32 = arith.constant 0 : i32
    %c0_i32_0 = arith.constant 0 : i32
    return %arg0, %c0_i32 : i32, i32
  }
  func.func @transform_11(%arg0: i32) -> (i32, i32) {
    %c0_i32 = arith.constant 0 : i32
    %c0_i32_0 = arith.constant 0 : i32
    return %arg0, %c0_i32 : i32, i32
  }
  func.func @transform_12(%arg0: i32) -> (i32, i32) {
    %c0_i32 = arith.constant 0 : i32
    %c0_i32_0 = arith.constant 0 : i32
    return %arg0, %c0_i32 : i32, i32
  }
}

module attributes {stable_mosaic.version = 14 : i64} {
  func.func @_upd2_body(%arg0: i32, %arg1: memref<256x128xf32, #tpu.memory_space<vmem>>, %arg2: memref<256x128xf32, #tpu.memory_space<vmem>>, %arg3: memref<256x128xf32, #tpu.memory_space<vmem>>, %arg4: memref<256xf32, #tpu.memory_space<vmem>>, %arg5: memref<128x128xf32, #tpu.memory_space<vmem>>, %arg6: memref<128x128xf32, #tpu.memory_space<vmem>>, %arg7: memref<1x128xf32, #tpu.memory_space<vmem>>, %arg8: memref<128x128xf32, #tpu.memory_space<vmem>>, %arg9: memref<1x128xf32, #tpu.memory_space<vmem>>, %arg10: memref<128x256xf32, #tpu.memory_space<vmem>>, %arg11: memref<1x256xf32, #tpu.memory_space<vmem>>, %arg12: memref<256x256xf32, #tpu.memory_space<vmem>>, %arg13: memref<256x128xf32, #tpu.memory_space<vmem>>) attributes {dimension_semantics = [#tpu.dimension_semantics<arbitrary>], iteration_bounds = array<i64: 32>, scalar_prefetch = 0 : i64, scratch_operands = 0 : i64, tpu.core_type = #tpu.core_type<tc>, window_params = [{transform_indices = @transform_0, window_bounds = array<i64: 256, 128>}, {transform_indices = @transform_1, window_bounds = array<i64: 256, 128>}, {transform_indices = @transform_2, window_bounds = array<i64: 256, 128>}, {transform_indices = @transform_3, window_bounds = array<i64: 256>}, {pipeline_mode = #tpu.pipeline_mode<synchronous>, transform_indices = @transform_4, window_bounds = array<i64: 128, 128>}, {pipeline_mode = #tpu.pipeline_mode<synchronous>, transform_indices = @transform_5, window_bounds = array<i64: 128, 128>}, {pipeline_mode = #tpu.pipeline_mode<synchronous>, transform_indices = @transform_6, window_bounds = array<i64: 1, 128>}, {pipeline_mode = #tpu.pipeline_mode<synchronous>, transform_indices = @transform_7, window_bounds = array<i64: 128, 128>}, {pipeline_mode = #tpu.pipeline_mode<synchronous>, transform_indices = @transform_8, window_bounds = array<i64: 1, 128>}, {pipeline_mode = #tpu.pipeline_mode<synchronous>, transform_indices = @transform_9, window_bounds = array<i64: 128, 256>}, {pipeline_mode = #tpu.pipeline_mode<synchronous>, transform_indices = @transform_10, window_bounds = array<i64: 1, 256>}, {transform_indices = @transform_11, window_bounds = array<i64: 256, 256>}, {transform_indices = @transform_12, window_bounds = array<i64: 256, 128>}]} {
    %get3A = arith.constant 0 : index
    %get3A_0 = vector.load %arg4[%get3A] : memref<256xf32, #tpu.memory_space<vmem>>, vector<256xf32>
    %reshape3A = vector.shape_cast %get3A_0 : vector<256xf32> to vector<256x1xf32>
    %get3A_1 = arith.constant 0 : index
    %get3A_2 = arith.constant 0 : index
    %get3A_3 = vector.load %arg2[%get3A_1, %get3A_2] : memref<256x128xf32, #tpu.memory_space<vmem>>, vector<256x128xf32>
    %get3A_4 = arith.constant 0 : index
    %get3A_5 = arith.constant 0 : index
    %get3A_6 = vector.load %arg3[%get3A_4, %get3A_5] : memref<256x128xf32, #tpu.memory_space<vmem>>, vector<256x128xf32>
    %add3A = arith.addf %get3A_3, %get3A_6 : vector<256x128xf32>
    %mul3A = vector.broadcast %reshape3A : vector<256x1xf32> to vector<256x128xf32>
    %mul3A_7 = arith.mulf %add3A, %mul3A : vector<256x128xf32>
    %get3A_8 = arith.constant 0 : index
    %get3A_9 = arith.constant 0 : index
    %get3A_10 = vector.load %arg1[%get3A_8, %get3A_9] : memref<256x128xf32, #tpu.memory_space<vmem>>, vector<256x128xf32>
    %get3A_11 = arith.constant 0 : index
    %get3A_12 = arith.constant 0 : index
    %get3A_13 = vector.load %arg5[%get3A_11, %get3A_12] : memref<128x128xf32, #tpu.memory_space<vmem>>, vector<128x128xf32>
    %dot_general3A = arith.constant dense<0.000000e+00> : vector<256x128xf32>
    %dot_general3A_14 = tpu.matmul %get3A_10, %get3A_13, %dot_general3A {dimension_numbers = #tpu.dot_dimension_numbers<[1], [0], [0], [1], [0, 0, 1, 1], [], []>, precision = #tpu.contract_precision<fp32>, transpose_lhs_hint = false} : vector<256x128xf32>, vector<128x128xf32>, vector<256x128xf32> -> vector<256x128xf32>
    %get3A_15 = arith.constant 0 : index
    %get3A_16 = arith.constant 0 : index
    %get3A_17 = vector.load %arg6[%get3A_15, %get3A_16] : memref<128x128xf32, #tpu.memory_space<vmem>>, vector<128x128xf32>
    %dot_general3A_18 = arith.constant dense<0.000000e+00> : vector<256x128xf32>
    %dot_general3A_19 = tpu.matmul %mul3A_7, %get3A_17, %dot_general3A_18 {dimension_numbers = #tpu.dot_dimension_numbers<[1], [0], [0], [1], [0, 0, 1, 1], [], []>, precision = #tpu.contract_precision<fp32>, transpose_lhs_hint = false} : vector<256x128xf32>, vector<128x128xf32>, vector<256x128xf32> -> vector<256x128xf32>
    %add3A_20 = arith.addf %dot_general3A_14, %dot_general3A_19 : vector<256x128xf32>
    %get3A_21 = arith.constant 0 : index
    %get3A_22 = arith.constant 0 : index
    %get3A_23 = vector.load %arg7[%get3A_21, %get3A_22] : memref<1x128xf32, #tpu.memory_space<vmem>>, vector<1x128xf32>
    %add3A_24 = vector.broadcast %get3A_23 : vector<1x128xf32> to vector<256x128xf32>
    %add3A_25 = arith.addf %add3A_20, %add3A_24 : vector<256x128xf32>
    %max3A = arith.constant 0.000000e+00 : f32
    %max3A_26 = vector.broadcast %max3A : f32 to vector<256x128xf32>
    %max3A_27 = arith.maximumf %add3A_25, %max3A_26 : vector<256x128xf32>
    %add3A_28 = arith.addf %get3A_10, %max3A_27 : vector<256x128xf32>
    %swap3A = arith.constant 0 : index
    %swap3A_29 = arith.constant 0 : index
    %swap3A_30 = vector.load %arg13[%swap3A, %swap3A_29] : memref<256x128xf32, #tpu.memory_space<vmem>>, vector<256x128xf32>
    tpu.vector_store %arg13[%swap3A, %swap3A_29], %add3A_28 {strides = array<i32>} : memref<256x128xf32, #tpu.memory_space<vmem>>, vector<256x128xf32>,
    %get3A_31 = arith.constant 0 : index
    %get3A_32 = arith.constant 0 : index
    %get3A_33 = vector.load %arg8[%get3A_31, %get3A_32] : memref<128x128xf32, #tpu.memory_space<vmem>>, vector<128x128xf32>
    %dot_general3A_34 = arith.constant dense<0.000000e+00> : vector<256x128xf32>
    %dot_general3A_35 = tpu.matmul %add3A_28, %get3A_33, %dot_general3A_34 {dimension_numbers = #tpu.dot_dimension_numbers<[1], [0], [0], [1], [0, 0, 1, 1], [], []>, precision = #tpu.contract_precision<fp32>, transpose_lhs_hint = false} : vector<256x128xf32>, vector<128x128xf32>, vector<256x128xf32> -> vector<256x128xf32>
    %get3A_36 = arith.constant 0 : index
    %get3A_37 = arith.constant 0 : index
    %get3A_38 = vector.load %arg9[%get3A_36, %get3A_37] : memref<1x128xf32, #tpu.memory_space<vmem>>, vector<1x128xf32>
    %add3A_39 = vector.broadcast %get3A_38 : vector<1x128xf32> to vector<256x128xf32>
    %add3A_40 = arith.addf %dot_general3A_35, %add3A_39 : vector<256x128xf32>
    %max3A_41 = arith.constant 0.000000e+00 : f32
    %max3A_42 = vector.broadcast %max3A_41 : f32 to vector<256x128xf32>
    %max3A_43 = arith.maximumf %add3A_40, %max3A_42 : vector<256x128xf32>
    %get3A_44 = arith.constant 0 : index
    %get3A_45 = arith.constant 0 : index
    %get3A_46 = vector.load %arg10[%get3A_44, %get3A_45] : memref<128x256xf32, #tpu.memory_space<vmem>>, vector<128x256xf32>
    %dot_general3A_47 = arith.constant dense<0.000000e+00> : vector<256x256xf32>
    %dot_general3A_48 = tpu.matmul %max3A_43, %get3A_46, %dot_general3A_47 {dimension_numbers = #tpu.dot_dimension_numbers<[1], [0], [0], [1], [0, 0, 1, 1], [], []>, precision = #tpu.contract_precision<fp32>, transpose_lhs_hint = false} : vector<256x128xf32>, vector<128x256xf32>, vector<256x256xf32> -> vector<256x256xf32>
    %get3A_49 = arith.constant 0 : index
    %get3A_50 = arith.constant 0 : index
    %get3A_51 = vector.load %arg11[%get3A_49, %get3A_50] : memref<1x256xf32, #tpu.memory_space<vmem>>, vector<1x256xf32>
    %add3A_52 = vector.broadcast %get3A_51 : vector<1x256xf32> to vector<256x256xf32>
    %add3A_53 = arith.addf %dot_general3A_48, %add3A_52 : vector<256x256xf32>
    %swap3A_54 = arith.constant 0 : index
    %swap3A_55 = arith.constant 0 : index
    %swap3A_56 = vector.load %arg12[%swap3A_54, %swap3A_55] : memref<256x256xf32, #tpu.memory_space<vmem>>, vector<256x256xf32>
    tpu.vector_store %arg12[%swap3A_54, %swap3A_55], %add3A_53 {strides = array<i32>} : memref<256x256xf32, #tpu.memory_space<vmem>>, vector<256x256xf32>,
    return
  }
  func.func @transform_0(%arg0: i32) -> (i32, i32) {
    %c0_i32 = arith.constant 0 : i32
    %c0_i32_0 = arith.constant 0 : i32
    return %arg0, %c0_i32 : i32, i32
  }
  func.func @transform_1(%arg0: i32) -> (i32, i32) {
    %c0_i32 = arith.constant 0 : i32
    %c0_i32_0 = arith.constant 0 : i32
    return %arg0, %c0_i32 : i32, i32
  }
  func.func @transform_2(%arg0: i32) -> (i32, i32) {
    %c0_i32 = arith.constant 0 : i32
    %c0_i32_0 = arith.constant 0 : i32
    return %arg0, %c0_i32 : i32, i32
  }
  func.func @transform_3(%arg0: i32) -> i32 {
    %c0_i32 = arith.constant 0 : i32
    return %arg0 : i32
  }
  func.func @transform_4(%arg0: i32) -> (i32, i32) {
    %c0_i32 = arith.constant 0 : i32
    %c0_i32_0 = arith.constant 0 : i32
    %c0_i32_1 = arith.constant 0 : i32
    return %c0_i32, %c0_i32_0 : i32, i32
  }
  func.func @transform_5(%arg0: i32) -> (i32, i32) {
    %c0_i32 = arith.constant 0 : i32
    %c0_i32_0 = arith.constant 0 : i32
    %c0_i32_1 = arith.constant 0 : i32
    return %c0_i32, %c0_i32_0 : i32, i32
  }
  func.func @transform_6(%arg0: i32) -> (i32, i32) {
    %c0_i32 = arith.constant 0 : i32
    %c0_i32_0 = arith.constant 0 : i32
    %c0_i32_1 = arith.constant 0 : i32
    return %c0_i32, %c0_i32_0 : i32, i32
  }
  func.func @transform_7(%arg0: i32) -> (i32, i32) {
    %c0_i32 = arith.constant 0 : i32
    %c0_i32_0 = arith.constant 0 : i32
    %c0_i32_1 = arith.constant 0 : i32
    return %c0_i32, %c0_i32_0 : i32, i32
  }
  func.func @transform_8(%arg0: i32) -> (i32, i32) {
    %c0_i32 = arith.constant 0 : i32
    %c0_i32_0 = arith.constant 0 : i32
    %c0_i32_1 = arith.constant 0 : i32
    return %c0_i32, %c0_i32_0 : i32, i32
  }
  func.func @transform_9(%arg0: i32) -> (i32, i32) {
    %c0_i32 = arith.constant 0 : i32
    %c0_i32_0 = arith.constant 0 : i32
    %c0_i32_1 = arith.constant 0 : i32
    return %c0_i32, %c0_i32_0 : i32, i32
  }
  func.func @transform_10(%arg0: i32) -> (i32, i32) {
    %c0_i32 = arith.constant 0 : i32
    %c0_i32_0 = arith.constant 0 : i32
    %c0_i32_1 = arith.constant 0 : i32
    return %c0_i32, %c0_i32_0 : i32, i32
  }
  func.func @transform_11(%arg0: i32) -> (i32, i32) {
    %c0_i32 = arith.constant 0 : i32
    %c0_i32_0 = arith.constant 0 : i32
    return %arg0, %c0_i32 : i32, i32
  }
  func.func @transform_12(%arg0: i32) -> (i32, i32) {
    %c0_i32 = arith.constant 0 : i32
    %c0_i32_0 = arith.constant 0 : i32
    return %arg0, %c0_i32 : i32, i32
  }
}

</mosaic_0001>

<sc_bundles>
// kernel: kernel.11.cloned.1.call-start
scs
__scs_entry_jumppad:
0x0: {  	(pc) =	sbr.rel $0x88, $3  }
0x1: {  	(tag) =	ssettag $0x0;
	lr =	simm.s32 $0x1  }
0x2: {  	[smem:$0x3F93] =	sst lr;
	_ =	strace $0xD0000000  }
0x3: {  	_ = 	snop  }
0x4: {  	_ = 	snop  }
0x5: {  	_ = 	snop  }
0x6: {  	_ = 	snop  }
0x7: {  	_ = 	snop  }
__scs_overlays_trampoline_lowered:
0x8: {  	[smem:$0x3FA2] =	sst s0  }
0x9: {  	[smem:$0x3FA3] =	sst s1  }
0xa: {  	[smem:$0x3FA4] =	sst s2  }
0xb: {  	[smem:$0x3FA5] =	sst s3  }
0xc: {  	[smem:$0x3FA6] =	sst s4  }
0xd: {  	[smem:$0x3FA7] =	sst s5  }
0xe: {  	[smem:$0x3FA8] =	sst s6  }
0xf: {  	[smem:$0x3FA9] =	sst s7  }
0x10: {  	[smem:$0x3FAA] =	sst s8  }
0x11: {  	[smem:$0x3FAB] =	sst s9;
	s0 =	simm.s32 @!p0 $0x0  }
0x12: {  	s1 =	sld [smem:$0x3F91];
	s0 =	simm.s32 @p0 $0x1  }
0x13: {  	[smem:$0x3FAC] =	sst s0;
	s0 =	simm.s32 @!p1 $0x0  }
0x14: {  	s2 =	sld [smem:$0x3F90];
	s0 =	simm.s32 @p1 $0x1  }
0x15: {  	[smem:$0x3FAD] =	sst s0;
	s0 =	simm.s32 @!p2 $0x0  }
0x16: {  	s3 =	sld [smem:$0x3FDB];
	s0 =	simm.s32 @p2 $0x1  }
0x17: {  	s4 =	simm.s32 $0x1BF5;
	[smem:$0x3FAF] =	sst s0  }
0x18: {  	s0 =	sld [smem:$0x3F92];
	_ =	swait.ge [sflag:s4], $0x0  }
0x19: {  	s7 =	sld [smem:$0x3F93]  }
0x1a: {  	s8 =	sadd.s32 $0xFFFFE003, lr  }
0x1b: {  	s9 =	sadd.s32 $0xFFFFFEF7, lr;
	s5 =	simm.s32 $0xFFFFFFFF;
	p2 =	slt.u32 s8, $0xFFFFF086  }
0x1c: {  	p1 =	slt.u32 s9, $0xF7A;
	s5 =	simm.s32 @!p2 $0x0  }
0x1d: {  	s5 =	simm.s32 @p1 $0x1;
	p0 =	seq.s32 s7, s2  }
0x1e: {  	s7 =	smul.u32 @!p0 $0xF7A, s2;
	p2 =	seq.s32 @!p0 s5, $0x0  }
0x1f: {  	s9 =	smul.u32 $0xF7A, s1;
	s8 =	simm.s32 @!p0 $0x1BF5;
	p2 =	por !p2, p0  }
0x20: {  	[sflag:s8] =	ssyncset.s32 @!p0 $0xFFFFF086;
	s6 =	sadd.s32 @!p0 s3, s7;
	s7 =	simm.s32 @!p0 $0x108  }
0x21: {  	s3 =	sadd.s32 s3, s9;
	s6 =	sadd.s32 @!p0 $0x88, s6;
	s7 =	simm.s32 @p2 $0x1082  }
0x22: {  	[simem:s7], [sflag:s8] =	dma.local @!p0 [hbm:s6], $0xF7A  }
0x23: {  	s9 =	sor.u32 $0xD0000000, s2;
	s6 =	simm.s32 $0x108;
	_ =	swait.ge @!p0 [sflag:s8], $0x0  }
0x24: {  	s3 =	sadd.s32 $0x88, s3;
	s6 =	simm.s32 @!p1 $0x1082;
	[sflag:s4] =	ssyncset.s32 $0xFFFFF086  }
0x25: {  	[simem:s6], [sflag:s4] =	dma.local [hbm:s3], $0xF7A  }
0x26: {  	[smem:$0x3F93] =	sst s1;
	(tag) =	ssettag s2;
	_ =	strace s9  }
0x27: {  	s1 =	sld [smem:$0x3FA3]  }
0x28: {  	s2 =	sld [smem:$0x3FA4]  }
0x29: {  	s4 =	sld [smem:$0x3FA6]  }
0x2a: {  	p0 =	seq.s32 s5, $0x0;
	s5 =	sld [smem:$0x3FA7]  }
0x2b: {  	s6 =	sld [smem:$0x3FA8]  }
0x2c: {  	s7 =	sld [smem:$0x3FA9]  }
0x2d: {  	s3 =	simm.s32 $0x108;
	s8 =	sld [smem:$0x3FAA]  }
0x2e: {  	s3 =	simm.s32 @!p0 $0x1082;
	s9 =	sld [smem:$0x3FAB]  }
0x2f: {  	lr =	sadd.s32 s0, s3;
	s0 =	sld [smem:$0x3FA2]  }
0x30: {  	s3 =	sld [smem:$0x3FA5]  }
0x31: {  	[smem:$0x3FAE] =	sst s10  }
0x32: {  	s10 =	sld [smem:$0x3FAC];
	_ =	sdelay $0x3  }
0x33: {  	p0 =	seq.s32 s10, $0x1;
	s10 =	sld [smem:$0x3FAE];
	_ =	sdelay $0x3  }
0x34: {  	[smem:$0x3FAE] =	sst s10  }
0x35: {  	s10 =	sld [smem:$0x3FAD];
	_ =	sdelay $0x3  }
0x36: {  	p1 =	seq.s32 s10, $0x1;
	s10 =	sld [smem:$0x3FAE];
	_ =	sdelay $0x3  }
0x37: {  	[smem:$0x3FAE] =	sst s10  }
0x38: {  	s10 =	sld [smem:$0x3FAF]  }
0x39: {  	_ = 	snop;
	(pc) =	sbr.ind lr, $3  }
0x3a: {  	_ = 	snop  }
0x3b: {  	_ = 	snop  }
0x3c: {  	p2 =	seq.s32 s10, $0x1;
	s10 =	sld [smem:$0x3FAE]  }
0x3d: {  	_ =	shalt  }
0x3e: {  	_ =	shalt  }
0x3f: {  	_ =	shalt  }
0x40: {  	_ =	shalt  }
0x41: {  	_ =	shalt  }
0x42: {  	_ =	shalt  }
0x43: {  	_ =	shalt  }
0x44: {  	_ =	shalt  }
0x45: {  	_ =	shalt  }
0x46: {  	_ =	shalt  }
0x47: {  	_ =	shalt  }
0x48: {  	_ =	shalt  }
0x49: {  	_ =	shalt  }
0x4a: {  	_ =	shalt  }
0x4b: {  	_ =	shalt  }
0x4c: {  	_ =	shalt  }
0x4d: {  	_ =	shalt  }
0x4e: {  	_ =	shalt  }
0x4f: {  	_ =	shalt  }
0x50: {  	_ =	shalt  }
0x51: {  	_ =	shalt  }
0x52: {  	_ =	shalt  }
0x53: {  	_ =	shalt  }
0x54: {  	_ =	shalt  }
0x55: {  	_ =	shalt  }
0x56: {  	_ =	shalt  }
0x57: {  	_ =	shalt  }
0x58: {  	_ =	shalt  }
0x59: {  	_ =	shalt  }
0x5a: {  	_ =	shalt  }
0x5b: {  	_ =	shalt  }
0x5c: {  	_ =	shalt  }
0x5d: {  	_ =	shalt  }
0x5e: {  	_ =	shalt  }
0x5f: {  	_ =	shalt  }
0x60: {  	_ =	shalt  }
0x61: {  	_ =	shalt  }
0x62: {  	_ =	shalt  }
0x63: {  	_ =	shalt  }
0x64: {  	_ =	shalt  }
0x65: {  	_ =	shalt  }
0x66: {  	_ =	shalt  }
0x67: {  	_ =	shalt  }
0x68: {  	_ =	shalt  }
0x69: {  	_ =	shalt  }
0x6a: {  	_ =	shalt  }
0x6b: {  	_ =	shalt  }
0x6c: {  	_ =	shalt  }
0x6d: {  	_ =	shalt  }
0x6e: {  	_ =	shalt  }
0x6f: {  	_ =	shalt  }
0x70: {  	_ =	shalt  }
0x71: {  	_ =	shalt  }
0x72: {  	_ =	shalt  }
0x73: {  	_ =	shalt  }
0x74: {  	_ =	shalt  }
0x75: {  	_ =	shalt  }
0x76: {  	_ =	shalt  }
0x77: {  	_ =	shalt  }
0x78: {  	_ =	shalt  }
0x79: {  	_ =	shalt  }
0x7a: {  	_ =	shalt  }
0x7b: {  	_ =	shalt  }
0x7c: {  	_ =	shalt  }
0x7d: {  	_ =	shalt  }
0x7e: {  	_ =	shalt  }
0x7f: {  	_ =	shalt  }
0x80: {  	_ =	shalt  }
0x81: {  	_ =	shalt  }
0x82: {  	_ =	shalt  }
0x83: {  	_ =	shalt  }
0x84: {  	_ =	shalt  }
0x85: {  	_ =	shalt  }
0x86: {  	_ =	shalt  }
0x87: {  	_ =	shalt  }
.Lfunc_end0:
.L_simem_size_0:
called_computation_lowered:
.L_overlay_start_0:
0x88: {  	s2 =	sld [smem:$0x3FD9]  }
0x89: {  	s3 =	sld [smem:$0x3FFE];
	_ =	sdelay $0x1  }
0x8a: {  	s1 =	srdreg.scid  }
0x8b: {  	s0 =	sand.u32 $0x1, s1  }
0x8c: {  	s16 =	sshll.u32 s0, $0xA;
	s2 =	sadd.s32 s3, s2  }
0x8d: {  	s2 =	sadd.s32 s2, s16  }
0x8e: {  	[smem:$0x3FBA] =	sst s2  }
0x8f: {  	_ = 	snop  }
0x90: {  	(tm) =	ssettm $0x1  }
0x91: {  	s17 =	sld [smem:$0x3FFB];
	_ =	sdelay $0x3  }
0x92: {  	_ =	strace s17  }
0x93: {  	s2 =	sld [smem:$0x3FFC];
	_ =	sdelay $0x3  }
0x94: {  	_ =	strace s2  }
0x95: {  	s2 =	sld [smem:$0x3FFD];
	_ =	sdelay $0x3  }
0x96: {  	_ =	strace s2  }
0x97: {  	_ =	strace $0x8FFFFFFF  }
0x98: {  	s18 =	sld [smem:$0x3FDB];
	_ =	sdelay $0x1  }
0x99: {  	s19 =	simm.s32 $_scs_section_size  }
0x9a: {  	s4 =	simm.s32 $_size__tile_overlayer_lowered;
	s5 =	simm.s32 $_tile_overlayer_lowered  }
0x9b: {  	s22 =	simm.s32 $0x1BFF;
	s21 =	sshll.u32 s5, $0x1;
	s2 =	sadd.s32 s19, s18  }
0x9c: {  	s6 =	simm.s32 $0x0;
	s20 =	sshll.u32 s4, $0x1;
	s4 =	sadd.s32 s21, s2  }
0x9d: {  	[timem:s6], [sflag:s22] =	dma.local [hbm:s4], s20  }
0x9e: {  	_ =	swait.ge [sflag:s22], s20  }
0x9f: {  	s3 =	ssub.s32 $0x0, s20;
	[sflag:s22] =	ssyncset.done $0x0  }
0xa0: {  	[sflag:s22] =	ssyncadd.s32 s3;
	_ =	sdelay $0x1  }
0xa1: {  	s23 =	simm.s32 $0x1B8B  }
0xa2: {  	_ =	swait.ge [sflag:s23], $0x1  }
0xa3: {  	[sflag:s23] =	ssyncset.done $0x0  }
0xa4: {  	s25 =	simm.s32 $0x1B8E;
	s24 =	sld [smem:$0x3FFE];
	[sflag:s23] =	ssyncadd.s32 $0xFFFFFFFF  }
0xa5: {  	s26 =	simm.s32 $execute0_lowered;
	[smem:$0x3FD2] =	sst s25  }
0xa6: {  	s4 =	sshll.u32 s26, $0x1;
	_ =	strace $0x80000046;
	[dreg:$0x1] =	wrdreg $0xFFFFFFFF  }
0xa7: {  	s28 =	simm.s32 $_size_execute0_lowered;
	s2 =	sadd.s32 s2, s4;
	[dreg:$0x0] =	wrdreg $0x0  }
0xa8: {  	s4 =	sshll.u32 s28, $0x1;
	[dreg:$0x2] =	wrdreg s2  }
0xa9: {  	[dreg:$0x3] =	wrdreg s4  }
0xaa: {  	[dreg:$0x4] =	wrdreg $0xC0  }
0xab: {  	_ =	task [dreg:s6], $0x5FFFF  }
0xac: {  	[dreg:$0x1] =	wrdreg $0xFFFFFFFF  }
0xad: {  	[dreg:$0x0] =	wrdreg $0x60  }
0xae: {  	[dreg:$0x2] =	wrdreg s24  }
0xaf: {  	[dreg:$0x3] =	wrdreg $0x20800  }
0xb0: {  	[dreg:$0x4] =	wrdreg $0x9  }
0xb1: {  	_ =	task.clear_ibuf [dreg:s6], $0x5FFFF;
	_ =	strace $0x90000046  }
0xb2: {  	s29 =	simm.s32 $0x9;
	_ =	strace $0x80000048  }
0xb3: {  	_ =	swait.ge [sflag:s29], $0x1  }
0xb4: {  	[sflag:s29] =	ssyncadd.s32 $0xFFFFFFFF  }
0xb5: {  	_ =	strace $0x90000048  }
0xb6: {  	_ =	sfence  }
0xb7: {  	s30 =	sld [smem:$0x0];
	_ =	sdelay $0x2  }
0xb8: {  	s31 =	sshll.u32 s1, $0xD;
	s1 =	sshrl.u32 s1, $0x2  }
0xb9: {  	s3 =	sand.u32 $0x4000, s31;
	s1 =	sadd.s32 s1, s30  }
0xba: {  	s0 =	sor.u32 s3, s0;
	s1 =	sshll.u32 s1, $0x11  }
0xbb: {  	s0 =	sor.u32 s1, s0  }
0xbc: {  	s0 =	sadd.s32 $0x8F2B, s0  }
0xbd: {  	[sflag:s0] =	ssyncadd.remote.s32 $0x1  }
0xbe: {  	_ =	sfence.sel $0xFFFF  }
0xbf: {  	[dreg:$0x0] =	wrdreg $0xFFFFFFFF;
	(pc) =	sbr.abs _section_cstart, $3  }
0xc0: {  	[dreg:$0x1] =	wrdreg $0xFFFFFFFF  }
0xc1: {  	_ =	task.clear_ibuf [dreg:s6], $0x2FFFF;
	_ =	strace $0x9FFFFFFF  }
0xc2: {  	(tm) =	ssettm $0x7FFFFFFF  }
0xc3: {  	_ =	shalt  }
tec
execute0_lowered:
.L_overlay_start_1:
0x0: {  	(tag) =	ssettag $0x1  }
0x1: {  	s4 =	rddreg [dreg:$0x0]  }
0x2: {  	s1 =	rddreg [dreg:$0x1]  }
0x3: {  	s0 =	rddreg [dreg:$0x2]  }
0x4: {  	s2 =	simm.s32 $0x0;
	s3 =	srdreg.scid;
	s15 =	simm.s32 $0x80  }
0x5: {  	s16 =	simm.s32 $0x1;
	s17 =	simm.s32 $0x40;
	s20 =	simm.s32 $0x0  }
0x6: {  	[smem:$0x7FF] =	sst s2;
	s5 =	sand.u32 $0x1, s3;
	s3 =	stileid.u32  }
0x7: {  	_ =	strace $0x80000047;
	s6 =	sshll.u32 s5, $0xD;
	s7 =	sshll.u32 s3, $0xD  }
0x8: {  	s8 =	ssub.s32 $0x2, s5;
	s31 =	sshll.u32 s3, $0x10;
	s5 =	sshll.u32 s5, $0x11  }
0x9: {  	s14 =	sshll.u32 s3, $0x9;
	s18 =	sshll.u32 s3, $0x6;
	s13 =	sadd.s32 s6, s4  }
0xa: {  	s28 =	sadd.s32 s7, s4;
	s29 =	sshrl.u32 s8, $0x1;
	s4 =	sadd.s32 s31, s1  }
0xb: {  	s18 =	sor.u32 $0x1C01, s18;
	s30 =	ssub.s32 s8, s29;
	s5 =	sadd.s32 s5, s28  }
0xc: {  	s7 =	sadd.s32 $0x2000, s4;
	s8 =	sadd.s32 $0x4000, s4;
	s9 =	sadd.s32 $0x6000, s4  }
0xd: {  	s10 =	sadd.s32 $0x8000, s4;
	s11 =	sadd.s32 $0xA000, s4;
	s12 =	sadd.s32 $0xC000, s4  }
0xe: {  	s14 =	sadd.s32 s14, s13;
	s13 =	sadd.s32 $0xE000, s4;
	s19 =	sshrl.u32 s4, $0x3  }
0xf: {  	v0 =	vimm.f32 $0.0e+00;
	v1 =	vimm.f32 $1.000000000e+00;
	s5 =	sadd.s32 $0x9000, s5;
	s6 =	smax.u32 s30, $0x1;
	s14 =	sadd.s32 $0x5000, s14  }
.LBB2_1:
0x10: {  	s21 =	simm.s32 $0x0;
	s22 =	simm.s32 $0x200  }
.LBB2_2:
0x11: {  	p0 =	sne.s32 s22, $0x7E00;
	[tilespmem:s21+$0xF0] =	vst v0  }
0x12: {  	[tilespmem:s21+$0x80] =	vst v0  }
0x13: {  	[tilespmem:s21+$0x90] =	vst v0  }
.Ltmp0:
0x14: {  	[tilespmem:s21+$0xA0] =	vst v0;
	(pc) =	sbr.rel @p0 .LBB2_2-.Ltmp0, $4  }
0x15: {  	[tilespmem:s21+$0xB0] =	vst v0  }
0x16: {  	[tilespmem:s21+$0xC0] =	vst v0  }
0x17: {  	[tilespmem:s21+$0xD0] =	vst v0  }
0x18: {  	[tilespmem:s21+$0xE0] =	vst v0;
	s21 =	sshra.s32 s22, $0x2;
	s22 =	sadd.s32 $0x200, s22  }
0x19: {  	[tilespmem:s21+$0xF0] =	vst v0  }
0x1a: {  	[tilespmem:s21+$0x80] =	vst v0  }
0x1b: {  	[tilespmem:s21+$0x90] =	vst v0  }
0x1c: {  	[tilespmem:s21+$0xA0] =	vst v0  }
0x1d: {  	[tilespmem:s21+$0xB0] =	vst v0  }
0x1e: {  	[tilespmem:s21+$0xC0] =	vst v0  }
0x1f: {  	[tilespmem:s21+$0xD0] =	vst v0  }
0x20: {  	[tilespmem:s21+$0xE0] =	vst v0  }
0x21: {  	[spmem:s4] =	stream.linear.scatter [tilespmem:s15], [sflag:$0x1], $0x2000, $0x38;
	[tilespmem:$0x12080] =	vst v63  }
0x22: {  	_ =	swait.ge [sflag:s16], $0x2000  }
0x23: {  	[sflag:s16] =	ssyncset.done $0x0  }
0x24: {  	[sflag:s16] =	ssyncadd.s32 $0xFFFFE000  }
0x25: {  	[spmem:s7] =	stream.linear.scatter [tilespmem:s15], [sflag:$0x1], $0x2000, $0x38;
	[tilespmem:$0x12080] =	vst v63  }
0x26: {  	_ =	swait.ge [sflag:s16], $0x2000  }
0x27: {  	[sflag:s16] =	ssyncset.done $0x0  }
0x28: {  	[sflag:s16] =	ssyncadd.s32 $0xFFFFE000  }
0x29: {  	[spmem:s8] =	stream.linear.scatter [tilespmem:s15], [sflag:$0x1], $0x2000, $0x38;
	[tilespmem:$0x12080] =	vst v63  }
0x2a: {  	_ =	swait.ge [sflag:s16], $0x2000  }
0x2b: {  	[sflag:s16] =	ssyncset.done $0x0  }
0x2c: {  	[sflag:s16] =	ssyncadd.s32 $0xFFFFE000  }
0x2d: {  	[spmem:s9] =	stream.linear.scatter [tilespmem:s15], [sflag:$0x1], $0x2000, $0x38;
	[tilespmem:$0x12080] =	vst v63  }
0x2e: {  	_ =	swait.ge [sflag:s16], $0x2000  }
0x2f: {  	[sflag:s16] =	ssyncset.done $0x0  }
0x30: {  	[sflag:s16] =	ssyncadd.s32 $0xFFFFE000  }
0x31: {  	[spmem:s10] =	stream.linear.scatter [tilespmem:s15], [sflag:$0x1], $0x2000, $0x38;
	[tilespmem:$0x12080] =	vst v63  }
0x32: {  	_ =	swait.ge [sflag:s16], $0x2000  }
0x33: {  	[sflag:s16] =	ssyncset.done $0x0  }
0x34: {  	[sflag:s16] =	ssyncadd.s32 $0xFFFFE000  }
0x35: {  	[spmem:s11] =	stream.linear.scatter [tilespmem:s15], [sflag:$0x1], $0x2000, $0x38;
	[tilespmem:$0x12080] =	vst v63  }
0x36: {  	_ =	swait.ge [sflag:s16], $0x2000  }
0x37: {  	[sflag:s16] =	ssyncset.done $0x0  }
0x38: {  	[sflag:s16] =	ssyncadd.s32 $0xFFFFE000  }
0x39: {  	[spmem:s12] =	stream.linear.scatter [tilespmem:s15], [sflag:$0x1], $0x2000, $0x38;
	[tilespmem:$0x12080] =	vst v63  }
0x3a: {  	_ =	swait.ge [sflag:s16], $0x2000  }
0x3b: {  	[sflag:s16] =	ssyncset.done $0x0  }
0x3c: {  	[sflag:s16] =	ssyncadd.s32 $0xFFFFE000  }
0x3d: {  	[spmem:s13] =	stream.linear.scatter [tilespmem:s15], [sflag:$0x1], $0x2000, $0x38;
	[tilespmem:$0x12080] =	vst v63  }
0x3e: {  	_ =	swait.ge [sflag:s16], $0x2000  }
0x3f: {  	[sflag:s16] =	ssyncset.done $0x0  }
0x40: {  	s21 =	simm.s32 $0x200;
	s22 =	simm.s32 $0x0;
	[sflag:s16] =	ssyncadd.s32 $0xFFFFE000  }
.LBB2_4:
0x41: {  	p0 =	sne.s32 s21, $0x7E00;
	[tilespmem:s22+$0x80] =	vst v1;
	s22 =	smov.u32 s21;
	s21 =	sadd.s32 $0x200, s21  }
.Ltmp1:
0x42: {  	(pc) =	sbr.rel @p0 .LBB2_4-.Ltmp1, $2  }
0x43: {  	_ =	sdelay $0x2  }
0x44: {  	s22 =	sshra.s32 s22, $0x2  }
0x45: {  	[tilespmem:s22+$0x80] =	vst v1  }
0x46: {  	s21 =	sadd.s32 $0x0, s14;
	[bflag:$0x0] =	sbarrier.arrive $0xFFFF  }
0x47: {  	[tilespmem:s2], [sflag:$0x1] =	stream.linear.gather [hbm4b:s21+s2], $0x40, $0x38;
	[tilespmem:$0x12080] =	vst v63  }
0x48: {  	_ =	swait.ge [sflag:s16], $0x40  }
0x49: {  	[sflag:s16] =	ssyncset.done $0x0  }
0x4a: {  	[sflag:s16] =	ssyncadd.s32 $0xFFFFFFC0  }
0x4b: {  	[spmem:s1] =	stream.indirect.scatter.add.f32 [tilespmem:s15], [sflag:$0x1], $0x80, s2, s17, $0xb8;
	[tilespmem:$0x12080] =	vst v63  }
0x4c: {  	_ =	swait.ge [sflag:s16], $0x2000  }
0x4d: {  	s22 =	simm.s32 $0x10;
	s21 =	simm.s32 $0x8;
	[sflag:s16] =	ssyncset.done $0x0  }
.LBB2_6:
0x4e: {  	s23 =	sadd.s32 s21, s14  }
0x4f: {  	[sflag:s16] =	ssyncadd.s32 $0xFFFFE000;
	s21 =	smov.u32 s22;
	s24 =	sadd.s32 $0x8, s22  }
0x50: {  	[tilespmem:s2], [sflag:$0x1] =	stream.linear.gather [hbm4b:s23+s2], $0x40, $0x38;
	[tilespmem:$0x12080] =	vst v63  }
0x51: {  	p0 =	sne.s32 s22, $0x1F8;
	_ =	swait.ge [sflag:s16], $0x40  }
.Ltmp2:
0x52: {  	[sflag:s16] =	ssyncset.done $0x0;
	(pc) =	sbr.rel @p0 .LBB2_6-.Ltmp2, $4  }
0x53: {  	[sflag:s16] =	ssyncadd.s32 $0xFFFFFFC0  }
0x54: {  	[spmem:s1] =	stream.indirect.scatter.add.f32 [tilespmem:s15], [sflag:$0x1], $0x80, s2, s17, $0xb8;
	[tilespmem:$0x12080] =	vst v63  }
0x55: {  	_ =	swait.ge [sflag:s16], $0x2000  }
0x56: {  	s22 =	smov.u32 s24;
	[sflag:s16] =	ssyncset.done $0x0  }
0x57: {  	s21 =	sadd.s32 s21, s14;
	[sflag:s16] =	ssyncadd.s32 $0xFFFFE000  }
0x58: {  	[tilespmem:s2], [sflag:$0x1] =	stream.linear.gather [hbm4b:s21+s2], $0x40, $0x38;
	[tilespmem:$0x12080] =	vst v63  }
0x59: {  	_ =	swait.ge [sflag:s16], $0x40  }
0x5a: {  	[sflag:s16] =	ssyncset.done $0x0  }
0x5b: {  	[sflag:s16] =	ssyncadd.s32 $0xFFFFFFC0  }
0x5c: {  	[spmem:s1] =	stream.indirect.scatter.add.f32 [tilespmem:s15], [sflag:$0x1], $0x80, s2, s17, $0xb8;
	[tilespmem:$0x12080] =	vst v63  }
0x5d: {  	_ =	swait.ge [sflag:s16], $0x2000  }
0x5e: {  	s20 =	sadd.s32 $0x1, s20;
	[sflag:s16] =	ssyncset.done $0x0  }
0x5f: {  	p0 =	sne.s32 s20, s6;
	[sflag:s16] =	ssyncadd.s32 $0xFFFFE000  }
.Ltmp3:
0x60: {  	[bflag:$0x0] =	sbarrier.arrive $0xFFFF;
	(pc) =	sbr.rel @p0 .LBB2_1-.Ltmp3, $4  }
0x61: {  	[hbm:s5], [sflag:s18] =	dma.local [spmem:s19], $0x2000  }
0x62: {  	_ =	swait.ge [sflag:s16], $0x2000  }
0x63: {  	[sflag:s16] =	ssyncset.done $0x0  }
0x64: {  	[sflag:s16] =	ssyncadd.s32 $0xFFFFE000  }
0x65: {  	_ =	sfence.sel $0x180000  }
0x66: {  	[bflag:$0x0] =	sbarrier.arrive $0xFFFF  }
0x67: {  	p0 =	sne.s32 s3, $0x0;
	_ =	strace $0x90000047  }
0x68: {  	s0 =	sadd.s32 @!p0 $0x100000, s0;
	[bflag:$0x2] =	sbarrier.arrive $0xFFFF  }
0x69: {  	[sflag:s0] =	ssyncadd.tile.s32 @!p0 $0x1;
	_ =	shalt  }
.Lfunc_end2:
_tile_overlayer_lowered:
.L_overlay_start_2:
0x6a: {  	(tag) =	ssettag $0x2  }
0x6b: {  	s0 =	rddreg [dreg:$0x0];
	s2 =	stileid.u32  }
0x6c: {  	s1 =	rddreg [dreg:$0x1];
	p0 =	sne.s32 s2, $0x0  }
0x6d: {  	s3 =	rddreg [dreg:$0x2];
	[bflag:$0x3] =	sbarrier.arrive $0xFFFF;
	s2 =	simm.s32 @!p0 $0x1C01  }
0x6e: {  	[timem:s3], [sflag:s2] =	dma.local @!p0 [hbm:s0], s1  }
0x6f: {  	s0 =	simm.s32 @!p0 $0x1  }
0x70: {  	_ =	swait.ge @!p0 [sflag:s0], s1  }
0x71: {  	s1 =	ssub.s32 @!p0 $0x0, s1;
	[sflag:s0] =	ssyncset.done @!p0 $0x0  }
0x72: {  	[sflag:s0] =	ssyncadd.s32 @!p0 s1  }
0x73: {  	[bflag:$0x3] =	sbarrier.arrive $0xFFFF  }
0x74: {  	_ =	shalt  }

// kernel: kernel.14.cloned.1.call-start
scs
__scs_entry_jumppad:
0x0: {  	(pc) =	sbr.rel $0x88, $3  }
0x1: {  	(tag) =	ssettag $0x0;
	lr =	simm.s32 $0x1  }
0x2: {  	[smem:$0x3F93] =	sst lr;
	_ =	strace $0xD0000000  }
0x3: {  	_ = 	snop  }
0x4: {  	_ = 	snop  }
0x5: {  	_ = 	snop  }
0x6: {  	_ = 	snop  }
0x7: {  	_ = 	snop  }
__scs_overlays_trampoline_lowered:
0x8: {  	[smem:$0x3FA2] =	sst s0  }
0x9: {  	[smem:$0x3FA3] =	sst s1  }
0xa: {  	[smem:$0x3FA4] =	sst s2  }
0xb: {  	[smem:$0x3FA5] =	sst s3  }
0xc: {  	[smem:$0x3FA6] =	sst s4  }
0xd: {  	[smem:$0x3FA7] =	sst s5  }
0xe: {  	[smem:$0x3FA8] =	sst s6  }
0xf: {  	[smem:$0x3FA9] =	sst s7  }
0x10: {  	[smem:$0x3FAA] =	sst s8  }
0x11: {  	[smem:$0x3FAB] =	sst s9;
	s0 =	simm.s32 @!p0 $0x0  }
0x12: {  	s1 =	sld [smem:$0x3F91];
	s0 =	simm.s32 @p0 $0x1  }
0x13: {  	[smem:$0x3FAC] =	sst s0;
	s0 =	simm.s32 @!p1 $0x0  }
0x14: {  	s2 =	sld [smem:$0x3F90];
	s0 =	simm.s32 @p1 $0x1  }
0x15: {  	[smem:$0x3FAD] =	sst s0;
	s0 =	simm.s32 @!p2 $0x0  }
0x16: {  	s3 =	sld [smem:$0x3FDB];
	s0 =	simm.s32 @p2 $0x1  }
0x17: {  	s4 =	simm.s32 $0x1BF5;
	[smem:$0x3FAF] =	sst s0  }
0x18: {  	s0 =	sld [smem:$0x3F92];
	_ =	swait.ge [sflag:s4], $0x0  }
0x19: {  	s7 =	sld [smem:$0x3F93]  }
0x1a: {  	s8 =	sadd.s32 $0xFFFFE003, lr  }
0x1b: {  	s9 =	sadd.s32 $0xFFFFFEF7, lr;
	s5 =	simm.s32 $0xFFFFFFFF;
	p2 =	slt.u32 s8, $0xFFFFF086  }
0x1c: {  	p1 =	slt.u32 s9, $0xF7A;
	s5 =	simm.s32 @!p2 $0x0  }
0x1d: {  	s5 =	simm.s32 @p1 $0x1;
	p0 =	seq.s32 s7, s2  }
0x1e: {  	s7 =	smul.u32 @!p0 $0xF7A, s2;
	p2 =	seq.s32 @!p0 s5, $0x0  }
0x1f: {  	s9 =	smul.u32 $0xF7A, s1;
	s8 =	simm.s32 @!p0 $0x1BF5;
	p2 =	por !p2, p0  }
0x20: {  	[sflag:s8] =	ssyncset.s32 @!p0 $0xFFFFF086;
	s6 =	sadd.s32 @!p0 s3, s7;
	s7 =	simm.s32 @!p0 $0x108  }
0x21: {  	s3 =	sadd.s32 s3, s9;
	s6 =	sadd.s32 @!p0 $0x88, s6;
	s7 =	simm.s32 @p2 $0x1082  }
0x22: {  	[simem:s7], [sflag:s8] =	dma.local @!p0 [hbm:s6], $0xF7A  }
0x23: {  	s9 =	sor.u32 $0xD0000000, s2;
	s6 =	simm.s32 $0x108;
	_ =	swait.ge @!p0 [sflag:s8], $0x0  }
0x24: {  	s3 =	sadd.s32 $0x88, s3;
	s6 =	simm.s32 @!p1 $0x1082;
	[sflag:s4] =	ssyncset.s32 $0xFFFFF086  }
0x25: {  	[simem:s6], [sflag:s4] =	dma.local [hbm:s3], $0xF7A  }
0x26: {  	[smem:$0x3F93] =	sst s1;
	(tag) =	ssettag s2;
	_ =	strace s9  }
0x27: {  	s1 =	sld [smem:$0x3FA3]  }
0x28: {  	s2 =	sld [smem:$0x3FA4]  }
0x29: {  	s4 =	sld [smem:$0x3FA6]  }
0x2a: {  	p0 =	seq.s32 s5, $0x0;
	s5 =	sld [smem:$0x3FA7]  }
0x2b: {  	s6 =	sld [smem:$0x3FA8]  }
0x2c: {  	s7 =	sld [smem:$0x3FA9]  }
0x2d: {  	s3 =	simm.s32 $0x108;
	s8 =	sld [smem:$0x3FAA]  }
0x2e: {  	s3 =	simm.s32 @!p0 $0x1082;
	s9 =	sld [smem:$0x3FAB]  }
0x2f: {  	lr =	sadd.s32 s0, s3;
	s0 =	sld [smem:$0x3FA2]  }
0x30: {  	s3 =	sld [smem:$0x3FA5]  }
0x31: {  	[smem:$0x3FAE] =	sst s10  }
0x32: {  	s10 =	sld [smem:$0x3FAC];
	_ =	sdelay $0x3  }
0x33: {  	p0 =	seq.s32 s10, $0x1;
	s10 =	sld [smem:$0x3FAE];
	_ =	sdelay $0x3  }
0x34: {  	[smem:$0x3FAE] =	sst s10  }
0x35: {  	s10 =	sld [smem:$0x3FAD];
	_ =	sdelay $0x3  }
0x36: {  	p1 =	seq.s32 s10, $0x1;
	s10 =	sld [smem:$0x3FAE];
	_ =	sdelay $0x3  }
0x37: {  	[smem:$0x3FAE] =	sst s10  }
0x38: {  	s10 =	sld [smem:$0x3FAF]  }
0x39: {  	_ = 	snop;
	(pc) =	sbr.ind lr, $3  }
0x3a: {  	_ = 	snop  }
0x3b: {  	_ = 	snop  }
0x3c: {  	p2 =	seq.s32 s10, $0x1;
	s10 =	sld [smem:$0x3FAE]  }
0x3d: {  	_ =	shalt  }
0x3e: {  	_ =	shalt  }
0x3f: {  	_ =	shalt  }
0x40: {  	_ =	shalt  }
0x41: {  	_ =	shalt  }
0x42: {  	_ =	shalt  }
0x43: {  	_ =	shalt  }
0x44: {  	_ =	shalt  }
0x45: {  	_ =	shalt  }
0x46: {  	_ =	shalt  }
0x47: {  	_ =	shalt  }
0x48: {  	_ =	shalt  }
0x49: {  	_ =	shalt  }
0x4a: {  	_ =	shalt  }
0x4b: {  	_ =	shalt  }
0x4c: {  	_ =	shalt  }
0x4d: {  	_ =	shalt  }
0x4e: {  	_ =	shalt  }
0x4f: {  	_ =	shalt  }
0x50: {  	_ =	shalt  }
0x51: {  	_ =	shalt  }
0x52: {  	_ =	shalt  }
0x53: {  	_ =	shalt  }
0x54: {  	_ =	shalt  }
0x55: {  	_ =	shalt  }
0x56: {  	_ =	shalt  }
0x57: {  	_ =	shalt  }
0x58: {  	_ =	shalt  }
0x59: {  	_ =	shalt  }
0x5a: {  	_ =	shalt  }
0x5b: {  	_ =	shalt  }
0x5c: {  	_ =	shalt  }
0x5d: {  	_ =	shalt  }
0x5e: {  	_ =	shalt  }
0x5f: {  	_ =	shalt  }
0x60: {  	_ =	shalt  }
0x61: {  	_ =	shalt  }
0x62: {  	_ =	shalt  }
0x63: {  	_ =	shalt  }
0x64: {  	_ =	shalt  }
0x65: {  	_ =	shalt  }
0x66: {  	_ =	shalt  }
0x67: {  	_ =	shalt  }
0x68: {  	_ =	shalt  }
0x69: {  	_ =	shalt  }
0x6a: {  	_ =	shalt  }
0x6b: {  	_ =	shalt  }
0x6c: {  	_ =	shalt  }
0x6d: {  	_ =	shalt  }
0x6e: {  	_ =	shalt  }
0x6f: {  	_ =	shalt  }
0x70: {  	_ =	shalt  }
0x71: {  	_ =	shalt  }
0x72: {  	_ =	shalt  }
0x73: {  	_ =	shalt  }
0x74: {  	_ =	shalt  }
0x75: {  	_ =	shalt  }
0x76: {  	_ =	shalt  }
0x77: {  	_ =	shalt  }
0x78: {  	_ =	shalt  }
0x79: {  	_ =	shalt  }
0x7a: {  	_ =	shalt  }
0x7b: {  	_ =	shalt  }
0x7c: {  	_ =	shalt  }
0x7d: {  	_ =	shalt  }
0x7e: {  	_ =	shalt  }
0x7f: {  	_ =	shalt  }
0x80: {  	_ =	shalt  }
0x81: {  	_ =	shalt  }
0x82: {  	_ =	shalt  }
0x83: {  	_ =	shalt  }
0x84: {  	_ =	shalt  }
0x85: {  	_ =	shalt  }
0x86: {  	_ =	shalt  }
0x87: {  	_ =	shalt  }
.Lfunc_end0:
.L_simem_size_0:
called_computation.1_lowered:
.L_overlay_start_0:
0x88: {  	s2 =	sld [smem:$0x3FD9]  }
0x89: {  	s3 =	sld [smem:$0x3FFE];
	_ =	sdelay $0x1  }
0x8a: {  	s1 =	srdreg.scid  }
0x8b: {  	s0 =	sand.u32 $0x1, s1  }
0x8c: {  	s15 =	sshll.u32 s0, $0xA;
	s2 =	sadd.s32 s3, s2  }
0x8d: {  	s2 =	sadd.s32 s2, s15  }
0x8e: {  	[smem:$0x3FBA] =	sst s2  }
0x8f: {  	_ = 	snop  }
0x90: {  	s2 =	sld [smem:$0x3FD0];
	_ =	sdelay $0x2  }
0x91: {  	s4 =	simm.s32 $0xB;
	s16 =	simm.s32 $0x10  }
0x92: {  	[smem:s16], [sflag:s4] =	dma.local [hbm:s2], $0x1  }
0x93: {  	_ =	swait.eq [sflag:s4], $0x1  }
0x94: {  	[sflag:s4] =	ssyncset.done $0x0  }
0x95: {  	s17 =	sld [smem:$0x10];
	[sflag:s4] =	ssyncadd.s32 $0xFFFFFFFF  }
0x96: {  	s18 =	sld [smem:$0x11];
	(tm) =	ssettm $0x1  }
0x97: {  	s19 =	sld [smem:$0x3FFB];
	_ =	sdelay $0x3  }
0x98: {  	_ =	strace s19  }
0x99: {  	s2 =	sld [smem:$0x3FFC];
	_ =	sdelay $0x3  }
0x9a: {  	_ =	strace s2  }
0x9b: {  	s2 =	sld [smem:$0x3FFD];
	_ =	sdelay $0x3  }
0x9c: {  	_ =	strace s2  }
0x9d: {  	_ =	strace $0x8FFFFFFF  }
0x9e: {  	s20 =	sld [smem:$0x3FDB];
	_ =	sdelay $0x1  }
0x9f: {  	s5 =	simm.s32 $_scs_section_size  }
0xa0: {  	s6 =	simm.s32 $_size__tile_overlayer_lowered;
	s7 =	simm.s32 $_tile_overlayer_lowered  }
0xa1: {  	s8 =	simm.s32 $0x1BFF;
	s21 =	sshll.u32 s7, $0x1;
	s5 =	sadd.s32 s5, s20  }
0xa2: {  	s22 =	simm.s32 $0x0;
	s6 =	sshll.u32 s6, $0x1;
	s7 =	sadd.s32 s21, s5  }
0xa3: {  	[timem:s22], [sflag:s8] =	dma.local [hbm:s7], s6  }
0xa4: {  	_ =	swait.ge [sflag:s8], s6  }
0xa5: {  	s6 =	ssub.s32 $0x0, s6;
	[sflag:s8] =	ssyncset.done $0x0  }
0xa6: {  	[sflag:s8] =	ssyncadd.s32 s6;
	_ =	sdelay $0x1  }
0xa7: {  	s23 =	simm.s32 $0x1B8B  }
0xa8: {  	_ =	swait.ge [sflag:s23], $0x1  }
0xa9: {  	[sflag:s23] =	ssyncset.done $0x0  }
0xaa: {  	[sflag:s23] =	ssyncadd.s32 $0xFFFFFFFF  }
0xab: {  	s6 =	sld [smem:$0x0]  }
0xac: {  	s7 =	sand.u32 $0xFFFFFFFE, s1  }
0xad: {  	p0 =	sne.s32 s1, s7  }
0xae: {  	s7 =	sshll.u32 @p0 s7, $0xE  }
0xaf: {  	s7 =	sadd.s32 @p0 $0x11B8D, s7;
	s8 =	sshll.u32 @p0 s6, $0x11  }
0xb0: {  	s7 =	sor.u32 @p0 s8, s7  }
0xb1: {  	[sflag:s7] =	ssyncadd.remote.s32 @p0 $0x1;
	_ =	sdelay $0x1  }
0xb2: {  	s7 =	simm.s32 @p0 $0x1B8D  }
0xb3: {  	_ =	swait.eq @p0 [sflag:s7], $0x1  }
0xb4: {  	[sflag:s7] =	ssyncadd.s32 @p0 $0xFFFFFFFF  }
0xb5: {  	s8 =	sshll.u32 @!p0 s1, $0xE  }
0xb6: {  	s8 =	sor.u32 @!p0 $0x4000, s8;
	s7 =	simm.s32 @!p0 $0x1B8D  }
0xb7: {  	s6 =	sshll.u32 @!p0 s6, $0x11;
	s8 =	sadd.s32 @!p0 $0x11B8D, s8;
	_ =	swait.eq @!p0 [sflag:s7], $0x1  }
0xb8: {  	s6 =	sor.u32 @!p0 s6, s8;
	[sflag:s7] =	ssyncadd.s32 @!p0 $0xFFFFFFFF  }
0xb9: {  	s25 =	simm.s32 $0x1B8E;
	s24 =	sld [smem:$0x3FFE];
	[sflag:s6] =	ssyncadd.remote.s32 @!p0 $0x1  }
0xba: {  	s26 =	simm.s32 $execute0_lowered;
	[smem:$0x3FD2] =	sst s25  }
0xbb: {  	s7 =	sshll.u32 s26, $0x1;
	_ =	strace $0x80000049;
	[dreg:$0x1] =	wrdreg $0xFFFFFFFF  }
0xbc: {  	s28 =	simm.s32 $_size_execute0_lowered;
	s5 =	sadd.s32 s5, s7;
	[dreg:$0x0] =	wrdreg $0x0  }
0xbd: {  	s7 =	sshll.u32 s28, $0x1;
	[dreg:$0x2] =	wrdreg s5  }
0xbe: {  	[dreg:$0x3] =	wrdreg s7  }
0xbf: {  	[dreg:$0x4] =	wrdreg $0xC0  }
0xc0: {  	_ =	task [dreg:s22], $0x5FFFF  }
0xc1: {  	[dreg:$0x1] =	wrdreg $0xFFFFFFFF  }
0xc2: {  	[dreg:$0x0] =	wrdreg $0x60  }
0xc3: {  	[dreg:$0x2] =	wrdreg s18  }
0xc4: {  	[dreg:$0x3] =	wrdreg s24  }
0xc5: {  	[dreg:$0x4] =	wrdreg s17  }
0xc6: {  	[dreg:$0x5] =	wrdreg $0xA4000  }
0xc7: {  	[dreg:$0x6] =	wrdreg $0xA  }
0xc8: {  	_ =	task.clear_ibuf [dreg:s22], $0x7FFFF;
	_ =	strace $0x90000049  }
0xc9: {  	s29 =	simm.s32 $0xA;
	_ =	strace $0x8000004B  }
0xca: {  	_ =	swait.ge [sflag:s29], $0x1  }
0xcb: {  	[sflag:s29] =	ssyncadd.s32 $0xFFFFFFFF  }
0xcc: {  	_ =	strace $0x9000004B  }
0xcd: {  	_ =	sfence  }
0xce: {  	s30 =	sld [smem:$0x0];
	_ =	sdelay $0x2  }
0xcf: {  	s31 =	sshll.u32 s1, $0xD;
	s1 =	sshrl.u32 s1, $0x2  }
0xd0: {  	s4 =	sand.u32 $0x4000, s31;
	s1 =	sadd.s32 s1, s30  }
0xd1: {  	s0 =	sor.u32 s4, s0;
	s1 =	sshll.u32 s1, $0x11  }
0xd2: {  	s0 =	sor.u32 s1, s0  }
0xd3: {  	s0 =	sadd.s32 $0x8F2B, s0  }
0xd4: {  	[sflag:s0] =	ssyncadd.remote.s32 $0x1  }
0xd5: {  	_ =	sfence.sel $0xFFFF  }
0xd6: {  	[dreg:$0x0] =	wrdreg $0xFFFFFFFF;
	(pc) =	sbr.abs _section_cstart, $3  }
0xd7: {  	[dreg:$0x1] =	wrdreg $0xFFFFFFFF  }
0xd8: {  	_ =	task.clear_ibuf [dreg:s22], $0x2FFFF;
	_ =	strace $0x9FFFFFFF  }
0xd9: {  	(tm) =	ssettm $0x7FFFFFFF  }
tec
execute0_lowered:
.L_overlay_start_1:
0x0: {  	(tag) =	ssettag $0x1  }
0x1: {  	s0 =	rddreg [dreg:$0x0]  }
0x2: {  	s2 =	rddreg [dreg:$0x1]  }
0x3: {  	s7 =	rddreg [dreg:$0x2]  }
0x4: {  	s1 =	rddreg [dreg:$0x3];
	s4 =	srdreg.scid;
	s3 =	simm.s32 $0x0  }
0x5: {  	s11 =	stileid.u32;
	s28 =	simm.s32 $0x5;
	s29 =	simm.s32 $0x2  }
0x6: {  	s30 =	simm.s32 $0x6;
	s31 =	simm.s32 $0x8400;
	s8 =	sand.u32 $0x1, s4  }
0x7: {  	[smem:$0x7FF] =	sst s3;
	s19 =	sshll.u32 s11, $0x10;
	s4 =	sshll.u32 s8, $0x4  }
0x8: {  	_ =	strace $0x8000004A;
	s6 =	ssub.s32 $0x2, s8;
	s21 =	sshll.u32 s8, $0x11  }
0x9: {  	s5 =	sor.u32 s11, s4;
	s4 =	sadd.s32 $0x51000, s2;
	s10 =	sshrl.u32 s6, $0x1  }
0xa: {  	s11 =	sshll.u32 s11, $0xD;
	s9 =	sshll.u32 s5, $0xA;
	s18 =	ssub.s32 s6, s10  }
0xb: {  	s20 =	sshll.u32 s5, $0xC;
	s5 =	sadd.s32 s19, s1;
	s7 =	sadd.s32 s7, s11  }
0xc: {  	s19 =	simm.s32 $0x7;
	s2 =	sadd.s32 s9, s2;
	s6 =	sadd.s32 s0, s20  }
0xd: {  	s0 =	sadd.s32 s21, s7;
	s23 =	smax.u32 s18, $0x1;
	s24 =	sadd.s32 $0x2000, s5  }
0xe: {  	s25 =	sadd.s32 $0x4000, s5;
	s26 =	sadd.s32 $0x6000, s5;
	s14 =	sadd.s32 $0x8000, s5  }
0xf: {  	s15 =	sadd.s32 $0xA000, s5;
	s16 =	sadd.s32 $0xC000, s5;
	[dreg:$0x7] =	wrdreg s0  }
0x10: {  	s17 =	sadd.s32 $0xE000, s5;
	s18 =	simm.s32 $0x6400;
	[dreg:$0x8] =	wrdreg s23  }
.Ltmp0:
0x11: {  	s21 =	simm.s32 $0x40;
	[dreg:$0x9] =	wrdreg s24;
	(pc) =	sbr.rel .LBB2_1-.Ltmp0, $4  }
0x12: {  	s2 =	sadd.s32 $0x49000, s2;
	s22 =	sadd.s32 $0x40, s6;
	[dreg:$0xa] =	wrdreg s25  }
0x13: {  	[dreg:$0xb] =	wrdreg s26;
	s24 =	simm.s32 $0x4400;
	s25 =	simm.s32 $0x200  }
0x14: {  	s26 =	simm.s32 $0x1;
	s0 =	simm.s32 $0x3;
	[dreg:$0x5] =	wrdreg s2  }
0x15: {  	v0 =	vimm.f32 $0.0e+00;
	s23 =	simm.s32 $0x0;
	[dreg:$0x6] =	wrdreg s22;
	s22 =	simm.s32 $0x4  }
.LBB2_10:
0x16: {  	_ =	swait.ge [sflag:s0], $0x2000  }
0x17: {  	[sflag:s0] =	ssyncset.done $0x0  }
0x18: {  	[sflag:s0] =	ssyncadd.s32 $0xFFFFE000  }
0x19: {  	_ =	swait.ge [sflag:s22], $0x2000  }
0x1a: {  	[sflag:s22] =	ssyncset.done $0x0  }
0x1b: {  	s2 =	stileid.u32;
	[sflag:s22] =	ssyncadd.s32 $0xFFFFE000  }
0x1c: {  	s2 =	sshll.u32 s2, $0x6;
	[bflag:$0x0] =	sbarrier.arrive $0xFFFF  }
0x1d: {  	s7 =	sshrl.u32 s5, $0x3;
	s2 =	sor.u32 $0x1C07, s2;
	s8 =	rddreg [dreg:$0x7]  }
0x1e: {  	[hbm:s8], [sflag:s2] =	dma.local [spmem:s7], $0x2000  }
0x1f: {  	_ =	swait.ge [sflag:s19], $0x2000  }
0x20: {  	s23 =	sadd.s32 $0x1, s23;
	s20 =	rddreg [dreg:$0x8]  }
0x21: {  	p0 =	sne.s32 s23, s20  }
.Ltmp1:
0x22: {  	_ = 	snop;
	(pc) =	sbr.rel @!p0 .LBB2_11-.Ltmp1, $3  }
0x23: {  	_ =	sdelay $0x1  }
0x24: {  	[sflag:s19] =	ssyncset.done $0x0  }
0x25: {  	[sflag:s19] =	ssyncadd.s32 $0xFFFFE000  }
.LBB2_1:
0x26: {  	s2 =	simm.s32 $0x0;
	s7 =	simm.s32 $0x200  }
.LBB2_2:
0x27: {  	p0 =	sne.s32 s7, $0x7E00;
	[tilespmem:s2+$0x6470] =	vst v0  }
0x28: {  	[tilespmem:s2+$0x6400] =	vst v0  }
0x29: {  	[tilespmem:s2+$0x6410] =	vst v0  }
.Ltmp2:
0x2a: {  	[tilespmem:s2+$0x6420] =	vst v0;
	(pc) =	sbr.rel @p0 .LBB2_2-.Ltmp2, $4  }
0x2b: {  	[tilespmem:s2+$0x6430] =	vst v0  }
0x2c: {  	[tilespmem:s2+$0x6440] =	vst v0  }
0x2d: {  	[tilespmem:s2+$0x6450] =	vst v0  }
0x2e: {  	[tilespmem:s2+$0x6460] =	vst v0;
	s2 =	sshra.s32 s7, $0x2;
	s7 =	sadd.s32 $0x200, s7  }
0x2f: {  	[tilespmem:s2+$0x6470] =	vst v0  }
0x30: {  	[tilespmem:s2+$0x6400] =	vst v0  }
0x31: {  	[tilespmem:s2+$0x6410] =	vst v0  }
0x32: {  	[tilespmem:s2+$0x6420] =	vst v0  }
0x33: {  	[tilespmem:s2+$0x6430] =	vst v0  }
0x34: {  	[tilespmem:s2+$0x6440] =	vst v0  }
0x35: {  	[tilespmem:s2+$0x6450] =	vst v0  }
0x36: {  	[tilespmem:s2+$0x6460] =	vst v0  }
0x37: {  	[spmem:s5] =	stream.linear.scatter [tilespmem:s18], [sflag:$0x7], $0x2000, $0x38;
	[tilespmem:$0x1A400] =	vst v63  }
0x38: {  	_ =	swait.ge [sflag:s19], $0x2000  }
0x39: {  	[sflag:s19] =	ssyncset.done $0x0  }
0x3a: {  	s9 =	rddreg [dreg:$0x9];
	[sflag:s19] =	ssyncadd.s32 $0xFFFFE000  }
0x3b: {  	[spmem:s9] =	stream.linear.scatter [tilespmem:s18], [sflag:$0x7], $0x2000, $0x38;
	[tilespmem:$0x1A400] =	vst v63  }
0x3c: {  	_ =	swait.ge [sflag:s19], $0x2000  }
0x3d: {  	[sflag:s19] =	ssyncset.done $0x0  }
0x3e: {  	s10 =	rddreg [dreg:$0xa];
	[sflag:s19] =	ssyncadd.s32 $0xFFFFE000  }
0x3f: {  	[spmem:s10] =	stream.linear.scatter [tilespmem:s18], [sflag:$0x7], $0x2000, $0x38;
	[tilespmem:$0x1A400] =	vst v63  }
0x40: {  	_ =	swait.ge [sflag:s19], $0x2000  }
0x41: {  	[sflag:s19] =	ssyncset.done $0x0  }
0x42: {  	s11 =	rddreg [dreg:$0xb];
	[sflag:s19] =	ssyncadd.s32 $0xFFFFE000  }
0x43: {  	[spmem:s11] =	stream.linear.scatter [tilespmem:s18], [sflag:$0x7], $0x2000, $0x38;
	[tilespmem:$0x1A400] =	vst v63  }
0x44: {  	_ =	swait.ge [sflag:s19], $0x2000  }
0x45: {  	[sflag:s19] =	ssyncset.done $0x0  }
0x46: {  	[sflag:s19] =	ssyncadd.s32 $0xFFFFE000  }
0x47: {  	[spmem:s14] =	stream.linear.scatter [tilespmem:s18], [sflag:$0x7], $0x2000, $0x38;
	[tilespmem:$0x1A400] =	vst v63  }
0x48: {  	_ =	swait.ge [sflag:s19], $0x2000  }
0x49: {  	[sflag:s19] =	ssyncset.done $0x0  }
0x4a: {  	[sflag:s19] =	ssyncadd.s32 $0xFFFFE000  }
0x4b: {  	[spmem:s15] =	stream.linear.scatter [tilespmem:s18], [sflag:$0x7], $0x2000, $0x38;
	[tilespmem:$0x1A400] =	vst v63  }
0x4c: {  	_ =	swait.ge [sflag:s19], $0x2000  }
0x4d: {  	[sflag:s19] =	ssyncset.done $0x0  }
0x4e: {  	[sflag:s19] =	ssyncadd.s32 $0xFFFFE000  }
0x4f: {  	[spmem:s16] =	stream.linear.scatter [tilespmem:s18], [sflag:$0x7], $0x2000, $0x38;
	[tilespmem:$0x1A400] =	vst v63  }
0x50: {  	_ =	swait.ge [sflag:s19], $0x2000  }
0x51: {  	[sflag:s19] =	ssyncset.done $0x0  }
0x52: {  	[sflag:s19] =	ssyncadd.s32 $0xFFFFE000  }
0x53: {  	[spmem:s17] =	stream.linear.scatter [tilespmem:s18], [sflag:$0x7], $0x2000, $0x38;
	[tilespmem:$0x1A400] =	vst v63  }
0x54: {  	_ =	swait.ge [sflag:s19], $0x2000  }
0x55: {  	[sflag:s19] =	ssyncset.done $0x0  }
0x56: {  	[sflag:s19] =	ssyncadd.s32 $0xFFFFE000  }
0x57: {  	[bflag:$0x0] =	sbarrier.arrive $0xFFFF  }
0x58: {  	s2 =	simm.s32 $0x0;
	s8 =	simm.s32 $0x400;
	s7 =	rddreg [dreg:$0x5]  }
0x59: {  	[tilespmem:s8], [sflag:$0x7] =	stream.linear.gather [hbm4b:s7+s2], $0x2000, $0x38;
	[tilespmem:$0x1A400] =	vst v63  }
0x5a: {  	_ =	swait.ge [sflag:s19], $0x2000  }
0x5b: {  	[sflag:s19] =	ssyncset.done $0x0  }
0x5c: {  	s12 =	simm.s32 $0x2400;
	[sflag:s19] =	ssyncadd.s32 $0xFFFFE000  }
0x5d: {  	[tilespmem:s12], [sflag:$0x1] =	stream.indirect.gather [hbm4b:s4+s21], $0x80, s8, s21, $0xb8;
	[tilespmem:$0x1A400] =	vst v63  }
0x5e: {  	s13 =	simm.s32 $0x480  }
0x5f: {  	[tilespmem:s24], [sflag:$0x2] =	stream.indirect.gather [hbm4b:s4+s21], $0x80, s13, s21, $0xb8;
	[tilespmem:$0x1A400] =	vst v63  }
0x60: {  	_ = 	snop  }
0x61: {  	[tilespmem:s2], [sflag:$0x5] =	stream.linear.gather [hbm4b:s6+s2], $0x200, $0x38;
	[tilespmem:$0x1A400] =	vst v63  }
0x62: {  	s7 =	simm.s32 $0x0;
	s20 =	rddreg [dreg:$0x6]  }
0x63: {  	[tilespmem:s25], [sflag:$0x6] =	stream.linear.gather [hbm4b:s20+s2], $0x200, $0x38;
	[tilespmem:$0x1A400] =	vst v63  }
.LBB2_4:
0x64: {  	_ =	swait.ge [sflag:s26], $0x2000  }
0x65: {  	[sflag:s26] =	ssyncset.done $0x0  }
0x66: {  	[sflag:s26] =	ssyncadd.s32 $0xFFFFE000  }
0x67: {  	_ =	swait.ge [sflag:s28], $0x200  }
0x68: {  	p0 =	seq.s32 s7, $0x0;
	[sflag:s28] =	ssyncset.done $0x0  }
0x69: {  	s8 =	simm.s32 @!p0 $0x3;
	[sflag:s28] =	ssyncadd.s32 $0xFFFFFE00  }
0x6a: {  	_ =	swait.ge @!p0 [sflag:s8], $0x2000  }
0x6b: {  	[sflag:s8] =	ssyncset.done @!p0 $0x0  }
0x6c: {  	s9 =	simm.s32 $0x2440;
	[sflag:s8] =	ssyncadd.s32 @!p0 $0xFFFFE000  }
0x6d: {  	s11 =	sand.u32 $0x180, s2;
	v1 =	vld [tilespmem:s9+$0xFFFFFFC0]  }
0x6e: {  	v2 =	vld [tilespmem:s11+$0x0];
	_ =	sdelay $0x4  }
0x6f: {  	v1 =	vadd.f32 v2, v1;
	_ =	sdelay $0x1  }
0x70: {  	s10 =	simm.s32 $0x6440;
	v1 =	vmax.f32 v1, $0.0e+00  }
0x71: {  	[tilespmem:s10+$0xFFFFFFC0] =	vst v1  }
0x72: {  	v1 =	vld [tilespmem:s9+$0xFFFFFFD0]  }
0x73: {  	v2 =	vld [tilespmem:s11+$0x10];
	_ =	sdelay $0x4  }
0x74: {  	v1 =	vadd.f32 v2, v1;
	_ =	sdelay $0x1  }
0x75: {  	v1 =	vmax.f32 v1, $0.0e+00  }
0x76: {  	[tilespmem:s10+$0xFFFFFFD0] =	vst v1  }
0x77: {  	v1 =	vld [tilespmem:s9+$0xFFFFFFE0]  }
0x78: {  	v2 =	vld [tilespmem:s11+$0x20];
	_ =	sdelay $0x4  }
0x79: {  	v1 =	vadd.f32 v2, v1;
	_ =	sdelay $0x1  }
0x7a: {  	v1 =	vmax.f32 v1, $0.0e+00  }
0x7b: {  	[tilespmem:s10+$0xFFFFFFE0] =	vst v1  }
0x7c: {  	v1 =	vld [tilespmem:s9+$0xFFFFFFF0]  }
0x7d: {  	v2 =	vld [tilespmem:s11+$0x30];
	_ =	sdelay $0x4  }
0x7e: {  	v1 =	vadd.f32 v2, v1;
	_ =	sdelay $0x1  }
0x7f: {  	v1 =	vmax.f32 v1, $0.0e+00  }
0x80: {  	[tilespmem:s10+$0xFFFFFFF0] =	vst v1  }
0x81: {  	v1 =	vld [tilespmem:s9+$0x0]  }
0x82: {  	v2 =	vld [tilespmem:s11+$0x40];
	_ =	sdelay $0x4  }
0x83: {  	v1 =	vadd.f32 v2, v1;
	_ =	sdelay $0x1  }
0x84: {  	v1 =	vmax.f32 v1, $0.0e+00  }
0x85: {  	[tilespmem:s10+$0x0] =	vst v1  }
0x86: {  	v1 =	vld [tilespmem:s9+$0x10]  }
0x87: {  	v2 =	vld [tilespmem:s11+$0x50];
	_ =	sdelay $0x4  }
0x88: {  	v1 =	vadd.f32 v2, v1;
	_ =	sdelay $0x1  }
0x89: {  	v1 =	vmax.f32 v1, $0.0e+00  }
0x8a: {  	[tilespmem:s10+$0x10] =	vst v1  }
0x8b: {  	v1 =	vld [tilespmem:s9+$0x20]  }
0x8c: {  	v2 =	vld [tilespmem:s11+$0x60];
	_ =	sdelay $0x4  }
0x8d: {  	v1 =	vadd.f32 v2, v1;
	_ =	sdelay $0x1  }
0x8e: {  	v1 =	vmax.f32 v1, $0.0e+00  }
0x8f: {  	[tilespmem:s10+$0x20] =	vst v1  }
0x90: {  	v1 =	vld [tilespmem:s9+$0x30]  }
0x91: {  	s20 =	simm.s32 $0x8;
	s8 =	sshll.u32 s7, $0x1;
	v2 =	vld [tilespmem:s11+$0x70];
	s11 =	simm.s32 $0x6440  }
.LBB2_5:
0x92: {  	p1 =	sne.s32 s20, $0x1F8;
	s10 =	sadd.s32 $0x80, s10;
	s9 =	sadd.s32 $0x80, s9  }
0x93: {  	s12 =	smov.u32 s20;
	s20 =	sadd.s32 $0x8, s20;
	_ =	sdelay $0x2  }
0x94: {  	v1 =	vadd.f32 v2, v1;
	_ =	sdelay $0x1  }
0x95: {  	v1 =	vmax.f32 v1, $0.0e+00  }
0x96: {  	[tilespmem:s11+$0x30] =	vst v1;
	s11 =	smov.u32 s10  }
0x97: {  	s12 =	sand.u32 $0x180, s12;
	v1 =	vld [tilespmem:s9+$0xFFFFFFC0]  }
0x98: {  	v2 =	vld [tilespmem:s12+$0x0];
	_ =	sdelay $0x4  }
0x99: {  	v1 =	vadd.f32 v2, v1;
	_ =	sdelay $0x1  }
0x9a: {  	v1 =	vmax.f32 v1, $0.0e+00  }
0x9b: {  	[tilespmem:s10+$0xFFFFFFC0] =	vst v1  }
0x9c: {  	v1 =	vld [tilespmem:s9+$0xFFFFFFD0]  }
0x9d: {  	v2 =	vld [tilespmem:s12+$0x10];
	_ =	sdelay $0x4  }
0x9e: {  	v1 =	vadd.f32 v2, v1;
	_ =	sdelay $0x1  }
0x9f: {  	v1 =	vmax.f32 v1, $0.0e+00  }
0xa0: {  	[tilespmem:s10+$0xFFFFFFD0] =	vst v1  }
0xa1: {  	v1 =	vld [tilespmem:s9+$0xFFFFFFE0]  }
0xa2: {  	v2 =	vld [tilespmem:s12+$0x20];
	_ =	sdelay $0x4  }
0xa3: {  	v1 =	vadd.f32 v2, v1;
	_ =	sdelay $0x1  }
0xa4: {  	v1 =	vmax.f32 v1, $0.0e+00  }
0xa5: {  	[tilespmem:s10+$0xFFFFFFE0] =	vst v1  }
0xa6: {  	v1 =	vld [tilespmem:s9+$0xFFFFFFF0]  }
0xa7: {  	v2 =	vld [tilespmem:s12+$0x30];
	_ =	sdelay $0x4  }
0xa8: {  	v1 =	vadd.f32 v2, v1;
	_ =	sdelay $0x1  }
0xa9: {  	v1 =	vmax.f32 v1, $0.0e+00  }
0xaa: {  	[tilespmem:s10+$0xFFFFFFF0] =	vst v1  }
0xab: {  	v1 =	vld [tilespmem:s9+$0x0]  }
0xac: {  	v2 =	vld [tilespmem:s12+$0x40];
	_ =	sdelay $0x4  }
0xad: {  	v1 =	vadd.f32 v2, v1;
	_ =	sdelay $0x1  }
0xae: {  	v1 =	vmax.f32 v1, $0.0e+00  }
0xaf: {  	[tilespmem:s10+$0x0] =	vst v1  }
0xb0: {  	v1 =	vld [tilespmem:s9+$0x10]  }
0xb1: {  	v2 =	vld [tilespmem:s12+$0x50];
	_ =	sdelay $0x4  }
0xb2: {  	v1 =	vadd.f32 v2, v1;
	_ =	sdelay $0x1  }
0xb3: {  	v1 =	vmax.f32 v1, $0.0e+00  }
0xb4: {  	[tilespmem:s10+$0x10] =	vst v1  }
0xb5: {  	v1 =	vld [tilespmem:s9+$0x20]  }
0xb6: {  	v2 =	vld [tilespmem:s12+$0x60];
	_ =	sdelay $0x4  }
0xb7: {  	v1 =	vadd.f32 v2, v1  }
.Ltmp3:
0xb8: {  	(pc) =	sbr.rel @p1 .LBB2_5-.Ltmp3, $4  }
0xb9: {  	v1 =	vmax.f32 v1, $0.0e+00  }
0xba: {  	[tilespmem:s10+$0x20] =	vst v1  }
0xbb: {  	v1 =	vld [tilespmem:s9+$0x30]  }
0xbc: {  	v2 =	vld [tilespmem:s12+$0x70]  }
0xbd: {  	_ =	sdelay $0x3  }
0xbe: {  	v1 =	vadd.f32 v2, v1  }
0xbf: {  	s9 =	sshll.u32 s7, $0x8  }
0xc0: {  	s9 =	sand.u32 $0x3FFFFF00, s9;
	v1 =	vmax.f32 v1, $0.0e+00  }
0xc1: {  	p1 =	seq.s32 s7, $0x1F;
	s10 =	sadd.s32 $0x400, s9;
	[tilespmem:s11+$0x30] =	vst v1  }
0xc2: {  	[spmem:s1] =	stream.indirect.scatter.add.f32 [tilespmem:s18], [sflag:$0x3], $0x80, s10, s21, $0xb8;
	[tilespmem:$0x1A400] =	vst v63  }
0xc3: {  	s10 =	sadd.s32 @!p1 $0x2, s8  }
0xc4: {  	s11 =	sshll.u32 @!p1 s10, $0x7  }
0xc5: {  	s12 =	simm.s32 @!p1 $0x40;
	s11 =	sand.u32 @!p1 $0x3FFFFF80, s11  }
0xc6: {  	s13 =	simm.s32 @!p1 $0x2400;
	s10 =	sshll.u32 @!p1 s10, $0x6;
	s11 =	sadd.s32 @!p1 $0x400, s11  }
0xc7: {  	[tilespmem:s13], [sflag:$0x1] =	stream.indirect.gather @!p1 [hbm4b:s4+s12], $0x80, s11, s12, $0xb8;
	[tilespmem:$0x1A400] =	vst v63  }
0xc8: {  	s10 =	sadd.s32 @!p1 s10, s6;
	s11 =	simm.s32 @!p1 $0x0  }
0xc9: {  	[tilespmem:s11], [sflag:$0x5] =	stream.linear.gather @!p1 [hbm4b:s10+s11], $0x200, $0x38;
	[tilespmem:$0x1A400] =	vst v63  }
0xca: {  	_ =	swait.ge [sflag:s29], $0x2000  }
0xcb: {  	[sflag:s29] =	ssyncset.done $0x0  }
0xcc: {  	[sflag:s29] =	ssyncadd.s32 $0xFFFFE000  }
0xcd: {  	_ =	swait.ge [sflag:s30], $0x200  }
0xce: {  	[sflag:s30] =	ssyncset.done $0x0  }
0xcf: {  	s10 =	simm.s32 @!p0 $0x4;
	[sflag:s30] =	ssyncadd.s32 $0xFFFFFE00  }
0xd0: {  	_ =	swait.ge @!p0 [sflag:s10], $0x2000  }
0xd1: {  	[sflag:s10] =	ssyncset.done @!p0 $0x0  }
0xd2: {  	s13 =	simm.s32 $0x0;
	[sflag:s10] =	ssyncadd.s32 @!p0 $0xFFFFE000;
	s10 =	simm.s32 $0x4440  }
0xd3: {  	s20 =	sand.u32 $0x180, s13;
	v1 =	vld [tilespmem:s10+$0xFFFFFFC0]  }
0xd4: {  	v2 =	vld [tilespmem:s20+$0x200];
	_ =	sdelay $0x4  }
0xd5: {  	v1 =	vadd.f32 v2, v1;
	_ =	sdelay $0x1  }
0xd6: {  	s11 =	simm.s32 $0x8440;
	v1 =	vmax.f32 v1, $0.0e+00  }
0xd7: {  	[tilespmem:s11+$0xFFFFFFC0] =	vst v1  }
0xd8: {  	v1 =	vld [tilespmem:s10+$0xFFFFFFD0]  }
0xd9: {  	v2 =	vld [tilespmem:s20+$0x210];
	_ =	sdelay $0x4  }
0xda: {  	v1 =	vadd.f32 v2, v1;
	_ =	sdelay $0x1  }
0xdb: {  	v1 =	vmax.f32 v1, $0.0e+00  }
0xdc: {  	[tilespmem:s11+$0xFFFFFFD0] =	vst v1  }
0xdd: {  	v1 =	vld [tilespmem:s10+$0xFFFFFFE0]  }
0xde: {  	v2 =	vld [tilespmem:s20+$0x220];
	_ =	sdelay $0x4  }
0xdf: {  	v1 =	vadd.f32 v2, v1;
	_ =	sdelay $0x1  }
0xe0: {  	v1 =	vmax.f32 v1, $0.0e+00  }
0xe1: {  	[tilespmem:s11+$0xFFFFFFE0] =	vst v1  }
0xe2: {  	v1 =	vld [tilespmem:s10+$0xFFFFFFF0]  }
0xe3: {  	v2 =	vld [tilespmem:s20+$0x230];
	_ =	sdelay $0x4  }
0xe4: {  	v1 =	vadd.f32 v2, v1;
	_ =	sdelay $0x1  }
0xe5: {  	v1 =	vmax.f32 v1, $0.0e+00  }
0xe6: {  	[tilespmem:s11+$0xFFFFFFF0] =	vst v1  }
0xe7: {  	v1 =	vld [tilespmem:s10+$0x0]  }
0xe8: {  	v2 =	vld [tilespmem:s20+$0x240];
	_ =	sdelay $0x4  }
0xe9: {  	v1 =	vadd.f32 v2, v1;
	_ =	sdelay $0x1  }
0xea: {  	v1 =	vmax.f32 v1, $0.0e+00  }
0xeb: {  	[tilespmem:s11+$0x0] =	vst v1  }
0xec: {  	v1 =	vld [tilespmem:s10+$0x10]  }
0xed: {  	v2 =	vld [tilespmem:s20+$0x250];
	_ =	sdelay $0x4  }
0xee: {  	v1 =	vadd.f32 v2, v1;
	_ =	sdelay $0x1  }
0xef: {  	v1 =	vmax.f32 v1, $0.0e+00  }
0xf0: {  	[tilespmem:s11+$0x10] =	vst v1  }
0xf1: {  	v1 =	vld [tilespmem:s10+$0x20]  }
0xf2: {  	v2 =	vld [tilespmem:s20+$0x260];
	_ =	sdelay $0x4  }
0xf3: {  	v1 =	vadd.f32 v2, v1;
	_ =	sdelay $0x1  }
0xf4: {  	v1 =	vmax.f32 v1, $0.0e+00  }
0xf5: {  	[tilespmem:s11+$0x20] =	vst v1  }
0xf6: {  	v1 =	vld [tilespmem:s10+$0x30]  }
0xf7: {  	s12 =	simm.s32 $0x8;
	v2 =	vld [tilespmem:s20+$0x270];
	s20 =	simm.s32 $0x8440  }
.LBB2_7:
0xf8: {  	p0 =	sne.s32 s12, $0x1F8;
	s11 =	sadd.s32 $0x80, s11;
	s10 =	sadd.s32 $0x80, s10  }
0xf9: {  	s13 =	smov.u32 s12;
	s12 =	sadd.s32 $0x8, s12;
	_ =	sdelay $0x2  }
0xfa: {  	v1 =	vadd.f32 v2, v1;
	_ =	sdelay $0x1  }
0xfb: {  	v1 =	vmax.f32 v1, $0.0e+00  }
0xfc: {  	[tilespmem:s20+$0x30] =	vst v1;
	s20 =	smov.u32 s11  }
0xfd: {  	s13 =	sand.u32 $0x180, s13;
	v1 =	vld [tilespmem:s10+$0xFFFFFFC0]  }
0xfe: {  	v2 =	vld [tilespmem:s13+$0x200];
	_ =	sdelay $0x4  }
0xff: {  	v1 =	vadd.f32 v2, v1;
	_ =	sdelay $0x1  }
0x100: {  	v1 =	vmax.f32 v1, $0.0e+00  }
0x101: {  	[tilespmem:s11+$0xFFFFFFC0] =	vst v1  }
0x102: {  	v1 =	vld [tilespmem:s10+$0xFFFFFFD0]  }
0x103: {  	v2 =	vld [tilespmem:s13+$0x210];
	_ =	sdelay $0x4  }
0x104: {  	v1 =	vadd.f32 v2, v1;
	_ =	sdelay $0x1  }
0x105: {  	v1 =	vmax.f32 v1, $0.0e+00  }
0x106: {  	[tilespmem:s11+$0xFFFFFFD0] =	vst v1  }
0x107: {  	v1 =	vld [tilespmem:s10+$0xFFFFFFE0]  }
0x108: {  	v2 =	vld [tilespmem:s13+$0x220];
	_ =	sdelay $0x4  }
0x109: {  	v1 =	vadd.f32 v2, v1;
	_ =	sdelay $0x1  }
0x10a: {  	v1 =	vmax.f32 v1, $0.0e+00  }
0x10b: {  	[tilespmem:s11+$0xFFFFFFE0] =	vst v1  }
0x10c: {  	v1 =	vld [tilespmem:s10+$0xFFFFFFF0]  }
0x10d: {  	v2 =	vld [tilespmem:s13+$0x230];
	_ =	sdelay $0x4  }
0x10e: {  	v1 =	vadd.f32 v2, v1;
	_ =	sdelay $0x1  }
0x10f: {  	v1 =	vmax.f32 v1, $0.0e+00  }
0x110: {  	[tilespmem:s11+$0xFFFFFFF0] =	vst v1  }
0x111: {  	v1 =	vld [tilespmem:s10+$0x0]  }
0x112: {  	v2 =	vld [tilespmem:s13+$0x240];
	_ =	sdelay $0x4  }
0x113: {  	v1 =	vadd.f32 v2, v1;
	_ =	sdelay $0x1  }
0x114: {  	v1 =	vmax.f32 v1, $0.0e+00  }
0x115: {  	[tilespmem:s11+$0x0] =	vst v1  }
0x116: {  	v1 =	vld [tilespmem:s10+$0x10]  }
0x117: {  	v2 =	vld [tilespmem:s13+$0x250];
	_ =	sdelay $0x4  }
0x118: {  	v1 =	vadd.f32 v2, v1;
	_ =	sdelay $0x1  }
0x119: {  	v1 =	vmax.f32 v1, $0.0e+00  }
0x11a: {  	[tilespmem:s11+$0x10] =	vst v1  }
0x11b: {  	v1 =	vld [tilespmem:s10+$0x20]  }
0x11c: {  	v2 =	vld [tilespmem:s13+$0x260];
	_ =	sdelay $0x4  }
0x11d: {  	v1 =	vadd.f32 v2, v1  }
.Ltmp4:
0x11e: {  	(pc) =	sbr.rel @p0 .LBB2_7-.Ltmp4, $4  }
0x11f: {  	v1 =	vmax.f32 v1, $0.0e+00  }
0x120: {  	[tilespmem:s11+$0x20] =	vst v1  }
0x121: {  	v1 =	vld [tilespmem:s10+$0x30]  }
0x122: {  	v2 =	vld [tilespmem:s13+$0x270]  }
0x123: {  	_ =	sdelay $0x3  }
.Ltmp5:
0x124: {  	v1 =	vadd.f32 v2, v1;
	(pc) =	sbr.rel @p1 .LBB2_10-.Ltmp5, $4  }
0x125: {  	_ = 	snop  }
0x126: {  	v1 =	vmax.f32 v1, $0.0e+00  }
0x127: {  	s9 =	sadd.s32 $0x480, s9;
	[tilespmem:s20+$0x30] =	vst v1  }
0x128: {  	[spmem:s1] =	stream.indirect.scatter.add.f32 [tilespmem:s31], [sflag:$0x4], $0x80, s9, s21, $0xb8;
	[tilespmem:$0x1A400] =	vst v63  }
0x129: {  	s8 =	sadd.s32 $0x3, s8  }
0x12a: {  	s9 =	sshll.u32 s8, $0x7  }
.Ltmp6:
0x12b: {  	s9 =	sand.u32 $0x3FFFFF80, s9;
	(pc) =	sbr.rel .LBB2_4-.Ltmp6, $4  }
0x12c: {  	s8 =	sshll.u32 s8, $0x6;
	s9 =	sadd.s32 $0x400, s9  }
0x12d: {  	[tilespmem:s24], [sflag:$0x2] =	stream.indirect.gather [hbm4b:s4+s21], $0x80, s9, s21, $0xb8;
	[tilespmem:$0x1A400] =	vst v63  }
0x12e: {  	s7 =	sadd.s32 $0x1, s7;
	s8 =	sadd.s32 s8, s6  }
0x12f: {  	[tilespmem:s25], [sflag:$0x6] =	stream.linear.gather [hbm4b:s8+s3], $0x200, $0x38;
	[tilespmem:$0x1A400] =	vst v63  }
.LBB2_11:
0x130: {  	_ =	sfence.sel $0x180000  }
0x131: {  	[bflag:$0x0] =	sbarrier.arrive $0xFFFF  }
0x132: {  	_ =	strace $0x9000004A  }
0x133: {  	s0 =	stileid.u32;
	[bflag:$0x2] =	sbarrier.arrive $0xFFFF  }
0x134: {  	p0 =	sne.s32 s0, $0x0;
	s0 =	rddreg [dreg:$0x4]  }
0x135: {  	s0 =	sadd.s32 @!p0 $0x100000, s0  }
0x136: {  	[sflag:s0] =	ssyncadd.tile.s32 @!p0 $0x1;
	_ =	shalt  }
.Lfunc_end2:
_tile_overlayer_lowered:
.L_overlay_start_2:
0x137: {  	(tag) =	ssettag $0x2  }
0x138: {  	s0 =	rddreg [dreg:$0x0];
	s2 =	stileid.u32  }
0x139: {  	s1 =	rddreg [dreg:$0x1];
	p0 =	sne.s32 s2, $0x0  }
0x13a: {  	s3 =	rddreg [dreg:$0x2];
	[bflag:$0x3] =	sbarrier.arrive $0xFFFF;
	s2 =	simm.s32 @!p0 $0x1C07  }
0x13b: {  	[timem:s3], [sflag:s2] =	dma.local @!p0 [hbm:s0], s1  }
0x13c: {  	s0 =	simm.s32 @!p0 $0x7  }
0x13d: {  	_ =	swait.ge @!p0 [sflag:s0], s1  }
0x13e: {  	s1 =	ssub.s32 @!p0 $0x0, s1;
	[sflag:s0] =	ssyncset.done @!p0 $0x0  }
0x13f: {  	[sflag:s0] =	ssyncadd.s32 @!p0 s1  }
0x140: {  	[bflag:$0x3] =	sbarrier.arrive $0xFFFF  }
0x141: {  	_ =	shalt  }

// kernel: kernel.17.cloned.1.call-start
scs
__scs_entry_jumppad:
0x0: {  	(pc) =	sbr.rel $0x88, $3  }
0x1: {  	(tag) =	ssettag $0x0;
	lr =	simm.s32 $0x1  }
0x2: {  	[smem:$0x3F93] =	sst lr;
	_ =	strace $0xD0000000  }
0x3: {  	_ = 	snop  }
0x4: {  	_ = 	snop  }
0x5: {  	_ = 	snop  }
0x6: {  	_ = 	snop  }
0x7: {  	_ = 	snop  }
__scs_overlays_trampoline_lowered:
0x8: {  	[smem:$0x3FA2] =	sst s0  }
0x9: {  	[smem:$0x3FA3] =	sst s1  }
0xa: {  	[smem:$0x3FA4] =	sst s2  }
0xb: {  	[smem:$0x3FA5] =	sst s3  }
0xc: {  	[smem:$0x3FA6] =	sst s4  }
0xd: {  	[smem:$0x3FA7] =	sst s5  }
0xe: {  	[smem:$0x3FA8] =	sst s6  }
0xf: {  	[smem:$0x3FA9] =	sst s7  }
0x10: {  	[smem:$0x3FAA] =	sst s8  }
0x11: {  	[smem:$0x3FAB] =	sst s9;
	s0 =	simm.s32 @!p0 $0x0  }
0x12: {  	s1 =	sld [smem:$0x3F91];
	s0 =	simm.s32 @p0 $0x1  }
0x13: {  	[smem:$0x3FAC] =	sst s0;
	s0 =	simm.s32 @!p1 $0x0  }
0x14: {  	s2 =	sld [smem:$0x3F90];
	s0 =	simm.s32 @p1 $0x1  }
0x15: {  	[smem:$0x3FAD] =	sst s0;
	s0 =	simm.s32 @!p2 $0x0  }
0x16: {  	s3 =	sld [smem:$0x3FDB];
	s0 =	simm.s32 @p2 $0x1  }
0x17: {  	s4 =	simm.s32 $0x1BF5;
	[smem:$0x3FAF] =	sst s0  }
0x18: {  	s0 =	sld [smem:$0x3F92];
	_ =	swait.ge [sflag:s4], $0x0  }
0x19: {  	s7 =	sld [smem:$0x3F93]  }
0x1a: {  	s8 =	sadd.s32 $0xFFFFE003, lr  }
0x1b: {  	s9 =	sadd.s32 $0xFFFFFEF7, lr;
	s5 =	simm.s32 $0xFFFFFFFF;
	p2 =	slt.u32 s8, $0xFFFFF086  }
0x1c: {  	p1 =	slt.u32 s9, $0xF7A;
	s5 =	simm.s32 @!p2 $0x0  }
0x1d: {  	s5 =	simm.s32 @p1 $0x1;
	p0 =	seq.s32 s7, s2  }
0x1e: {  	s7 =	smul.u32 @!p0 $0xF7A, s2;
	p2 =	seq.s32 @!p0 s5, $0x0  }
0x1f: {  	s9 =	smul.u32 $0xF7A, s1;
	s8 =	simm.s32 @!p0 $0x1BF5;
	p2 =	por !p2, p0  }
0x20: {  	[sflag:s8] =	ssyncset.s32 @!p0 $0xFFFFF086;
	s6 =	sadd.s32 @!p0 s3, s7;
	s7 =	simm.s32 @!p0 $0x108  }
0x21: {  	s3 =	sadd.s32 s3, s9;
	s6 =	sadd.s32 @!p0 $0x88, s6;
	s7 =	simm.s32 @p2 $0x1082  }
0x22: {  	[simem:s7], [sflag:s8] =	dma.local @!p0 [hbm:s6], $0xF7A  }
0x23: {  	s9 =	sor.u32 $0xD0000000, s2;
	s6 =	simm.s32 $0x108;
	_ =	swait.ge @!p0 [sflag:s8], $0x0  }
0x24: {  	s3 =	sadd.s32 $0x88, s3;
	s6 =	simm.s32 @!p1 $0x1082;
	[sflag:s4] =	ssyncset.s32 $0xFFFFF086  }
0x25: {  	[simem:s6], [sflag:s4] =	dma.local [hbm:s3], $0xF7A  }
0x26: {  	[smem:$0x3F93] =	sst s1;
	(tag) =	ssettag s2;
	_ =	strace s9  }
0x27: {  	s1 =	sld [smem:$0x3FA3]  }
0x28: {  	s2 =	sld [smem:$0x3FA4]  }
0x29: {  	s4 =	sld [smem:$0x3FA6]  }
0x2a: {  	p0 =	seq.s32 s5, $0x0;
	s5 =	sld [smem:$0x3FA7]  }
0x2b: {  	s6 =	sld [smem:$0x3FA8]  }
0x2c: {  	s7 =	sld [smem:$0x3FA9]  }
0x2d: {  	s3 =	simm.s32 $0x108;
	s8 =	sld [smem:$0x3FAA]  }
0x2e: {  	s3 =	simm.s32 @!p0 $0x1082;
	s9 =	sld [smem:$0x3FAB]  }
0x2f: {  	lr =	sadd.s32 s0, s3;
	s0 =	sld [smem:$0x3FA2]  }
0x30: {  	s3 =	sld [smem:$0x3FA5]  }
0x31: {  	[smem:$0x3FAE] =	sst s10  }
0x32: {  	s10 =	sld [smem:$0x3FAC];
	_ =	sdelay $0x3  }
0x33: {  	p0 =	seq.s32 s10, $0x1;
	s10 =	sld [smem:$0x3FAE];
	_ =	sdelay $0x3  }
0x34: {  	[smem:$0x3FAE] =	sst s10  }
0x35: {  	s10 =	sld [smem:$0x3FAD];
	_ =	sdelay $0x3  }
0x36: {  	p1 =	seq.s32 s10, $0x1;
	s10 =	sld [smem:$0x3FAE];
	_ =	sdelay $0x3  }
0x37: {  	[smem:$0x3FAE] =	sst s10  }
0x38: {  	s10 =	sld [smem:$0x3FAF]  }
0x39: {  	_ = 	snop;
	(pc) =	sbr.ind lr, $3  }
0x3a: {  	_ = 	snop  }
0x3b: {  	_ = 	snop  }
0x3c: {  	p2 =	seq.s32 s10, $0x1;
	s10 =	sld [smem:$0x3FAE]  }
0x3d: {  	_ =	shalt  }
0x3e: {  	_ =	shalt  }
0x3f: {  	_ =	shalt  }
0x40: {  	_ =	shalt  }
0x41: {  	_ =	shalt  }
0x42: {  	_ =	shalt  }
0x43: {  	_ =	shalt  }
0x44: {  	_ =	shalt  }
0x45: {  	_ =	shalt  }
0x46: {  	_ =	shalt  }
0x47: {  	_ =	shalt  }
0x48: {  	_ =	shalt  }
0x49: {  	_ =	shalt  }
0x4a: {  	_ =	shalt  }
0x4b: {  	_ =	shalt  }
0x4c: {  	_ =	shalt  }
0x4d: {  	_ =	shalt  }
0x4e: {  	_ =	shalt  }
0x4f: {  	_ =	shalt  }
0x50: {  	_ =	shalt  }
0x51: {  	_ =	shalt  }
0x52: {  	_ =	shalt  }
0x53: {  	_ =	shalt  }
0x54: {  	_ =	shalt  }
0x55: {  	_ =	shalt  }
0x56: {  	_ =	shalt  }
0x57: {  	_ =	shalt  }
0x58: {  	_ =	shalt  }
0x59: {  	_ =	shalt  }
0x5a: {  	_ =	shalt  }
0x5b: {  	_ =	shalt  }
0x5c: {  	_ =	shalt  }
0x5d: {  	_ =	shalt  }
0x5e: {  	_ =	shalt  }
0x5f: {  	_ =	shalt  }
0x60: {  	_ =	shalt  }
0x61: {  	_ =	shalt  }
0x62: {  	_ =	shalt  }
0x63: {  	_ =	shalt  }
0x64: {  	_ =	shalt  }
0x65: {  	_ =	shalt  }
0x66: {  	_ =	shalt  }
0x67: {  	_ =	shalt  }
0x68: {  	_ =	shalt  }
0x69: {  	_ =	shalt  }
0x6a: {  	_ =	shalt  }
0x6b: {  	_ =	shalt  }
0x6c: {  	_ =	shalt  }
0x6d: {  	_ =	shalt  }
0x6e: {  	_ =	shalt  }
0x6f: {  	_ =	shalt  }
0x70: {  	_ =	shalt  }
0x71: {  	_ =	shalt  }
0x72: {  	_ =	shalt  }
0x73: {  	_ =	shalt  }
0x74: {  	_ =	shalt  }
0x75: {  	_ =	shalt  }
0x76: {  	_ =	shalt  }
0x77: {  	_ =	shalt  }
0x78: {  	_ =	shalt  }
0x79: {  	_ =	shalt  }
0x7a: {  	_ =	shalt  }
0x7b: {  	_ =	shalt  }
0x7c: {  	_ =	shalt  }
0x7d: {  	_ =	shalt  }
0x7e: {  	_ =	shalt  }
0x7f: {  	_ =	shalt  }
0x80: {  	_ =	shalt  }
0x81: {  	_ =	shalt  }
0x82: {  	_ =	shalt  }
0x83: {  	_ =	shalt  }
0x84: {  	_ =	shalt  }
0x85: {  	_ =	shalt  }
0x86: {  	_ =	shalt  }
0x87: {  	_ =	shalt  }
.Lfunc_end0:
.L_simem_size_0:
called_computation.2_lowered:
.L_overlay_start_0:
0x88: {  	s2 =	sld [smem:$0x3FD9]  }
0x89: {  	s3 =	sld [smem:$0x3FFE];
	_ =	sdelay $0x1  }
0x8a: {  	s1 =	srdreg.scid  }
0x8b: {  	s0 =	sand.u32 $0x1, s1  }
0x8c: {  	s14 =	sshll.u32 s0, $0xA;
	s2 =	sadd.s32 s3, s2  }
0x8d: {  	s2 =	sadd.s32 s2, s14  }
0x8e: {  	[smem:$0x3FBA] =	sst s2  }
0x8f: {  	_ = 	snop  }
0x90: {  	s2 =	sld [smem:$0x3FD0];
	_ =	sdelay $0x2  }
0x91: {  	s15 =	simm.s32 $0xB;
	s4 =	simm.s32 $0x10  }
0x92: {  	[smem:s4], [sflag:s15] =	dma.local [hbm:s2], $0x1  }
0x93: {  	_ =	swait.eq [sflag:s15], $0x1  }
0x94: {  	[sflag:s15] =	ssyncset.done $0x0  }
0x95: {  	s16 =	sld [smem:$0x10];
	[sflag:s15] =	ssyncadd.s32 $0xFFFFFFFF  }
0x96: {  	s17 =	sld [smem:$0x11];
	(tm) =	ssettm $0x1  }
0x97: {  	s18 =	sld [smem:$0x3FFB];
	_ =	sdelay $0x3  }
0x98: {  	_ =	strace s18  }
0x99: {  	s4 =	sld [smem:$0x3FFC];
	_ =	sdelay $0x3  }
0x9a: {  	_ =	strace s4  }
0x9b: {  	s4 =	sld [smem:$0x3FFD];
	_ =	sdelay $0x3  }
0x9c: {  	_ =	strace s4  }
0x9d: {  	_ =	strace $0x8FFFFFFF  }
0x9e: {  	s19 =	sld [smem:$0x3FDB];
	_ =	sdelay $0x1  }
0x9f: {  	s5 =	simm.s32 $_scs_section_size  }
0xa0: {  	s6 =	simm.s32 $_size__tile_overlayer_lowered;
	s7 =	simm.s32 $_tile_overlayer_lowered  }
0xa1: {  	s22 =	simm.s32 $0x1BFF;
	s21 =	sshll.u32 s7, $0x1;
	s4 =	sadd.s32 s5, s19  }
0xa2: {  	s8 =	simm.s32 $0x0;
	s20 =	sshll.u32 s6, $0x1;
	s6 =	sadd.s32 s21, s4  }
0xa3: {  	[timem:s8], [sflag:s22] =	dma.local [hbm:s6], s20  }
0xa4: {  	_ =	swait.ge [sflag:s22], s20  }
0xa5: {  	s5 =	ssub.s32 $0x0, s20;
	[sflag:s22] =	ssyncset.done $0x0  }
0xa6: {  	[sflag:s22] =	ssyncadd.s32 s5;
	_ =	sdelay $0x1  }
0xa7: {  	s23 =	simm.s32 $0x1B8B  }
0xa8: {  	_ =	swait.ge [sflag:s23], $0x1  }
0xa9: {  	[sflag:s23] =	ssyncset.done $0x0  }
0xaa: {  	s25 =	simm.s32 $0x1B8E;
	s24 =	sld [smem:$0x3FFE];
	[sflag:s23] =	ssyncadd.s32 $0xFFFFFFFF  }
0xab: {  	s26 =	simm.s32 $execute0_lowered;
	[smem:$0x3FD2] =	sst s25  }
0xac: {  	s6 =	sshll.u32 s26, $0x1;
	_ =	strace $0x8000004C;
	[dreg:$0x1] =	wrdreg $0xFFFFFFFF  }
0xad: {  	s28 =	simm.s32 $_size_execute0_lowered;
	s4 =	sadd.s32 s4, s6;
	[dreg:$0x0] =	wrdreg $0x0  }
0xae: {  	s6 =	sshll.u32 s28, $0x1;
	[dreg:$0x2] =	wrdreg s4  }
0xaf: {  	[dreg:$0x3] =	wrdreg s6  }
0xb0: {  	[dreg:$0x4] =	wrdreg $0xC0  }
0xb1: {  	_ =	task [dreg:s8], $0x5FFFF  }
0xb2: {  	[dreg:$0x1] =	wrdreg $0xFFFFFFFF  }
0xb3: {  	[dreg:$0x0] =	wrdreg $0x60  }
0xb4: {  	[dreg:$0x2] =	wrdreg s17  }
0xb5: {  	[dreg:$0x3] =	wrdreg s24  }
0xb6: {  	[dreg:$0x4] =	wrdreg s16  }
0xb7: {  	[dreg:$0x5] =	wrdreg $0xA4000  }
0xb8: {  	[dreg:$0x6] =	wrdreg $0x9  }
0xb9: {  	_ =	task.clear_ibuf [dreg:s8], $0x7FFFF;
	_ =	strace $0x9000004C  }
0xba: {  	s29 =	simm.s32 $0x9;
	_ =	strace $0x8000004E  }
0xbb: {  	_ =	swait.ge [sflag:s29], $0x1  }
0xbc: {  	[sflag:s29] =	ssyncadd.s32 $0xFFFFFFFF  }
0xbd: {  	_ =	strace $0x9000004E  }
0xbe: {  	_ =	sfence  }
0xbf: {  	s30 =	sld [smem:$0x0];
	_ =	sdelay $0x2  }
0xc0: {  	s31 =	sshll.u32 s1, $0xD;
	s1 =	sshrl.u32 s1, $0x2  }
0xc1: {  	s3 =	sand.u32 $0x4000, s31;
	s1 =	sadd.s32 s1, s30  }
0xc2: {  	s0 =	sor.u32 s3, s0;
	s1 =	sshll.u32 s1, $0x11  }
0xc3: {  	s0 =	sor.u32 s1, s0  }
0xc4: {  	s0 =	sadd.s32 $0x8F2B, s0  }
0xc5: {  	[sflag:s0] =	ssyncadd.remote.s32 $0x1  }
0xc6: {  	_ =	sfence.sel $0xFFFF  }
0xc7: {  	[dreg:$0x0] =	wrdreg $0xFFFFFFFF;
	(pc) =	sbr.abs _section_cstart, $3  }
0xc8: {  	[dreg:$0x1] =	wrdreg $0xFFFFFFFF  }
0xc9: {  	_ =	task.clear_ibuf [dreg:s8], $0x2FFFF;
	_ =	strace $0x9FFFFFFF  }
0xca: {  	(tm) =	ssettm $0x7FFFFFFF  }
0xcb: {  	_ =	shalt  }
tec
execute0_lowered:
.L_overlay_start_1:
0x0: {  	(tag) =	ssettag $0x1  }
0x1: {  	s0 =	rddreg [dreg:$0x0]  }
0x2: {  	s2 =	rddreg [dreg:$0x1]  }
0x3: {  	s7 =	rddreg [dreg:$0x2]  }
0x4: {  	s1 =	rddreg [dreg:$0x3];
	s4 =	srdreg.scid;
	s3 =	simm.s32 $0x0  }
0x5: {  	s11 =	stileid.u32;
	s28 =	simm.s32 $0x5;
	s29 =	simm.s32 $0x2  }
0x6: {  	s30 =	simm.s32 $0x6;
	s31 =	simm.s32 $0x8400;
	s8 =	sand.u32 $0x1, s4  }
0x7: {  	[smem:$0x7FF] =	sst s3;
	s19 =	sshll.u32 s11, $0x10;
	s4 =	sshll.u32 s8, $0x4  }
0x8: {  	_ =	strace $0x8000004D;
	s6 =	ssub.s32 $0x2, s8;
	s21 =	sshll.u32 s8, $0x11  }
0x9: {  	s5 =	sor.u32 s11, s4;
	s4 =	sadd.s32 $0x5000, s2;
	s10 =	sshrl.u32 s6, $0x1  }
0xa: {  	s11 =	sshll.u32 s11, $0xD;
	s9 =	sshll.u32 s5, $0xA;
	s18 =	ssub.s32 s6, s10  }
0xb: {  	s20 =	sshll.u32 s5, $0xC;
	s5 =	sadd.s32 s19, s1;
	s7 =	sadd.s32 s7, s11  }
0xc: {  	s19 =	simm.s32 $0x7;
	s2 =	sadd.s32 s9, s2;
	s6 =	sadd.s32 s0, s20  }
0xd: {  	s0 =	sadd.s32 s21, s7;
	s23 =	smax.u32 s18, $0x1;
	s24 =	sadd.s32 $0x2000, s5  }
0xe: {  	s25 =	sadd.s32 $0x4000, s5;
	s26 =	sadd.s32 $0x6000, s5;
	s14 =	sadd.s32 $0x8000, s5  }
0xf: {  	s15 =	sadd.s32 $0xA000, s5;
	s16 =	sadd.s32 $0xC000, s5;
	[dreg:$0x7] =	wrdreg s0  }
0x10: {  	s17 =	sadd.s32 $0xE000, s5;
	s18 =	simm.s32 $0x6400;
	[dreg:$0x8] =	wrdreg s23  }
.Ltmp0:
0x11: {  	s21 =	simm.s32 $0x40;
	[dreg:$0x9] =	wrdreg s24;
	(pc) =	sbr.rel .LBB2_1-.Ltmp0, $4  }
0x12: {  	s2 =	sadd.s32 $0x49000, s2;
	s22 =	sadd.s32 $0x40, s6;
	[dreg:$0xa] =	wrdreg s25  }
0x13: {  	[dreg:$0xb] =	wrdreg s26;
	s24 =	simm.s32 $0x4400;
	s25 =	simm.s32 $0x200  }
0x14: {  	s26 =	simm.s32 $0x1;
	s0 =	simm.s32 $0x3;
	[dreg:$0x5] =	wrdreg s2  }
0x15: {  	v0 =	vimm.f32 $0.0e+00;
	s23 =	simm.s32 $0x0;
	[dreg:$0x6] =	wrdreg s22;
	s22 =	simm.s32 $0x4  }
.LBB2_10:
0x16: {  	_ =	swait.ge [sflag:s0], $0x2000  }
0x17: {  	[sflag:s0] =	ssyncset.done $0x0  }
0x18: {  	[sflag:s0] =	ssyncadd.s32 $0xFFFFE000  }
0x19: {  	_ =	swait.ge [sflag:s22], $0x2000  }
0x1a: {  	[sflag:s22] =	ssyncset.done $0x0  }
0x1b: {  	s2 =	stileid.u32;
	[sflag:s22] =	ssyncadd.s32 $0xFFFFE000  }
0x1c: {  	s2 =	sshll.u32 s2, $0x6;
	[bflag:$0x0] =	sbarrier.arrive $0xFFFF  }
0x1d: {  	s7 =	sshrl.u32 s5, $0x3;
	s2 =	sor.u32 $0x1C07, s2;
	s8 =	rddreg [dreg:$0x7]  }
0x1e: {  	[hbm:s8], [sflag:s2] =	dma.local [spmem:s7], $0x2000  }
0x1f: {  	_ =	swait.ge [sflag:s19], $0x2000  }
0x20: {  	s23 =	sadd.s32 $0x1, s23;
	s20 =	rddreg [dreg:$0x8]  }
0x21: {  	p0 =	sne.s32 s23, s20  }
.Ltmp1:
0x22: {  	_ = 	snop;
	(pc) =	sbr.rel @!p0 .LBB2_11-.Ltmp1, $3  }
0x23: {  	_ =	sdelay $0x1  }
0x24: {  	[sflag:s19] =	ssyncset.done $0x0  }
0x25: {  	[sflag:s19] =	ssyncadd.s32 $0xFFFFE000  }
.LBB2_1:
0x26: {  	s2 =	simm.s32 $0x0;
	s7 =	simm.s32 $0x200  }
.LBB2_2:
0x27: {  	p0 =	sne.s32 s7, $0x7E00;
	[tilespmem:s2+$0x6470] =	vst v0  }
0x28: {  	[tilespmem:s2+$0x6400] =	vst v0  }
0x29: {  	[tilespmem:s2+$0x6410] =	vst v0  }
.Ltmp2:
0x2a: {  	[tilespmem:s2+$0x6420] =	vst v0;
	(pc) =	sbr.rel @p0 .LBB2_2-.Ltmp2, $4  }
0x2b: {  	[tilespmem:s2+$0x6430] =	vst v0  }
0x2c: {  	[tilespmem:s2+$0x6440] =	vst v0  }
0x2d: {  	[tilespmem:s2+$0x6450] =	vst v0  }
0x2e: {  	[tilespmem:s2+$0x6460] =	vst v0;
	s2 =	sshra.s32 s7, $0x2;
	s7 =	sadd.s32 $0x200, s7  }
0x2f: {  	[tilespmem:s2+$0x6470] =	vst v0  }
0x30: {  	[tilespmem:s2+$0x6400] =	vst v0  }
0x31: {  	[tilespmem:s2+$0x6410] =	vst v0  }
0x32: {  	[tilespmem:s2+$0x6420] =	vst v0  }
0x33: {  	[tilespmem:s2+$0x6430] =	vst v0  }
0x34: {  	[tilespmem:s2+$0x6440] =	vst v0  }
0x35: {  	[tilespmem:s2+$0x6450] =	vst v0  }
0x36: {  	[tilespmem:s2+$0x6460] =	vst v0  }
0x37: {  	[spmem:s5] =	stream.linear.scatter [tilespmem:s18], [sflag:$0x7], $0x2000, $0x38;
	[tilespmem:$0x1A400] =	vst v63  }
0x38: {  	_ =	swait.ge [sflag:s19], $0x2000  }
0x39: {  	[sflag:s19] =	ssyncset.done $0x0  }
0x3a: {  	s9 =	rddreg [dreg:$0x9];
	[sflag:s19] =	ssyncadd.s32 $0xFFFFE000  }
0x3b: {  	[spmem:s9] =	stream.linear.scatter [tilespmem:s18], [sflag:$0x7], $0x2000, $0x38;
	[tilespmem:$0x1A400] =	vst v63  }
0x3c: {  	_ =	swait.ge [sflag:s19], $0x2000  }
0x3d: {  	[sflag:s19] =	ssyncset.done $0x0  }
0x3e: {  	s10 =	rddreg [dreg:$0xa];
	[sflag:s19] =	ssyncadd.s32 $0xFFFFE000  }
0x3f: {  	[spmem:s10] =	stream.linear.scatter [tilespmem:s18], [sflag:$0x7], $0x2000, $0x38;
	[tilespmem:$0x1A400] =	vst v63  }
0x40: {  	_ =	swait.ge [sflag:s19], $0x2000  }
0x41: {  	[sflag:s19] =	ssyncset.done $0x0  }
0x42: {  	s11 =	rddreg [dreg:$0xb];
	[sflag:s19] =	ssyncadd.s32 $0xFFFFE000  }
0x43: {  	[spmem:s11] =	stream.linear.scatter [tilespmem:s18], [sflag:$0x7], $0x2000, $0x38;
	[tilespmem:$0x1A400] =	vst v63  }
0x44: {  	_ =	swait.ge [sflag:s19], $0x2000  }
0x45: {  	[sflag:s19] =	ssyncset.done $0x0  }
0x46: {  	[sflag:s19] =	ssyncadd.s32 $0xFFFFE000  }
0x47: {  	[spmem:s14] =	stream.linear.scatter [tilespmem:s18], [sflag:$0x7], $0x2000, $0x38;
	[tilespmem:$0x1A400] =	vst v63  }
0x48: {  	_ =	swait.ge [sflag:s19], $0x2000  }
0x49: {  	[sflag:s19] =	ssyncset.done $0x0  }
0x4a: {  	[sflag:s19] =	ssyncadd.s32 $0xFFFFE000  }
0x4b: {  	[spmem:s15] =	stream.linear.scatter [tilespmem:s18], [sflag:$0x7], $0x2000, $0x38;
	[tilespmem:$0x1A400] =	vst v63  }
0x4c: {  	_ =	swait.ge [sflag:s19], $0x2000  }
0x4d: {  	[sflag:s19] =	ssyncset.done $0x0  }
0x4e: {  	[sflag:s19] =	ssyncadd.s32 $0xFFFFE000  }
0x4f: {  	[spmem:s16] =	stream.linear.scatter [tilespmem:s18], [sflag:$0x7], $0x2000, $0x38;
	[tilespmem:$0x1A400] =	vst v63  }
0x50: {  	_ =	swait.ge [sflag:s19], $0x2000  }
0x51: {  	[sflag:s19] =	ssyncset.done $0x0  }
0x52: {  	[sflag:s19] =	ssyncadd.s32 $0xFFFFE000  }
0x53: {  	[spmem:s17] =	stream.linear.scatter [tilespmem:s18], [sflag:$0x7], $0x2000, $0x38;
	[tilespmem:$0x1A400] =	vst v63  }
0x54: {  	_ =	swait.ge [sflag:s19], $0x2000  }
0x55: {  	[sflag:s19] =	ssyncset.done $0x0  }
0x56: {  	[sflag:s19] =	ssyncadd.s32 $0xFFFFE000  }
0x57: {  	[bflag:$0x0] =	sbarrier.arrive $0xFFFF  }
0x58: {  	s2 =	simm.s32 $0x0;
	s8 =	simm.s32 $0x400;
	s7 =	rddreg [dreg:$0x5]  }
0x59: {  	[tilespmem:s8], [sflag:$0x7] =	stream.linear.gather [hbm4b:s7+s2], $0x2000, $0x38;
	[tilespmem:$0x1A400] =	vst v63  }
0x5a: {  	_ =	swait.ge [sflag:s19], $0x2000  }
0x5b: {  	[sflag:s19] =	ssyncset.done $0x0  }
0x5c: {  	s12 =	simm.s32 $0x2400;
	[sflag:s19] =	ssyncadd.s32 $0xFFFFE000  }
0x5d: {  	[tilespmem:s12], [sflag:$0x1] =	stream.indirect.gather [hbm4b:s4+s21], $0x80, s8, s21, $0xb8;
	[tilespmem:$0x1A400] =	vst v63  }
0x5e: {  	s13 =	simm.s32 $0x480  }
0x5f: {  	[tilespmem:s24], [sflag:$0x2] =	stream.indirect.gather [hbm4b:s4+s21], $0x80, s13, s21, $0xb8;
	[tilespmem:$0x1A400] =	vst v63  }
0x60: {  	_ = 	snop  }
0x61: {  	[tilespmem:s2], [sflag:$0x5] =	stream.linear.gather [hbm4b:s6+s2], $0x200, $0x38;
	[tilespmem:$0x1A400] =	vst v63  }
0x62: {  	s7 =	simm.s32 $0x0;
	s20 =	rddreg [dreg:$0x6]  }
0x63: {  	[tilespmem:s25], [sflag:$0x6] =	stream.linear.gather [hbm4b:s20+s2], $0x200, $0x38;
	[tilespmem:$0x1A400] =	vst v63  }
.LBB2_4:
0x64: {  	_ =	swait.ge [sflag:s26], $0x2000  }
0x65: {  	[sflag:s26] =	ssyncset.done $0x0  }
0x66: {  	[sflag:s26] =	ssyncadd.s32 $0xFFFFE000  }
0x67: {  	_ =	swait.ge [sflag:s28], $0x200  }
0x68: {  	p0 =	seq.s32 s7, $0x0;
	[sflag:s28] =	ssyncset.done $0x0  }
0x69: {  	s8 =	simm.s32 @!p0 $0x3;
	[sflag:s28] =	ssyncadd.s32 $0xFFFFFE00  }
0x6a: {  	_ =	swait.ge @!p0 [sflag:s8], $0x2000  }
0x6b: {  	[sflag:s8] =	ssyncset.done @!p0 $0x0  }
0x6c: {  	s9 =	simm.s32 $0x2440;
	[sflag:s8] =	ssyncadd.s32 @!p0 $0xFFFFE000  }
0x6d: {  	s11 =	sand.u32 $0x180, s2;
	v1 =	vld [tilespmem:s9+$0xFFFFFFC0]  }
0x6e: {  	v2 =	vld [tilespmem:s11+$0x0];
	_ =	sdelay $0x4  }
0x6f: {  	v1 =	vadd.f32 v2, v1;
	_ =	sdelay $0x1  }
0x70: {  	s10 =	simm.s32 $0x6440;
	v1 =	vmax.f32 v1, $0.0e+00  }
0x71: {  	[tilespmem:s10+$0xFFFFFFC0] =	vst v1  }
0x72: {  	v1 =	vld [tilespmem:s9+$0xFFFFFFD0]  }
0x73: {  	v2 =	vld [tilespmem:s11+$0x10];
	_ =	sdelay $0x4  }
0x74: {  	v1 =	vadd.f32 v2, v1;
	_ =	sdelay $0x1  }
0x75: {  	v1 =	vmax.f32 v1, $0.0e+00  }
0x76: {  	[tilespmem:s10+$0xFFFFFFD0] =	vst v1  }
0x77: {  	v1 =	vld [tilespmem:s9+$0xFFFFFFE0]  }
0x78: {  	v2 =	vld [tilespmem:s11+$0x20];
	_ =	sdelay $0x4  }
0x79: {  	v1 =	vadd.f32 v2, v1;
	_ =	sdelay $0x1  }
0x7a: {  	v1 =	vmax.f32 v1, $0.0e+00  }
0x7b: {  	[tilespmem:s10+$0xFFFFFFE0] =	vst v1  }
0x7c: {  	v1 =	vld [tilespmem:s9+$0xFFFFFFF0]  }
0x7d: {  	v2 =	vld [tilespmem:s11+$0x30];
	_ =	sdelay $0x4  }
0x7e: {  	v1 =	vadd.f32 v2, v1;
	_ =	sdelay $0x1  }
0x7f: {  	v1 =	vmax.f32 v1, $0.0e+00  }
0x80: {  	[tilespmem:s10+$0xFFFFFFF0] =	vst v1  }
0x81: {  	v1 =	vld [tilespmem:s9+$0x0]  }
0x82: {  	v2 =	vld [tilespmem:s11+$0x40];
	_ =	sdelay $0x4  }
0x83: {  	v1 =	vadd.f32 v2, v1;
	_ =	sdelay $0x1  }
0x84: {  	v1 =	vmax.f32 v1, $0.0e+00  }
0x85: {  	[tilespmem:s10+$0x0] =	vst v1  }
0x86: {  	v1 =	vld [tilespmem:s9+$0x10]  }
0x87: {  	v2 =	vld [tilespmem:s11+$0x50];
	_ =	sdelay $0x4  }
0x88: {  	v1 =	vadd.f32 v2, v1;
	_ =	sdelay $0x1  }
0x89: {  	v1 =	vmax.f32 v1, $0.0e+00  }
0x8a: {  	[tilespmem:s10+$0x10] =	vst v1  }
0x8b: {  	v1 =	vld [tilespmem:s9+$0x20]  }
0x8c: {  	v2 =	vld [tilespmem:s11+$0x60];
	_ =	sdelay $0x4  }
0x8d: {  	v1 =	vadd.f32 v2, v1;
	_ =	sdelay $0x1  }
0x8e: {  	v1 =	vmax.f32 v1, $0.0e+00  }
0x8f: {  	[tilespmem:s10+$0x20] =	vst v1  }
0x90: {  	v1 =	vld [tilespmem:s9+$0x30]  }
0x91: {  	s20 =	simm.s32 $0x8;
	s8 =	sshll.u32 s7, $0x1;
	v2 =	vld [tilespmem:s11+$0x70];
	s11 =	simm.s32 $0x6440  }
.LBB2_5:
0x92: {  	p1 =	sne.s32 s20, $0x1F8;
	s10 =	sadd.s32 $0x80, s10;
	s9 =	sadd.s32 $0x80, s9  }
0x93: {  	s12 =	smov.u32 s20;
	s20 =	sadd.s32 $0x8, s20;
	_ =	sdelay $0x2  }
0x94: {  	v1 =	vadd.f32 v2, v1;
	_ =	sdelay $0x1  }
0x95: {  	v1 =	vmax.f32 v1, $0.0e+00  }
0x96: {  	[tilespmem:s11+$0x30] =	vst v1;
	s11 =	smov.u32 s10  }
0x97: {  	s12 =	sand.u32 $0x180, s12;
	v1 =	vld [tilespmem:s9+$0xFFFFFFC0]  }
0x98: {  	v2 =	vld [tilespmem:s12+$0x0];
	_ =	sdelay $0x4  }
0x99: {  	v1 =	vadd.f32 v2, v1;
	_ =	sdelay $0x1  }
0x9a: {  	v1 =	vmax.f32 v1, $0.0e+00  }
0x9b: {  	[tilespmem:s10+$0xFFFFFFC0] =	vst v1  }
0x9c: {  	v1 =	vld [tilespmem:s9+$0xFFFFFFD0]  }
0x9d: {  	v2 =	vld [tilespmem:s12+$0x10];
	_ =	sdelay $0x4  }
0x9e: {  	v1 =	vadd.f32 v2, v1;
	_ =	sdelay $0x1  }
0x9f: {  	v1 =	vmax.f32 v1, $0.0e+00  }
0xa0: {  	[tilespmem:s10+$0xFFFFFFD0] =	vst v1  }
0xa1: {  	v1 =	vld [tilespmem:s9+$0xFFFFFFE0]  }
0xa2: {  	v2 =	vld [tilespmem:s12+$0x20];
	_ =	sdelay $0x4  }
0xa3: {  	v1 =	vadd.f32 v2, v1;
	_ =	sdelay $0x1  }
0xa4: {  	v1 =	vmax.f32 v1, $0.0e+00  }
0xa5: {  	[tilespmem:s10+$0xFFFFFFE0] =	vst v1  }
0xa6: {  	v1 =	vld [tilespmem:s9+$0xFFFFFFF0]  }
0xa7: {  	v2 =	vld [tilespmem:s12+$0x30];
	_ =	sdelay $0x4  }
0xa8: {  	v1 =	vadd.f32 v2, v1;
	_ =	sdelay $0x1  }
0xa9: {  	v1 =	vmax.f32 v1, $0.0e+00  }
0xaa: {  	[tilespmem:s10+$0xFFFFFFF0] =	vst v1  }
0xab: {  	v1 =	vld [tilespmem:s9+$0x0]  }
0xac: {  	v2 =	vld [tilespmem:s12+$0x40];
	_ =	sdelay $0x4  }
0xad: {  	v1 =	vadd.f32 v2, v1;
	_ =	sdelay $0x1  }
0xae: {  	v1 =	vmax.f32 v1, $0.0e+00  }
0xaf: {  	[tilespmem:s10+$0x0] =	vst v1  }
0xb0: {  	v1 =	vld [tilespmem:s9+$0x10]  }
0xb1: {  	v2 =	vld [tilespmem:s12+$0x50];
	_ =	sdelay $0x4  }
0xb2: {  	v1 =	vadd.f32 v2, v1;
	_ =	sdelay $0x1  }
0xb3: {  	v1 =	vmax.f32 v1, $0.0e+00  }
0xb4: {  	[tilespmem:s10+$0x10] =	vst v1  }
0xb5: {  	v1 =	vld [tilespmem:s9+$0x20]  }
0xb6: {  	v2 =	vld [tilespmem:s12+$0x60];
	_ =	sdelay $0x4  }
0xb7: {  	v1 =	vadd.f32 v2, v1  }
.Ltmp3:
0xb8: {  	(pc) =	sbr.rel @p1 .LBB2_5-.Ltmp3, $4  }
0xb9: {  	v1 =	vmax.f32 v1, $0.0e+00  }
0xba: {  	[tilespmem:s10+$0x20] =	vst v1  }
0xbb: {  	v1 =	vld [tilespmem:s9+$0x30]  }
0xbc: {  	v2 =	vld [tilespmem:s12+$0x70]  }
0xbd: {  	_ =	sdelay $0x3  }
0xbe: {  	v1 =	vadd.f32 v2, v1  }
0xbf: {  	s9 =	sshll.u32 s7, $0x8  }
0xc0: {  	s9 =	sand.u32 $0x3FFFFF00, s9;
	v1 =	vmax.f32 v1, $0.0e+00  }
0xc1: {  	p1 =	seq.s32 s7, $0x1F;
	s10 =	sadd.s32 $0x400, s9;
	[tilespmem:s11+$0x30] =	vst v1  }
0xc2: {  	[spmem:s1] =	stream.indirect.scatter.add.f32 [tilespmem:s18], [sflag:$0x3], $0x80, s10, s21, $0xb8;
	[tilespmem:$0x1A400] =	vst v63  }
0xc3: {  	s10 =	sadd.s32 @!p1 $0x2, s8  }
0xc4: {  	s11 =	sshll.u32 @!p1 s10, $0x7  }
0xc5: {  	s12 =	simm.s32 @!p1 $0x40;
	s11 =	sand.u32 @!p1 $0x3FFFFF80, s11  }
0xc6: {  	s13 =	simm.s32 @!p1 $0x2400;
	s10 =	sshll.u32 @!p1 s10, $0x6;
	s11 =	sadd.s32 @!p1 $0x400, s11  }
0xc7: {  	[tilespmem:s13], [sflag:$0x1] =	stream.indirect.gather @!p1 [hbm4b:s4+s12], $0x80, s11, s12, $0xb8;
	[tilespmem:$0x1A400] =	vst v63  }
0xc8: {  	s10 =	sadd.s32 @!p1 s10, s6;
	s11 =	simm.s32 @!p1 $0x0  }
0xc9: {  	[tilespmem:s11], [sflag:$0x5] =	stream.linear.gather @!p1 [hbm4b:s10+s11], $0x200, $0x38;
	[tilespmem:$0x1A400] =	vst v63  }
0xca: {  	_ =	swait.ge [sflag:s29], $0x2000  }
0xcb: {  	[sflag:s29] =	ssyncset.done $0x0  }
0xcc: {  	[sflag:s29] =	ssyncadd.s32 $0xFFFFE000  }
0xcd: {  	_ =	swait.ge [sflag:s30], $0x200  }
0xce: {  	[sflag:s30] =	ssyncset.done $0x0  }
0xcf: {  	s10 =	simm.s32 @!p0 $0x4;
	[sflag:s30] =	ssyncadd.s32 $0xFFFFFE00  }
0xd0: {  	_ =	swait.ge @!p0 [sflag:s10], $0x2000  }
0xd1: {  	[sflag:s10] =	ssyncset.done @!p0 $0x0  }
0xd2: {  	s13 =	simm.s32 $0x0;
	[sflag:s10] =	ssyncadd.s32 @!p0 $0xFFFFE000;
	s10 =	simm.s32 $0x4440  }
0xd3: {  	s20 =	sand.u32 $0x180, s13;
	v1 =	vld [tilespmem:s10+$0xFFFFFFC0]  }
0xd4: {  	v2 =	vld [tilespmem:s20+$0x200];
	_ =	sdelay $0x4  }
0xd5: {  	v1 =	vadd.f32 v2, v1;
	_ =	sdelay $0x1  }
0xd6: {  	s11 =	simm.s32 $0x8440;
	v1 =	vmax.f32 v1, $0.0e+00  }
0xd7: {  	[tilespmem:s11+$0xFFFFFFC0] =	vst v1  }
0xd8: {  	v1 =	vld [tilespmem:s10+$0xFFFFFFD0]  }
0xd9: {  	v2 =	vld [tilespmem:s20+$0x210];
	_ =	sdelay $0x4  }
0xda: {  	v1 =	vadd.f32 v2, v1;
	_ =	sdelay $0x1  }
0xdb: {  	v1 =	vmax.f32 v1, $0.0e+00  }
0xdc: {  	[tilespmem:s11+$0xFFFFFFD0] =	vst v1  }
0xdd: {  	v1 =	vld [tilespmem:s10+$0xFFFFFFE0]  }
0xde: {  	v2 =	vld [tilespmem:s20+$0x220];
	_ =	sdelay $0x4  }
0xdf: {  	v1 =	vadd.f32 v2, v1;
	_ =	sdelay $0x1  }
0xe0: {  	v1 =	vmax.f32 v1, $0.0e+00  }
0xe1: {  	[tilespmem:s11+$0xFFFFFFE0] =	vst v1  }
0xe2: {  	v1 =	vld [tilespmem:s10+$0xFFFFFFF0]  }
0xe3: {  	v2 =	vld [tilespmem:s20+$0x230];
	_ =	sdelay $0x4  }
0xe4: {  	v1 =	vadd.f32 v2, v1;
	_ =	sdelay $0x1  }
0xe5: {  	v1 =	vmax.f32 v1, $0.0e+00  }
0xe6: {  	[tilespmem:s11+$0xFFFFFFF0] =	vst v1  }
0xe7: {  	v1 =	vld [tilespmem:s10+$0x0]  }
0xe8: {  	v2 =	vld [tilespmem:s20+$0x240];
	_ =	sdelay $0x4  }
0xe9: {  	v1 =	vadd.f32 v2, v1;
	_ =	sdelay $0x1  }
0xea: {  	v1 =	vmax.f32 v1, $0.0e+00  }
0xeb: {  	[tilespmem:s11+$0x0] =	vst v1  }
0xec: {  	v1 =	vld [tilespmem:s10+$0x10]  }
0xed: {  	v2 =	vld [tilespmem:s20+$0x250];
	_ =	sdelay $0x4  }
0xee: {  	v1 =	vadd.f32 v2, v1;
	_ =	sdelay $0x1  }
0xef: {  	v1 =	vmax.f32 v1, $0.0e+00  }
0xf0: {  	[tilespmem:s11+$0x10] =	vst v1  }
0xf1: {  	v1 =	vld [tilespmem:s10+$0x20]  }
0xf2: {  	v2 =	vld [tilespmem:s20+$0x260];
	_ =	sdelay $0x4  }
0xf3: {  	v1 =	vadd.f32 v2, v1;
	_ =	sdelay $0x1  }
0xf4: {  	v1 =	vmax.f32 v1, $0.0e+00  }
0xf5: {  	[tilespmem:s11+$0x20] =	vst v1  }
0xf6: {  	v1 =	vld [tilespmem:s10+$0x30]  }
0xf7: {  	s12 =	simm.s32 $0x8;
	v2 =	vld [tilespmem:s20+$0x270];
	s20 =	simm.s32 $0x8440  }
.LBB2_7:
0xf8: {  	p0 =	sne.s32 s12, $0x1F8;
	s11 =	sadd.s32 $0x80, s11;
	s10 =	sadd.s32 $0x80, s10  }
0xf9: {  	s13 =	smov.u32 s12;
	s12 =	sadd.s32 $0x8, s12;
	_ =	sdelay $0x2  }
0xfa: {  	v1 =	vadd.f32 v2, v1;
	_ =	sdelay $0x1  }
0xfb: {  	v1 =	vmax.f32 v1, $0.0e+00  }
0xfc: {  	[tilespmem:s20+$0x30] =	vst v1;
	s20 =	smov.u32 s11  }
0xfd: {  	s13 =	sand.u32 $0x180, s13;
	v1 =	vld [tilespmem:s10+$0xFFFFFFC0]  }
0xfe: {  	v2 =	vld [tilespmem:s13+$0x200];
	_ =	sdelay $0x4  }
0xff: {  	v1 =	vadd.f32 v2, v1;
	_ =	sdelay $0x1  }
0x100: {  	v1 =	vmax.f32 v1, $0.0e+00  }
0x101: {  	[tilespmem:s11+$0xFFFFFFC0] =	vst v1  }
0x102: {  	v1 =	vld [tilespmem:s10+$0xFFFFFFD0]  }
0x103: {  	v2 =	vld [tilespmem:s13+$0x210];
	_ =	sdelay $0x4  }
0x104: {  	v1 =	vadd.f32 v2, v1;
	_ =	sdelay $0x1  }
0x105: {  	v1 =	vmax.f32 v1, $0.0e+00  }
0x106: {  	[tilespmem:s11+$0xFFFFFFD0] =	vst v1  }
0x107: {  	v1 =	vld [tilespmem:s10+$0xFFFFFFE0]  }
0x108: {  	v2 =	vld [tilespmem:s13+$0x220];
	_ =	sdelay $0x4  }
0x109: {  	v1 =	vadd.f32 v2, v1;
	_ =	sdelay $0x1  }
0x10a: {  	v1 =	vmax.f32 v1, $0.0e+00  }
0x10b: {  	[tilespmem:s11+$0xFFFFFFE0] =	vst v1  }
0x10c: {  	v1 =	vld [tilespmem:s10+$0xFFFFFFF0]  }
0x10d: {  	v2 =	vld [tilespmem:s13+$0x230];
	_ =	sdelay $0x4  }
0x10e: {  	v1 =	vadd.f32 v2, v1;
	_ =	sdelay $0x1  }
0x10f: {  	v1 =	vmax.f32 v1, $0.0e+00  }
0x110: {  	[tilespmem:s11+$0xFFFFFFF0] =	vst v1  }
0x111: {  	v1 =	vld [tilespmem:s10+$0x0]  }
0x112: {  	v2 =	vld [tilespmem:s13+$0x240];
	_ =	sdelay $0x4  }
0x113: {  	v1 =	vadd.f32 v2, v1;
	_ =	sdelay $0x1  }
0x114: {  	v1 =	vmax.f32 v1, $0.0e+00  }
0x115: {  	[tilespmem:s11+$0x0] =	vst v1  }
0x116: {  	v1 =	vld [tilespmem:s10+$0x10]  }
0x117: {  	v2 =	vld [tilespmem:s13+$0x250];
	_ =	sdelay $0x4  }
0x118: {  	v1 =	vadd.f32 v2, v1;
	_ =	sdelay $0x1  }
0x119: {  	v1 =	vmax.f32 v1, $0.0e+00  }
0x11a: {  	[tilespmem:s11+$0x10] =	vst v1  }
0x11b: {  	v1 =	vld [tilespmem:s10+$0x20]  }
0x11c: {  	v2 =	vld [tilespmem:s13+$0x260];
	_ =	sdelay $0x4  }
0x11d: {  	v1 =	vadd.f32 v2, v1  }
.Ltmp4:
0x11e: {  	(pc) =	sbr.rel @p0 .LBB2_7-.Ltmp4, $4  }
0x11f: {  	v1 =	vmax.f32 v1, $0.0e+00  }
0x120: {  	[tilespmem:s11+$0x20] =	vst v1  }
0x121: {  	v1 =	vld [tilespmem:s10+$0x30]  }
0x122: {  	v2 =	vld [tilespmem:s13+$0x270]  }
0x123: {  	_ =	sdelay $0x3  }
.Ltmp5:
0x124: {  	v1 =	vadd.f32 v2, v1;
	(pc) =	sbr.rel @p1 .LBB2_10-.Ltmp5, $4  }
0x125: {  	_ = 	snop  }
0x126: {  	v1 =	vmax.f32 v1, $0.0e+00  }
0x127: {  	s9 =	sadd.s32 $0x480, s9;
	[tilespmem:s20+$0x30] =	vst v1  }
0x128: {  	[spmem:s1] =	stream.indirect.scatter.add.f32 [tilespmem:s31], [sflag:$0x4], $0x80, s9, s21, $0xb8;
	[tilespmem:$0x1A400] =	vst v63  }
0x129: {  	s8 =	sadd.s32 $0x3, s8  }
0x12a: {  	s9 =	sshll.u32 s8, $0x7  }
.Ltmp6:
0x12b: {  	s9 =	sand.u32 $0x3FFFFF80, s9;
	(pc) =	sbr.rel .LBB2_4-.Ltmp6, $4  }
0x12c: {  	s8 =	sshll.u32 s8, $0x6;
	s9 =	sadd.s32 $0x400, s9  }
0x12d: {  	[tilespmem:s24], [sflag:$0x2] =	stream.indirect.gather [hbm4b:s4+s21], $0x80, s9, s21, $0xb8;
	[tilespmem:$0x1A400] =	vst v63  }
0x12e: {  	s7 =	sadd.s32 $0x1, s7;
	s8 =	sadd.s32 s8, s6  }
0x12f: {  	[tilespmem:s25], [sflag:$0x6] =	stream.linear.gather [hbm4b:s8+s3], $0x200, $0x38;
	[tilespmem:$0x1A400] =	vst v63  }
.LBB2_11:
0x130: {  	_ =	sfence.sel $0x180000  }
0x131: {  	[bflag:$0x0] =	sbarrier.arrive $0xFFFF  }
0x132: {  	_ =	strace $0x9000004D  }
0x133: {  	s0 =	stileid.u32;
	[bflag:$0x2] =	sbarrier.arrive $0xFFFF  }
0x134: {  	p0 =	sne.s32 s0, $0x0;
	s0 =	rddreg [dreg:$0x4]  }
0x135: {  	s0 =	sadd.s32 @!p0 $0x100000, s0  }
0x136: {  	[sflag:s0] =	ssyncadd.tile.s32 @!p0 $0x1;
	_ =	shalt  }
.Lfunc_end2:
_tile_overlayer_lowered:
.L_overlay_start_2:
0x137: {  	(tag) =	ssettag $0x2  }
0x138: {  	s0 =	rddreg [dreg:$0x0];
	s2 =	stileid.u32  }
0x139: {  	s1 =	rddreg [dreg:$0x1];
	p0 =	sne.s32 s2, $0x0  }
0x13a: {  	s3 =	rddreg [dreg:$0x2];
	[bflag:$0x3] =	sbarrier.arrive $0xFFFF;
	s2 =	simm.s32 @!p0 $0x1C07  }
0x13b: {  	[timem:s3], [sflag:s2] =	dma.local @!p0 [hbm:s0], s1  }
0x13c: {  	s0 =	simm.s32 @!p0 $0x7  }
0x13d: {  	_ =	swait.ge @!p0 [sflag:s0], s1  }
0x13e: {  	s1 =	ssub.s32 @!p0 $0x0, s1;
	[sflag:s0] =	ssyncset.done @!p0 $0x0  }
0x13f: {  	[sflag:s0] =	ssyncadd.s32 @!p0 s1  }
0x140: {  	[bflag:$0x3] =	sbarrier.arrive $0xFFFF  }
0x141: {  	_ =	shalt  }

// kernel: kernel.20.cloned.1.call-start
scs
__scs_entry_jumppad:
0x0: {  	(pc) =	sbr.rel $0x88, $3  }
0x1: {  	(tag) =	ssettag $0x0;
	lr =	simm.s32 $0x1  }
0x2: {  	[smem:$0x3F93] =	sst lr;
	_ =	strace $0xD0000000  }
0x3: {  	_ = 	snop  }
0x4: {  	_ = 	snop  }
0x5: {  	_ = 	snop  }
0x6: {  	_ = 	snop  }
0x7: {  	_ = 	snop  }
__scs_overlays_trampoline_lowered:
0x8: {  	[smem:$0x3FA2] =	sst s0  }
0x9: {  	[smem:$0x3FA3] =	sst s1  }
0xa: {  	[smem:$0x3FA4] =	sst s2  }
0xb: {  	[smem:$0x3FA5] =	sst s3  }
0xc: {  	[smem:$0x3FA6] =	sst s4  }
0xd: {  	[smem:$0x3FA7] =	sst s5  }
0xe: {  	[smem:$0x3FA8] =	sst s6  }
0xf: {  	[smem:$0x3FA9] =	sst s7  }
0x10: {  	[smem:$0x3FAA] =	sst s8  }
0x11: {  	[smem:$0x3FAB] =	sst s9;
	s0 =	simm.s32 @!p0 $0x0  }
0x12: {  	s1 =	sld [smem:$0x3F91];
	s0 =	simm.s32 @p0 $0x1  }
0x13: {  	[smem:$0x3FAC] =	sst s0;
	s0 =	simm.s32 @!p1 $0x0  }
0x14: {  	s2 =	sld [smem:$0x3F90];
	s0 =	simm.s32 @p1 $0x1  }
0x15: {  	[smem:$0x3FAD] =	sst s0;
	s0 =	simm.s32 @!p2 $0x0  }
0x16: {  	s3 =	sld [smem:$0x3FDB];
	s0 =	simm.s32 @p2 $0x1  }
0x17: {  	s4 =	simm.s32 $0x1BF5;
	[smem:$0x3FAF] =	sst s0  }
0x18: {  	s0 =	sld [smem:$0x3F92];
	_ =	swait.ge [sflag:s4], $0x0  }
0x19: {  	s7 =	sld [smem:$0x3F93]  }
0x1a: {  	s8 =	sadd.s32 $0xFFFFE003, lr  }
0x1b: {  	s9 =	sadd.s32 $0xFFFFFEF7, lr;
	s5 =	simm.s32 $0xFFFFFFFF;
	p2 =	slt.u32 s8, $0xFFFFF086  }
0x1c: {  	p1 =	slt.u32 s9, $0xF7A;
	s5 =	simm.s32 @!p2 $0x0  }
0x1d: {  	s5 =	simm.s32 @p1 $0x1;
	p0 =	seq.s32 s7, s2  }
0x1e: {  	s7 =	smul.u32 @!p0 $0xF7A, s2;
	p2 =	seq.s32 @!p0 s5, $0x0  }
0x1f: {  	s9 =	smul.u32 $0xF7A, s1;
	s8 =	simm.s32 @!p0 $0x1BF5;
	p2 =	por !p2, p0  }
0x20: {  	[sflag:s8] =	ssyncset.s32 @!p0 $0xFFFFF086;
	s6 =	sadd.s32 @!p0 s3, s7;
	s7 =	simm.s32 @!p0 $0x108  }
0x21: {  	s3 =	sadd.s32 s3, s9;
	s6 =	sadd.s32 @!p0 $0x88, s6;
	s7 =	simm.s32 @p2 $0x1082  }
0x22: {  	[simem:s7], [sflag:s8] =	dma.local @!p0 [hbm:s6], $0xF7A  }
0x23: {  	s9 =	sor.u32 $0xD0000000, s2;
	s6 =	simm.s32 $0x108;
	_ =	swait.ge @!p0 [sflag:s8], $0x0  }
0x24: {  	s3 =	sadd.s32 $0x88, s3;
	s6 =	simm.s32 @!p1 $0x1082;
	[sflag:s4] =	ssyncset.s32 $0xFFFFF086  }
0x25: {  	[simem:s6], [sflag:s4] =	dma.local [hbm:s3], $0xF7A  }
0x26: {  	[smem:$0x3F93] =	sst s1;
	(tag) =	ssettag s2;
	_ =	strace s9  }
0x27: {  	s1 =	sld [smem:$0x3FA3]  }
0x28: {  	s2 =	sld [smem:$0x3FA4]  }
0x29: {  	s4 =	sld [smem:$0x3FA6]  }
0x2a: {  	p0 =	seq.s32 s5, $0x0;
	s5 =	sld [smem:$0x3FA7]  }
0x2b: {  	s6 =	sld [smem:$0x3FA8]  }
0x2c: {  	s7 =	sld [smem:$0x3FA9]  }
0x2d: {  	s3 =	simm.s32 $0x108;
	s8 =	sld [smem:$0x3FAA]  }
0x2e: {  	s3 =	simm.s32 @!p0 $0x1082;
	s9 =	sld [smem:$0x3FAB]  }
0x2f: {  	lr =	sadd.s32 s0, s3;
	s0 =	sld [smem:$0x3FA2]  }
0x30: {  	s3 =	sld [smem:$0x3FA5]  }
0x31: {  	[smem:$0x3FAE] =	sst s10  }
0x32: {  	s10 =	sld [smem:$0x3FAC];
	_ =	sdelay $0x3  }
0x33: {  	p0 =	seq.s32 s10, $0x1;
	s10 =	sld [smem:$0x3FAE];
	_ =	sdelay $0x3  }
0x34: {  	[smem:$0x3FAE] =	sst s10  }
0x35: {  	s10 =	sld [smem:$0x3FAD];
	_ =	sdelay $0x3  }
0x36: {  	p1 =	seq.s32 s10, $0x1;
	s10 =	sld [smem:$0x3FAE];
	_ =	sdelay $0x3  }
0x37: {  	[smem:$0x3FAE] =	sst s10  }
0x38: {  	s10 =	sld [smem:$0x3FAF]  }
0x39: {  	_ = 	snop;
	(pc) =	sbr.ind lr, $3  }
0x3a: {  	_ = 	snop  }
0x3b: {  	_ = 	snop  }
0x3c: {  	p2 =	seq.s32 s10, $0x1;
	s10 =	sld [smem:$0x3FAE]  }
0x3d: {  	_ =	shalt  }
0x3e: {  	_ =	shalt  }
0x3f: {  	_ =	shalt  }
0x40: {  	_ =	shalt  }
0x41: {  	_ =	shalt  }
0x42: {  	_ =	shalt  }
0x43: {  	_ =	shalt  }
0x44: {  	_ =	shalt  }
0x45: {  	_ =	shalt  }
0x46: {  	_ =	shalt  }
0x47: {  	_ =	shalt  }
0x48: {  	_ =	shalt  }
0x49: {  	_ =	shalt  }
0x4a: {  	_ =	shalt  }
0x4b: {  	_ =	shalt  }
0x4c: {  	_ =	shalt  }
0x4d: {  	_ =	shalt  }
0x4e: {  	_ =	shalt  }
0x4f: {  	_ =	shalt  }
0x50: {  	_ =	shalt  }
0x51: {  	_ =	shalt  }
0x52: {  	_ =	shalt  }
0x53: {  	_ =	shalt  }
0x54: {  	_ =	shalt  }
0x55: {  	_ =	shalt  }
0x56: {  	_ =	shalt  }
0x57: {  	_ =	shalt  }
0x58: {  	_ =	shalt  }
0x59: {  	_ =	shalt  }
0x5a: {  	_ =	shalt  }
0x5b: {  	_ =	shalt  }
0x5c: {  	_ =	shalt  }
0x5d: {  	_ =	shalt  }
0x5e: {  	_ =	shalt  }
0x5f: {  	_ =	shalt  }
0x60: {  	_ =	shalt  }
0x61: {  	_ =	shalt  }
0x62: {  	_ =	shalt  }
0x63: {  	_ =	shalt  }
0x64: {  	_ =	shalt  }
0x65: {  	_ =	shalt  }
0x66: {  	_ =	shalt  }
0x67: {  	_ =	shalt  }
0x68: {  	_ =	shalt  }
0x69: {  	_ =	shalt  }
0x6a: {  	_ =	shalt  }
0x6b: {  	_ =	shalt  }
0x6c: {  	_ =	shalt  }
0x6d: {  	_ =	shalt  }
0x6e: {  	_ =	shalt  }
0x6f: {  	_ =	shalt  }
0x70: {  	_ =	shalt  }
0x71: {  	_ =	shalt  }
0x72: {  	_ =	shalt  }
0x73: {  	_ =	shalt  }
0x74: {  	_ =	shalt  }
0x75: {  	_ =	shalt  }
0x76: {  	_ =	shalt  }
0x77: {  	_ =	shalt  }
0x78: {  	_ =	shalt  }
0x79: {  	_ =	shalt  }
0x7a: {  	_ =	shalt  }
0x7b: {  	_ =	shalt  }
0x7c: {  	_ =	shalt  }
0x7d: {  	_ =	shalt  }
0x7e: {  	_ =	shalt  }
0x7f: {  	_ =	shalt  }
0x80: {  	_ =	shalt  }
0x81: {  	_ =	shalt  }
0x82: {  	_ =	shalt  }
0x83: {  	_ =	shalt  }
0x84: {  	_ =	shalt  }
0x85: {  	_ =	shalt  }
0x86: {  	_ =	shalt  }
0x87: {  	_ =	shalt  }
.Lfunc_end0:
.L_simem_size_0:
called_computation.3_lowered:
.L_overlay_start_0:
0x88: {  	s2 =	sld [smem:$0x3FD9]  }
0x89: {  	s3 =	sld [smem:$0x3FFE];
	_ =	sdelay $0x1  }
0x8a: {  	s1 =	srdreg.scid  }
0x8b: {  	s0 =	sand.u32 $0x1, s1  }
0x8c: {  	s14 =	sshll.u32 s0, $0xA;
	s2 =	sadd.s32 s3, s2  }
0x8d: {  	s2 =	sadd.s32 s2, s14  }
0x8e: {  	[smem:$0x3FBA] =	sst s2  }
0x8f: {  	_ = 	snop  }
0x90: {  	s2 =	sld [smem:$0x3FD0];
	_ =	sdelay $0x2  }
0x91: {  	s15 =	simm.s32 $0xB;
	s4 =	simm.s32 $0x10  }
0x92: {  	[smem:s4], [sflag:s15] =	dma.local [hbm:s2], $0x1  }
0x93: {  	_ =	swait.eq [sflag:s15], $0x1  }
0x94: {  	[sflag:s15] =	ssyncset.done $0x0  }
0x95: {  	s16 =	sld [smem:$0x10];
	[sflag:s15] =	ssyncadd.s32 $0xFFFFFFFF  }
0x96: {  	s17 =	sld [smem:$0x11];
	(tm) =	ssettm $0x1  }
0x97: {  	s18 =	sld [smem:$0x3FFB];
	_ =	sdelay $0x3  }
0x98: {  	_ =	strace s18  }
0x99: {  	s4 =	sld [smem:$0x3FFC];
	_ =	sdelay $0x3  }
0x9a: {  	_ =	strace s4  }
0x9b: {  	s4 =	sld [smem:$0x3FFD];
	_ =	sdelay $0x3  }
0x9c: {  	_ =	strace s4  }
0x9d: {  	_ =	strace $0x8FFFFFFF  }
0x9e: {  	s19 =	sld [smem:$0x3FDB];
	_ =	sdelay $0x1  }
0x9f: {  	s5 =	simm.s32 $_scs_section_size  }
0xa0: {  	s6 =	simm.s32 $_size__tile_overlayer_lowered;
	s7 =	simm.s32 $_tile_overlayer_lowered  }
0xa1: {  	s22 =	simm.s32 $0x1BFF;
	s21 =	sshll.u32 s7, $0x1;
	s4 =	sadd.s32 s5, s19  }
0xa2: {  	s8 =	simm.s32 $0x0;
	s20 =	sshll.u32 s6, $0x1;
	s6 =	sadd.s32 s21, s4  }
0xa3: {  	[timem:s8], [sflag:s22] =	dma.local [hbm:s6], s20  }
0xa4: {  	_ =	swait.ge [sflag:s22], s20  }
0xa5: {  	s5 =	ssub.s32 $0x0, s20;
	[sflag:s22] =	ssyncset.done $0x0  }
0xa6: {  	[sflag:s22] =	ssyncadd.s32 s5;
	_ =	sdelay $0x1  }
0xa7: {  	s23 =	simm.s32 $0x1B8B  }
0xa8: {  	_ =	swait.ge [sflag:s23], $0x1  }
0xa9: {  	[sflag:s23] =	ssyncset.done $0x0  }
0xaa: {  	s25 =	simm.s32 $0x1B8E;
	s24 =	sld [smem:$0x3FFE];
	[sflag:s23] =	ssyncadd.s32 $0xFFFFFFFF  }
0xab: {  	s26 =	simm.s32 $execute0_lowered;
	[smem:$0x3FD2] =	sst s25  }
0xac: {  	s6 =	sshll.u32 s26, $0x1;
	_ =	strace $0x8000004F;
	[dreg:$0x1] =	wrdreg $0xFFFFFFFF  }
0xad: {  	s28 =	simm.s32 $_size_execute0_lowered;
	s4 =	sadd.s32 s4, s6;
	[dreg:$0x0] =	wrdreg $0x0  }
0xae: {  	s6 =	sshll.u32 s28, $0x1;
	[dreg:$0x2] =	wrdreg s4  }
0xaf: {  	[dreg:$0x3] =	wrdreg s6  }
0xb0: {  	[dreg:$0x4] =	wrdreg $0xC0  }
0xb1: {  	_ =	task [dreg:s8], $0x5FFFF  }
0xb2: {  	[dreg:$0x1] =	wrdreg $0xFFFFFFFF  }
0xb3: {  	[dreg:$0x0] =	wrdreg $0x60  }
0xb4: {  	[dreg:$0x2] =	wrdreg s17  }
0xb5: {  	[dreg:$0x3] =	wrdreg s24  }
0xb6: {  	[dreg:$0x4] =	wrdreg s16  }
0xb7: {  	[dreg:$0x5] =	wrdreg $0xA4000  }
0xb8: {  	[dreg:$0x6] =	wrdreg $0x9  }
0xb9: {  	_ =	task.clear_ibuf [dreg:s8], $0x7FFFF;
	_ =	strace $0x9000004F  }
0xba: {  	s29 =	simm.s32 $0x9;
	_ =	strace $0x80000051  }
0xbb: {  	_ =	swait.ge [sflag:s29], $0x1  }
0xbc: {  	[sflag:s29] =	ssyncadd.s32 $0xFFFFFFFF  }
0xbd: {  	_ =	strace $0x90000051  }
0xbe: {  	_ =	sfence  }
0xbf: {  	s30 =	sld [smem:$0x0];
	_ =	sdelay $0x2  }
0xc0: {  	s31 =	sshll.u32 s1, $0xD;
	s1 =	sshrl.u32 s1, $0x2  }
0xc1: {  	s3 =	sand.u32 $0x4000, s31;
	s1 =	sadd.s32 s1, s30  }
0xc2: {  	s0 =	sor.u32 s3, s0;
	s1 =	sshll.u32 s1, $0x11  }
0xc3: {  	s0 =	sor.u32 s1, s0  }
0xc4: {  	s0 =	sadd.s32 $0x8F2B, s0  }
0xc5: {  	[sflag:s0] =	ssyncadd.remote.s32 $0x1  }
0xc6: {  	_ =	sfence.sel $0xFFFF  }
0xc7: {  	[dreg:$0x0] =	wrdreg $0xFFFFFFFF;
	(pc) =	sbr.abs _section_cstart, $3  }
0xc8: {  	[dreg:$0x1] =	wrdreg $0xFFFFFFFF  }
0xc9: {  	_ =	task.clear_ibuf [dreg:s8], $0x2FFFF;
	_ =	strace $0x9FFFFFFF  }
0xca: {  	(tm) =	ssettm $0x7FFFFFFF  }
0xcb: {  	_ =	shalt  }
tec
execute0_lowered:
.L_overlay_start_1:
0x0: {  	(tag) =	ssettag $0x1  }
0x1: {  	s0 =	rddreg [dreg:$0x0]  }
0x2: {  	s2 =	rddreg [dreg:$0x1]  }
0x3: {  	s7 =	rddreg [dreg:$0x2]  }
0x4: {  	s1 =	rddreg [dreg:$0x3];
	s4 =	srdreg.scid;
	s3 =	simm.s32 $0x0  }
0x5: {  	s11 =	stileid.u32;
	s28 =	simm.s32 $0x5;
	s29 =	simm.s32 $0x2  }
0x6: {  	s30 =	simm.s32 $0x6;
	s31 =	simm.s32 $0x8400;
	s8 =	sand.u32 $0x1, s4  }
0x7: {  	[smem:$0x7FF] =	sst s3;
	s19 =	sshll.u32 s11, $0x10;
	s4 =	sshll.u32 s8, $0x4  }
0x8: {  	_ =	strace $0x80000050;
	s6 =	ssub.s32 $0x2, s8;
	s21 =	sshll.u32 s8, $0x11  }
0x9: {  	s5 =	sor.u32 s11, s4;
	s4 =	sadd.s32 $0x5000, s2;
	s10 =	sshrl.u32 s6, $0x1  }
0xa: {  	s11 =	sshll.u32 s11, $0xD;
	s9 =	sshll.u32 s5, $0xA;
	s18 =	ssub.s32 s6, s10  }
0xb: {  	s20 =	sshll.u32 s5, $0xC;
	s5 =	sadd.s32 s19, s1;
	s7 =	sadd.s32 s7, s11  }
0xc: {  	s19 =	simm.s32 $0x7;
	s2 =	sadd.s32 s9, s2;
	s6 =	sadd.s32 s0, s20  }
0xd: {  	s0 =	sadd.s32 s21, s7;
	s23 =	smax.u32 s18, $0x1;
	s24 =	sadd.s32 $0x2000, s5  }
0xe: {  	s25 =	sadd.s32 $0x4000, s5;
	s26 =	sadd.s32 $0x6000, s5;
	s14 =	sadd.s32 $0x8000, s5  }
0xf: {  	s15 =	sadd.s32 $0xA000, s5;
	s16 =	sadd.s32 $0xC000, s5;
	[dreg:$0x7] =	wrdreg s0  }
0x10: {  	s17 =	sadd.s32 $0xE000, s5;
	s18 =	simm.s32 $0x6400;
	[dreg:$0x8] =	wrdreg s23  }
.Ltmp0:
0x11: {  	s21 =	simm.s32 $0x40;
	[dreg:$0x9] =	wrdreg s24;
	(pc) =	sbr.rel .LBB2_1-.Ltmp0, $4  }
0x12: {  	s2 =	sadd.s32 $0x49000, s2;
	s22 =	sadd.s32 $0x40, s6;
	[dreg:$0xa] =	wrdreg s25  }
0x13: {  	[dreg:$0xb] =	wrdreg s26;
	s24 =	simm.s32 $0x4400;
	s25 =	simm.s32 $0x200  }
0x14: {  	s26 =	simm.s32 $0x1;
	s0 =	simm.s32 $0x3;
	[dreg:$0x5] =	wrdreg s2  }
0x15: {  	v0 =	vimm.f32 $0.0e+00;
	s23 =	simm.s32 $0x0;
	[dreg:$0x6] =	wrdreg s22;
	s22 =	simm.s32 $0x4  }
.LBB2_10:
0x16: {  	_ =	swait.ge [sflag:s0], $0x2000  }
0x17: {  	[sflag:s0] =	ssyncset.done $0x0  }
0x18: {  	[sflag:s0] =	ssyncadd.s32 $0xFFFFE000  }
0x19: {  	_ =	swait.ge [sflag:s22], $0x2000  }
0x1a: {  	[sflag:s22] =	ssyncset.done $0x0  }
0x1b: {  	s2 =	stileid.u32;
	[sflag:s22] =	ssyncadd.s32 $0xFFFFE000  }
0x1c: {  	s2 =	sshll.u32 s2, $0x6;
	[bflag:$0x0] =	sbarrier.arrive $0xFFFF  }
0x1d: {  	s7 =	sshrl.u32 s5, $0x3;
	s2 =	sor.u32 $0x1C07, s2;
	s8 =	rddreg [dreg:$0x7]  }
0x1e: {  	[hbm:s8], [sflag:s2] =	dma.local [spmem:s7], $0x2000  }
0x1f: {  	_ =	swait.ge [sflag:s19], $0x2000  }
0x20: {  	s23 =	sadd.s32 $0x1, s23;
	s20 =	rddreg [dreg:$0x8]  }
0x21: {  	p0 =	sne.s32 s23, s20  }
.Ltmp1:
0x22: {  	_ = 	snop;
	(pc) =	sbr.rel @!p0 .LBB2_11-.Ltmp1, $3  }
0x23: {  	_ =	sdelay $0x1  }
0x24: {  	[sflag:s19] =	ssyncset.done $0x0  }
0x25: {  	[sflag:s19] =	ssyncadd.s32 $0xFFFFE000  }
.LBB2_1:
0x26: {  	s2 =	simm.s32 $0x0;
	s7 =	simm.s32 $0x200  }
.LBB2_2:
0x27: {  	p0 =	sne.s32 s7, $0x7E00;
	[tilespmem:s2+$0x6470] =	vst v0  }
0x28: {  	[tilespmem:s2+$0x6400] =	vst v0  }
0x29: {  	[tilespmem:s2+$0x6410] =	vst v0  }
.Ltmp2:
0x2a: {  	[tilespmem:s2+$0x6420] =	vst v0;
	(pc) =	sbr.rel @p0 .LBB2_2-.Ltmp2, $4  }
0x2b: {  	[tilespmem:s2+$0x6430] =	vst v0  }
0x2c: {  	[tilespmem:s2+$0x6440] =	vst v0  }
0x2d: {  	[tilespmem:s2+$0x6450] =	vst v0  }
0x2e: {  	[tilespmem:s2+$0x6460] =	vst v0;
	s2 =	sshra.s32 s7, $0x2;
	s7 =	sadd.s32 $0x200, s7  }
0x2f: {  	[tilespmem:s2+$0x6470] =	vst v0  }
0x30: {  	[tilespmem:s2+$0x6400] =	vst v0  }
0x31: {  	[tilespmem:s2+$0x6410] =	vst v0  }
0x32: {  	[tilespmem:s2+$0x6420] =	vst v0  }
0x33: {  	[tilespmem:s2+$0x6430] =	vst v0  }
0x34: {  	[tilespmem:s2+$0x6440] =	vst v0  }
0x35: {  	[tilespmem:s2+$0x6450] =	vst v0  }
0x36: {  	[tilespmem:s2+$0x6460] =	vst v0  }
0x37: {  	[spmem:s5] =	stream.linear.scatter [tilespmem:s18], [sflag:$0x7], $0x2000, $0x38;
	[tilespmem:$0x1A400] =	vst v63  }
0x38: {  	_ =	swait.ge [sflag:s19], $0x2000  }
0x39: {  	[sflag:s19] =	ssyncset.done $0x0  }
0x3a: {  	s9 =	rddreg [dreg:$0x9];
	[sflag:s19] =	ssyncadd.s32 $0xFFFFE000  }
0x3b: {  	[spmem:s9] =	stream.linear.scatter [tilespmem:s18], [sflag:$0x7], $0x2000, $0x38;
	[tilespmem:$0x1A400] =	vst v63  }
0x3c: {  	_ =	swait.ge [sflag:s19], $0x2000  }
0x3d: {  	[sflag:s19] =	ssyncset.done $0x0  }
0x3e: {  	s10 =	rddreg [dreg:$0xa];
	[sflag:s19] =	ssyncadd.s32 $0xFFFFE000  }
0x3f: {  	[spmem:s10] =	stream.linear.scatter [tilespmem:s18], [sflag:$0x7], $0x2000, $0x38;
	[tilespmem:$0x1A400] =	vst v63  }
0x40: {  	_ =	swait.ge [sflag:s19], $0x2000  }
0x41: {  	[sflag:s19] =	ssyncset.done $0x0  }
0x42: {  	s11 =	rddreg [dreg:$0xb];
	[sflag:s19] =	ssyncadd.s32 $0xFFFFE000  }
0x43: {  	[spmem:s11] =	stream.linear.scatter [tilespmem:s18], [sflag:$0x7], $0x2000, $0x38;
	[tilespmem:$0x1A400] =	vst v63  }
0x44: {  	_ =	swait.ge [sflag:s19], $0x2000  }
0x45: {  	[sflag:s19] =	ssyncset.done $0x0  }
0x46: {  	[sflag:s19] =	ssyncadd.s32 $0xFFFFE000  }
0x47: {  	[spmem:s14] =	stream.linear.scatter [tilespmem:s18], [sflag:$0x7], $0x2000, $0x38;
	[tilespmem:$0x1A400] =	vst v63  }
0x48: {  	_ =	swait.ge [sflag:s19], $0x2000  }
0x49: {  	[sflag:s19] =	ssyncset.done $0x0  }
0x4a: {  	[sflag:s19] =	ssyncadd.s32 $0xFFFFE000  }
0x4b: {  	[spmem:s15] =	stream.linear.scatter [tilespmem:s18], [sflag:$0x7], $0x2000, $0x38;
	[tilespmem:$0x1A400] =	vst v63  }
0x4c: {  	_ =	swait.ge [sflag:s19], $0x2000  }
0x4d: {  	[sflag:s19] =	ssyncset.done $0x0  }
0x4e: {  	[sflag:s19] =	ssyncadd.s32 $0xFFFFE000  }
0x4f: {  	[spmem:s16] =	stream.linear.scatter [tilespmem:s18], [sflag:$0x7], $0x2000, $0x38;
	[tilespmem:$0x1A400] =	vst v63  }
0x50: {  	_ =	swait.ge [sflag:s19], $0x2000  }
0x51: {  	[sflag:s19] =	ssyncset.done $0x0  }
0x52: {  	[sflag:s19] =	ssyncadd.s32 $0xFFFFE000  }
0x53: {  	[spmem:s17] =	stream.linear.scatter [tilespmem:s18], [sflag:$0x7], $0x2000, $0x38;
	[tilespmem:$0x1A400] =	vst v63  }
0x54: {  	_ =	swait.ge [sflag:s19], $0x2000  }
0x55: {  	[sflag:s19] =	ssyncset.done $0x0  }
0x56: {  	[sflag:s19] =	ssyncadd.s32 $0xFFFFE000  }
0x57: {  	[bflag:$0x0] =	sbarrier.arrive $0xFFFF  }
0x58: {  	s2 =	simm.s32 $0x0;
	s8 =	simm.s32 $0x400;
	s7 =	rddreg [dreg:$0x5]  }
0x59: {  	[tilespmem:s8], [sflag:$0x7] =	stream.linear.gather [hbm4b:s7+s2], $0x2000, $0x38;
	[tilespmem:$0x1A400] =	vst v63  }
0x5a: {  	_ =	swait.ge [sflag:s19], $0x2000  }
0x5b: {  	[sflag:s19] =	ssyncset.done $0x0  }
0x5c: {  	s12 =	simm.s32 $0x2400;
	[sflag:s19] =	ssyncadd.s32 $0xFFFFE000  }
0x5d: {  	[tilespmem:s12], [sflag:$0x1] =	stream.indirect.gather [hbm4b:s4+s21], $0x80, s8, s21, $0xb8;
	[tilespmem:$0x1A400] =	vst v63  }
0x5e: {  	s13 =	simm.s32 $0x480  }
0x5f: {  	[tilespmem:s24], [sflag:$0x2] =	stream.indirect.gather [hbm4b:s4+s21], $0x80, s13, s21, $0xb8;
	[tilespmem:$0x1A400] =	vst v63  }
0x60: {  	_ = 	snop  }
0x61: {  	[tilespmem:s2], [sflag:$0x5] =	stream.linear.gather [hbm4b:s6+s2], $0x200, $0x38;
	[tilespmem:$0x1A400] =	vst v63  }
0x62: {  	s7 =	simm.s32 $0x0;
	s20 =	rddreg [dreg:$0x6]  }
0x63: {  	[tilespmem:s25], [sflag:$0x6] =	stream.linear.gather [hbm4b:s20+s2], $0x200, $0x38;
	[tilespmem:$0x1A400] =	vst v63  }
.LBB2_4:
0x64: {  	_ =	swait.ge [sflag:s26], $0x2000  }
0x65: {  	[sflag:s26] =	ssyncset.done $0x0  }
0x66: {  	[sflag:s26] =	ssyncadd.s32 $0xFFFFE000  }
0x67: {  	_ =	swait.ge [sflag:s28], $0x200  }
0x68: {  	p0 =	seq.s32 s7, $0x0;
	[sflag:s28] =	ssyncset.done $0x0  }
0x69: {  	s8 =	simm.s32 @!p0 $0x3;
	[sflag:s28] =	ssyncadd.s32 $0xFFFFFE00  }
0x6a: {  	_ =	swait.ge @!p0 [sflag:s8], $0x2000  }
0x6b: {  	[sflag:s8] =	ssyncset.done @!p0 $0x0  }
0x6c: {  	s9 =	simm.s32 $0x2440;
	[sflag:s8] =	ssyncadd.s32 @!p0 $0xFFFFE000  }
0x6d: {  	s11 =	sand.u32 $0x180, s2;
	v1 =	vld [tilespmem:s9+$0xFFFFFFC0]  }
0x6e: {  	v2 =	vld [tilespmem:s11+$0x0];
	_ =	sdelay $0x4  }
0x6f: {  	v1 =	vadd.f32 v2, v1;
	_ =	sdelay $0x1  }
0x70: {  	s10 =	simm.s32 $0x6440;
	v1 =	vmax.f32 v1, $0.0e+00  }
0x71: {  	[tilespmem:s10+$0xFFFFFFC0] =	vst v1  }
0x72: {  	v1 =	vld [tilespmem:s9+$0xFFFFFFD0]  }
0x73: {  	v2 =	vld [tilespmem:s11+$0x10];
	_ =	sdelay $0x4  }
0x74: {  	v1 =	vadd.f32 v2, v1;
	_ =	sdelay $0x1  }
0x75: {  	v1 =	vmax.f32 v1, $0.0e+00  }
0x76: {  	[tilespmem:s10+$0xFFFFFFD0] =	vst v1  }
0x77: {  	v1 =	vld [tilespmem:s9+$0xFFFFFFE0]  }
0x78: {  	v2 =	vld [tilespmem:s11+$0x20];
	_ =	sdelay $0x4  }
0x79: {  	v1 =	vadd.f32 v2, v1;
	_ =	sdelay $0x1  }
0x7a: {  	v1 =	vmax.f32 v1, $0.0e+00  }
0x7b: {  	[tilespmem:s10+$0xFFFFFFE0] =	vst v1  }
0x7c: {  	v1 =	vld [tilespmem:s9+$0xFFFFFFF0]  }
0x7d: {  	v2 =	vld [tilespmem:s11+$0x30];
	_ =	sdelay $0x4  }
0x7e: {  	v1 =	vadd.f32 v2, v1;
	_ =	sdelay $0x1  }
0x7f: {  	v1 =	vmax.f32 v1, $0.0e+00  }
0x80: {  	[tilespmem:s10+$0xFFFFFFF0] =	vst v1  }
0x81: {  	v1 =	vld [tilespmem:s9+$0x0]  }
0x82: {  	v2 =	vld [tilespmem:s11+$0x40];
	_ =	sdelay $0x4  }
0x83: {  	v1 =	vadd.f32 v2, v1;
	_ =	sdelay $0x1  }
0x84: {  	v1 =	vmax.f32 v1, $0.0e+00  }
0x85: {  	[tilespmem:s10+$0x0] =	vst v1  }
0x86: {  	v1 =	vld [tilespmem:s9+$0x10]  }
0x87: {  	v2 =	vld [tilespmem:s11+$0x50];
	_ =	sdelay $0x4  }
0x88: {  	v1 =	vadd.f32 v2, v1;
	_ =	sdelay $0x1  }
0x89: {  	v1 =	vmax.f32 v1, $0.0e+00  }
0x8a: {  	[tilespmem:s10+$0x10] =	vst v1  }
0x8b: {  	v1 =	vld [tilespmem:s9+$0x20]  }
0x8c: {  	v2 =	vld [tilespmem:s11+$0x60];
	_ =	sdelay $0x4  }
0x8d: {  	v1 =	vadd.f32 v2, v1;
	_ =	sdelay $0x1  }
0x8e: {  	v1 =	vmax.f32 v1, $0.0e+00  }
0x8f: {  	[tilespmem:s10+$0x20] =	vst v1  }
0x90: {  	v1 =	vld [tilespmem:s9+$0x30]  }
0x91: {  	s20 =	simm.s32 $0x8;
	s8 =	sshll.u32 s7, $0x1;
	v2 =	vld [tilespmem:s11+$0x70];
	s11 =	simm.s32 $0x6440  }
.LBB2_5:
0x92: {  	p1 =	sne.s32 s20, $0x1F8;
	s10 =	sadd.s32 $0x80, s10;
	s9 =	sadd.s32 $0x80, s9  }
0x93: {  	s12 =	smov.u32 s20;
	s20 =	sadd.s32 $0x8, s20;
	_ =	sdelay $0x2  }
0x94: {  	v1 =	vadd.f32 v2, v1;
	_ =	sdelay $0x1  }
0x95: {  	v1 =	vmax.f32 v1, $0.0e+00  }
0x96: {  	[tilespmem:s11+$0x30] =	vst v1;
	s11 =	smov.u32 s10  }
0x97: {  	s12 =	sand.u32 $0x180, s12;
	v1 =	vld [tilespmem:s9+$0xFFFFFFC0]  }
0x98: {  	v2 =	vld [tilespmem:s12+$0x0];
	_ =	sdelay $0x4  }
0x99: {  	v1 =	vadd.f32 v2, v1;
	_ =	sdelay $0x1  }
0x9a: {  	v1 =	vmax.f32 v1, $0.0e+00  }
0x9b: {  	[tilespmem:s10+$0xFFFFFFC0] =	vst v1  }
0x9c: {  	v1 =	vld [tilespmem:s9+$0xFFFFFFD0]  }
0x9d: {  	v2 =	vld [tilespmem:s12+$0x10];
	_ =	sdelay $0x4  }
0x9e: {  	v1 =	vadd.f32 v2, v1;
	_ =	sdelay $0x1  }
0x9f: {  	v1 =	vmax.f32 v1, $0.0e+00  }
0xa0: {  	[tilespmem:s10+$0xFFFFFFD0] =	vst v1  }
0xa1: {  	v1 =	vld [tilespmem:s9+$0xFFFFFFE0]  }
0xa2: {  	v2 =	vld [tilespmem:s12+$0x20];
	_ =	sdelay $0x4  }
0xa3: {  	v1 =	vadd.f32 v2, v1;
	_ =	sdelay $0x1  }
0xa4: {  	v1 =	vmax.f32 v1, $0.0e+00  }
0xa5: {  	[tilespmem:s10+$0xFFFFFFE0] =	vst v1  }
0xa6: {  	v1 =	vld [tilespmem:s9+$0xFFFFFFF0]  }
0xa7: {  	v2 =	vld [tilespmem:s12+$0x30];
	_ =	sdelay $0x4  }
0xa8: {  	v1 =	vadd.f32 v2, v1;
	_ =	sdelay $0x1  }
0xa9: {  	v1 =	vmax.f32 v1, $0.0e+00  }
0xaa: {  	[tilespmem:s10+$0xFFFFFFF0] =	vst v1  }
0xab: {  	v1 =	vld [tilespmem:s9+$0x0]  }
0xac: {  	v2 =	vld [tilespmem:s12+$0x40];
	_ =	sdelay $0x4  }
0xad: {  	v1 =	vadd.f32 v2, v1;
	_ =	sdelay $0x1  }
0xae: {  	v1 =	vmax.f32 v1, $0.0e+00  }
0xaf: {  	[tilespmem:s10+$0x0] =	vst v1  }
0xb0: {  	v1 =	vld [tilespmem:s9+$0x10]  }
0xb1: {  	v2 =	vld [tilespmem:s12+$0x50];
	_ =	sdelay $0x4  }
0xb2: {  	v1 =	vadd.f32 v2, v1;
	_ =	sdelay $0x1  }
0xb3: {  	v1 =	vmax.f32 v1, $0.0e+00  }
0xb4: {  	[tilespmem:s10+$0x10] =	vst v1  }
0xb5: {  	v1 =	vld [tilespmem:s9+$0x20]  }
0xb6: {  	v2 =	vld [tilespmem:s12+$0x60];
	_ =	sdelay $0x4  }
0xb7: {  	v1 =	vadd.f32 v2, v1  }
.Ltmp3:
0xb8: {  	(pc) =	sbr.rel @p1 .LBB2_5-.Ltmp3, $4  }
0xb9: {  	v1 =	vmax.f32 v1, $0.0e+00  }
0xba: {  	[tilespmem:s10+$0x20] =	vst v1  }
0xbb: {  	v1 =	vld [tilespmem:s9+$0x30]  }
0xbc: {  	v2 =	vld [tilespmem:s12+$0x70]  }
0xbd: {  	_ =	sdelay $0x3  }
0xbe: {  	v1 =	vadd.f32 v2, v1  }
0xbf: {  	s9 =	sshll.u32 s7, $0x8  }
0xc0: {  	s9 =	sand.u32 $0x3FFFFF00, s9;
	v1 =	vmax.f32 v1, $0.0e+00  }
0xc1: {  	p1 =	seq.s32 s7, $0x1F;
	s10 =	sadd.s32 $0x400, s9;
	[tilespmem:s11+$0x30] =	vst v1  }
0xc2: {  	[spmem:s1] =	stream.indirect.scatter.add.f32 [tilespmem:s18], [sflag:$0x3], $0x80, s10, s21, $0xb8;
	[tilespmem:$0x1A400] =	vst v63  }
0xc3: {  	s10 =	sadd.s32 @!p1 $0x2, s8  }
0xc4: {  	s11 =	sshll.u32 @!p1 s10, $0x7  }
0xc5: {  	s12 =	simm.s32 @!p1 $0x40;
	s11 =	sand.u32 @!p1 $0x3FFFFF80, s11  }
0xc6: {  	s13 =	simm.s32 @!p1 $0x2400;
	s10 =	sshll.u32 @!p1 s10, $0x6;
	s11 =	sadd.s32 @!p1 $0x400, s11  }
0xc7: {  	[tilespmem:s13], [sflag:$0x1] =	stream.indirect.gather @!p1 [hbm4b:s4+s12], $0x80, s11, s12, $0xb8;
	[tilespmem:$0x1A400] =	vst v63  }
0xc8: {  	s10 =	sadd.s32 @!p1 s10, s6;
	s11 =	simm.s32 @!p1 $0x0  }
0xc9: {  	[tilespmem:s11], [sflag:$0x5] =	stream.linear.gather @!p1 [hbm4b:s10+s11], $0x200, $0x38;
	[tilespmem:$0x1A400] =	vst v63  }
0xca: {  	_ =	swait.ge [sflag:s29], $0x2000  }
0xcb: {  	[sflag:s29] =	ssyncset.done $0x0  }
0xcc: {  	[sflag:s29] =	ssyncadd.s32 $0xFFFFE000  }
0xcd: {  	_ =	swait.ge [sflag:s30], $0x200  }
0xce: {  	[sflag:s30] =	ssyncset.done $0x0  }
0xcf: {  	s10 =	simm.s32 @!p0 $0x4;
	[sflag:s30] =	ssyncadd.s32 $0xFFFFFE00  }
0xd0: {  	_ =	swait.ge @!p0 [sflag:s10], $0x2000  }
0xd1: {  	[sflag:s10] =	ssyncset.done @!p0 $0x0  }
0xd2: {  	s13 =	simm.s32 $0x0;
	[sflag:s10] =	ssyncadd.s32 @!p0 $0xFFFFE000;
	s10 =	simm.s32 $0x4440  }
0xd3: {  	s20 =	sand.u32 $0x180, s13;
	v1 =	vld [tilespmem:s10+$0xFFFFFFC0]  }
0xd4: {  	v2 =	vld [tilespmem:s20+$0x200];
	_ =	sdelay $0x4  }
0xd5: {  	v1 =	vadd.f32 v2, v1;
	_ =	sdelay $0x1  }
0xd6: {  	s11 =	simm.s32 $0x8440;
	v1 =	vmax.f32 v1, $0.0e+00  }
0xd7: {  	[tilespmem:s11+$0xFFFFFFC0] =	vst v1  }
0xd8: {  	v1 =	vld [tilespmem:s10+$0xFFFFFFD0]  }
0xd9: {  	v2 =	vld [tilespmem:s20+$0x210];
	_ =	sdelay $0x4  }
0xda: {  	v1 =	vadd.f32 v2, v1;
	_ =	sdelay $0x1  }
0xdb: {  	v1 =	vmax.f32 v1, $0.0e+00  }
0xdc: {  	[tilespmem:s11+$0xFFFFFFD0] =	vst v1  }
0xdd: {  	v1 =	vld [tilespmem:s10+$0xFFFFFFE0]  }
0xde: {  	v2 =	vld [tilespmem:s20+$0x220];
	_ =	sdelay $0x4  }
0xdf: {  	v1 =	vadd.f32 v2, v1;
	_ =	sdelay $0x1  }
0xe0: {  	v1 =	vmax.f32 v1, $0.0e+00  }
0xe1: {  	[tilespmem:s11+$0xFFFFFFE0] =	vst v1  }
0xe2: {  	v1 =	vld [tilespmem:s10+$0xFFFFFFF0]  }
0xe3: {  	v2 =	vld [tilespmem:s20+$0x230];
	_ =	sdelay $0x4  }
0xe4: {  	v1 =	vadd.f32 v2, v1;
	_ =	sdelay $0x1  }
0xe5: {  	v1 =	vmax.f32 v1, $0.0e+00  }
0xe6: {  	[tilespmem:s11+$0xFFFFFFF0] =	vst v1  }
0xe7: {  	v1 =	vld [tilespmem:s10+$0x0]  }
0xe8: {  	v2 =	vld [tilespmem:s20+$0x240];
	_ =	sdelay $0x4  }
0xe9: {  	v1 =	vadd.f32 v2, v1;
	_ =	sdelay $0x1  }
0xea: {  	v1 =	vmax.f32 v1, $0.0e+00  }
0xeb: {  	[tilespmem:s11+$0x0] =	vst v1  }
0xec: {  	v1 =	vld [tilespmem:s10+$0x10]  }
0xed: {  	v2 =	vld [tilespmem:s20+$0x250];
	_ =	sdelay $0x4  }
0xee: {  	v1 =	vadd.f32 v2, v1;
	_ =	sdelay $0x1  }
0xef: {  	v1 =	vmax.f32 v1, $0.0e+00  }
0xf0: {  	[tilespmem:s11+$0x10] =	vst v1  }
0xf1: {  	v1 =	vld [tilespmem:s10+$0x20]  }
0xf2: {  	v2 =	vld [tilespmem:s20+$0x260];
	_ =	sdelay $0x4  }
0xf3: {  	v1 =	vadd.f32 v2, v1;
	_ =	sdelay $0x1  }
0xf4: {  	v1 =	vmax.f32 v1, $0.0e+00  }
0xf5: {  	[tilespmem:s11+$0x20] =	vst v1  }
0xf6: {  	v1 =	vld [tilespmem:s10+$0x30]  }
0xf7: {  	s12 =	simm.s32 $0x8;
	v2 =	vld [tilespmem:s20+$0x270];
	s20 =	simm.s32 $0x8440  }
.LBB2_7:
0xf8: {  	p0 =	sne.s32 s12, $0x1F8;
	s11 =	sadd.s32 $0x80, s11;
	s10 =	sadd.s32 $0x80, s10  }
0xf9: {  	s13 =	smov.u32 s12;
	s12 =	sadd.s32 $0x8, s12;
	_ =	sdelay $0x2  }
0xfa: {  	v1 =	vadd.f32 v2, v1;
	_ =	sdelay $0x1  }
0xfb: {  	v1 =	vmax.f32 v1, $0.0e+00  }
0xfc: {  	[tilespmem:s20+$0x30] =	vst v1;
	s20 =	smov.u32 s11  }
0xfd: {  	s13 =	sand.u32 $0x180, s13;
	v1 =	vld [tilespmem:s10+$0xFFFFFFC0]  }
0xfe: {  	v2 =	vld [tilespmem:s13+$0x200];
	_ =	sdelay $0x4  }
0xff: {  	v1 =	vadd.f32 v2, v1;
	_ =	sdelay $0x1  }
0x100: {  	v1 =	vmax.f32 v1, $0.0e+00  }
0x101: {  	[tilespmem:s11+$0xFFFFFFC0] =	vst v1  }
0x102: {  	v1 =	vld [tilespmem:s10+$0xFFFFFFD0]  }
0x103: {  	v2 =	vld [tilespmem:s13+$0x210];
	_ =	sdelay $0x4  }
0x104: {  	v1 =	vadd.f32 v2, v1;
	_ =	sdelay $0x1  }
0x105: {  	v1 =	vmax.f32 v1, $0.0e+00  }
0x106: {  	[tilespmem:s11+$0xFFFFFFD0] =	vst v1  }
0x107: {  	v1 =	vld [tilespmem:s10+$0xFFFFFFE0]  }
0x108: {  	v2 =	vld [tilespmem:s13+$0x220];
	_ =	sdelay $0x4  }
0x109: {  	v1 =	vadd.f32 v2, v1;
	_ =	sdelay $0x1  }
0x10a: {  	v1 =	vmax.f32 v1, $0.0e+00  }
0x10b: {  	[tilespmem:s11+$0xFFFFFFE0] =	vst v1  }
0x10c: {  	v1 =	vld [tilespmem:s10+$0xFFFFFFF0]  }
0x10d: {  	v2 =	vld [tilespmem:s13+$0x230];
	_ =	sdelay $0x4  }
0x10e: {  	v1 =	vadd.f32 v2, v1;
	_ =	sdelay $0x1  }
0x10f: {  	v1 =	vmax.f32 v1, $0.0e+00  }
0x110: {  	[tilespmem:s11+$0xFFFFFFF0] =	vst v1  }
0x111: {  	v1 =	vld [tilespmem:s10+$0x0]  }
0x112: {  	v2 =	vld [tilespmem:s13+$0x240];
	_ =	sdelay $0x4  }
0x113: {  	v1 =	vadd.f32 v2, v1;
	_ =	sdelay $0x1  }
0x114: {  	v1 =	vmax.f32 v1, $0.0e+00  }
0x115: {  	[tilespmem:s11+$0x0] =	vst v1  }
0x116: {  	v1 =	vld [tilespmem:s10+$0x10]  }
0x117: {  	v2 =	vld [tilespmem:s13+$0x250];
	_ =	sdelay $0x4  }
0x118: {  	v1 =	vadd.f32 v2, v1;
	_ =	sdelay $0x1  }
0x119: {  	v1 =	vmax.f32 v1, $0.0e+00  }
0x11a: {  	[tilespmem:s11+$0x10] =	vst v1  }
0x11b: {  	v1 =	vld [tilespmem:s10+$0x20]  }
0x11c: {  	v2 =	vld [tilespmem:s13+$0x260];
	_ =	sdelay $0x4  }
0x11d: {  	v1 =	vadd.f32 v2, v1  }
.Ltmp4:
0x11e: {  	(pc) =	sbr.rel @p0 .LBB2_7-.Ltmp4, $4  }
0x11f: {  	v1 =	vmax.f32 v1, $0.0e+00  }
0x120: {  	[tilespmem:s11+$0x20] =	vst v1  }
0x121: {  	v1 =	vld [tilespmem:s10+$0x30]  }
0x122: {  	v2 =	vld [tilespmem:s13+$0x270]  }
0x123: {  	_ =	sdelay $0x3  }
.Ltmp5:
0x124: {  	v1 =	vadd.f32 v2, v1;
	(pc) =	sbr.rel @p1 .LBB2_10-.Ltmp5, $4  }
0x125: {  	_ = 	snop  }
0x126: {  	v1 =	vmax.f32 v1, $0.0e+00  }
0x127: {  	s9 =	sadd.s32 $0x480, s9;
	[tilespmem:s20+$0x30] =	vst v1  }
0x128: {  	[spmem:s1] =	stream.indirect.scatter.add.f32 [tilespmem:s31], [sflag:$0x4], $0x80, s9, s21, $0xb8;
	[tilespmem:$0x1A400] =	vst v63  }
0x129: {  	s8 =	sadd.s32 $0x3, s8  }
0x12a: {  	s9 =	sshll.u32 s8, $0x7  }
.Ltmp6:
0x12b: {  	s9 =	sand.u32 $0x3FFFFF80, s9;
	(pc) =	sbr.rel .LBB2_4-.Ltmp6, $4  }
0x12c: {  	s8 =	sshll.u32 s8, $0x6;
	s9 =	sadd.s32 $0x400, s9  }
0x12d: {  	[tilespmem:s24], [sflag:$0x2] =	stream.indirect.gather [hbm4b:s4+s21], $0x80, s9, s21, $0xb8;
	[tilespmem:$0x1A400] =	vst v63  }
0x12e: {  	s7 =	sadd.s32 $0x1, s7;
	s8 =	sadd.s32 s8, s6  }
0x12f: {  	[tilespmem:s25], [sflag:$0x6] =	stream.linear.gather [hbm4b:s8+s3], $0x200, $0x38;
	[tilespmem:$0x1A400] =	vst v63  }
.LBB2_11:
0x130: {  	_ =	sfence.sel $0x180000  }
0x131: {  	[bflag:$0x0] =	sbarrier.arrive $0xFFFF  }
0x132: {  	_ =	strace $0x90000050  }
0x133: {  	s0 =	stileid.u32;
	[bflag:$0x2] =	sbarrier.arrive $0xFFFF  }
0x134: {  	p0 =	sne.s32 s0, $0x0;
	s0 =	rddreg [dreg:$0x4]  }
0x135: {  	s0 =	sadd.s32 @!p0 $0x100000, s0  }
0x136: {  	[sflag:s0] =	ssyncadd.tile.s32 @!p0 $0x1;
	_ =	shalt  }
.Lfunc_end2:
_tile_overlayer_lowered:
.L_overlay_start_2:
0x137: {  	(tag) =	ssettag $0x2  }
0x138: {  	s0 =	rddreg [dreg:$0x0];
	s2 =	stileid.u32  }
0x139: {  	s1 =	rddreg [dreg:$0x1];
	p0 =	sne.s32 s2, $0x0  }
0x13a: {  	s3 =	rddreg [dreg:$0x2];
	[bflag:$0x3] =	sbarrier.arrive $0xFFFF;
	s2 =	simm.s32 @!p0 $0x1C07  }
0x13b: {  	[timem:s3], [sflag:s2] =	dma.local @!p0 [hbm:s0], s1  }
0x13c: {  	s0 =	simm.s32 @!p0 $0x7  }
0x13d: {  	_ =	swait.ge @!p0 [sflag:s0], s1  }
0x13e: {  	s1 =	ssub.s32 @!p0 $0x0, s1;
	[sflag:s0] =	ssyncset.done @!p0 $0x0  }
0x13f: {  	[sflag:s0] =	ssyncadd.s32 @!p0 s1  }
0x140: {  	[bflag:$0x3] =	sbarrier.arrive $0xFFFF  }
0x141: {  	_ =	shalt  }

</sc_bundles>
